<compile_context>
chip_gen: v7x
topology: tpu7x:2x2x1
jax: 0.10.2.dev20260603
libtpu: 0.0.44.dev20260713+nightly
codegen_flags: <defaults>
</compile_context>

<pallas_src>
import functools

import jax
import jax.numpy as jnp
from jax import lax
from jax.experimental import pallas as pl
from jax.experimental.pallas import tpu as pltpu
from jax.experimental.pallas import tpu_sc as plsc

N = 10000
E = 320000
D = 128
NC, NS = 2, 16
NW = NC * NS
EPW = E // NW
IB = 80
NJ = EPW // IB
SLICES = (55, 70)
BN = 2000
BE = 2560

_f32 = jnp.float32


def _p0_body(h_ref, cp_ref, ws_ref, wt_ref, be1_ref, wr_ref,
             a_ref, b_ref, c3_ref):
    h = h_ref[...]
    cp = cp_ref[...]
    sq = jnp.sum(cp * cp, axis=1, keepdims=True)
    swr = sq * wr_ref[...]
    a_ref[...] = jnp.dot(h, ws_ref[...], preferred_element_type=_f32) \
        + be1_ref[...] + swr
    b_ref[...] = jnp.dot(h, wt_ref[...], preferred_element_type=_f32) + swr
    c3_ref[...] = jnp.concatenate(
        [cp[:, :3], jnp.zeros((BN, D - 3), _f32)], axis=1)


def _p0(h, cp, ws, wt, be1, wr):
    grid = (N // BN,)
    return pl.pallas_call(
        _p0_body,
        grid=grid,
        in_specs=[
            pl.BlockSpec((BN, D), lambda i: (i, 0)),
            pl.BlockSpec((BN, 8), lambda i: (i, 0)),
            pl.BlockSpec((D, D), lambda i: (0, 0)),
            pl.BlockSpec((D, D), lambda i: (0, 0)),
            pl.BlockSpec((1, D), lambda i: (0, 0)),
            pl.BlockSpec((1, D), lambda i: (0, 0)),
        ],
        out_specs=[
            pl.BlockSpec((BN, D), lambda i: (i, 0)),
            pl.BlockSpec((BN, D), lambda i: (i, 0)),
            pl.BlockSpec((BN, D), lambda i: (i, 0)),
        ],
        out_shape=[
            jax.ShapeDtypeStruct((N, D), _f32),
            jax.ShapeDtypeStruct((N, D), _f32),
            jax.ShapeDtypeStruct((N, D), _f32),
        ],
    )(h, cp, ws, wt, be1, wr)


def _ring(nj, drain_g, drain_w, compute, write, fire):
    fire(0, 0)
    fire(1, 1)
    odd = nj % 2
    nloop = (nj - 3) // 2 if odd else (nj - 2) // 2

    def body2(t, _):
        for b in range(2):
            j = 2 * t + b
            drain_g(j, b)
            if b == 0:
                @pl.when(t > 0)
                def _():
                    drain_w(b)
            else:
                drain_w(b)
            compute(b)
            write(j, b)
            fire(j + 2, b)
        return 0

    lax.fori_loop(0, nloop, body2, 0)
    if odd:
        drain_g(nj - 3, 0)
        drain_w(0)
        compute(0)
        write(nj - 3, 0)
        fire(nj - 1, 0)
        drain_g(nj - 2, 1)
        drain_w(1)
        compute(1)
        write(nj - 2, 1)
        drain_g(nj - 1, 0)
        drain_w(0)
        compute(0)
        write(nj - 1, 0)
        drain_w(0)
    else:
        drain_g(nj - 2, 0)
        drain_w(0)
        compute(0)
        write(nj - 2, 0)
        drain_g(nj - 1, 1)
        drain_w(1)
        compute(1)
        write(nj - 1, 1)
        drain_w(0)


def _make_p1_body(nj):
    epw = nj * IB

    def body(a_hbm, b_hbm, c3_hbm, wr2_hbm, row_hbm, col_hbm, g_hbm,
             idxr_v, idxc_v, bufr0, bufr1, bufc0, bufc1,
             cbr0, cbr1, cbc0, cbc1, gout_v,
             wr_v, semg0, semg1, semw):
        w = lax.axis_index("s") * NC + lax.axis_index("c")
        pltpu.sync_copy(row_hbm.at[w], idxr_v)
        pltpu.sync_copy(col_hbm.at[w], idxc_v)
        pltpu.sync_copy(wr2_hbm, wr_v)
        base = w * epw
        wrv = [wr_v[pl.ds(q * 16, 16)] for q in range(8)]
        bufr = (bufr0, bufr1)
        bufc = (bufc0, bufc1)
        cbr = (cbr0, cbr1)
        cbc = (cbc0, cbc1)
        semg = (semg0, semg1)

        def fire(j, b):
            pltpu.async_copy(a_hbm.at[idxr_v.at[j]], bufr[b], semg[b])
            pltpu.async_copy(b_hbm.at[idxc_v.at[j]], bufc[b], semg[b])
            pltpu.async_copy(c3_hbm.at[idxr_v.at[j]], cbr[b], semg[b])
            pltpu.async_copy(c3_hbm.at[idxc_v.at[j]], cbc[b], semg[b])

        def drain_g(j, b):
            for _ in range(4):
                pltpu.make_async_copy(a_hbm.at[idxr_v.at[j]], bufr[b],
                                      semg[b]).wait()

        def write(j, b):
            pltpu.async_copy(gout_v, g_hbm.at[pl.ds(base + j * IB, IB)],
                             semw)

        def drain_w(b):
            pltpu.make_async_copy(gout_v, g_hbm.at[pl.ds(base, IB)],
                                  semw).wait()

        def compute(b):
            br, bc, cr, cc = bufr[b], bufc[b], cbr[b], cbc[b]

            def edge(e, _):
                p = cr[e, pl.ds(0, 16)] * cc[e, pl.ds(0, 16)]
                dot3 = p[0] + p[1] + p[2]
                for q in range(8):
                    sl = pl.ds(q * 16, 16)
                    gout_v[e, sl] = br[e, sl] + bc[e, sl] + dot3 * wrv[q]
                return 0

            lax.fori_loop(0, IB, edge, 0)

        _ring(nj, drain_g, drain_w, compute, write, fire)

    return body


def _p1(a, b, c3, wr2, row3d, col3d, nj):
    mesh = plsc.VectorSubcoreMesh(core_axis_name="c", subcore_axis_name="s",
                                  num_cores=NC, num_subcores=NS)
    f = functools.partial(
        pl.kernel, _make_p1_body(nj), mesh=mesh,
        out_type=jax.ShapeDtypeStruct((NW * nj * IB, D), _f32),
        scratch_types=[
            pltpu.VMEM((nj, IB), jnp.int32),
            pltpu.VMEM((nj, IB), jnp.int32),
            pltpu.VMEM((IB, D), _f32),
            pltpu.VMEM((IB, D), _f32),
            pltpu.VMEM((IB, D), _f32),
            pltpu.VMEM((IB, D), _f32),
            pltpu.VMEM((IB, D), _f32),
            pltpu.VMEM((IB, D), _f32),
            pltpu.VMEM((IB, D), _f32),
            pltpu.VMEM((IB, D), _f32),
            pltpu.VMEM((IB, D), _f32),
            pltpu.VMEM((D,), _f32),
            pltpu.SemaphoreType.DMA,
            pltpu.SemaphoreType.DMA,
            pltpu.SemaphoreType.DMA,
        ],
    )()
    return f(a, b, c3, wr2, row3d, col3d)


def _p2_body(g_ref, eat_ref, wea_ref, we2_ref, be2_ref, y_ref):
    g = g_ref[...]
    z = g + lax.dot_general(eat_ref[...], wea_ref[...],
                            (((0,), (0,)), ((), ())),
                            preferred_element_type=_f32)
    z = jnp.maximum(z, 0.0)
    y = jnp.dot(z, we2_ref[...], preferred_element_type=_f32) + be2_ref[...]
    y_ref[...] = jnp.maximum(y, 0.0)


def _p2(g, eat, wea, we2, be2, off):
    grid = (g.shape[0] // BE,)
    return pl.pallas_call(
        _p2_body,
        grid=grid,
        in_specs=[
            pl.BlockSpec((BE, D), lambda i: (i, 0)),
            pl.BlockSpec((4, BE), lambda i: (0, i + off)),
            pl.BlockSpec((4, D), lambda i: (0, 0)),
            pl.BlockSpec((D, D), lambda i: (0, 0)),
            pl.BlockSpec((1, D), lambda i: (0, 0)),
        ],
        out_specs=pl.BlockSpec((BE, D), lambda i: (i, 0)),
        out_shape=jax.ShapeDtypeStruct((g.shape[0], D), _f32),
    )(g, eat, wea, we2, be2)




_SP = 632
_NP = NS * _SP


def _make_p3_body(nj):
    epw = nj * IB

    def body(y_hbm, row_hbm, agg_hbm, agg_sh, idx_v, ybuf0, ybuf1, zbuf_v,
             semy0, semy1):
        return _p3_inner(nj, epw, y_hbm, row_hbm, agg_hbm, agg_sh, idx_v,
                         ybuf0, ybuf1, zbuf_v, semy0, semy1)

    return body


def _p3_inner(nj, epw, y_hbm, row_hbm, agg_hbm, agg_sh, idx_v, ybuf0, ybuf1,
              zbuf_v, semy0, semy1):
    c = lax.axis_index("c")
    s = lax.axis_index("s")
    w = s * NC + c

    def zrow(r, _):
        for q in range(8):
            zbuf_v[r, pl.ds(q * 16, 16)] = jnp.zeros((16,), _f32)
        return 0

    lax.fori_loop(0, 8, zrow, 0)

    def zcopy(k, _):
        pltpu.sync_copy(zbuf_v, agg_sh.at[pl.ds(s * _SP + k * 8, 8)])
        return 0

    lax.fori_loop(0, _SP // 8, zcopy, 0)
    plsc.subcore_barrier()

    pltpu.sync_copy(row_hbm.at[w], idx_v)
    base = w * epw
    ybuf = (ybuf0, ybuf1)
    semy = (semy0, semy1)

    def fire(j, b):
        pltpu.async_copy(y_hbm.at[pl.ds(base + j * IB, IB)], ybuf[b],
                         semy[b])

    def drain_g(j, b):
        pltpu.make_async_copy(y_hbm.at[pl.ds(base + j * IB, IB)], ybuf[b],
                              semy[b]).wait()

    def write(j, b):
        pltpu.sync_copy(ybuf[b], agg_sh.at[idx_v.at[j]], add=True)

    _ring(nj, drain_g, lambda b: None, lambda b: None, write, fire)
    plsc.subcore_barrier()

    pltpu.sync_copy(agg_sh.at[pl.ds(s * _SP, _SP)],
                    agg_hbm.at[pl.ds(c * _NP + s * _SP, _SP)])


def _p3(y, row3d, nj):
    mesh = plsc.VectorSubcoreMesh(core_axis_name="c", subcore_axis_name="s",
                                  num_cores=NC, num_subcores=NS)
    f = functools.partial(
        pl.kernel, _make_p3_body(nj), mesh=mesh,
        out_type=jax.ShapeDtypeStruct((NC * _NP, D), _f32),
        scratch_types=[
            pltpu.VMEM_SHARED((_NP, D), _f32),
            pltpu.VMEM((nj, IB), jnp.int32),
            pltpu.VMEM((IB, D), _f32),
            pltpu.VMEM((IB, D), _f32),
            pltpu.VMEM((8, D), _f32),
            pltpu.SemaphoreType.DMA,
            pltpu.SemaphoreType.DMA,
        ],
    )()
    return f(y, row3d)


_NAGG = 2 * len(SLICES)


def _p4_body(*refs):
    h_ref = refs[0]
    aggs = refs[1:1 + _NAGG]
    wh_ref, wa_ref, bn1_ref, wn2_ref, bn2_ref, out_ref = refs[1 + _NAGG:]
    h = h_ref[...]
    a = aggs[0][...]
    for r in aggs[1:]:
        a += r[...]
    t = jnp.dot(h, wh_ref[...], preferred_element_type=_f32)
    t += jnp.dot(a, wa_ref[...], preferred_element_type=_f32)
    t = jnp.maximum(t + bn1_ref[...], 0.0)
    out_ref[...] = h + jnp.dot(t, wn2_ref[...],
                               preferred_element_type=_f32) + bn2_ref[...]


def _p4(h, aggs, wh, wa, bn1, wn2, bn2):
    grid = (N // BN,)
    nspec = pl.BlockSpec((BN, D), lambda i: (i, 0))
    wspec = pl.BlockSpec((D, D), lambda i: (0, 0))
    bspec = pl.BlockSpec((1, D), lambda i: (0, 0))
    return pl.pallas_call(
        _p4_body,
        grid=grid,
        in_specs=[nspec] + [nspec] * _NAGG
        + [wspec, wspec, bspec, wspec, bspec],
        out_specs=nspec,
        out_shape=jax.ShapeDtypeStruct((N, D), _f32),
    )(h, *aggs, wh, wa, bn1, wn2, bn2)


def kernel(h, edge_index, coord, node_mask, edge_mask, edge_attr,
           We1, be1, We2, be2, Wn1, bn1, Wn2, bn2):
    row = edge_index[0]
    col = edge_index[1]

    cp = jnp.concatenate([coord, jnp.zeros((N, 5), _f32)], axis=1)

    ws = We1[:D]
    wt = We1[D:2 * D]
    w_r = We1[2 * D]
    wea = We1[2 * D + 1:]

    eat = edge_attr.T

    a, b, c3 = _p0(h, cp, ws, wt, be1[None, :], w_r[None, :])
    wr2 = -2.0 * w_r
    gs, idxs = [], []
    e0 = 0
    for nj in SLICES:
        es = NW * nj * IB
        rs = lax.dynamic_slice_in_dim(row, e0, es).reshape(NW, nj, IB)
        cs = lax.dynamic_slice_in_dim(col, e0, es).reshape(NW, nj, IB)
        idxs.append(rs)
        gs.append((_p1(a, b, c3, wr2, rs, cs, nj), e0 // BE, nj))
        e0 += es
    aggs = []
    for (g, off, nj), rs in zip(gs, idxs):
        y = _p2(g, eat, wea, We2, be2[None, :], off)
        ag = _p3(y, rs, nj)
        aggs.append(ag[:N])
        aggs.append(ag[_NP:_NP + N])
    h_out = _p4(h, aggs, Wn1[:D], Wn1[D:], bn1[None, :], Wn2, bn2[None, :])
    return (h_out, coord, edge_attr)

# --- scband reference (transcript-rebuilt; emitter-appended) ---
"""Pipeline reference for scband-e-gcl-76416058130599 (READ-ONLY COPY).

The authoritative reference and input builder live on the scoring server;
editing this copy changes nothing except your own understanding.
"""

import jax, jax.numpy as jnp
import numpy as np

N_NODES = 10000
N_EDGES = 320000
D_FEAT = 128
D_EDGE = 4
HIDDEN = 128
OUT_NF = 128


def _glorot(key, shape):
    fan_in, fan_out = shape[0], shape[1]
    lim = jnp.sqrt(6.0 / (fan_in + fan_out))
    return jax.random.uniform(key, shape, minval=-lim, maxval=lim, dtype=jnp.float32)


def setup_inputs(seed: int = 0) -> dict:
    key = jax.random.key(seed)
    ks = jax.random.split(key, 16)
    h = jax.random.normal(ks[0], (N_NODES, D_FEAT), dtype=jnp.float32)
    edge_index = jax.random.randint(ks[1], (2, N_EDGES), 0, N_NODES, dtype=jnp.int64 if jax.config.jax_enable_x64 else jnp.int32).astype(jnp.int32)
    coord = jax.random.normal(ks[2], (N_NODES, 3), dtype=jnp.float32)
    node_mask = jnp.ones((N_NODES, 1), dtype=jnp.float32)
    edge_mask = jnp.ones((N_EDGES, 1), dtype=jnp.float32)
    edge_attr = jax.random.normal(ks[3], (N_EDGES, D_EDGE), dtype=jnp.float32)
    # learned params
    edge_in = 2 * D_FEAT + 1 + D_EDGE  # source, target, radial, edge_attr
    We1 = _glorot(ks[4], (edge_in, HIDDEN))
    be1 = jax.random.uniform(ks[5], (HIDDEN,), minval=0.0, maxval=0.01, dtype=jnp.float32)
    We2 = _glorot(ks[6], (HIDDEN, HIDDEN))
    be2 = jax.random.uniform(ks[7], (HIDDEN,), minval=0.0, maxval=0.01, dtype=jnp.float32)
    Wn1 = _glorot(ks[8], (D_FEAT + HIDDEN, HIDDEN))
    bn1 = jax.random.uniform(ks[9], (HIDDEN,), minval=0.0, maxval=0.01, dtype=jnp.float32)
    Wn2 = _glorot(ks[10], (HIDDEN, OUT_NF))
    bn2 = jax.random.uniform(ks[11], (OUT_NF,), minval=0.0, maxval=0.01, dtype=jnp.float32)
    return {"h": h, "edge_index": edge_index, "coord": coord, "node_mask": node_mask,
            "edge_mask": edge_mask, "edge_attr": edge_attr,
            "We1": We1, "be1": be1, "We2": We2, "be2": be2,
            "Wn1": Wn1, "bn1": bn1, "Wn2": Wn2, "bn2": bn2}


def reference(h, edge_index, coord, node_mask, edge_mask, edge_attr,
              We1, be1, We2, be2, Wn1, bn1, Wn2, bn2):
    row, col = edge_index[0], edge_index[1]
    # coord2radial
    coord_diff = coord[row] - coord[col]
    radial = jnp.sum(coord_diff ** 2, axis=1, keepdims=True)
    # edge_model (attention=False)
    source = h[row]
    target = h[col]
    ea = edge_attr.reshape(-1, edge_attr.shape[-1])
    out = jnp.concatenate([source, target, radial.reshape(-1, 1), ea], axis=1)
    out = jax.nn.relu(out @ We1 + be1)
    edge_feat = jax.nn.relu(out @ We2 + be2)
    edge_feat = edge_feat * edge_mask
    # node_model (node_attr=None, recurrent=True)
    agg = jax.ops.segment_sum(edge_feat, row, num_segments=h.shape[0])
    agg = jnp.concatenate([h, agg], axis=1)
    nout = jax.nn.relu(agg @ Wn1 + bn1)
    nout = nout @ Wn2 + bn2
    h_out = h + nout
    return (h_out, coord, edge_attr)

if __name__ == "__main__":
    import jax
    _d = setup_inputs()
    print(jax.jit(kernel)(*tuple(_d.values())))

</pallas_src>

<mosaic_0001>
#map = affine_map<(d0, d1) -> (0, 0)>
#map1 = affine_map<(d0, d1) -> (0)>
#map2 = affine_map<(d0, d1) -> (0, 0, 0)>
module attributes {stable_mosaic.version = 14 : i64} {
  func.func @body(%arg0: i32, %arg1: i32, %arg2: memref<10000x128xf32, #tpu.memory_space<hbm>>, %arg3: memref<10000x128xf32, #tpu.memory_space<hbm>>, %arg4: memref<10000x128xf32, #tpu.memory_space<hbm>>, %arg5: memref<128xf32, #tpu.memory_space<hbm>>, %arg6: memref<32x55x80xi32, #tpu.memory_space<hbm>>, %arg7: memref<32x55x80xi32, #tpu.memory_space<hbm>>, %arg8: memref<140800x128xf32, #tpu.memory_space<hbm>>, %arg9: memref<55x80xi32, #tpu.memory_space<vmem>>, %arg10: memref<55x80xi32, #tpu.memory_space<vmem>>, %arg11: memref<80x128xf32, #tpu.memory_space<vmem>>, %arg12: memref<80x128xf32, #tpu.memory_space<vmem>>, %arg13: memref<80x128xf32, #tpu.memory_space<vmem>>, %arg14: memref<80x128xf32, #tpu.memory_space<vmem>>, %arg15: memref<80x128xf32, #tpu.memory_space<vmem>>, %arg16: memref<80x128xf32, #tpu.memory_space<vmem>>, %arg17: memref<80x128xf32, #tpu.memory_space<vmem>>, %arg18: memref<80x128xf32, #tpu.memory_space<vmem>>, %arg19: memref<80x128xf32, #tpu.memory_space<vmem>>, %arg20: memref<128xf32, #tpu.memory_space<vmem>>, %arg21: memref<!tpu.dma_semaphore, #tpu.memory_space<semaphore_mem>>, %arg22: memref<!tpu.dma_semaphore, #tpu.memory_space<semaphore_mem>>, %arg23: memref<!tpu.dma_semaphore, #tpu.memory_space<semaphore_mem>>) attributes {dimension_semantics = [#tpu.dimension_semantics<core_parallel>, #tpu.dimension_semantics<subcore_parallel>], iteration_bounds = array<i64: 2, 16>, scalar_prefetch = 0 : i64, scratch_operands = 15 : i64, tpu.core_type = #tpu.core_type<sc_vector_subcore>, window_params = [{transform_indices = #map}, {transform_indices = #map}, {transform_indices = #map}, {transform_indices = #map1}, {transform_indices = #map2}, {transform_indices = #map2}, {transform_indices = #map}]} {
    %mul3A = arith.constant 2 : i32
    %mul3A_0 = arith.muli %arg1, %mul3A : i32
    %add3A = arith.addi %mul3A_0, %arg0 : i32
    "tpu.region"() ({
      %run_scoped3A = tpu.sem_alloc : memref<!tpu.dma_semaphore, #tpu.memory_space<semaphore_mem>>
      %dma_start3A_253 = arith.constant 0 : i32
      %dma_start3A_254 = arith.constant 0 : i32
      %dma_start3A_255 = tpu.memref_slice %arg6[%add3A, %dma_start3A_253, %dma_start3A_254] : memref<32x55x80xi32, #tpu.memory_space<hbm>> -> memref<1x55x80xi32, #tpu.memory_space<hbm>>
      %dma_start3A_256 = tpu.memref_squeeze %dma_start3A_255 : memref<1x55x80xi32, #tpu.memory_space<hbm>> -> memref<55x80xi32, #tpu.memory_space<hbm>>
      %dma_start3A_257 = arith.constant 0 : i32
      %dma_start3A_258 = arith.constant 0 : i32
      %dma_start3A_259 = tpu.memref_slice %arg6[%add3A, %dma_start3A_257, %dma_start3A_258] : memref<32x55x80xi32, #tpu.memory_space<hbm>> -> memref<1x55x80xi32, #tpu.memory_space<hbm>>
      %dma_start3A_260 = tpu.memref_squeeze %dma_start3A_259 : memref<1x55x80xi32, #tpu.memory_space<hbm>> -> memref<55x80xi32, #tpu.memory_space<hbm>>
      tpu.enqueue_dma source(%dma_start3A_260 : memref<55x80xi32, #tpu.memory_space<hbm>>) target(%arg9 : memref<55x80xi32, #tpu.memory_space<vmem>>) target_semaphore(%run_scoped3A : memref<!tpu.dma_semaphore, #tpu.memory_space<semaphore_mem>>)
      %dma_wait3A_261 = arith.constant 0 : i32
      %dma_wait3A_262 = arith.constant 0 : i32
      %dma_wait3A_263 = tpu.memref_slice %arg6[%add3A, %dma_wait3A_261, %dma_wait3A_262] : memref<32x55x80xi32, #tpu.memory_space<hbm>> -> memref<1x55x80xi32, #tpu.memory_space<hbm>>
      %dma_wait3A_264 = tpu.memref_squeeze %dma_wait3A_263 : memref<1x55x80xi32, #tpu.memory_space<hbm>> -> memref<55x80xi32, #tpu.memory_space<hbm>>
      %dma_wait3A_265 = arith.constant 0 : i32
      %dma_wait3A_266 = arith.constant 0 : i32
      %dma_wait3A_267 = tpu.memref_slice %arg6[%add3A, %dma_wait3A_265, %dma_wait3A_266] : memref<32x55x80xi32, #tpu.memory_space<hbm>> -> memref<1x55x80xi32, #tpu.memory_space<hbm>>
      %dma_wait3A_268 = tpu.memref_squeeze %dma_wait3A_267 : memref<1x55x80xi32, #tpu.memory_space<hbm>> -> memref<55x80xi32, #tpu.memory_space<hbm>>
      tpu.wait_dma2 semaphore(%run_scoped3A : memref<!tpu.dma_semaphore, #tpu.memory_space<semaphore_mem>>) src(%dma_wait3A_268 : memref<55x80xi32, #tpu.memory_space<hbm>>) dst(%arg9 : memref<55x80xi32, #tpu.memory_space<vmem>>)
      tpu.yield
    }) : () -> ()
    "tpu.region"() ({
      %run_scoped3A = tpu.sem_alloc : memref<!tpu.dma_semaphore, #tpu.memory_space<semaphore_mem>>
      %dma_start3A_253 = arith.constant 0 : i32
      %dma_start3A_254 = arith.constant 0 : i32
      %dma_start3A_255 = tpu.memref_slice %arg7[%add3A, %dma_start3A_253, %dma_start3A_254] : memref<32x55x80xi32, #tpu.memory_space<hbm>> -> memref<1x55x80xi32, #tpu.memory_space<hbm>>
      %dma_start3A_256 = tpu.memref_squeeze %dma_start3A_255 : memref<1x55x80xi32, #tpu.memory_space<hbm>> -> memref<55x80xi32, #tpu.memory_space<hbm>>
      %dma_start3A_257 = arith.constant 0 : i32
      %dma_start3A_258 = arith.constant 0 : i32
      %dma_start3A_259 = tpu.memref_slice %arg7[%add3A, %dma_start3A_257, %dma_start3A_258] : memref<32x55x80xi32, #tpu.memory_space<hbm>> -> memref<1x55x80xi32, #tpu.memory_space<hbm>>
      %dma_start3A_260 = tpu.memref_squeeze %dma_start3A_259 : memref<1x55x80xi32, #tpu.memory_space<hbm>> -> memref<55x80xi32, #tpu.memory_space<hbm>>
      tpu.enqueue_dma source(%dma_start3A_260 : memref<55x80xi32, #tpu.memory_space<hbm>>) target(%arg10 : memref<55x80xi32, #tpu.memory_space<vmem>>) target_semaphore(%run_scoped3A : memref<!tpu.dma_semaphore, #tpu.memory_space<semaphore_mem>>)
      %dma_wait3A_261 = arith.constant 0 : i32
      %dma_wait3A_262 = arith.constant 0 : i32
      %dma_wait3A_263 = tpu.memref_slice %arg7[%add3A, %dma_wait3A_261, %dma_wait3A_262] : memref<32x55x80xi32, #tpu.memory_space<hbm>> -> memref<1x55x80xi32, #tpu.memory_space<hbm>>
      %dma_wait3A_264 = tpu.memref_squeeze %dma_wait3A_263 : memref<1x55x80xi32, #tpu.memory_space<hbm>> -> memref<55x80xi32, #tpu.memory_space<hbm>>
      %dma_wait3A_265 = arith.constant 0 : i32
      %dma_wait3A_266 = arith.constant 0 : i32
      %dma_wait3A_267 = tpu.memref_slice %arg7[%add3A, %dma_wait3A_265, %dma_wait3A_266] : memref<32x55x80xi32, #tpu.memory_space<hbm>> -> memref<1x55x80xi32, #tpu.memory_space<hbm>>
      %dma_wait3A_268 = tpu.memref_squeeze %dma_wait3A_267 : memref<1x55x80xi32, #tpu.memory_space<hbm>> -> memref<55x80xi32, #tpu.memory_space<hbm>>
      tpu.wait_dma2 semaphore(%run_scoped3A : memref<!tpu.dma_semaphore, #tpu.memory_space<semaphore_mem>>) src(%dma_wait3A_268 : memref<55x80xi32, #tpu.memory_space<hbm>>) dst(%arg10 : memref<55x80xi32, #tpu.memory_space<vmem>>)
      tpu.yield
    }) : () -> ()
    "tpu.region"() ({
      %run_scoped3A = tpu.sem_alloc : memref<!tpu.dma_semaphore, #tpu.memory_space<semaphore_mem>>
      tpu.enqueue_dma source(%arg5 : memref<128xf32, #tpu.memory_space<hbm>>) target(%arg20 : memref<128xf32, #tpu.memory_space<vmem>>) target_semaphore(%run_scoped3A : memref<!tpu.dma_semaphore, #tpu.memory_space<semaphore_mem>>)
      tpu.wait_dma2 semaphore(%run_scoped3A : memref<!tpu.dma_semaphore, #tpu.memory_space<semaphore_mem>>) src(%arg5 : memref<128xf32, #tpu.memory_space<hbm>>) dst(%arg20 : memref<128xf32, #tpu.memory_space<vmem>>)
      tpu.yield
    }) : () -> ()
    %mul3A_1 = arith.constant 4400 : i32
    %mul3A_2 = arith.muli %add3A, %mul3A_1 : i32
    %get3A = arith.constant 0 : index
    %get3A_3 = tpu.vector_load %arg20[%get3A] {strides = array<i32>} : memref<128xf32, #tpu.memory_space<vmem>>, vector<16xf32>,
    %get3A_4 = vector.shape_cast %get3A_3 : vector<16xf32> to vector<16xf32>
    %get3A_5 = arith.constant 16 : index
    %get3A_6 = tpu.vector_load %arg20[%get3A_5] {strides = array<i32>} : memref<128xf32, #tpu.memory_space<vmem>>, vector<16xf32>,
    %get3A_7 = vector.shape_cast %get3A_6 : vector<16xf32> to vector<16xf32>
    %get3A_8 = arith.constant 32 : index
    %get3A_9 = tpu.vector_load %arg20[%get3A_8] {strides = array<i32>} : memref<128xf32, #tpu.memory_space<vmem>>, vector<16xf32>,
    %get3A_10 = vector.shape_cast %get3A_9 : vector<16xf32> to vector<16xf32>
    %get3A_11 = arith.constant 48 : index
    %get3A_12 = tpu.vector_load %arg20[%get3A_11] {strides = array<i32>} : memref<128xf32, #tpu.memory_space<vmem>>, vector<16xf32>,
    %get3A_13 = vector.shape_cast %get3A_12 : vector<16xf32> to vector<16xf32>
    %get3A_14 = arith.constant 64 : index
    %get3A_15 = tpu.vector_load %arg20[%get3A_14] {strides = array<i32>} : memref<128xf32, #tpu.memory_space<vmem>>, vector<16xf32>,
    %get3A_16 = vector.shape_cast %get3A_15 : vector<16xf32> to vector<16xf32>
    %get3A_17 = arith.constant 80 : index
    %get3A_18 = tpu.vector_load %arg20[%get3A_17] {strides = array<i32>} : memref<128xf32, #tpu.memory_space<vmem>>, vector<16xf32>,
    %get3A_19 = vector.shape_cast %get3A_18 : vector<16xf32> to vector<16xf32>
    %get3A_20 = arith.constant 96 : index
    %get3A_21 = tpu.vector_load %arg20[%get3A_20] {strides = array<i32>} : memref<128xf32, #tpu.memory_space<vmem>>, vector<16xf32>,
    %get3A_22 = vector.shape_cast %get3A_21 : vector<16xf32> to vector<16xf32>
    %get3A_23 = arith.constant 112 : index
    %get3A_24 = tpu.vector_load %arg20[%get3A_23] {strides = array<i32>} : memref<128xf32, #tpu.memory_space<vmem>>, vector<16xf32>,
    %get3A_25 = vector.shape_cast %get3A_24 : vector<16xf32> to vector<16xf32>
    %dma_start3A = arith.constant 0 : i32
    %dma_start3A_26 = arith.constant 0 : i32
    %dma_start3A_27 = tpu.memref_slice %arg9[%dma_start3A, %dma_start3A_26] : memref<55x80xi32, #tpu.memory_space<vmem>> -> memref<1x80xi32, #tpu.memory_space<vmem>>
    %dma_start3A_28 = tpu.memref_squeeze %dma_start3A_27 : memref<1x80xi32, #tpu.memory_space<vmem>> -> memref<80xi32, #tpu.memory_space<vmem>>
    %dma_start3A_29 = arith.constant 0 : i32
    %dma_start3A_30 = arith.constant 0 : i32
    %dma_start3A_31 = tpu.memref_slice %arg2[%dma_start3A_29, %dma_start3A_30] : memref<10000x128xf32, #tpu.memory_space<hbm>> -> memref<10000x128xf32, #tpu.memory_space<hbm>>
    tpu.enqueue_indirect_dma source(%dma_start3A_31 : memref<10000x128xf32, #tpu.memory_space<hbm>>) target(%arg11 : memref<80x128xf32, #tpu.memory_space<vmem>>) offsets(%dma_start3A_28 : memref<80xi32, #tpu.memory_space<vmem>>) semaphore(%arg21 : memref<!tpu.dma_semaphore, #tpu.memory_space<semaphore_mem>>)
    %dma_start3A_32 = arith.constant 0 : i32
    %dma_start3A_33 = arith.constant 0 : i32
    %dma_start3A_34 = tpu.memref_slice %arg10[%dma_start3A_32, %dma_start3A_33] : memref<55x80xi32, #tpu.memory_space<vmem>> -> memref<1x80xi32, #tpu.memory_space<vmem>>
    %dma_start3A_35 = tpu.memref_squeeze %dma_start3A_34 : memref<1x80xi32, #tpu.memory_space<vmem>> -> memref<80xi32, #tpu.memory_space<vmem>>
    %dma_start3A_36 = arith.constant 0 : i32
    %dma_start3A_37 = arith.constant 0 : i32
    %dma_start3A_38 = tpu.memref_slice %arg3[%dma_start3A_36, %dma_start3A_37] : memref<10000x128xf32, #tpu.memory_space<hbm>> -> memref<10000x128xf32, #tpu.memory_space<hbm>>
    tpu.enqueue_indirect_dma source(%dma_start3A_38 : memref<10000x128xf32, #tpu.memory_space<hbm>>) target(%arg13 : memref<80x128xf32, #tpu.memory_space<vmem>>) offsets(%dma_start3A_35 : memref<80xi32, #tpu.memory_space<vmem>>) semaphore(%arg21 : memref<!tpu.dma_semaphore, #tpu.memory_space<semaphore_mem>>)
    %dma_start3A_39 = arith.constant 0 : i32
    %dma_start3A_40 = arith.constant 0 : i32
    %dma_start3A_41 = tpu.memref_slice %arg9[%dma_start3A_39, %dma_start3A_40] : memref<55x80xi32, #tpu.memory_space<vmem>> -> memref<1x80xi32, #tpu.memory_space<vmem>>
    %dma_start3A_42 = tpu.memref_squeeze %dma_start3A_41 : memref<1x80xi32, #tpu.memory_space<vmem>> -> memref<80xi32, #tpu.memory_space<vmem>>
    %dma_start3A_43 = arith.constant 0 : i32
    %dma_start3A_44 = arith.constant 0 : i32
    %dma_start3A_45 = tpu.memref_slice %arg4[%dma_start3A_43, %dma_start3A_44] : memref<10000x128xf32, #tpu.memory_space<hbm>> -> memref<10000x128xf32, #tpu.memory_space<hbm>>
    tpu.enqueue_indirect_dma source(%dma_start3A_45 : memref<10000x128xf32, #tpu.memory_space<hbm>>) target(%arg15 : memref<80x128xf32, #tpu.memory_space<vmem>>) offsets(%dma_start3A_42 : memref<80xi32, #tpu.memory_space<vmem>>) semaphore(%arg21 : memref<!tpu.dma_semaphore, #tpu.memory_space<semaphore_mem>>)
    %dma_start3A_46 = arith.constant 0 : i32
    %dma_start3A_47 = arith.constant 0 : i32
    %dma_start3A_48 = tpu.memref_slice %arg10[%dma_start3A_46, %dma_start3A_47] : memref<55x80xi32, #tpu.memory_space<vmem>> -> memref<1x80xi32, #tpu.memory_space<vmem>>
    %dma_start3A_49 = tpu.memref_squeeze %dma_start3A_48 : memref<1x80xi32, #tpu.memory_space<vmem>> -> memref<80xi32, #tpu.memory_space<vmem>>
    %dma_start3A_50 = arith.constant 0 : i32
    %dma_start3A_51 = arith.constant 0 : i32
    %dma_start3A_52 = tpu.memref_slice %arg4[%dma_start3A_50, %dma_start3A_51] : memref<10000x128xf32, #tpu.memory_space<hbm>> -> memref<10000x128xf32, #tpu.memory_space<hbm>>
    tpu.enqueue_indirect_dma source(%dma_start3A_52 : memref<10000x128xf32, #tpu.memory_space<hbm>>) target(%arg17 : memref<80x128xf32, #tpu.memory_space<vmem>>) offsets(%dma_start3A_49 : memref<80xi32, #tpu.memory_space<vmem>>) semaphore(%arg21 : memref<!tpu.dma_semaphore, #tpu.memory_space<semaphore_mem>>)
    %dma_start3A_53 = arith.constant 1 : i32
    %dma_start3A_54 = arith.constant 0 : i32
    %dma_start3A_55 = tpu.memref_slice %arg9[%dma_start3A_53, %dma_start3A_54] : memref<55x80xi32, #tpu.memory_space<vmem>> -> memref<1x80xi32, #tpu.memory_space<vmem>>
    %dma_start3A_56 = tpu.memref_squeeze %dma_start3A_55 : memref<1x80xi32, #tpu.memory_space<vmem>> -> memref<80xi32, #tpu.memory_space<vmem>>
    %dma_start3A_57 = arith.constant 0 : i32
    %dma_start3A_58 = arith.constant 0 : i32
    %dma_start3A_59 = tpu.memref_slice %arg2[%dma_start3A_57, %dma_start3A_58] : memref<10000x128xf32, #tpu.memory_space<hbm>> -> memref<10000x128xf32, #tpu.memory_space<hbm>>
    tpu.enqueue_indirect_dma source(%dma_start3A_59 : memref<10000x128xf32, #tpu.memory_space<hbm>>) target(%arg12 : memref<80x128xf32, #tpu.memory_space<vmem>>) offsets(%dma_start3A_56 : memref<80xi32, #tpu.memory_space<vmem>>) semaphore(%arg22 : memref<!tpu.dma_semaphore, #tpu.memory_space<semaphore_mem>>)
    %dma_start3A_60 = arith.constant 1 : i32
    %dma_start3A_61 = arith.constant 0 : i32
    %dma_start3A_62 = tpu.memref_slice %arg10[%dma_start3A_60, %dma_start3A_61] : memref<55x80xi32, #tpu.memory_space<vmem>> -> memref<1x80xi32, #tpu.memory_space<vmem>>
    %dma_start3A_63 = tpu.memref_squeeze %dma_start3A_62 : memref<1x80xi32, #tpu.memory_space<vmem>> -> memref<80xi32, #tpu.memory_space<vmem>>
    %dma_start3A_64 = arith.constant 0 : i32
    %dma_start3A_65 = arith.constant 0 : i32
    %dma_start3A_66 = tpu.memref_slice %arg3[%dma_start3A_64, %dma_start3A_65] : memref<10000x128xf32, #tpu.memory_space<hbm>> -> memref<10000x128xf32, #tpu.memory_space<hbm>>
    tpu.enqueue_indirect_dma source(%dma_start3A_66 : memref<10000x128xf32, #tpu.memory_space<hbm>>) target(%arg14 : memref<80x128xf32, #tpu.memory_space<vmem>>) offsets(%dma_start3A_63 : memref<80xi32, #tpu.memory_space<vmem>>) semaphore(%arg22 : memref<!tpu.dma_semaphore, #tpu.memory_space<semaphore_mem>>)
    %dma_start3A_67 = arith.constant 1 : i32
    %dma_start3A_68 = arith.constant 0 : i32
    %dma_start3A_69 = tpu.memref_slice %arg9[%dma_start3A_67, %dma_start3A_68] : memref<55x80xi32, #tpu.memory_space<vmem>> -> memref<1x80xi32, #tpu.memory_space<vmem>>
    %dma_start3A_70 = tpu.memref_squeeze %dma_start3A_69 : memref<1x80xi32, #tpu.memory_space<vmem>> -> memref<80xi32, #tpu.memory_space<vmem>>
    %dma_start3A_71 = arith.constant 0 : i32
    %dma_start3A_72 = arith.constant 0 : i32
    %dma_start3A_73 = tpu.memref_slice %arg4[%dma_start3A_71, %dma_start3A_72] : memref<10000x128xf32, #tpu.memory_space<hbm>> -> memref<10000x128xf32, #tpu.memory_space<hbm>>
    tpu.enqueue_indirect_dma source(%dma_start3A_73 : memref<10000x128xf32, #tpu.memory_space<hbm>>) target(%arg16 : memref<80x128xf32, #tpu.memory_space<vmem>>) offsets(%dma_start3A_70 : memref<80xi32, #tpu.memory_space<vmem>>) semaphore(%arg22 : memref<!tpu.dma_semaphore, #tpu.memory_space<semaphore_mem>>)
    %dma_start3A_74 = arith.constant 1 : i32
    %dma_start3A_75 = arith.constant 0 : i32
    %dma_start3A_76 = tpu.memref_slice %arg10[%dma_start3A_74, %dma_start3A_75] : memref<55x80xi32, #tpu.memory_space<vmem>> -> memref<1x80xi32, #tpu.memory_space<vmem>>
    %dma_start3A_77 = tpu.memref_squeeze %dma_start3A_76 : memref<1x80xi32, #tpu.memory_space<vmem>> -> memref<80xi32, #tpu.memory_space<vmem>>
    %dma_start3A_78 = arith.constant 0 : i32
    %dma_start3A_79 = arith.constant 0 : i32
    %dma_start3A_80 = tpu.memref_slice %arg4[%dma_start3A_78, %dma_start3A_79] : memref<10000x128xf32, #tpu.memory_space<hbm>> -> memref<10000x128xf32, #tpu.memory_space<hbm>>
    tpu.enqueue_indirect_dma source(%dma_start3A_80 : memref<10000x128xf32, #tpu.memory_space<hbm>>) target(%arg18 : memref<80x128xf32, #tpu.memory_space<vmem>>) offsets(%dma_start3A_77 : memref<80xi32, #tpu.memory_space<vmem>>) semaphore(%arg22 : memref<!tpu.dma_semaphore, #tpu.memory_space<semaphore_mem>>)
    %scan3A = arith.constant 0 : i32
    %scan3A_81 = arith.constant 0 : i32
    %scan3A_82 = arith.constant 26 : i32
    %scan3A_83 = arith.addi %scan3A_81, %scan3A_82 : i32
    %scan3A_84 = arith.constant 1 : i32
    %scan3A_85 = scf.for %scan3A_253 = %scan3A_81 to %scan3A_83 step %scan3A_84 iter_args(%scan3A_254 = %scan3A) -> (i32)  : i32 {
      %mul3A_255 = arith.constant 2 : i32
      %mul3A_256 = arith.muli %mul3A_255, %scan3A_253 : i32
      %add3A_257 = arith.constant 0 : i32
      %add3A_258 = arith.addi %mul3A_256, %add3A_257 : i32
      %dma_wait3A_259 = arith.constant 0 : i32
      %dma_wait3A_260 = tpu.memref_slice %arg9[%add3A_258, %dma_wait3A_259] : memref<55x80xi32, #tpu.memory_space<vmem>> -> memref<1x80xi32, #tpu.memory_space<vmem>>
      %dma_wait3A_261 = tpu.memref_squeeze %dma_wait3A_260 : memref<1x80xi32, #tpu.memory_space<vmem>> -> memref<80xi32, #tpu.memory_space<vmem>>
      %dma_wait3A_262 = arith.constant 0 : i32
      %dma_wait3A_263 = arith.constant 0 : i32
      %dma_wait3A_264 = tpu.memref_slice %arg2[%dma_wait3A_262, %dma_wait3A_263] : memref<10000x128xf32, #tpu.memory_space<hbm>> -> memref<10000x128xf32, #tpu.memory_space<hbm>>
      tpu.wait_indirect_dma semaphore(%arg21 : memref<!tpu.dma_semaphore, #tpu.memory_space<semaphore_mem>>) src(%dma_wait3A_264 : memref<10000x128xf32, #tpu.memory_space<hbm>>) dst(%arg11 : memref<80x128xf32, #tpu.memory_space<vmem>>)
      %dma_wait3A_265 = arith.constant 0 : i32
      %dma_wait3A_266 = tpu.memref_slice %arg9[%add3A_258, %dma_wait3A_265] : memref<55x80xi32, #tpu.memory_space<vmem>> -> memref<1x80xi32, #tpu.memory_space<vmem>>
      %dma_wait3A_267 = tpu.memref_squeeze %dma_wait3A_266 : memref<1x80xi32, #tpu.memory_space<vmem>> -> memref<80xi32, #tpu.memory_space<vmem>>
      %dma_wait3A_268 = arith.constant 0 : i32
      %dma_wait3A_269 = arith.constant 0 : i32
      %dma_wait3A_270 = tpu.memref_slice %arg2[%dma_wait3A_268, %dma_wait3A_269] : memref<10000x128xf32, #tpu.memory_space<hbm>> -> memref<10000x128xf32, #tpu.memory_space<hbm>>
      tpu.wait_indirect_dma semaphore(%arg21 : memref<!tpu.dma_semaphore, #tpu.memory_space<semaphore_mem>>) src(%dma_wait3A_270 : memref<10000x128xf32, #tpu.memory_space<hbm>>) dst(%arg11 : memref<80x128xf32, #tpu.memory_space<vmem>>)
      %dma_wait3A_271 = arith.constant 0 : i32
      %dma_wait3A_272 = tpu.memref_slice %arg9[%add3A_258, %dma_wait3A_271] : memref<55x80xi32, #tpu.memory_space<vmem>> -> memref<1x80xi32, #tpu.memory_space<vmem>>
      %dma_wait3A_273 = tpu.memref_squeeze %dma_wait3A_272 : memref<1x80xi32, #tpu.memory_space<vmem>> -> memref<80xi32, #tpu.memory_space<vmem>>
      %dma_wait3A_274 = arith.constant 0 : i32
      %dma_wait3A_275 = arith.constant 0 : i32
      %dma_wait3A_276 = tpu.memref_slice %arg2[%dma_wait3A_274, %dma_wait3A_275] : memref<10000x128xf32, #tpu.memory_space<hbm>> -> memref<10000x128xf32, #tpu.memory_space<hbm>>
      tpu.wait_indirect_dma semaphore(%arg21 : memref<!tpu.dma_semaphore, #tpu.memory_space<semaphore_mem>>) src(%dma_wait3A_276 : memref<10000x128xf32, #tpu.memory_space<hbm>>) dst(%arg11 : memref<80x128xf32, #tpu.memory_space<vmem>>)
      %dma_wait3A_277 = arith.constant 0 : i32
      %dma_wait3A_278 = tpu.memref_slice %arg9[%add3A_258, %dma_wait3A_277] : memref<55x80xi32, #tpu.memory_space<vmem>> -> memref<1x80xi32, #tpu.memory_space<vmem>>
      %dma_wait3A_279 = tpu.memref_squeeze %dma_wait3A_278 : memref<1x80xi32, #tpu.memory_space<vmem>> -> memref<80xi32, #tpu.memory_space<vmem>>
      %dma_wait3A_280 = arith.constant 0 : i32
      %dma_wait3A_281 = arith.constant 0 : i32
      %dma_wait3A_282 = tpu.memref_slice %arg2[%dma_wait3A_280, %dma_wait3A_281] : memref<10000x128xf32, #tpu.memory_space<hbm>> -> memref<10000x128xf32, #tpu.memory_space<hbm>>
      tpu.wait_indirect_dma semaphore(%arg21 : memref<!tpu.dma_semaphore, #tpu.memory_space<semaphore_mem>>) src(%dma_wait3A_282 : memref<10000x128xf32, #tpu.memory_space<hbm>>) dst(%arg11 : memref<80x128xf32, #tpu.memory_space<vmem>>)
      %gt3A = arith.constant 0 : i32
      %gt3A_283 = arith.cmpi sgt, %scan3A_253, %gt3A : i32
      %convert_element_type3A = arith.extui %gt3A_283 : i1 to i32
      %cond3A = arith.constant 0 : i32
      %cond3A_284 = arith.cmpi ne, %convert_element_type3A, %cond3A : i32
      scf.if %cond3A_284 {
        %dma_wait3A_398 = arith.constant 0 : i32
        %dma_wait3A_399 = tpu.memref_slice %arg8[%mul3A_2, %dma_wait3A_398] : memref<140800x128xf32, #tpu.memory_space<hbm>> -> memref<80x128xf32, #tpu.memory_space<hbm>>
        %dma_wait3A_400 = arith.constant 0 : i32
        %dma_wait3A_401 = tpu.memref_slice %arg8[%mul3A_2, %dma_wait3A_400] : memref<140800x128xf32, #tpu.memory_space<hbm>> -> memref<80x128xf32, #tpu.memory_space<hbm>>
        tpu.wait_dma2 semaphore(%arg23 : memref<!tpu.dma_semaphore, #tpu.memory_space<semaphore_mem>>) src(%arg19 : memref<80x128xf32, #tpu.memory_space<vmem>>) dst(%dma_wait3A_401 : memref<80x128xf32, #tpu.memory_space<hbm>>)
      } else {
      }
      %scan3A_285 = arith.constant 0 : i32
      %scan3A_286 = arith.constant 0 : i32
      %scan3A_287 = arith.constant 80 : i32
      %scan3A_288 = arith.addi %scan3A_286, %scan3A_287 : i32
      %scan3A_289 = arith.constant 1 : i32
      %scan3A_290 = scf.for %scan3A_398 = %scan3A_286 to %scan3A_288 step %scan3A_289 iter_args(%scan3A_399 = %scan3A_285) -> (i32)  : i32 {
        %get3A_400 = arith.index_cast %scan3A_398 : i32 to index
        %get3A_401 = arith.constant 0 : index
        %get3A_402 = tpu.vector_load %arg15[%get3A_400, %get3A_401] {strides = array<i32>} : memref<80x128xf32, #tpu.memory_space<vmem>>, vector<1x16xf32>,
        %get3A_403 = vector.shape_cast %get3A_402 : vector<1x16xf32> to vector<16xf32>
        %get3A_404 = arith.index_cast %scan3A_398 : i32 to index
        %get3A_405 = arith.constant 0 : index
        %get3A_406 = tpu.vector_load %arg17[%get3A_404, %get3A_405] {strides = array<i32>} : memref<80x128xf32, #tpu.memory_space<vmem>>, vector<1x16xf32>,
        %get3A_407 = vector.shape_cast %get3A_406 : vector<1x16xf32> to vector<16xf32>
        %mul3A_408 = arith.mulf %get3A_403, %get3A_407 : vector<16xf32>
        %slice3A = vector.extract_strided_slice %mul3A_408 {offsets = [0], sizes = [1], strides = [1]} : vector<16xf32> to vector<1xf32>
        %squeeze3A = vector.extract %slice3A[0] : f32 from vector<1xf32>
        %slice3A_409 = vector.extract_strided_slice %mul3A_408 {offsets = [1], sizes = [1], strides = [1]} : vector<16xf32> to vector<1xf32>
        %squeeze3A_410 = vector.extract %slice3A_409[0] : f32 from vector<1xf32>
        %add3A_411 = arith.addf %squeeze3A, %squeeze3A_410 : f32
        %slice3A_412 = vector.extract_strided_slice %mul3A_408 {offsets = [2], sizes = [1], strides = [1]} : vector<16xf32> to vector<1xf32>
        %squeeze3A_413 = vector.extract %slice3A_412[0] : f32 from vector<1xf32>
        %add3A_414 = arith.addf %add3A_411, %squeeze3A_413 : f32
        %get3A_415 = arith.index_cast %scan3A_398 : i32 to index
        %get3A_416 = arith.constant 0 : index
        %get3A_417 = tpu.vector_load %arg11[%get3A_415, %get3A_416] {strides = array<i32>} : memref<80x128xf32, #tpu.memory_space<vmem>>, vector<1x16xf32>,
        %get3A_418 = vector.shape_cast %get3A_417 : vector<1x16xf32> to vector<16xf32>
        %get3A_419 = arith.index_cast %scan3A_398 : i32 to index
        %get3A_420 = arith.constant 0 : index
        %get3A_421 = tpu.vector_load %arg13[%get3A_419, %get3A_420] {strides = array<i32>} : memref<80x128xf32, #tpu.memory_space<vmem>>, vector<1x16xf32>,
        %get3A_422 = vector.shape_cast %get3A_421 : vector<1x16xf32> to vector<16xf32>
        %add3A_423 = arith.addf %get3A_418, %get3A_422 : vector<16xf32>
        %mul3A_424 = vector.broadcast %add3A_414 : f32 to vector<16xf32>
        %mul3A_425 = arith.mulf %mul3A_424, %get3A_4 : vector<16xf32>
        %add3A_426 = arith.addf %add3A_423, %mul3A_425 : vector<16xf32>
        %swap3A = arith.index_cast %scan3A_398 : i32 to index
        %swap3A_427 = arith.constant 0 : index
        %swap3A_428 = tpu.vector_load %arg19[%swap3A, %swap3A_427] {strides = array<i32>} : memref<80x128xf32, #tpu.memory_space<vmem>>, vector<1x16xf32>,
        %swap3A_429 = vector.shape_cast %swap3A_428 : vector<1x16xf32> to vector<16xf32>
        %swap3A_430 = vector.shape_cast %add3A_426 : vector<16xf32> to vector<1x16xf32>
        tpu.vector_store %arg19[%swap3A, %swap3A_427], %swap3A_430 {strides = array<i32>} : memref<80x128xf32, #tpu.memory_space<vmem>>, vector<1x16xf32>,
        %get3A_431 = arith.index_cast %scan3A_398 : i32 to index
        %get3A_432 = arith.constant 16 : index
        %get3A_433 = tpu.vector_load %arg11[%get3A_431, %get3A_432] {strides = array<i32>} : memref<80x128xf32, #tpu.memory_space<vmem>>, vector<1x16xf32>,
        %get3A_434 = vector.shape_cast %get3A_433 : vector<1x16xf32> to vector<16xf32>
        %get3A_435 = arith.index_cast %scan3A_398 : i32 to index
        %get3A_436 = arith.constant 16 : index
        %get3A_437 = tpu.vector_load %arg13[%get3A_435, %get3A_436] {strides = array<i32>} : memref<80x128xf32, #tpu.memory_space<vmem>>, vector<1x16xf32>,
        %get3A_438 = vector.shape_cast %get3A_437 : vector<1x16xf32> to vector<16xf32>
        %add3A_439 = arith.addf %get3A_434, %get3A_438 : vector<16xf32>
        %mul3A_440 = vector.broadcast %add3A_414 : f32 to vector<16xf32>
        %mul3A_441 = arith.mulf %mul3A_440, %get3A_7 : vector<16xf32>
        %add3A_442 = arith.addf %add3A_439, %mul3A_441 : vector<16xf32>
        %swap3A_443 = arith.index_cast %scan3A_398 : i32 to index
        %swap3A_444 = arith.constant 16 : index
        %swap3A_445 = tpu.vector_load %arg19[%swap3A_443, %swap3A_444] {strides = array<i32>} : memref<80x128xf32, #tpu.memory_space<vmem>>, vector<1x16xf32>,
        %swap3A_446 = vector.shape_cast %swap3A_445 : vector<1x16xf32> to vector<16xf32>
        %swap3A_447 = vector.shape_cast %add3A_442 : vector<16xf32> to vector<1x16xf32>
        tpu.vector_store %arg19[%swap3A_443, %swap3A_444], %swap3A_447 {strides = array<i32>} : memref<80x128xf32, #tpu.memory_space<vmem>>, vector<1x16xf32>,
        %get3A_448 = arith.index_cast %scan3A_398 : i32 to index
        %get3A_449 = arith.constant 32 : index
        %get3A_450 = tpu.vector_load %arg11[%get3A_448, %get3A_449] {strides = array<i32>} : memref<80x128xf32, #tpu.memory_space<vmem>>, vector<1x16xf32>,
        %get3A_451 = vector.shape_cast %get3A_450 : vector<1x16xf32> to vector<16xf32>
        %get3A_452 = arith.index_cast %scan3A_398 : i32 to index
        %get3A_453 = arith.constant 32 : index
        %get3A_454 = tpu.vector_load %arg13[%get3A_452, %get3A_453] {strides = array<i32>} : memref<80x128xf32, #tpu.memory_space<vmem>>, vector<1x16xf32>,
        %get3A_455 = vector.shape_cast %get3A_454 : vector<1x16xf32> to vector<16xf32>
        %add3A_456 = arith.addf %get3A_451, %get3A_455 : vector<16xf32>
        %mul3A_457 = vector.broadcast %add3A_414 : f32 to vector<16xf32>
        %mul3A_458 = arith.mulf %mul3A_457, %get3A_10 : vector<16xf32>
        %add3A_459 = arith.addf %add3A_456, %mul3A_458 : vector<16xf32>
        %swap3A_460 = arith.index_cast %scan3A_398 : i32 to index
        %swap3A_461 = arith.constant 32 : index
        %swap3A_462 = tpu.vector_load %arg19[%swap3A_460, %swap3A_461] {strides = array<i32>} : memref<80x128xf32, #tpu.memory_space<vmem>>, vector<1x16xf32>,
        %swap3A_463 = vector.shape_cast %swap3A_462 : vector<1x16xf32> to vector<16xf32>
        %swap3A_464 = vector.shape_cast %add3A_459 : vector<16xf32> to vector<1x16xf32>
        tpu.vector_store %arg19[%swap3A_460, %swap3A_461], %swap3A_464 {strides = array<i32>} : memref<80x128xf32, #tpu.memory_space<vmem>>, vector<1x16xf32>,
        %get3A_465 = arith.index_cast %scan3A_398 : i32 to index
        %get3A_466 = arith.constant 48 : index
        %get3A_467 = tpu.vector_load %arg11[%get3A_465, %get3A_466] {strides = array<i32>} : memref<80x128xf32, #tpu.memory_space<vmem>>, vector<1x16xf32>,
        %get3A_468 = vector.shape_cast %get3A_467 : vector<1x16xf32> to vector<16xf32>
        %get3A_469 = arith.index_cast %scan3A_398 : i32 to index
        %get3A_470 = arith.constant 48 : index
        %get3A_471 = tpu.vector_load %arg13[%get3A_469, %get3A_470] {strides = array<i32>} : memref<80x128xf32, #tpu.memory_space<vmem>>, vector<1x16xf32>,
        %get3A_472 = vector.shape_cast %get3A_471 : vector<1x16xf32> to vector<16xf32>
        %add3A_473 = arith.addf %get3A_468, %get3A_472 : vector<16xf32>
        %mul3A_474 = vector.broadcast %add3A_414 : f32 to vector<16xf32>
        %mul3A_475 = arith.mulf %mul3A_474, %get3A_13 : vector<16xf32>
        %add3A_476 = arith.addf %add3A_473, %mul3A_475 : vector<16xf32>
        %swap3A_477 = arith.index_cast %scan3A_398 : i32 to index
        %swap3A_478 = arith.constant 48 : index
        %swap3A_479 = tpu.vector_load %arg19[%swap3A_477, %swap3A_478] {strides = array<i32>} : memref<80x128xf32, #tpu.memory_space<vmem>>, vector<1x16xf32>,
        %swap3A_480 = vector.shape_cast %swap3A_479 : vector<1x16xf32> to vector<16xf32>
        %swap3A_481 = vector.shape_cast %add3A_476 : vector<16xf32> to vector<1x16xf32>
        tpu.vector_store %arg19[%swap3A_477, %swap3A_478], %swap3A_481 {strides = array<i32>} : memref<80x128xf32, #tpu.memory_space<vmem>>, vector<1x16xf32>,
        %get3A_482 = arith.index_cast %scan3A_398 : i32 to index
        %get3A_483 = arith.constant 64 : index
        %get3A_484 = tpu.vector_load %arg11[%get3A_482, %get3A_483] {strides = array<i32>} : memref<80x128xf32, #tpu.memory_space<vmem>>, vector<1x16xf32>,
        %get3A_485 = vector.shape_cast %get3A_484 : vector<1x16xf32> to vector<16xf32>
        %get3A_486 = arith.index_cast %scan3A_398 : i32 to index
        %get3A_487 = arith.constant 64 : index
        %get3A_488 = tpu.vector_load %arg13[%get3A_486, %get3A_487] {strides = array<i32>} : memref<80x128xf32, #tpu.memory_space<vmem>>, vector<1x16xf32>,
        %get3A_489 = vector.shape_cast %get3A_488 : vector<1x16xf32> to vector<16xf32>
        %add3A_490 = arith.addf %get3A_485, %get3A_489 : vector<16xf32>
        %mul3A_491 = vector.broadcast %add3A_414 : f32 to vector<16xf32>
        %mul3A_492 = arith.mulf %mul3A_491, %get3A_16 : vector<16xf32>
        %add3A_493 = arith.addf %add3A_490, %mul3A_492 : vector<16xf32>
        %swap3A_494 = arith.index_cast %scan3A_398 : i32 to index
        %swap3A_495 = arith.constant 64 : index
        %swap3A_496 = tpu.vector_load %arg19[%swap3A_494, %swap3A_495] {strides = array<i32>} : memref<80x128xf32, #tpu.memory_space<vmem>>, vector<1x16xf32>,
        %swap3A_497 = vector.shape_cast %swap3A_496 : vector<1x16xf32> to vector<16xf32>
        %swap3A_498 = vector.shape_cast %add3A_493 : vector<16xf32> to vector<1x16xf32>
        tpu.vector_store %arg19[%swap3A_494, %swap3A_495], %swap3A_498 {strides = array<i32>} : memref<80x128xf32, #tpu.memory_space<vmem>>, vector<1x16xf32>,
        %get3A_499 = arith.index_cast %scan3A_398 : i32 to index
        %get3A_500 = arith.constant 80 : index
        %get3A_501 = tpu.vector_load %arg11[%get3A_499, %get3A_500] {strides = array<i32>} : memref<80x128xf32, #tpu.memory_space<vmem>>, vector<1x16xf32>,
        %get3A_502 = vector.shape_cast %get3A_501 : vector<1x16xf32> to vector<16xf32>
        %get3A_503 = arith.index_cast %scan3A_398 : i32 to index
        %get3A_504 = arith.constant 80 : index
        %get3A_505 = tpu.vector_load %arg13[%get3A_503, %get3A_504] {strides = array<i32>} : memref<80x128xf32, #tpu.memory_space<vmem>>, vector<1x16xf32>,
        %get3A_506 = vector.shape_cast %get3A_505 : vector<1x16xf32> to vector<16xf32>
        %add3A_507 = arith.addf %get3A_502, %get3A_506 : vector<16xf32>
        %mul3A_508 = vector.broadcast %add3A_414 : f32 to vector<16xf32>
        %mul3A_509 = arith.mulf %mul3A_508, %get3A_19 : vector<16xf32>
        %add3A_510 = arith.addf %add3A_507, %mul3A_509 : vector<16xf32>
        %swap3A_511 = arith.index_cast %scan3A_398 : i32 to index
        %swap3A_512 = arith.constant 80 : index
        %swap3A_513 = tpu.vector_load %arg19[%swap3A_511, %swap3A_512] {strides = array<i32>} : memref<80x128xf32, #tpu.memory_space<vmem>>, vector<1x16xf32>,
        %swap3A_514 = vector.shape_cast %swap3A_513 : vector<1x16xf32> to vector<16xf32>
        %swap3A_515 = vector.shape_cast %add3A_510 : vector<16xf32> to vector<1x16xf32>
        tpu.vector_store %arg19[%swap3A_511, %swap3A_512], %swap3A_515 {strides = array<i32>} : memref<80x128xf32, #tpu.memory_space<vmem>>, vector<1x16xf32>,
        %get3A_516 = arith.index_cast %scan3A_398 : i32 to index
        %get3A_517 = arith.constant 96 : index
        %get3A_518 = tpu.vector_load %arg11[%get3A_516, %get3A_517] {strides = array<i32>} : memref<80x128xf32, #tpu.memory_space<vmem>>, vector<1x16xf32>,
        %get3A_519 = vector.shape_cast %get3A_518 : vector<1x16xf32> to vector<16xf32>
        %get3A_520 = arith.index_cast %scan3A_398 : i32 to index
        %get3A_521 = arith.constant 96 : index
        %get3A_522 = tpu.vector_load %arg13[%get3A_520, %get3A_521] {strides = array<i32>} : memref<80x128xf32, #tpu.memory_space<vmem>>, vector<1x16xf32>,
        %get3A_523 = vector.shape_cast %get3A_522 : vector<1x16xf32> to vector<16xf32>
        %add3A_524 = arith.addf %get3A_519, %get3A_523 : vector<16xf32>
        %mul3A_525 = vector.broadcast %add3A_414 : f32 to vector<16xf32>
        %mul3A_526 = arith.mulf %mul3A_525, %get3A_22 : vector<16xf32>
        %add3A_527 = arith.addf %add3A_524, %mul3A_526 : vector<16xf32>
        %swap3A_528 = arith.index_cast %scan3A_398 : i32 to index
        %swap3A_529 = arith.constant 96 : index
        %swap3A_530 = tpu.vector_load %arg19[%swap3A_528, %swap3A_529] {strides = array<i32>} : memref<80x128xf32, #tpu.memory_space<vmem>>, vector<1x16xf32>,
        %swap3A_531 = vector.shape_cast %swap3A_530 : vector<1x16xf32> to vector<16xf32>
        %swap3A_532 = vector.shape_cast %add3A_527 : vector<16xf32> to vector<1x16xf32>
        tpu.vector_store %arg19[%swap3A_528, %swap3A_529], %swap3A_532 {strides = array<i32>} : memref<80x128xf32, #tpu.memory_space<vmem>>, vector<1x16xf32>,
        %get3A_533 = arith.index_cast %scan3A_398 : i32 to index
        %get3A_534 = arith.constant 112 : index
        %get3A_535 = tpu.vector_load %arg11[%get3A_533, %get3A_534] {strides = array<i32>} : memref<80x128xf32, #tpu.memory_space<vmem>>, vector<1x16xf32>,
        %get3A_536 = vector.shape_cast %get3A_535 : vector<1x16xf32> to vector<16xf32>
        %get3A_537 = arith.index_cast %scan3A_398 : i32 to index
        %get3A_538 = arith.constant 112 : index
        %get3A_539 = tpu.vector_load %arg13[%get3A_537, %get3A_538] {strides = array<i32>} : memref<80x128xf32, #tpu.memory_space<vmem>>, vector<1x16xf32>,
        %get3A_540 = vector.shape_cast %get3A_539 : vector<1x16xf32> to vector<16xf32>
        %add3A_541 = arith.addf %get3A_536, %get3A_540 : vector<16xf32>
        %mul3A_542 = vector.broadcast %add3A_414 : f32 to vector<16xf32>
        %mul3A_543 = arith.mulf %mul3A_542, %get3A_25 : vector<16xf32>
        %add3A_544 = arith.addf %add3A_541, %mul3A_543 : vector<16xf32>
        %swap3A_545 = arith.index_cast %scan3A_398 : i32 to index
        %swap3A_546 = arith.constant 112 : index
        %swap3A_547 = tpu.vector_load %arg19[%swap3A_545, %swap3A_546] {strides = array<i32>} : memref<80x128xf32, #tpu.memory_space<vmem>>, vector<1x16xf32>,
        %swap3A_548 = vector.shape_cast %swap3A_547 : vector<1x16xf32> to vector<16xf32>
        %swap3A_549 = vector.shape_cast %add3A_544 : vector<16xf32> to vector<1x16xf32>
        tpu.vector_store %arg19[%swap3A_545, %swap3A_546], %swap3A_549 {strides = array<i32>} : memref<80x128xf32, #tpu.memory_space<vmem>>, vector<1x16xf32>,
        %scan3A_550 = arith.constant 0 : i32
        scf.yield %scan3A_550 : i32
      }
      %scan3A_291 = arith.constant 80 : i32
      %mul3A_292 = arith.constant 80 : i32
      %mul3A_293 = arith.muli %add3A_258, %mul3A_292 : i32
      %add3A_294 = arith.addi %mul3A_2, %mul3A_293 : i32
      %dma_start3A_295 = arith.constant 0 : i32
      %dma_start3A_296 = tpu.memref_slice %arg8[%add3A_294, %dma_start3A_295] : memref<140800x128xf32, #tpu.memory_space<hbm>> -> memref<80x128xf32, #tpu.memory_space<hbm>>
      %dma_start3A_297 = arith.constant 0 : i32
      %dma_start3A_298 = tpu.memref_slice %arg8[%add3A_294, %dma_start3A_297] : memref<140800x128xf32, #tpu.memory_space<hbm>> -> memref<80x128xf32, #tpu.memory_space<hbm>>
      tpu.enqueue_dma source(%arg19 : memref<80x128xf32, #tpu.memory_space<vmem>>) target(%dma_start3A_298 : memref<80x128xf32, #tpu.memory_space<hbm>>) target_semaphore(%arg23 : memref<!tpu.dma_semaphore, #tpu.memory_space<semaphore_mem>>)
      %add3A_299 = arith.constant 2 : i32
      %add3A_300 = arith.addi %add3A_258, %add3A_299 : i32
      %dma_start3A_301 = arith.constant 0 : i32
      %dma_start3A_302 = tpu.memref_slice %arg9[%add3A_300, %dma_start3A_301] : memref<55x80xi32, #tpu.memory_space<vmem>> -> memref<1x80xi32, #tpu.memory_space<vmem>>
      %dma_start3A_303 = tpu.memref_squeeze %dma_start3A_302 : memref<1x80xi32, #tpu.memory_space<vmem>> -> memref<80xi32, #tpu.memory_space<vmem>>
      %dma_start3A_304 = arith.constant 0 : i32
      %dma_start3A_305 = arith.constant 0 : i32
      %dma_start3A_306 = tpu.memref_slice %arg2[%dma_start3A_304, %dma_start3A_305] : memref<10000x128xf32, #tpu.memory_space<hbm>> -> memref<10000x128xf32, #tpu.memory_space<hbm>>
      tpu.enqueue_indirect_dma source(%dma_start3A_306 : memref<10000x128xf32, #tpu.memory_space<hbm>>) target(%arg11 : memref<80x128xf32, #tpu.memory_space<vmem>>) offsets(%dma_start3A_303 : memref<80xi32, #tpu.memory_space<vmem>>) semaphore(%arg21 : memref<!tpu.dma_semaphore, #tpu.memory_space<semaphore_mem>>)
      %dma_start3A_307 = arith.constant 0 : i32
      %dma_start3A_308 = tpu.memref_slice %arg10[%add3A_300, %dma_start3A_307] : memref<55x80xi32, #tpu.memory_space<vmem>> -> memref<1x80xi32, #tpu.memory_space<vmem>>
      %dma_start3A_309 = tpu.memref_squeeze %dma_start3A_308 : memref<1x80xi32, #tpu.memory_space<vmem>> -> memref<80xi32, #tpu.memory_space<vmem>>
      %dma_start3A_310 = arith.constant 0 : i32
      %dma_start3A_311 = arith.constant 0 : i32
      %dma_start3A_312 = tpu.memref_slice %arg3[%dma_start3A_310, %dma_start3A_311] : memref<10000x128xf32, #tpu.memory_space<hbm>> -> memref<10000x128xf32, #tpu.memory_space<hbm>>
      tpu.enqueue_indirect_dma source(%dma_start3A_312 : memref<10000x128xf32, #tpu.memory_space<hbm>>) target(%arg13 : memref<80x128xf32, #tpu.memory_space<vmem>>) offsets(%dma_start3A_309 : memref<80xi32, #tpu.memory_space<vmem>>) semaphore(%arg21 : memref<!tpu.dma_semaphore, #tpu.memory_space<semaphore_mem>>)
      %dma_start3A_313 = arith.constant 0 : i32
      %dma_start3A_314 = tpu.memref_slice %arg9[%add3A_300, %dma_start3A_313] : memref<55x80xi32, #tpu.memory_space<vmem>> -> memref<1x80xi32, #tpu.memory_space<vmem>>
      %dma_start3A_315 = tpu.memref_squeeze %dma_start3A_314 : memref<1x80xi32, #tpu.memory_space<vmem>> -> memref<80xi32, #tpu.memory_space<vmem>>
      %dma_start3A_316 = arith.constant 0 : i32
      %dma_start3A_317 = arith.constant 0 : i32
      %dma_start3A_318 = tpu.memref_slice %arg4[%dma_start3A_316, %dma_start3A_317] : memref<10000x128xf32, #tpu.memory_space<hbm>> -> memref<10000x128xf32, #tpu.memory_space<hbm>>
      tpu.enqueue_indirect_dma source(%dma_start3A_318 : memref<10000x128xf32, #tpu.memory_space<hbm>>) target(%arg15 : memref<80x128xf32, #tpu.memory_space<vmem>>) offsets(%dma_start3A_315 : memref<80xi32, #tpu.memory_space<vmem>>) semaphore(%arg21 : memref<!tpu.dma_semaphore, #tpu.memory_space<semaphore_mem>>)
      %dma_start3A_319 = arith.constant 0 : i32
      %dma_start3A_320 = tpu.memref_slice %arg10[%add3A_300, %dma_start3A_319] : memref<55x80xi32, #tpu.memory_space<vmem>> -> memref<1x80xi32, #tpu.memory_space<vmem>>
      %dma_start3A_321 = tpu.memref_squeeze %dma_start3A_320 : memref<1x80xi32, #tpu.memory_space<vmem>> -> memref<80xi32, #tpu.memory_space<vmem>>
      %dma_start3A_322 = arith.constant 0 : i32
      %dma_start3A_323 = arith.constant 0 : i32
      %dma_start3A_324 = tpu.memref_slice %arg4[%dma_start3A_322, %dma_start3A_323] : memref<10000x128xf32, #tpu.memory_space<hbm>> -> memref<10000x128xf32, #tpu.memory_space<hbm>>
      tpu.enqueue_indirect_dma source(%dma_start3A_324 : memref<10000x128xf32, #tpu.memory_space<hbm>>) target(%arg17 : memref<80x128xf32, #tpu.memory_space<vmem>>) offsets(%dma_start3A_321 : memref<80xi32, #tpu.memory_space<vmem>>) semaphore(%arg21 : memref<!tpu.dma_semaphore, #tpu.memory_space<semaphore_mem>>)
      %mul3A_325 = arith.constant 2 : i32
      %mul3A_326 = arith.muli %mul3A_325, %scan3A_253 : i32
      %add3A_327 = arith.constant 1 : i32
      %add3A_328 = arith.addi %mul3A_326, %add3A_327 : i32
      %dma_wait3A_329 = arith.constant 0 : i32
      %dma_wait3A_330 = tpu.memref_slice %arg9[%add3A_328, %dma_wait3A_329] : memref<55x80xi32, #tpu.memory_space<vmem>> -> memref<1x80xi32, #tpu.memory_space<vmem>>
      %dma_wait3A_331 = tpu.memref_squeeze %dma_wait3A_330 : memref<1x80xi32, #tpu.memory_space<vmem>> -> memref<80xi32, #tpu.memory_space<vmem>>
      %dma_wait3A_332 = arith.constant 0 : i32
      %dma_wait3A_333 = arith.constant 0 : i32
      %dma_wait3A_334 = tpu.memref_slice %arg2[%dma_wait3A_332, %dma_wait3A_333] : memref<10000x128xf32, #tpu.memory_space<hbm>> -> memref<10000x128xf32, #tpu.memory_space<hbm>>
      tpu.wait_indirect_dma semaphore(%arg22 : memref<!tpu.dma_semaphore, #tpu.memory_space<semaphore_mem>>) src(%dma_wait3A_334 : memref<10000x128xf32, #tpu.memory_space<hbm>>) dst(%arg12 : memref<80x128xf32, #tpu.memory_space<vmem>>)
      %dma_wait3A_335 = arith.constant 0 : i32
      %dma_wait3A_336 = tpu.memref_slice %arg9[%add3A_328, %dma_wait3A_335] : memref<55x80xi32, #tpu.memory_space<vmem>> -> memref<1x80xi32, #tpu.memory_space<vmem>>
      %dma_wait3A_337 = tpu.memref_squeeze %dma_wait3A_336 : memref<1x80xi32, #tpu.memory_space<vmem>> -> memref<80xi32, #tpu.memory_space<vmem>>
      %dma_wait3A_338 = arith.constant 0 : i32
      %dma_wait3A_339 = arith.constant 0 : i32
      %dma_wait3A_340 = tpu.memref_slice %arg2[%dma_wait3A_338, %dma_wait3A_339] : memref<10000x128xf32, #tpu.memory_space<hbm>> -> memref<10000x128xf32, #tpu.memory_space<hbm>>
      tpu.wait_indirect_dma semaphore(%arg22 : memref<!tpu.dma_semaphore, #tpu.memory_space<semaphore_mem>>) src(%dma_wait3A_340 : memref<10000x128xf32, #tpu.memory_space<hbm>>) dst(%arg12 : memref<80x128xf32, #tpu.memory_space<vmem>>)
      %dma_wait3A_341 = arith.constant 0 : i32
      %dma_wait3A_342 = tpu.memref_slice %arg9[%add3A_328, %dma_wait3A_341] : memref<55x80xi32, #tpu.memory_space<vmem>> -> memref<1x80xi32, #tpu.memory_space<vmem>>
      %dma_wait3A_343 = tpu.memref_squeeze %dma_wait3A_342 : memref<1x80xi32, #tpu.memory_space<vmem>> -> memref<80xi32, #tpu.memory_space<vmem>>
      %dma_wait3A_344 = arith.constant 0 : i32
      %dma_wait3A_345 = arith.constant 0 : i32
      %dma_wait3A_346 = tpu.memref_slice %arg2[%dma_wait3A_344, %dma_wait3A_345] : memref<10000x128xf32, #tpu.memory_space<hbm>> -> memref<10000x128xf32, #tpu.memory_space<hbm>>
      tpu.wait_indirect_dma semaphore(%arg22 : memref<!tpu.dma_semaphore, #tpu.memory_space<semaphore_mem>>) src(%dma_wait3A_346 : memref<10000x128xf32, #tpu.memory_space<hbm>>) dst(%arg12 : memref<80x128xf32, #tpu.memory_space<vmem>>)
      %dma_wait3A_347 = arith.constant 0 : i32
      %dma_wait3A_348 = tpu.memref_slice %arg9[%add3A_328, %dma_wait3A_347] : memref<55x80xi32, #tpu.memory_space<vmem>> -> memref<1x80xi32, #tpu.memory_space<vmem>>
      %dma_wait3A_349 = tpu.memref_squeeze %dma_wait3A_348 : memref<1x80xi32, #tpu.memory_space<vmem>> -> memref<80xi32, #tpu.memory_space<vmem>>
      %dma_wait3A_350 = arith.constant 0 : i32
      %dma_wait3A_351 = arith.constant 0 : i32
      %dma_wait3A_352 = tpu.memref_slice %arg2[%dma_wait3A_350, %dma_wait3A_351] : memref<10000x128xf32, #tpu.memory_space<hbm>> -> memref<10000x128xf32, #tpu.memory_space<hbm>>
      tpu.wait_indirect_dma semaphore(%arg22 : memref<!tpu.dma_semaphore, #tpu.memory_space<semaphore_mem>>) src(%dma_wait3A_352 : memref<10000x128xf32, #tpu.memory_space<hbm>>) dst(%arg12 : memref<80x128xf32, #tpu.memory_space<vmem>>)
      %dma_wait3A_353 = arith.constant 0 : i32
      %dma_wait3A_354 = tpu.memref_slice %arg8[%mul3A_2, %dma_wait3A_353] : memref<140800x128xf32, #tpu.memory_space<hbm>> -> memref<80x128xf32, #tpu.memory_space<hbm>>
      %dma_wait3A_355 = arith.constant 0 : i32
      %dma_wait3A_356 = tpu.memref_slice %arg8[%mul3A_2, %dma_wait3A_355] : memref<140800x128xf32, #tpu.memory_space<hbm>> -> memref<80x128xf32, #tpu.memory_space<hbm>>
      tpu.wait_dma2 semaphore(%arg23 : memref<!tpu.dma_semaphore, #tpu.memory_space<semaphore_mem>>) src(%arg19 : memref<80x128xf32, #tpu.memory_space<vmem>>) dst(%dma_wait3A_356 : memref<80x128xf32, #tpu.memory_space<hbm>>)
      %scan3A_357 = arith.constant 0 : i32
      %scan3A_358 = arith.constant 0 : i32
      %scan3A_359 = arith.constant 80 : i32
      %scan3A_360 = arith.addi %scan3A_358, %scan3A_359 : i32
      %scan3A_361 = arith.constant 1 : i32
      %scan3A_362 = scf.for %scan3A_398 = %scan3A_358 to %scan3A_360 step %scan3A_361 iter_args(%scan3A_399 = %scan3A_357) -> (i32)  : i32 {
        %get3A_400 = arith.index_cast %scan3A_398 : i32 to index
        %get3A_401 = arith.constant 0 : index
        %get3A_402 = tpu.vector_load %arg16[%get3A_400, %get3A_401] {strides = array<i32>} : memref<80x128xf32, #tpu.memory_space<vmem>>, vector<1x16xf32>,
        %get3A_403 = vector.shape_cast %get3A_402 : vector<1x16xf32> to vector<16xf32>
        %get3A_404 = arith.index_cast %scan3A_398 : i32 to index
        %get3A_405 = arith.constant 0 : index
        %get3A_406 = tpu.vector_load %arg18[%get3A_404, %get3A_405] {strides = array<i32>} : memref<80x128xf32, #tpu.memory_space<vmem>>, vector<1x16xf32>,
        %get3A_407 = vector.shape_cast %get3A_406 : vector<1x16xf32> to vector<16xf32>
        %mul3A_408 = arith.mulf %get3A_403, %get3A_407 : vector<16xf32>
        %slice3A = vector.extract_strided_slice %mul3A_408 {offsets = [0], sizes = [1], strides = [1]} : vector<16xf32> to vector<1xf32>
        %squeeze3A = vector.extract %slice3A[0] : f32 from vector<1xf32>
        %slice3A_409 = vector.extract_strided_slice %mul3A_408 {offsets = [1], sizes = [1], strides = [1]} : vector<16xf32> to vector<1xf32>
        %squeeze3A_410 = vector.extract %slice3A_409[0] : f32 from vector<1xf32>
        %add3A_411 = arith.addf %squeeze3A, %squeeze3A_410 : f32
        %slice3A_412 = vector.extract_strided_slice %mul3A_408 {offsets = [2], sizes = [1], strides = [1]} : vector<16xf32> to vector<1xf32>
        %squeeze3A_413 = vector.extract %slice3A_412[0] : f32 from vector<1xf32>
        %add3A_414 = arith.addf %add3A_411, %squeeze3A_413 : f32
        %get3A_415 = arith.index_cast %scan3A_398 : i32 to index
        %get3A_416 = arith.constant 0 : index
        %get3A_417 = tpu.vector_load %arg12[%get3A_415, %get3A_416] {strides = array<i32>} : memref<80x128xf32, #tpu.memory_space<vmem>>, vector<1x16xf32>,
        %get3A_418 = vector.shape_cast %get3A_417 : vector<1x16xf32> to vector<16xf32>
        %get3A_419 = arith.index_cast %scan3A_398 : i32 to index
        %get3A_420 = arith.constant 0 : index
        %get3A_421 = tpu.vector_load %arg14[%get3A_419, %get3A_420] {strides = array<i32>} : memref<80x128xf32, #tpu.memory_space<vmem>>, vector<1x16xf32>,
        %get3A_422 = vector.shape_cast %get3A_421 : vector<1x16xf32> to vector<16xf32>
        %add3A_423 = arith.addf %get3A_418, %get3A_422 : vector<16xf32>
        %mul3A_424 = vector.broadcast %add3A_414 : f32 to vector<16xf32>
        %mul3A_425 = arith.mulf %mul3A_424, %get3A_4 : vector<16xf32>
        %add3A_426 = arith.addf %add3A_423, %mul3A_425 : vector<16xf32>
        %swap3A = arith.index_cast %scan3A_398 : i32 to index
        %swap3A_427 = arith.constant 0 : index
        %swap3A_428 = tpu.vector_load %arg19[%swap3A, %swap3A_427] {strides = array<i32>} : memref<80x128xf32, #tpu.memory_space<vmem>>, vector<1x16xf32>,
        %swap3A_429 = vector.shape_cast %swap3A_428 : vector<1x16xf32> to vector<16xf32>
        %swap3A_430 = vector.shape_cast %add3A_426 : vector<16xf32> to vector<1x16xf32>
        tpu.vector_store %arg19[%swap3A, %swap3A_427], %swap3A_430 {strides = array<i32>} : memref<80x128xf32, #tpu.memory_space<vmem>>, vector<1x16xf32>,
        %get3A_431 = arith.index_cast %scan3A_398 : i32 to index
        %get3A_432 = arith.constant 16 : index
        %get3A_433 = tpu.vector_load %arg12[%get3A_431, %get3A_432] {strides = array<i32>} : memref<80x128xf32, #tpu.memory_space<vmem>>, vector<1x16xf32>,
        %get3A_434 = vector.shape_cast %get3A_433 : vector<1x16xf32> to vector<16xf32>
        %get3A_435 = arith.index_cast %scan3A_398 : i32 to index
        %get3A_436 = arith.constant 16 : index
        %get3A_437 = tpu.vector_load %arg14[%get3A_435, %get3A_436] {strides = array<i32>} : memref<80x128xf32, #tpu.memory_space<vmem>>, vector<1x16xf32>,
        %get3A_438 = vector.shape_cast %get3A_437 : vector<1x16xf32> to vector<16xf32>
        %add3A_439 = arith.addf %get3A_434, %get3A_438 : vector<16xf32>
        %mul3A_440 = vector.broadcast %add3A_414 : f32 to vector<16xf32>
        %mul3A_441 = arith.mulf %mul3A_440, %get3A_7 : vector<16xf32>
        %add3A_442 = arith.addf %add3A_439, %mul3A_441 : vector<16xf32>
        %swap3A_443 = arith.index_cast %scan3A_398 : i32 to index
        %swap3A_444 = arith.constant 16 : index
        %swap3A_445 = tpu.vector_load %arg19[%swap3A_443, %swap3A_444] {strides = array<i32>} : memref<80x128xf32, #tpu.memory_space<vmem>>, vector<1x16xf32>,
        %swap3A_446 = vector.shape_cast %swap3A_445 : vector<1x16xf32> to vector<16xf32>
        %swap3A_447 = vector.shape_cast %add3A_442 : vector<16xf32> to vector<1x16xf32>
        tpu.vector_store %arg19[%swap3A_443, %swap3A_444], %swap3A_447 {strides = array<i32>} : memref<80x128xf32, #tpu.memory_space<vmem>>, vector<1x16xf32>,
        %get3A_448 = arith.index_cast %scan3A_398 : i32 to index
        %get3A_449 = arith.constant 32 : index
        %get3A_450 = tpu.vector_load %arg12[%get3A_448, %get3A_449] {strides = array<i32>} : memref<80x128xf32, #tpu.memory_space<vmem>>, vector<1x16xf32>,
        %get3A_451 = vector.shape_cast %get3A_450 : vector<1x16xf32> to vector<16xf32>
        %get3A_452 = arith.index_cast %scan3A_398 : i32 to index
        %get3A_453 = arith.constant 32 : index
        %get3A_454 = tpu.vector_load %arg14[%get3A_452, %get3A_453] {strides = array<i32>} : memref<80x128xf32, #tpu.memory_space<vmem>>, vector<1x16xf32>,
        %get3A_455 = vector.shape_cast %get3A_454 : vector<1x16xf32> to vector<16xf32>
        %add3A_456 = arith.addf %get3A_451, %get3A_455 : vector<16xf32>
        %mul3A_457 = vector.broadcast %add3A_414 : f32 to vector<16xf32>
        %mul3A_458 = arith.mulf %mul3A_457, %get3A_10 : vector<16xf32>
        %add3A_459 = arith.addf %add3A_456, %mul3A_458 : vector<16xf32>
        %swap3A_460 = arith.index_cast %scan3A_398 : i32 to index
        %swap3A_461 = arith.constant 32 : index
        %swap3A_462 = tpu.vector_load %arg19[%swap3A_460, %swap3A_461] {strides = array<i32>} : memref<80x128xf32, #tpu.memory_space<vmem>>, vector<1x16xf32>,
        %swap3A_463 = vector.shape_cast %swap3A_462 : vector<1x16xf32> to vector<16xf32>
        %swap3A_464 = vector.shape_cast %add3A_459 : vector<16xf32> to vector<1x16xf32>
        tpu.vector_store %arg19[%swap3A_460, %swap3A_461], %swap3A_464 {strides = array<i32>} : memref<80x128xf32, #tpu.memory_space<vmem>>, vector<1x16xf32>,
        %get3A_465 = arith.index_cast %scan3A_398 : i32 to index
        %get3A_466 = arith.constant 48 : index
        %get3A_467 = tpu.vector_load %arg12[%get3A_465, %get3A_466] {strides = array<i32>} : memref<80x128xf32, #tpu.memory_space<vmem>>, vector<1x16xf32>,
        %get3A_468 = vector.shape_cast %get3A_467 : vector<1x16xf32> to vector<16xf32>
        %get3A_469 = arith.index_cast %scan3A_398 : i32 to index
        %get3A_470 = arith.constant 48 : index
        %get3A_471 = tpu.vector_load %arg14[%get3A_469, %get3A_470] {strides = array<i32>} : memref<80x128xf32, #tpu.memory_space<vmem>>, vector<1x16xf32>,
        %get3A_472 = vector.shape_cast %get3A_471 : vector<1x16xf32> to vector<16xf32>
        %add3A_473 = arith.addf %get3A_468, %get3A_472 : vector<16xf32>
        %mul3A_474 = vector.broadcast %add3A_414 : f32 to vector<16xf32>
        %mul3A_475 = arith.mulf %mul3A_474, %get3A_13 : vector<16xf32>
        %add3A_476 = arith.addf %add3A_473, %mul3A_475 : vector<16xf32>
        %swap3A_477 = arith.index_cast %scan3A_398 : i32 to index
        %swap3A_478 = arith.constant 48 : index
        %swap3A_479 = tpu.vector_load %arg19[%swap3A_477, %swap3A_478] {strides = array<i32>} : memref<80x128xf32, #tpu.memory_space<vmem>>, vector<1x16xf32>,
        %swap3A_480 = vector.shape_cast %swap3A_479 : vector<1x16xf32> to vector<16xf32>
        %swap3A_481 = vector.shape_cast %add3A_476 : vector<16xf32> to vector<1x16xf32>
        tpu.vector_store %arg19[%swap3A_477, %swap3A_478], %swap3A_481 {strides = array<i32>} : memref<80x128xf32, #tpu.memory_space<vmem>>, vector<1x16xf32>,
        %get3A_482 = arith.index_cast %scan3A_398 : i32 to index
        %get3A_483 = arith.constant 64 : index
        %get3A_484 = tpu.vector_load %arg12[%get3A_482, %get3A_483] {strides = array<i32>} : memref<80x128xf32, #tpu.memory_space<vmem>>, vector<1x16xf32>,
        %get3A_485 = vector.shape_cast %get3A_484 : vector<1x16xf32> to vector<16xf32>
        %get3A_486 = arith.index_cast %scan3A_398 : i32 to index
        %get3A_487 = arith.constant 64 : index
        %get3A_488 = tpu.vector_load %arg14[%get3A_486, %get3A_487] {strides = array<i32>} : memref<80x128xf32, #tpu.memory_space<vmem>>, vector<1x16xf32>,
        %get3A_489 = vector.shape_cast %get3A_488 : vector<1x16xf32> to vector<16xf32>
        %add3A_490 = arith.addf %get3A_485, %get3A_489 : vector<16xf32>
        %mul3A_491 = vector.broadcast %add3A_414 : f32 to vector<16xf32>
        %mul3A_492 = arith.mulf %mul3A_491, %get3A_16 : vector<16xf32>
        %add3A_493 = arith.addf %add3A_490, %mul3A_492 : vector<16xf32>
        %swap3A_494 = arith.index_cast %scan3A_398 : i32 to index
        %swap3A_495 = arith.constant 64 : index
        %swap3A_496 = tpu.vector_load %arg19[%swap3A_494, %swap3A_495] {strides = array<i32>} : memref<80x128xf32, #tpu.memory_space<vmem>>, vector<1x16xf32>,
        %swap3A_497 = vector.shape_cast %swap3A_496 : vector<1x16xf32> to vector<16xf32>
        %swap3A_498 = vector.shape_cast %add3A_493 : vector<16xf32> to vector<1x16xf32>
        tpu.vector_store %arg19[%swap3A_494, %swap3A_495], %swap3A_498 {strides = array<i32>} : memref<80x128xf32, #tpu.memory_space<vmem>>, vector<1x16xf32>,
        %get3A_499 = arith.index_cast %scan3A_398 : i32 to index
        %get3A_500 = arith.constant 80 : index
        %get3A_501 = tpu.vector_load %arg12[%get3A_499, %get3A_500] {strides = array<i32>} : memref<80x128xf32, #tpu.memory_space<vmem>>, vector<1x16xf32>,
        %get3A_502 = vector.shape_cast %get3A_501 : vector<1x16xf32> to vector<16xf32>
        %get3A_503 = arith.index_cast %scan3A_398 : i32 to index
        %get3A_504 = arith.constant 80 : index
        %get3A_505 = tpu.vector_load %arg14[%get3A_503, %get3A_504] {strides = array<i32>} : memref<80x128xf32, #tpu.memory_space<vmem>>, vector<1x16xf32>,
        %get3A_506 = vector.shape_cast %get3A_505 : vector<1x16xf32> to vector<16xf32>
        %add3A_507 = arith.addf %get3A_502, %get3A_506 : vector<16xf32>
        %mul3A_508 = vector.broadcast %add3A_414 : f32 to vector<16xf32>
        %mul3A_509 = arith.mulf %mul3A_508, %get3A_19 : vector<16xf32>
        %add3A_510 = arith.addf %add3A_507, %mul3A_509 : vector<16xf32>
        %swap3A_511 = arith.index_cast %scan3A_398 : i32 to index
        %swap3A_512 = arith.constant 80 : index
        %swap3A_513 = tpu.vector_load %arg19[%swap3A_511, %swap3A_512] {strides = array<i32>} : memref<80x128xf32, #tpu.memory_space<vmem>>, vector<1x16xf32>,
        %swap3A_514 = vector.shape_cast %swap3A_513 : vector<1x16xf32> to vector<16xf32>
        %swap3A_515 = vector.shape_cast %add3A_510 : vector<16xf32> to vector<1x16xf32>
        tpu.vector_store %arg19[%swap3A_511, %swap3A_512], %swap3A_515 {strides = array<i32>} : memref<80x128xf32, #tpu.memory_space<vmem>>, vector<1x16xf32>,
        %get3A_516 = arith.index_cast %scan3A_398 : i32 to index
        %get3A_517 = arith.constant 96 : index
        %get3A_518 = tpu.vector_load %arg12[%get3A_516, %get3A_517] {strides = array<i32>} : memref<80x128xf32, #tpu.memory_space<vmem>>, vector<1x16xf32>,
        %get3A_519 = vector.shape_cast %get3A_518 : vector<1x16xf32> to vector<16xf32>
        %get3A_520 = arith.index_cast %scan3A_398 : i32 to index
        %get3A_521 = arith.constant 96 : index
        %get3A_522 = tpu.vector_load %arg14[%get3A_520, %get3A_521] {strides = array<i32>} : memref<80x128xf32, #tpu.memory_space<vmem>>, vector<1x16xf32>,
        %get3A_523 = vector.shape_cast %get3A_522 : vector<1x16xf32> to vector<16xf32>
        %add3A_524 = arith.addf %get3A_519, %get3A_523 : vector<16xf32>
        %mul3A_525 = vector.broadcast %add3A_414 : f32 to vector<16xf32>
        %mul3A_526 = arith.mulf %mul3A_525, %get3A_22 : vector<16xf32>
        %add3A_527 = arith.addf %add3A_524, %mul3A_526 : vector<16xf32>
        %swap3A_528 = arith.index_cast %scan3A_398 : i32 to index
        %swap3A_529 = arith.constant 96 : index
        %swap3A_530 = tpu.vector_load %arg19[%swap3A_528, %swap3A_529] {strides = array<i32>} : memref<80x128xf32, #tpu.memory_space<vmem>>, vector<1x16xf32>,
        %swap3A_531 = vector.shape_cast %swap3A_530 : vector<1x16xf32> to vector<16xf32>
        %swap3A_532 = vector.shape_cast %add3A_527 : vector<16xf32> to vector<1x16xf32>
        tpu.vector_store %arg19[%swap3A_528, %swap3A_529], %swap3A_532 {strides = array<i32>} : memref<80x128xf32, #tpu.memory_space<vmem>>, vector<1x16xf32>,
        %get3A_533 = arith.index_cast %scan3A_398 : i32 to index
        %get3A_534 = arith.constant 112 : index
        %get3A_535 = tpu.vector_load %arg12[%get3A_533, %get3A_534] {strides = array<i32>} : memref<80x128xf32, #tpu.memory_space<vmem>>, vector<1x16xf32>,
        %get3A_536 = vector.shape_cast %get3A_535 : vector<1x16xf32> to vector<16xf32>
        %get3A_537 = arith.index_cast %scan3A_398 : i32 to index
        %get3A_538 = arith.constant 112 : index
        %get3A_539 = tpu.vector_load %arg14[%get3A_537, %get3A_538] {strides = array<i32>} : memref<80x128xf32, #tpu.memory_space<vmem>>, vector<1x16xf32>,
        %get3A_540 = vector.shape_cast %get3A_539 : vector<1x16xf32> to vector<16xf32>
        %add3A_541 = arith.addf %get3A_536, %get3A_540 : vector<16xf32>
        %mul3A_542 = vector.broadcast %add3A_414 : f32 to vector<16xf32>
        %mul3A_543 = arith.mulf %mul3A_542, %get3A_25 : vector<16xf32>
        %add3A_544 = arith.addf %add3A_541, %mul3A_543 : vector<16xf32>
        %swap3A_545 = arith.index_cast %scan3A_398 : i32 to index
        %swap3A_546 = arith.constant 112 : index
        %swap3A_547 = tpu.vector_load %arg19[%swap3A_545, %swap3A_546] {strides = array<i32>} : memref<80x128xf32, #tpu.memory_space<vmem>>, vector<1x16xf32>,
        %swap3A_548 = vector.shape_cast %swap3A_547 : vector<1x16xf32> to vector<16xf32>
        %swap3A_549 = vector.shape_cast %add3A_544 : vector<16xf32> to vector<1x16xf32>
        tpu.vector_store %arg19[%swap3A_545, %swap3A_546], %swap3A_549 {strides = array<i32>} : memref<80x128xf32, #tpu.memory_space<vmem>>, vector<1x16xf32>,
        %scan3A_550 = arith.constant 0 : i32
        scf.yield %scan3A_550 : i32
      }
      %scan3A_363 = arith.constant 80 : i32
      %mul3A_364 = arith.constant 80 : i32
      %mul3A_365 = arith.muli %add3A_328, %mul3A_364 : i32
      %add3A_366 = arith.addi %mul3A_2, %mul3A_365 : i32
      %dma_start3A_367 = arith.constant 0 : i32
      %dma_start3A_368 = tpu.memref_slice %arg8[%add3A_366, %dma_start3A_367] : memref<140800x128xf32, #tpu.memory_space<hbm>> -> memref<80x128xf32, #tpu.memory_space<hbm>>
      %dma_start3A_369 = arith.constant 0 : i32
      %dma_start3A_370 = tpu.memref_slice %arg8[%add3A_366, %dma_start3A_369] : memref<140800x128xf32, #tpu.memory_space<hbm>> -> memref<80x128xf32, #tpu.memory_space<hbm>>
      tpu.enqueue_dma source(%arg19 : memref<80x128xf32, #tpu.memory_space<vmem>>) target(%dma_start3A_370 : memref<80x128xf32, #tpu.memory_space<hbm>>) target_semaphore(%arg23 : memref<!tpu.dma_semaphore, #tpu.memory_space<semaphore_mem>>)
      %add3A_371 = arith.constant 2 : i32
      %add3A_372 = arith.addi %add3A_328, %add3A_371 : i32
      %dma_start3A_373 = arith.constant 0 : i32
      %dma_start3A_374 = tpu.memref_slice %arg9[%add3A_372, %dma_start3A_373] : memref<55x80xi32, #tpu.memory_space<vmem>> -> memref<1x80xi32, #tpu.memory_space<vmem>>
      %dma_start3A_375 = tpu.memref_squeeze %dma_start3A_374 : memref<1x80xi32, #tpu.memory_space<vmem>> -> memref<80xi32, #tpu.memory_space<vmem>>
      %dma_start3A_376 = arith.constant 0 : i32
      %dma_start3A_377 = arith.constant 0 : i32
      %dma_start3A_378 = tpu.memref_slice %arg2[%dma_start3A_376, %dma_start3A_377] : memref<10000x128xf32, #tpu.memory_space<hbm>> -> memref<10000x128xf32, #tpu.memory_space<hbm>>
      tpu.enqueue_indirect_dma source(%dma_start3A_378 : memref<10000x128xf32, #tpu.memory_space<hbm>>) target(%arg12 : memref<80x128xf32, #tpu.memory_space<vmem>>) offsets(%dma_start3A_375 : memref<80xi32, #tpu.memory_space<vmem>>) semaphore(%arg22 : memref<!tpu.dma_semaphore, #tpu.memory_space<semaphore_mem>>)
      %dma_start3A_379 = arith.constant 0 : i32
      %dma_start3A_380 = tpu.memref_slice %arg10[%add3A_372, %dma_start3A_379] : memref<55x80xi32, #tpu.memory_space<vmem>> -> memref<1x80xi32, #tpu.memory_space<vmem>>
      %dma_start3A_381 = tpu.memref_squeeze %dma_start3A_380 : memref<1x80xi32, #tpu.memory_space<vmem>> -> memref<80xi32, #tpu.memory_space<vmem>>
      %dma_start3A_382 = arith.constant 0 : i32
      %dma_start3A_383 = arith.constant 0 : i32
      %dma_start3A_384 = tpu.memref_slice %arg3[%dma_start3A_382, %dma_start3A_383] : memref<10000x128xf32, #tpu.memory_space<hbm>> -> memref<10000x128xf32, #tpu.memory_space<hbm>>
      tpu.enqueue_indirect_dma source(%dma_start3A_384 : memref<10000x128xf32, #tpu.memory_space<hbm>>) target(%arg14 : memref<80x128xf32, #tpu.memory_space<vmem>>) offsets(%dma_start3A_381 : memref<80xi32, #tpu.memory_space<vmem>>) semaphore(%arg22 : memref<!tpu.dma_semaphore, #tpu.memory_space<semaphore_mem>>)
      %dma_start3A_385 = arith.constant 0 : i32
      %dma_start3A_386 = tpu.memref_slice %arg9[%add3A_372, %dma_start3A_385] : memref<55x80xi32, #tpu.memory_space<vmem>> -> memref<1x80xi32, #tpu.memory_space<vmem>>
      %dma_start3A_387 = tpu.memref_squeeze %dma_start3A_386 : memref<1x80xi32, #tpu.memory_space<vmem>> -> memref<80xi32, #tpu.memory_space<vmem>>
      %dma_start3A_388 = arith.constant 0 : i32
      %dma_start3A_389 = arith.constant 0 : i32
      %dma_start3A_390 = tpu.memref_slice %arg4[%dma_start3A_388, %dma_start3A_389] : memref<10000x128xf32, #tpu.memory_space<hbm>> -> memref<10000x128xf32, #tpu.memory_space<hbm>>
      tpu.enqueue_indirect_dma source(%dma_start3A_390 : memref<10000x128xf32, #tpu.memory_space<hbm>>) target(%arg16 : memref<80x128xf32, #tpu.memory_space<vmem>>) offsets(%dma_start3A_387 : memref<80xi32, #tpu.memory_space<vmem>>) semaphore(%arg22 : memref<!tpu.dma_semaphore, #tpu.memory_space<semaphore_mem>>)
      %dma_start3A_391 = arith.constant 0 : i32
      %dma_start3A_392 = tpu.memref_slice %arg10[%add3A_372, %dma_start3A_391] : memref<55x80xi32, #tpu.memory_space<vmem>> -> memref<1x80xi32, #tpu.memory_space<vmem>>
      %dma_start3A_393 = tpu.memref_squeeze %dma_start3A_392 : memref<1x80xi32, #tpu.memory_space<vmem>> -> memref<80xi32, #tpu.memory_space<vmem>>
      %dma_start3A_394 = arith.constant 0 : i32
      %dma_start3A_395 = arith.constant 0 : i32
      %dma_start3A_396 = tpu.memref_slice %arg4[%dma_start3A_394, %dma_start3A_395] : memref<10000x128xf32, #tpu.memory_space<hbm>> -> memref<10000x128xf32, #tpu.memory_space<hbm>>
      tpu.enqueue_indirect_dma source(%dma_start3A_396 : memref<10000x128xf32, #tpu.memory_space<hbm>>) target(%arg18 : memref<80x128xf32, #tpu.memory_space<vmem>>) offsets(%dma_start3A_393 : memref<80xi32, #tpu.memory_space<vmem>>) semaphore(%arg22 : memref<!tpu.dma_semaphore, #tpu.memory_space<semaphore_mem>>)
      %scan3A_397 = arith.constant 0 : i32
      scf.yield %scan3A_397 : i32
    }
    %scan3A_86 = arith.constant 26 : i32
    %dma_wait3A = arith.constant 52 : i32
    %dma_wait3A_87 = arith.constant 0 : i32
    %dma_wait3A_88 = tpu.memref_slice %arg9[%dma_wait3A, %dma_wait3A_87] : memref<55x80xi32, #tpu.memory_space<vmem>> -> memref<1x80xi32, #tpu.memory_space<vmem>>
    %dma_wait3A_89 = tpu.memref_squeeze %dma_wait3A_88 : memref<1x80xi32, #tpu.memory_space<vmem>> -> memref<80xi32, #tpu.memory_space<vmem>>
    %dma_wait3A_90 = arith.constant 0 : i32
    %dma_wait3A_91 = arith.constant 0 : i32
    %dma_wait3A_92 = tpu.memref_slice %arg2[%dma_wait3A_90, %dma_wait3A_91] : memref<10000x128xf32, #tpu.memory_space<hbm>> -> memref<10000x128xf32, #tpu.memory_space<hbm>>
    tpu.wait_indirect_dma semaphore(%arg21 : memref<!tpu.dma_semaphore, #tpu.memory_space<semaphore_mem>>) src(%dma_wait3A_92 : memref<10000x128xf32, #tpu.memory_space<hbm>>) dst(%arg11 : memref<80x128xf32, #tpu.memory_space<vmem>>)
    %dma_wait3A_93 = arith.constant 52 : i32
    %dma_wait3A_94 = arith.constant 0 : i32
    %dma_wait3A_95 = tpu.memref_slice %arg9[%dma_wait3A_93, %dma_wait3A_94] : memref<55x80xi32, #tpu.memory_space<vmem>> -> memref<1x80xi32, #tpu.memory_space<vmem>>
    %dma_wait3A_96 = tpu.memref_squeeze %dma_wait3A_95 : memref<1x80xi32, #tpu.memory_space<vmem>> -> memref<80xi32, #tpu.memory_space<vmem>>
    %dma_wait3A_97 = arith.constant 0 : i32
    %dma_wait3A_98 = arith.constant 0 : i32
    %dma_wait3A_99 = tpu.memref_slice %arg2[%dma_wait3A_97, %dma_wait3A_98] : memref<10000x128xf32, #tpu.memory_space<hbm>> -> memref<10000x128xf32, #tpu.memory_space<hbm>>
    tpu.wait_indirect_dma semaphore(%arg21 : memref<!tpu.dma_semaphore, #tpu.memory_space<semaphore_mem>>) src(%dma_wait3A_99 : memref<10000x128xf32, #tpu.memory_space<hbm>>) dst(%arg11 : memref<80x128xf32, #tpu.memory_space<vmem>>)
    %dma_wait3A_100 = arith.constant 52 : i32
    %dma_wait3A_101 = arith.constant 0 : i32
    %dma_wait3A_102 = tpu.memref_slice %arg9[%dma_wait3A_100, %dma_wait3A_101] : memref<55x80xi32, #tpu.memory_space<vmem>> -> memref<1x80xi32, #tpu.memory_space<vmem>>
    %dma_wait3A_103 = tpu.memref_squeeze %dma_wait3A_102 : memref<1x80xi32, #tpu.memory_space<vmem>> -> memref<80xi32, #tpu.memory_space<vmem>>
    %dma_wait3A_104 = arith.constant 0 : i32
    %dma_wait3A_105 = arith.constant 0 : i32
    %dma_wait3A_106 = tpu.memref_slice %arg2[%dma_wait3A_104, %dma_wait3A_105] : memref<10000x128xf32, #tpu.memory_space<hbm>> -> memref<10000x128xf32, #tpu.memory_space<hbm>>
    tpu.wait_indirect_dma semaphore(%arg21 : memref<!tpu.dma_semaphore, #tpu.memory_space<semaphore_mem>>) src(%dma_wait3A_106 : memref<10000x128xf32, #tpu.memory_space<hbm>>) dst(%arg11 : memref<80x128xf32, #tpu.memory_space<vmem>>)
    %dma_wait3A_107 = arith.constant 52 : i32
    %dma_wait3A_108 = arith.constant 0 : i32
    %dma_wait3A_109 = tpu.memref_slice %arg9[%dma_wait3A_107, %dma_wait3A_108] : memref<55x80xi32, #tpu.memory_space<vmem>> -> memref<1x80xi32, #tpu.memory_space<vmem>>
    %dma_wait3A_110 = tpu.memref_squeeze %dma_wait3A_109 : memref<1x80xi32, #tpu.memory_space<vmem>> -> memref<80xi32, #tpu.memory_space<vmem>>
    %dma_wait3A_111 = arith.constant 0 : i32
    %dma_wait3A_112 = arith.constant 0 : i32
    %dma_wait3A_113 = tpu.memref_slice %arg2[%dma_wait3A_111, %dma_wait3A_112] : memref<10000x128xf32, #tpu.memory_space<hbm>> -> memref<10000x128xf32, #tpu.memory_space<hbm>>
    tpu.wait_indirect_dma semaphore(%arg21 : memref<!tpu.dma_semaphore, #tpu.memory_space<semaphore_mem>>) src(%dma_wait3A_113 : memref<10000x128xf32, #tpu.memory_space<hbm>>) dst(%arg11 : memref<80x128xf32, #tpu.memory_space<vmem>>)
    %dma_wait3A_114 = arith.constant 0 : i32
    %dma_wait3A_115 = tpu.memref_slice %arg8[%mul3A_2, %dma_wait3A_114] : memref<140800x128xf32, #tpu.memory_space<hbm>> -> memref<80x128xf32, #tpu.memory_space<hbm>>
    %dma_wait3A_116 = arith.constant 0 : i32
    %dma_wait3A_117 = tpu.memref_slice %arg8[%mul3A_2, %dma_wait3A_116] : memref<140800x128xf32, #tpu.memory_space<hbm>> -> memref<80x128xf32, #tpu.memory_space<hbm>>
    tpu.wait_dma2 semaphore(%arg23 : memref<!tpu.dma_semaphore, #tpu.memory_space<semaphore_mem>>) src(%arg19 : memref<80x128xf32, #tpu.memory_space<vmem>>) dst(%dma_wait3A_117 : memref<80x128xf32, #tpu.memory_space<hbm>>)
    %scan3A_118 = arith.constant 0 : i32
    %scan3A_119 = arith.constant 0 : i32
    %scan3A_120 = arith.constant 80 : i32
    %scan3A_121 = arith.addi %scan3A_119, %scan3A_120 : i32
    %scan3A_122 = arith.constant 1 : i32
    %scan3A_123 = scf.for %scan3A_253 = %scan3A_119 to %scan3A_121 step %scan3A_122 iter_args(%scan3A_254 = %scan3A_118) -> (i32)  : i32 {
      %get3A_255 = arith.index_cast %scan3A_253 : i32 to index
      %get3A_256 = arith.constant 0 : index
      %get3A_257 = tpu.vector_load %arg15[%get3A_255, %get3A_256] {strides = array<i32>} : memref<80x128xf32, #tpu.memory_space<vmem>>, vector<1x16xf32>,
      %get3A_258 = vector.shape_cast %get3A_257 : vector<1x16xf32> to vector<16xf32>
      %get3A_259 = arith.index_cast %scan3A_253 : i32 to index
      %get3A_260 = arith.constant 0 : index
      %get3A_261 = tpu.vector_load %arg17[%get3A_259, %get3A_260] {strides = array<i32>} : memref<80x128xf32, #tpu.memory_space<vmem>>, vector<1x16xf32>,
      %get3A_262 = vector.shape_cast %get3A_261 : vector<1x16xf32> to vector<16xf32>
      %mul3A_263 = arith.mulf %get3A_258, %get3A_262 : vector<16xf32>
      %slice3A = vector.extract_strided_slice %mul3A_263 {offsets = [0], sizes = [1], strides = [1]} : vector<16xf32> to vector<1xf32>
      %squeeze3A = vector.extract %slice3A[0] : f32 from vector<1xf32>
      %slice3A_264 = vector.extract_strided_slice %mul3A_263 {offsets = [1], sizes = [1], strides = [1]} : vector<16xf32> to vector<1xf32>
      %squeeze3A_265 = vector.extract %slice3A_264[0] : f32 from vector<1xf32>
      %add3A_266 = arith.addf %squeeze3A, %squeeze3A_265 : f32
      %slice3A_267 = vector.extract_strided_slice %mul3A_263 {offsets = [2], sizes = [1], strides = [1]} : vector<16xf32> to vector<1xf32>
      %squeeze3A_268 = vector.extract %slice3A_267[0] : f32 from vector<1xf32>
      %add3A_269 = arith.addf %add3A_266, %squeeze3A_268 : f32
      %get3A_270 = arith.index_cast %scan3A_253 : i32 to index
      %get3A_271 = arith.constant 0 : index
      %get3A_272 = tpu.vector_load %arg11[%get3A_270, %get3A_271] {strides = array<i32>} : memref<80x128xf32, #tpu.memory_space<vmem>>, vector<1x16xf32>,
      %get3A_273 = vector.shape_cast %get3A_272 : vector<1x16xf32> to vector<16xf32>
      %get3A_274 = arith.index_cast %scan3A_253 : i32 to index
      %get3A_275 = arith.constant 0 : index
      %get3A_276 = tpu.vector_load %arg13[%get3A_274, %get3A_275] {strides = array<i32>} : memref<80x128xf32, #tpu.memory_space<vmem>>, vector<1x16xf32>,
      %get3A_277 = vector.shape_cast %get3A_276 : vector<1x16xf32> to vector<16xf32>
      %add3A_278 = arith.addf %get3A_273, %get3A_277 : vector<16xf32>
      %mul3A_279 = vector.broadcast %add3A_269 : f32 to vector<16xf32>
      %mul3A_280 = arith.mulf %mul3A_279, %get3A_4 : vector<16xf32>
      %add3A_281 = arith.addf %add3A_278, %mul3A_280 : vector<16xf32>
      %swap3A = arith.index_cast %scan3A_253 : i32 to index
      %swap3A_282 = arith.constant 0 : index
      %swap3A_283 = tpu.vector_load %arg19[%swap3A, %swap3A_282] {strides = array<i32>} : memref<80x128xf32, #tpu.memory_space<vmem>>, vector<1x16xf32>,
      %swap3A_284 = vector.shape_cast %swap3A_283 : vector<1x16xf32> to vector<16xf32>
      %swap3A_285 = vector.shape_cast %add3A_281 : vector<16xf32> to vector<1x16xf32>
      tpu.vector_store %arg19[%swap3A, %swap3A_282], %swap3A_285 {strides = array<i32>} : memref<80x128xf32, #tpu.memory_space<vmem>>, vector<1x16xf32>,
      %get3A_286 = arith.index_cast %scan3A_253 : i32 to index
      %get3A_287 = arith.constant 16 : index
      %get3A_288 = tpu.vector_load %arg11[%get3A_286, %get3A_287] {strides = array<i32>} : memref<80x128xf32, #tpu.memory_space<vmem>>, vector<1x16xf32>,
      %get3A_289 = vector.shape_cast %get3A_288 : vector<1x16xf32> to vector<16xf32>
      %get3A_290 = arith.index_cast %scan3A_253 : i32 to index
      %get3A_291 = arith.constant 16 : index
      %get3A_292 = tpu.vector_load %arg13[%get3A_290, %get3A_291] {strides = array<i32>} : memref<80x128xf32, #tpu.memory_space<vmem>>, vector<1x16xf32>,
      %get3A_293 = vector.shape_cast %get3A_292 : vector<1x16xf32> to vector<16xf32>
      %add3A_294 = arith.addf %get3A_289, %get3A_293 : vector<16xf32>
      %mul3A_295 = vector.broadcast %add3A_269 : f32 to vector<16xf32>
      %mul3A_296 = arith.mulf %mul3A_295, %get3A_7 : vector<16xf32>
      %add3A_297 = arith.addf %add3A_294, %mul3A_296 : vector<16xf32>
      %swap3A_298 = arith.index_cast %scan3A_253 : i32 to index
      %swap3A_299 = arith.constant 16 : index
      %swap3A_300 = tpu.vector_load %arg19[%swap3A_298, %swap3A_299] {strides = array<i32>} : memref<80x128xf32, #tpu.memory_space<vmem>>, vector<1x16xf32>,
      %swap3A_301 = vector.shape_cast %swap3A_300 : vector<1x16xf32> to vector<16xf32>
      %swap3A_302 = vector.shape_cast %add3A_297 : vector<16xf32> to vector<1x16xf32>
      tpu.vector_store %arg19[%swap3A_298, %swap3A_299], %swap3A_302 {strides = array<i32>} : memref<80x128xf32, #tpu.memory_space<vmem>>, vector<1x16xf32>,
      %get3A_303 = arith.index_cast %scan3A_253 : i32 to index
      %get3A_304 = arith.constant 32 : index
      %get3A_305 = tpu.vector_load %arg11[%get3A_303, %get3A_304] {strides = array<i32>} : memref<80x128xf32, #tpu.memory_space<vmem>>, vector<1x16xf32>,
      %get3A_306 = vector.shape_cast %get3A_305 : vector<1x16xf32> to vector<16xf32>
      %get3A_307 = arith.index_cast %scan3A_253 : i32 to index
      %get3A_308 = arith.constant 32 : index
      %get3A_309 = tpu.vector_load %arg13[%get3A_307, %get3A_308] {strides = array<i32>} : memref<80x128xf32, #tpu.memory_space<vmem>>, vector<1x16xf32>,
      %get3A_310 = vector.shape_cast %get3A_309 : vector<1x16xf32> to vector<16xf32>
      %add3A_311 = arith.addf %get3A_306, %get3A_310 : vector<16xf32>
      %mul3A_312 = vector.broadcast %add3A_269 : f32 to vector<16xf32>
      %mul3A_313 = arith.mulf %mul3A_312, %get3A_10 : vector<16xf32>
      %add3A_314 = arith.addf %add3A_311, %mul3A_313 : vector<16xf32>
      %swap3A_315 = arith.index_cast %scan3A_253 : i32 to index
      %swap3A_316 = arith.constant 32 : index
      %swap3A_317 = tpu.vector_load %arg19[%swap3A_315, %swap3A_316] {strides = array<i32>} : memref<80x128xf32, #tpu.memory_space<vmem>>, vector<1x16xf32>,
      %swap3A_318 = vector.shape_cast %swap3A_317 : vector<1x16xf32> to vector<16xf32>
      %swap3A_319 = vector.shape_cast %add3A_314 : vector<16xf32> to vector<1x16xf32>
      tpu.vector_store %arg19[%swap3A_315, %swap3A_316], %swap3A_319 {strides = array<i32>} : memref<80x128xf32, #tpu.memory_space<vmem>>, vector<1x16xf32>,
      %get3A_320 = arith.index_cast %scan3A_253 : i32 to index
      %get3A_321 = arith.constant 48 : index
      %get3A_322 = tpu.vector_load %arg11[%get3A_320, %get3A_321] {strides = array<i32>} : memref<80x128xf32, #tpu.memory_space<vmem>>, vector<1x16xf32>,
      %get3A_323 = vector.shape_cast %get3A_322 : vector<1x16xf32> to vector<16xf32>
      %get3A_324 = arith.index_cast %scan3A_253 : i32 to index
      %get3A_325 = arith.constant 48 : index
      %get3A_326 = tpu.vector_load %arg13[%get3A_324, %get3A_325] {strides = array<i32>} : memref<80x128xf32, #tpu.memory_space<vmem>>, vector<1x16xf32>,
      %get3A_327 = vector.shape_cast %get3A_326 : vector<1x16xf32> to vector<16xf32>
      %add3A_328 = arith.addf %get3A_323, %get3A_327 : vector<16xf32>
      %mul3A_329 = vector.broadcast %add3A_269 : f32 to vector<16xf32>
      %mul3A_330 = arith.mulf %mul3A_329, %get3A_13 : vector<16xf32>
      %add3A_331 = arith.addf %add3A_328, %mul3A_330 : vector<16xf32>
      %swap3A_332 = arith.index_cast %scan3A_253 : i32 to index
      %swap3A_333 = arith.constant 48 : index
      %swap3A_334 = tpu.vector_load %arg19[%swap3A_332, %swap3A_333] {strides = array<i32>} : memref<80x128xf32, #tpu.memory_space<vmem>>, vector<1x16xf32>,
      %swap3A_335 = vector.shape_cast %swap3A_334 : vector<1x16xf32> to vector<16xf32>
      %swap3A_336 = vector.shape_cast %add3A_331 : vector<16xf32> to vector<1x16xf32>
      tpu.vector_store %arg19[%swap3A_332, %swap3A_333], %swap3A_336 {strides = array<i32>} : memref<80x128xf32, #tpu.memory_space<vmem>>, vector<1x16xf32>,
      %get3A_337 = arith.index_cast %scan3A_253 : i32 to index
      %get3A_338 = arith.constant 64 : index
      %get3A_339 = tpu.vector_load %arg11[%get3A_337, %get3A_338] {strides = array<i32>} : memref<80x128xf32, #tpu.memory_space<vmem>>, vector<1x16xf32>,
      %get3A_340 = vector.shape_cast %get3A_339 : vector<1x16xf32> to vector<16xf32>
      %get3A_341 = arith.index_cast %scan3A_253 : i32 to index
      %get3A_342 = arith.constant 64 : index
      %get3A_343 = tpu.vector_load %arg13[%get3A_341, %get3A_342] {strides = array<i32>} : memref<80x128xf32, #tpu.memory_space<vmem>>, vector<1x16xf32>,
      %get3A_344 = vector.shape_cast %get3A_343 : vector<1x16xf32> to vector<16xf32>
      %add3A_345 = arith.addf %get3A_340, %get3A_344 : vector<16xf32>
      %mul3A_346 = vector.broadcast %add3A_269 : f32 to vector<16xf32>
      %mul3A_347 = arith.mulf %mul3A_346, %get3A_16 : vector<16xf32>
      %add3A_348 = arith.addf %add3A_345, %mul3A_347 : vector<16xf32>
      %swap3A_349 = arith.index_cast %scan3A_253 : i32 to index
      %swap3A_350 = arith.constant 64 : index
      %swap3A_351 = tpu.vector_load %arg19[%swap3A_349, %swap3A_350] {strides = array<i32>} : memref<80x128xf32, #tpu.memory_space<vmem>>, vector<1x16xf32>,
      %swap3A_352 = vector.shape_cast %swap3A_351 : vector<1x16xf32> to vector<16xf32>
      %swap3A_353 = vector.shape_cast %add3A_348 : vector<16xf32> to vector<1x16xf32>
      tpu.vector_store %arg19[%swap3A_349, %swap3A_350], %swap3A_353 {strides = array<i32>} : memref<80x128xf32, #tpu.memory_space<vmem>>, vector<1x16xf32>,
      %get3A_354 = arith.index_cast %scan3A_253 : i32 to index
      %get3A_355 = arith.constant 80 : index
      %get3A_356 = tpu.vector_load %arg11[%get3A_354, %get3A_355] {strides = array<i32>} : memref<80x128xf32, #tpu.memory_space<vmem>>, vector<1x16xf32>,
      %get3A_357 = vector.shape_cast %get3A_356 : vector<1x16xf32> to vector<16xf32>
      %get3A_358 = arith.index_cast %scan3A_253 : i32 to index
      %get3A_359 = arith.constant 80 : index
      %get3A_360 = tpu.vector_load %arg13[%get3A_358, %get3A_359] {strides = array<i32>} : memref<80x128xf32, #tpu.memory_space<vmem>>, vector<1x16xf32>,
      %get3A_361 = vector.shape_cast %get3A_360 : vector<1x16xf32> to vector<16xf32>
      %add3A_362 = arith.addf %get3A_357, %get3A_361 : vector<16xf32>
      %mul3A_363 = vector.broadcast %add3A_269 : f32 to vector<16xf32>
      %mul3A_364 = arith.mulf %mul3A_363, %get3A_19 : vector<16xf32>
      %add3A_365 = arith.addf %add3A_362, %mul3A_364 : vector<16xf32>
      %swap3A_366 = arith.index_cast %scan3A_253 : i32 to index
      %swap3A_367 = arith.constant 80 : index
      %swap3A_368 = tpu.vector_load %arg19[%swap3A_366, %swap3A_367] {strides = array<i32>} : memref<80x128xf32, #tpu.memory_space<vmem>>, vector<1x16xf32>,
      %swap3A_369 = vector.shape_cast %swap3A_368 : vector<1x16xf32> to vector<16xf32>
      %swap3A_370 = vector.shape_cast %add3A_365 : vector<16xf32> to vector<1x16xf32>
      tpu.vector_store %arg19[%swap3A_366, %swap3A_367], %swap3A_370 {strides = array<i32>} : memref<80x128xf32, #tpu.memory_space<vmem>>, vector<1x16xf32>,
      %get3A_371 = arith.index_cast %scan3A_253 : i32 to index
      %get3A_372 = arith.constant 96 : index
      %get3A_373 = tpu.vector_load %arg11[%get3A_371, %get3A_372] {strides = array<i32>} : memref<80x128xf32, #tpu.memory_space<vmem>>, vector<1x16xf32>,
      %get3A_374 = vector.shape_cast %get3A_373 : vector<1x16xf32> to vector<16xf32>
      %get3A_375 = arith.index_cast %scan3A_253 : i32 to index
      %get3A_376 = arith.constant 96 : index
      %get3A_377 = tpu.vector_load %arg13[%get3A_375, %get3A_376] {strides = array<i32>} : memref<80x128xf32, #tpu.memory_space<vmem>>, vector<1x16xf32>,
      %get3A_378 = vector.shape_cast %get3A_377 : vector<1x16xf32> to vector<16xf32>
      %add3A_379 = arith.addf %get3A_374, %get3A_378 : vector<16xf32>
      %mul3A_380 = vector.broadcast %add3A_269 : f32 to vector<16xf32>
      %mul3A_381 = arith.mulf %mul3A_380, %get3A_22 : vector<16xf32>
      %add3A_382 = arith.addf %add3A_379, %mul3A_381 : vector<16xf32>
      %swap3A_383 = arith.index_cast %scan3A_253 : i32 to index
      %swap3A_384 = arith.constant 96 : index
      %swap3A_385 = tpu.vector_load %arg19[%swap3A_383, %swap3A_384] {strides = array<i32>} : memref<80x128xf32, #tpu.memory_space<vmem>>, vector<1x16xf32>,
      %swap3A_386 = vector.shape_cast %swap3A_385 : vector<1x16xf32> to vector<16xf32>
      %swap3A_387 = vector.shape_cast %add3A_382 : vector<16xf32> to vector<1x16xf32>
      tpu.vector_store %arg19[%swap3A_383, %swap3A_384], %swap3A_387 {strides = array<i32>} : memref<80x128xf32, #tpu.memory_space<vmem>>, vector<1x16xf32>,
      %get3A_388 = arith.index_cast %scan3A_253 : i32 to index
      %get3A_389 = arith.constant 112 : index
      %get3A_390 = tpu.vector_load %arg11[%get3A_388, %get3A_389] {strides = array<i32>} : memref<80x128xf32, #tpu.memory_space<vmem>>, vector<1x16xf32>,
      %get3A_391 = vector.shape_cast %get3A_390 : vector<1x16xf32> to vector<16xf32>
      %get3A_392 = arith.index_cast %scan3A_253 : i32 to index
      %get3A_393 = arith.constant 112 : index
      %get3A_394 = tpu.vector_load %arg13[%get3A_392, %get3A_393] {strides = array<i32>} : memref<80x128xf32, #tpu.memory_space<vmem>>, vector<1x16xf32>,
      %get3A_395 = vector.shape_cast %get3A_394 : vector<1x16xf32> to vector<16xf32>
      %add3A_396 = arith.addf %get3A_391, %get3A_395 : vector<16xf32>
      %mul3A_397 = vector.broadcast %add3A_269 : f32 to vector<16xf32>
      %mul3A_398 = arith.mulf %mul3A_397, %get3A_25 : vector<16xf32>
      %add3A_399 = arith.addf %add3A_396, %mul3A_398 : vector<16xf32>
      %swap3A_400 = arith.index_cast %scan3A_253 : i32 to index
      %swap3A_401 = arith.constant 112 : index
      %swap3A_402 = tpu.vector_load %arg19[%swap3A_400, %swap3A_401] {strides = array<i32>} : memref<80x128xf32, #tpu.memory_space<vmem>>, vector<1x16xf32>,
      %swap3A_403 = vector.shape_cast %swap3A_402 : vector<1x16xf32> to vector<16xf32>
      %swap3A_404 = vector.shape_cast %add3A_399 : vector<16xf32> to vector<1x16xf32>
      tpu.vector_store %arg19[%swap3A_400, %swap3A_401], %swap3A_404 {strides = array<i32>} : memref<80x128xf32, #tpu.memory_space<vmem>>, vector<1x16xf32>,
      %scan3A_405 = arith.constant 0 : i32
      scf.yield %scan3A_405 : i32
    }
    %scan3A_124 = arith.constant 80 : i32
    %add3A_125 = arith.constant 4160 : i32
    %add3A_126 = arith.addi %mul3A_2, %add3A_125 : i32
    %dma_start3A_127 = arith.constant 0 : i32
    %dma_start3A_128 = tpu.memref_slice %arg8[%add3A_126, %dma_start3A_127] : memref<140800x128xf32, #tpu.memory_space<hbm>> -> memref<80x128xf32, #tpu.memory_space<hbm>>
    %dma_start3A_129 = arith.constant 0 : i32
    %dma_start3A_130 = tpu.memref_slice %arg8[%add3A_126, %dma_start3A_129] : memref<140800x128xf32, #tpu.memory_space<hbm>> -> memref<80x128xf32, #tpu.memory_space<hbm>>
    tpu.enqueue_dma source(%arg19 : memref<80x128xf32, #tpu.memory_space<vmem>>) target(%dma_start3A_130 : memref<80x128xf32, #tpu.memory_space<hbm>>) target_semaphore(%arg23 : memref<!tpu.dma_semaphore, #tpu.memory_space<semaphore_mem>>)
    %dma_start3A_131 = arith.constant 54 : i32
    %dma_start3A_132 = arith.constant 0 : i32
    %dma_start3A_133 = tpu.memref_slice %arg9[%dma_start3A_131, %dma_start3A_132] : memref<55x80xi32, #tpu.memory_space<vmem>> -> memref<1x80xi32, #tpu.memory_space<vmem>>
    %dma_start3A_134 = tpu.memref_squeeze %dma_start3A_133 : memref<1x80xi32, #tpu.memory_space<vmem>> -> memref<80xi32, #tpu.memory_space<vmem>>
    %dma_start3A_135 = arith.constant 0 : i32
    %dma_start3A_136 = arith.constant 0 : i32
    %dma_start3A_137 = tpu.memref_slice %arg2[%dma_start3A_135, %dma_start3A_136] : memref<10000x128xf32, #tpu.memory_space<hbm>> -> memref<10000x128xf32, #tpu.memory_space<hbm>>
    tpu.enqueue_indirect_dma source(%dma_start3A_137 : memref<10000x128xf32, #tpu.memory_space<hbm>>) target(%arg11 : memref<80x128xf32, #tpu.memory_space<vmem>>) offsets(%dma_start3A_134 : memref<80xi32, #tpu.memory_space<vmem>>) semaphore(%arg21 : memref<!tpu.dma_semaphore, #tpu.memory_space<semaphore_mem>>)
    %dma_start3A_138 = arith.constant 54 : i32
    %dma_start3A_139 = arith.constant 0 : i32
    %dma_start3A_140 = tpu.memref_slice %arg10[%dma_start3A_138, %dma_start3A_139] : memref<55x80xi32, #tpu.memory_space<vmem>> -> memref<1x80xi32, #tpu.memory_space<vmem>>
    %dma_start3A_141 = tpu.memref_squeeze %dma_start3A_140 : memref<1x80xi32, #tpu.memory_space<vmem>> -> memref<80xi32, #tpu.memory_space<vmem>>
    %dma_start3A_142 = arith.constant 0 : i32
    %dma_start3A_143 = arith.constant 0 : i32
    %dma_start3A_144 = tpu.memref_slice %arg3[%dma_start3A_142, %dma_start3A_143] : memref<10000x128xf32, #tpu.memory_space<hbm>> -> memref<10000x128xf32, #tpu.memory_space<hbm>>
    tpu.enqueue_indirect_dma source(%dma_start3A_144 : memref<10000x128xf32, #tpu.memory_space<hbm>>) target(%arg13 : memref<80x128xf32, #tpu.memory_space<vmem>>) offsets(%dma_start3A_141 : memref<80xi32, #tpu.memory_space<vmem>>) semaphore(%arg21 : memref<!tpu.dma_semaphore, #tpu.memory_space<semaphore_mem>>)
    %dma_start3A_145 = arith.constant 54 : i32
    %dma_start3A_146 = arith.constant 0 : i32
    %dma_start3A_147 = tpu.memref_slice %arg9[%dma_start3A_145, %dma_start3A_146] : memref<55x80xi32, #tpu.memory_space<vmem>> -> memref<1x80xi32, #tpu.memory_space<vmem>>
    %dma_start3A_148 = tpu.memref_squeeze %dma_start3A_147 : memref<1x80xi32, #tpu.memory_space<vmem>> -> memref<80xi32, #tpu.memory_space<vmem>>
    %dma_start3A_149 = arith.constant 0 : i32
    %dma_start3A_150 = arith.constant 0 : i32
    %dma_start3A_151 = tpu.memref_slice %arg4[%dma_start3A_149, %dma_start3A_150] : memref<10000x128xf32, #tpu.memory_space<hbm>> -> memref<10000x128xf32, #tpu.memory_space<hbm>>
    tpu.enqueue_indirect_dma source(%dma_start3A_151 : memref<10000x128xf32, #tpu.memory_space<hbm>>) target(%arg15 : memref<80x128xf32, #tpu.memory_space<vmem>>) offsets(%dma_start3A_148 : memref<80xi32, #tpu.memory_space<vmem>>) semaphore(%arg21 : memref<!tpu.dma_semaphore, #tpu.memory_space<semaphore_mem>>)
    %dma_start3A_152 = arith.constant 54 : i32
    %dma_start3A_153 = arith.constant 0 : i32
    %dma_start3A_154 = tpu.memref_slice %arg10[%dma_start3A_152, %dma_start3A_153] : memref<55x80xi32, #tpu.memory_space<vmem>> -> memref<1x80xi32, #tpu.memory_space<vmem>>
    %dma_start3A_155 = tpu.memref_squeeze %dma_start3A_154 : memref<1x80xi32, #tpu.memory_space<vmem>> -> memref<80xi32, #tpu.memory_space<vmem>>
    %dma_start3A_156 = arith.constant 0 : i32
    %dma_start3A_157 = arith.constant 0 : i32
    %dma_start3A_158 = tpu.memref_slice %arg4[%dma_start3A_156, %dma_start3A_157] : memref<10000x128xf32, #tpu.memory_space<hbm>> -> memref<10000x128xf32, #tpu.memory_space<hbm>>
    tpu.enqueue_indirect_dma source(%dma_start3A_158 : memref<10000x128xf32, #tpu.memory_space<hbm>>) target(%arg17 : memref<80x128xf32, #tpu.memory_space<vmem>>) offsets(%dma_start3A_155 : memref<80xi32, #tpu.memory_space<vmem>>) semaphore(%arg21 : memref<!tpu.dma_semaphore, #tpu.memory_space<semaphore_mem>>)
    %dma_wait3A_159 = arith.constant 53 : i32
    %dma_wait3A_160 = arith.constant 0 : i32
    %dma_wait3A_161 = tpu.memref_slice %arg9[%dma_wait3A_159, %dma_wait3A_160] : memref<55x80xi32, #tpu.memory_space<vmem>> -> memref<1x80xi32, #tpu.memory_space<vmem>>
    %dma_wait3A_162 = tpu.memref_squeeze %dma_wait3A_161 : memref<1x80xi32, #tpu.memory_space<vmem>> -> memref<80xi32, #tpu.memory_space<vmem>>
    %dma_wait3A_163 = arith.constant 0 : i32
    %dma_wait3A_164 = arith.constant 0 : i32
    %dma_wait3A_165 = tpu.memref_slice %arg2[%dma_wait3A_163, %dma_wait3A_164] : memref<10000x128xf32, #tpu.memory_space<hbm>> -> memref<10000x128xf32, #tpu.memory_space<hbm>>
    tpu.wait_indirect_dma semaphore(%arg22 : memref<!tpu.dma_semaphore, #tpu.memory_space<semaphore_mem>>) src(%dma_wait3A_165 : memref<10000x128xf32, #tpu.memory_space<hbm>>) dst(%arg12 : memref<80x128xf32, #tpu.memory_space<vmem>>)
    %dma_wait3A_166 = arith.constant 53 : i32
    %dma_wait3A_167 = arith.constant 0 : i32
    %dma_wait3A_168 = tpu.memref_slice %arg9[%dma_wait3A_166, %dma_wait3A_167] : memref<55x80xi32, #tpu.memory_space<vmem>> -> memref<1x80xi32, #tpu.memory_space<vmem>>
    %dma_wait3A_169 = tpu.memref_squeeze %dma_wait3A_168 : memref<1x80xi32, #tpu.memory_space<vmem>> -> memref<80xi32, #tpu.memory_space<vmem>>
    %dma_wait3A_170 = arith.constant 0 : i32
    %dma_wait3A_171 = arith.constant 0 : i32
    %dma_wait3A_172 = tpu.memref_slice %arg2[%dma_wait3A_170, %dma_wait3A_171] : memref<10000x128xf32, #tpu.memory_space<hbm>> -> memref<10000x128xf32, #tpu.memory_space<hbm>>
    tpu.wait_indirect_dma semaphore(%arg22 : memref<!tpu.dma_semaphore, #tpu.memory_space<semaphore_mem>>) src(%dma_wait3A_172 : memref<10000x128xf32, #tpu.memory_space<hbm>>) dst(%arg12 : memref<80x128xf32, #tpu.memory_space<vmem>>)
    %dma_wait3A_173 = arith.constant 53 : i32
    %dma_wait3A_174 = arith.constant 0 : i32
    %dma_wait3A_175 = tpu.memref_slice %arg9[%dma_wait3A_173, %dma_wait3A_174] : memref<55x80xi32, #tpu.memory_space<vmem>> -> memref<1x80xi32, #tpu.memory_space<vmem>>
    %dma_wait3A_176 = tpu.memref_squeeze %dma_wait3A_175 : memref<1x80xi32, #tpu.memory_space<vmem>> -> memref<80xi32, #tpu.memory_space<vmem>>
    %dma_wait3A_177 = arith.constant 0 : i32
    %dma_wait3A_178 = arith.constant 0 : i32
    %dma_wait3A_179 = tpu.memref_slice %arg2[%dma_wait3A_177, %dma_wait3A_178] : memref<10000x128xf32, #tpu.memory_space<hbm>> -> memref<10000x128xf32, #tpu.memory_space<hbm>>
    tpu.wait_indirect_dma semaphore(%arg22 : memref<!tpu.dma_semaphore, #tpu.memory_space<semaphore_mem>>) src(%dma_wait3A_179 : memref<10000x128xf32, #tpu.memory_space<hbm>>) dst(%arg12 : memref<80x128xf32, #tpu.memory_space<vmem>>)
    %dma_wait3A_180 = arith.constant 53 : i32
    %dma_wait3A_181 = arith.constant 0 : i32
    %dma_wait3A_182 = tpu.memref_slice %arg9[%dma_wait3A_180, %dma_wait3A_181] : memref<55x80xi32, #tpu.memory_space<vmem>> -> memref<1x80xi32, #tpu.memory_space<vmem>>
    %dma_wait3A_183 = tpu.memref_squeeze %dma_wait3A_182 : memref<1x80xi32, #tpu.memory_space<vmem>> -> memref<80xi32, #tpu.memory_space<vmem>>
    %dma_wait3A_184 = arith.constant 0 : i32
    %dma_wait3A_185 = arith.constant 0 : i32
    %dma_wait3A_186 = tpu.memref_slice %arg2[%dma_wait3A_184, %dma_wait3A_185] : memref<10000x128xf32, #tpu.memory_space<hbm>> -> memref<10000x128xf32, #tpu.memory_space<hbm>>
    tpu.wait_indirect_dma semaphore(%arg22 : memref<!tpu.dma_semaphore, #tpu.memory_space<semaphore_mem>>) src(%dma_wait3A_186 : memref<10000x128xf32, #tpu.memory_space<hbm>>) dst(%arg12 : memref<80x128xf32, #tpu.memory_space<vmem>>)
    %dma_wait3A_187 = arith.constant 0 : i32
    %dma_wait3A_188 = tpu.memref_slice %arg8[%mul3A_2, %dma_wait3A_187] : memref<140800x128xf32, #tpu.memory_space<hbm>> -> memref<80x128xf32, #tpu.memory_space<hbm>>
    %dma_wait3A_189 = arith.constant 0 : i32
    %dma_wait3A_190 = tpu.memref_slice %arg8[%mul3A_2, %dma_wait3A_189] : memref<140800x128xf32, #tpu.memory_space<hbm>> -> memref<80x128xf32, #tpu.memory_space<hbm>>
    tpu.wait_dma2 semaphore(%arg23 : memref<!tpu.dma_semaphore, #tpu.memory_space<semaphore_mem>>) src(%arg19 : memref<80x128xf32, #tpu.memory_space<vmem>>) dst(%dma_wait3A_190 : memref<80x128xf32, #tpu.memory_space<hbm>>)
    %scan3A_191 = arith.constant 0 : i32
    %scan3A_192 = arith.constant 0 : i32
    %scan3A_193 = arith.constant 80 : i32
    %scan3A_194 = arith.addi %scan3A_192, %scan3A_193 : i32
    %scan3A_195 = arith.constant 1 : i32
    %scan3A_196 = scf.for %scan3A_253 = %scan3A_192 to %scan3A_194 step %scan3A_195 iter_args(%scan3A_254 = %scan3A_191) -> (i32)  : i32 {
      %get3A_255 = arith.index_cast %scan3A_253 : i32 to index
      %get3A_256 = arith.constant 0 : index
      %get3A_257 = tpu.vector_load %arg16[%get3A_255, %get3A_256] {strides = array<i32>} : memref<80x128xf32, #tpu.memory_space<vmem>>, vector<1x16xf32>,
      %get3A_258 = vector.shape_cast %get3A_257 : vector<1x16xf32> to vector<16xf32>
      %get3A_259 = arith.index_cast %scan3A_253 : i32 to index
      %get3A_260 = arith.constant 0 : index
      %get3A_261 = tpu.vector_load %arg18[%get3A_259, %get3A_260] {strides = array<i32>} : memref<80x128xf32, #tpu.memory_space<vmem>>, vector<1x16xf32>,
      %get3A_262 = vector.shape_cast %get3A_261 : vector<1x16xf32> to vector<16xf32>
      %mul3A_263 = arith.mulf %get3A_258, %get3A_262 : vector<16xf32>
      %slice3A = vector.extract_strided_slice %mul3A_263 {offsets = [0], sizes = [1], strides = [1]} : vector<16xf32> to vector<1xf32>
      %squeeze3A = vector.extract %slice3A[0] : f32 from vector<1xf32>
      %slice3A_264 = vector.extract_strided_slice %mul3A_263 {offsets = [1], sizes = [1], strides = [1]} : vector<16xf32> to vector<1xf32>
      %squeeze3A_265 = vector.extract %slice3A_264[0] : f32 from vector<1xf32>
      %add3A_266 = arith.addf %squeeze3A, %squeeze3A_265 : f32
      %slice3A_267 = vector.extract_strided_slice %mul3A_263 {offsets = [2], sizes = [1], strides = [1]} : vector<16xf32> to vector<1xf32>
      %squeeze3A_268 = vector.extract %slice3A_267[0] : f32 from vector<1xf32>
      %add3A_269 = arith.addf %add3A_266, %squeeze3A_268 : f32
      %get3A_270 = arith.index_cast %scan3A_253 : i32 to index
      %get3A_271 = arith.constant 0 : index
      %get3A_272 = tpu.vector_load %arg12[%get3A_270, %get3A_271] {strides = array<i32>} : memref<80x128xf32, #tpu.memory_space<vmem>>, vector<1x16xf32>,
      %get3A_273 = vector.shape_cast %get3A_272 : vector<1x16xf32> to vector<16xf32>
      %get3A_274 = arith.index_cast %scan3A_253 : i32 to index
      %get3A_275 = arith.constant 0 : index
      %get3A_276 = tpu.vector_load %arg14[%get3A_274, %get3A_275] {strides = array<i32>} : memref<80x128xf32, #tpu.memory_space<vmem>>, vector<1x16xf32>,
      %get3A_277 = vector.shape_cast %get3A_276 : vector<1x16xf32> to vector<16xf32>
      %add3A_278 = arith.addf %get3A_273, %get3A_277 : vector<16xf32>
      %mul3A_279 = vector.broadcast %add3A_269 : f32 to vector<16xf32>
      %mul3A_280 = arith.mulf %mul3A_279, %get3A_4 : vector<16xf32>
      %add3A_281 = arith.addf %add3A_278, %mul3A_280 : vector<16xf32>
      %swap3A = arith.index_cast %scan3A_253 : i32 to index
      %swap3A_282 = arith.constant 0 : index
      %swap3A_283 = tpu.vector_load %arg19[%swap3A, %swap3A_282] {strides = array<i32>} : memref<80x128xf32, #tpu.memory_space<vmem>>, vector<1x16xf32>,
      %swap3A_284 = vector.shape_cast %swap3A_283 : vector<1x16xf32> to vector<16xf32>
      %swap3A_285 = vector.shape_cast %add3A_281 : vector<16xf32> to vector<1x16xf32>
      tpu.vector_store %arg19[%swap3A, %swap3A_282], %swap3A_285 {strides = array<i32>} : memref<80x128xf32, #tpu.memory_space<vmem>>, vector<1x16xf32>,
      %get3A_286 = arith.index_cast %scan3A_253 : i32 to index
      %get3A_287 = arith.constant 16 : index
      %get3A_288 = tpu.vector_load %arg12[%get3A_286, %get3A_287] {strides = array<i32>} : memref<80x128xf32, #tpu.memory_space<vmem>>, vector<1x16xf32>,
      %get3A_289 = vector.shape_cast %get3A_288 : vector<1x16xf32> to vector<16xf32>
      %get3A_290 = arith.index_cast %scan3A_253 : i32 to index
      %get3A_291 = arith.constant 16 : index
      %get3A_292 = tpu.vector_load %arg14[%get3A_290, %get3A_291] {strides = array<i32>} : memref<80x128xf32, #tpu.memory_space<vmem>>, vector<1x16xf32>,
      %get3A_293 = vector.shape_cast %get3A_292 : vector<1x16xf32> to vector<16xf32>
      %add3A_294 = arith.addf %get3A_289, %get3A_293 : vector<16xf32>
      %mul3A_295 = vector.broadcast %add3A_269 : f32 to vector<16xf32>
      %mul3A_296 = arith.mulf %mul3A_295, %get3A_7 : vector<16xf32>
      %add3A_297 = arith.addf %add3A_294, %mul3A_296 : vector<16xf32>
      %swap3A_298 = arith.index_cast %scan3A_253 : i32 to index
      %swap3A_299 = arith.constant 16 : index
      %swap3A_300 = tpu.vector_load %arg19[%swap3A_298, %swap3A_299] {strides = array<i32>} : memref<80x128xf32, #tpu.memory_space<vmem>>, vector<1x16xf32>,
      %swap3A_301 = vector.shape_cast %swap3A_300 : vector<1x16xf32> to vector<16xf32>
      %swap3A_302 = vector.shape_cast %add3A_297 : vector<16xf32> to vector<1x16xf32>
      tpu.vector_store %arg19[%swap3A_298, %swap3A_299], %swap3A_302 {strides = array<i32>} : memref<80x128xf32, #tpu.memory_space<vmem>>, vector<1x16xf32>,
      %get3A_303 = arith.index_cast %scan3A_253 : i32 to index
      %get3A_304 = arith.constant 32 : index
      %get3A_305 = tpu.vector_load %arg12[%get3A_303, %get3A_304] {strides = array<i32>} : memref<80x128xf32, #tpu.memory_space<vmem>>, vector<1x16xf32>,
      %get3A_306 = vector.shape_cast %get3A_305 : vector<1x16xf32> to vector<16xf32>
      %get3A_307 = arith.index_cast %scan3A_253 : i32 to index
      %get3A_308 = arith.constant 32 : index
      %get3A_309 = tpu.vector_load %arg14[%get3A_307, %get3A_308] {strides = array<i32>} : memref<80x128xf32, #tpu.memory_space<vmem>>, vector<1x16xf32>,
      %get3A_310 = vector.shape_cast %get3A_309 : vector<1x16xf32> to vector<16xf32>
      %add3A_311 = arith.addf %get3A_306, %get3A_310 : vector<16xf32>
      %mul3A_312 = vector.broadcast %add3A_269 : f32 to vector<16xf32>
      %mul3A_313 = arith.mulf %mul3A_312, %get3A_10 : vector<16xf32>
      %add3A_314 = arith.addf %add3A_311, %mul3A_313 : vector<16xf32>
      %swap3A_315 = arith.index_cast %scan3A_253 : i32 to index
      %swap3A_316 = arith.constant 32 : index
      %swap3A_317 = tpu.vector_load %arg19[%swap3A_315, %swap3A_316] {strides = array<i32>} : memref<80x128xf32, #tpu.memory_space<vmem>>, vector<1x16xf32>,
      %swap3A_318 = vector.shape_cast %swap3A_317 : vector<1x16xf32> to vector<16xf32>
      %swap3A_319 = vector.shape_cast %add3A_314 : vector<16xf32> to vector<1x16xf32>
      tpu.vector_store %arg19[%swap3A_315, %swap3A_316], %swap3A_319 {strides = array<i32>} : memref<80x128xf32, #tpu.memory_space<vmem>>, vector<1x16xf32>,
      %get3A_320 = arith.index_cast %scan3A_253 : i32 to index
      %get3A_321 = arith.constant 48 : index
      %get3A_322 = tpu.vector_load %arg12[%get3A_320, %get3A_321] {strides = array<i32>} : memref<80x128xf32, #tpu.memory_space<vmem>>, vector<1x16xf32>,
      %get3A_323 = vector.shape_cast %get3A_322 : vector<1x16xf32> to vector<16xf32>
      %get3A_324 = arith.index_cast %scan3A_253 : i32 to index
      %get3A_325 = arith.constant 48 : index
      %get3A_326 = tpu.vector_load %arg14[%get3A_324, %get3A_325] {strides = array<i32>} : memref<80x128xf32, #tpu.memory_space<vmem>>, vector<1x16xf32>,
      %get3A_327 = vector.shape_cast %get3A_326 : vector<1x16xf32> to vector<16xf32>
      %add3A_328 = arith.addf %get3A_323, %get3A_327 : vector<16xf32>
      %mul3A_329 = vector.broadcast %add3A_269 : f32 to vector<16xf32>
      %mul3A_330 = arith.mulf %mul3A_329, %get3A_13 : vector<16xf32>
      %add3A_331 = arith.addf %add3A_328, %mul3A_330 : vector<16xf32>
      %swap3A_332 = arith.index_cast %scan3A_253 : i32 to index
      %swap3A_333 = arith.constant 48 : index
      %swap3A_334 = tpu.vector_load %arg19[%swap3A_332, %swap3A_333] {strides = array<i32>} : memref<80x128xf32, #tpu.memory_space<vmem>>, vector<1x16xf32>,
      %swap3A_335 = vector.shape_cast %swap3A_334 : vector<1x16xf32> to vector<16xf32>
      %swap3A_336 = vector.shape_cast %add3A_331 : vector<16xf32> to vector<1x16xf32>
      tpu.vector_store %arg19[%swap3A_332, %swap3A_333], %swap3A_336 {strides = array<i32>} : memref<80x128xf32, #tpu.memory_space<vmem>>, vector<1x16xf32>,
      %get3A_337 = arith.index_cast %scan3A_253 : i32 to index
      %get3A_338 = arith.constant 64 : index
      %get3A_339 = tpu.vector_load %arg12[%get3A_337, %get3A_338] {strides = array<i32>} : memref<80x128xf32, #tpu.memory_space<vmem>>, vector<1x16xf32>,
      %get3A_340 = vector.shape_cast %get3A_339 : vector<1x16xf32> to vector<16xf32>
      %get3A_341 = arith.index_cast %scan3A_253 : i32 to index
      %get3A_342 = arith.constant 64 : index
      %get3A_343 = tpu.vector_load %arg14[%get3A_341, %get3A_342] {strides = array<i32>} : memref<80x128xf32, #tpu.memory_space<vmem>>, vector<1x16xf32>,
      %get3A_344 = vector.shape_cast %get3A_343 : vector<1x16xf32> to vector<16xf32>
      %add3A_345 = arith.addf %get3A_340, %get3A_344 : vector<16xf32>
      %mul3A_346 = vector.broadcast %add3A_269 : f32 to vector<16xf32>
      %mul3A_347 = arith.mulf %mul3A_346, %get3A_16 : vector<16xf32>
      %add3A_348 = arith.addf %add3A_345, %mul3A_347 : vector<16xf32>
      %swap3A_349 = arith.index_cast %scan3A_253 : i32 to index
      %swap3A_350 = arith.constant 64 : index
      %swap3A_351 = tpu.vector_load %arg19[%swap3A_349, %swap3A_350] {strides = array<i32>} : memref<80x128xf32, #tpu.memory_space<vmem>>, vector<1x16xf32>,
      %swap3A_352 = vector.shape_cast %swap3A_351 : vector<1x16xf32> to vector<16xf32>
      %swap3A_353 = vector.shape_cast %add3A_348 : vector<16xf32> to vector<1x16xf32>
      tpu.vector_store %arg19[%swap3A_349, %swap3A_350], %swap3A_353 {strides = array<i32>} : memref<80x128xf32, #tpu.memory_space<vmem>>, vector<1x16xf32>,
      %get3A_354 = arith.index_cast %scan3A_253 : i32 to index
      %get3A_355 = arith.constant 80 : index
      %get3A_356 = tpu.vector_load %arg12[%get3A_354, %get3A_355] {strides = array<i32>} : memref<80x128xf32, #tpu.memory_space<vmem>>, vector<1x16xf32>,
      %get3A_357 = vector.shape_cast %get3A_356 : vector<1x16xf32> to vector<16xf32>
      %get3A_358 = arith.index_cast %scan3A_253 : i32 to index
      %get3A_359 = arith.constant 80 : index
      %get3A_360 = tpu.vector_load %arg14[%get3A_358, %get3A_359] {strides = array<i32>} : memref<80x128xf32, #tpu.memory_space<vmem>>, vector<1x16xf32>,
      %get3A_361 = vector.shape_cast %get3A_360 : vector<1x16xf32> to vector<16xf32>
      %add3A_362 = arith.addf %get3A_357, %get3A_361 : vector<16xf32>
      %mul3A_363 = vector.broadcast %add3A_269 : f32 to vector<16xf32>
      %mul3A_364 = arith.mulf %mul3A_363, %get3A_19 : vector<16xf32>
      %add3A_365 = arith.addf %add3A_362, %mul3A_364 : vector<16xf32>
      %swap3A_366 = arith.index_cast %scan3A_253 : i32 to index
      %swap3A_367 = arith.constant 80 : index
      %swap3A_368 = tpu.vector_load %arg19[%swap3A_366, %swap3A_367] {strides = array<i32>} : memref<80x128xf32, #tpu.memory_space<vmem>>, vector<1x16xf32>,
      %swap3A_369 = vector.shape_cast %swap3A_368 : vector<1x16xf32> to vector<16xf32>
      %swap3A_370 = vector.shape_cast %add3A_365 : vector<16xf32> to vector<1x16xf32>
      tpu.vector_store %arg19[%swap3A_366, %swap3A_367], %swap3A_370 {strides = array<i32>} : memref<80x128xf32, #tpu.memory_space<vmem>>, vector<1x16xf32>,
      %get3A_371 = arith.index_cast %scan3A_253 : i32 to index
      %get3A_372 = arith.constant 96 : index
      %get3A_373 = tpu.vector_load %arg12[%get3A_371, %get3A_372] {strides = array<i32>} : memref<80x128xf32, #tpu.memory_space<vmem>>, vector<1x16xf32>,
      %get3A_374 = vector.shape_cast %get3A_373 : vector<1x16xf32> to vector<16xf32>
      %get3A_375 = arith.index_cast %scan3A_253 : i32 to index
      %get3A_376 = arith.constant 96 : index
      %get3A_377 = tpu.vector_load %arg14[%get3A_375, %get3A_376] {strides = array<i32>} : memref<80x128xf32, #tpu.memory_space<vmem>>, vector<1x16xf32>,
      %get3A_378 = vector.shape_cast %get3A_377 : vector<1x16xf32> to vector<16xf32>
      %add3A_379 = arith.addf %get3A_374, %get3A_378 : vector<16xf32>
      %mul3A_380 = vector.broadcast %add3A_269 : f32 to vector<16xf32>
      %mul3A_381 = arith.mulf %mul3A_380, %get3A_22 : vector<16xf32>
      %add3A_382 = arith.addf %add3A_379, %mul3A_381 : vector<16xf32>
      %swap3A_383 = arith.index_cast %scan3A_253 : i32 to index
      %swap3A_384 = arith.constant 96 : index
      %swap3A_385 = tpu.vector_load %arg19[%swap3A_383, %swap3A_384] {strides = array<i32>} : memref<80x128xf32, #tpu.memory_space<vmem>>, vector<1x16xf32>,
      %swap3A_386 = vector.shape_cast %swap3A_385 : vector<1x16xf32> to vector<16xf32>
      %swap3A_387 = vector.shape_cast %add3A_382 : vector<16xf32> to vector<1x16xf32>
      tpu.vector_store %arg19[%swap3A_383, %swap3A_384], %swap3A_387 {strides = array<i32>} : memref<80x128xf32, #tpu.memory_space<vmem>>, vector<1x16xf32>,
      %get3A_388 = arith.index_cast %scan3A_253 : i32 to index
      %get3A_389 = arith.constant 112 : index
      %get3A_390 = tpu.vector_load %arg12[%get3A_388, %get3A_389] {strides = array<i32>} : memref<80x128xf32, #tpu.memory_space<vmem>>, vector<1x16xf32>,
      %get3A_391 = vector.shape_cast %get3A_390 : vector<1x16xf32> to vector<16xf32>
      %get3A_392 = arith.index_cast %scan3A_253 : i32 to index
      %get3A_393 = arith.constant 112 : index
      %get3A_394 = tpu.vector_load %arg14[%get3A_392, %get3A_393] {strides = array<i32>} : memref<80x128xf32, #tpu.memory_space<vmem>>, vector<1x16xf32>,
      %get3A_395 = vector.shape_cast %get3A_394 : vector<1x16xf32> to vector<16xf32>
      %add3A_396 = arith.addf %get3A_391, %get3A_395 : vector<16xf32>
      %mul3A_397 = vector.broadcast %add3A_269 : f32 to vector<16xf32>
      %mul3A_398 = arith.mulf %mul3A_397, %get3A_25 : vector<16xf32>
      %add3A_399 = arith.addf %add3A_396, %mul3A_398 : vector<16xf32>
      %swap3A_400 = arith.index_cast %scan3A_253 : i32 to index
      %swap3A_401 = arith.constant 112 : index
      %swap3A_402 = tpu.vector_load %arg19[%swap3A_400, %swap3A_401] {strides = array<i32>} : memref<80x128xf32, #tpu.memory_space<vmem>>, vector<1x16xf32>,
      %swap3A_403 = vector.shape_cast %swap3A_402 : vector<1x16xf32> to vector<16xf32>
      %swap3A_404 = vector.shape_cast %add3A_399 : vector<16xf32> to vector<1x16xf32>
      tpu.vector_store %arg19[%swap3A_400, %swap3A_401], %swap3A_404 {strides = array<i32>} : memref<80x128xf32, #tpu.memory_space<vmem>>, vector<1x16xf32>,
      %scan3A_405 = arith.constant 0 : i32
      scf.yield %scan3A_405 : i32
    }
    %scan3A_197 = arith.constant 80 : i32
    %add3A_198 = arith.constant 4240 : i32
    %add3A_199 = arith.addi %mul3A_2, %add3A_198 : i32
    %dma_start3A_200 = arith.constant 0 : i32
    %dma_start3A_201 = tpu.memref_slice %arg8[%add3A_199, %dma_start3A_200] : memref<140800x128xf32, #tpu.memory_space<hbm>> -> memref<80x128xf32, #tpu.memory_space<hbm>>
    %dma_start3A_202 = arith.constant 0 : i32
    %dma_start3A_203 = tpu.memref_slice %arg8[%add3A_199, %dma_start3A_202] : memref<140800x128xf32, #tpu.memory_space<hbm>> -> memref<80x128xf32, #tpu.memory_space<hbm>>
    tpu.enqueue_dma source(%arg19 : memref<80x128xf32, #tpu.memory_space<vmem>>) target(%dma_start3A_203 : memref<80x128xf32, #tpu.memory_space<hbm>>) target_semaphore(%arg23 : memref<!tpu.dma_semaphore, #tpu.memory_space<semaphore_mem>>)
    %dma_wait3A_204 = arith.constant 54 : i32
    %dma_wait3A_205 = arith.constant 0 : i32
    %dma_wait3A_206 = tpu.memref_slice %arg9[%dma_wait3A_204, %dma_wait3A_205] : memref<55x80xi32, #tpu.memory_space<vmem>> -> memref<1x80xi32, #tpu.memory_space<vmem>>
    %dma_wait3A_207 = tpu.memref_squeeze %dma_wait3A_206 : memref<1x80xi32, #tpu.memory_space<vmem>> -> memref<80xi32, #tpu.memory_space<vmem>>
    %dma_wait3A_208 = arith.constant 0 : i32
    %dma_wait3A_209 = arith.constant 0 : i32
    %dma_wait3A_210 = tpu.memref_slice %arg2[%dma_wait3A_208, %dma_wait3A_209] : memref<10000x128xf32, #tpu.memory_space<hbm>> -> memref<10000x128xf32, #tpu.memory_space<hbm>>
    tpu.wait_indirect_dma semaphore(%arg21 : memref<!tpu.dma_semaphore, #tpu.memory_space<semaphore_mem>>) src(%dma_wait3A_210 : memref<10000x128xf32, #tpu.memory_space<hbm>>) dst(%arg11 : memref<80x128xf32, #tpu.memory_space<vmem>>)
    %dma_wait3A_211 = arith.constant 54 : i32
    %dma_wait3A_212 = arith.constant 0 : i32
    %dma_wait3A_213 = tpu.memref_slice %arg9[%dma_wait3A_211, %dma_wait3A_212] : memref<55x80xi32, #tpu.memory_space<vmem>> -> memref<1x80xi32, #tpu.memory_space<vmem>>
    %dma_wait3A_214 = tpu.memref_squeeze %dma_wait3A_213 : memref<1x80xi32, #tpu.memory_space<vmem>> -> memref<80xi32, #tpu.memory_space<vmem>>
    %dma_wait3A_215 = arith.constant 0 : i32
    %dma_wait3A_216 = arith.constant 0 : i32
    %dma_wait3A_217 = tpu.memref_slice %arg2[%dma_wait3A_215, %dma_wait3A_216] : memref<10000x128xf32, #tpu.memory_space<hbm>> -> memref<10000x128xf32, #tpu.memory_space<hbm>>
    tpu.wait_indirect_dma semaphore(%arg21 : memref<!tpu.dma_semaphore, #tpu.memory_space<semaphore_mem>>) src(%dma_wait3A_217 : memref<10000x128xf32, #tpu.memory_space<hbm>>) dst(%arg11 : memref<80x128xf32, #tpu.memory_space<vmem>>)
    %dma_wait3A_218 = arith.constant 54 : i32
    %dma_wait3A_219 = arith.constant 0 : i32
    %dma_wait3A_220 = tpu.memref_slice %arg9[%dma_wait3A_218, %dma_wait3A_219] : memref<55x80xi32, #tpu.memory_space<vmem>> -> memref<1x80xi32, #tpu.memory_space<vmem>>
    %dma_wait3A_221 = tpu.memref_squeeze %dma_wait3A_220 : memref<1x80xi32, #tpu.memory_space<vmem>> -> memref<80xi32, #tpu.memory_space<vmem>>
    %dma_wait3A_222 = arith.constant 0 : i32
    %dma_wait3A_223 = arith.constant 0 : i32
    %dma_wait3A_224 = tpu.memref_slice %arg2[%dma_wait3A_222, %dma_wait3A_223] : memref<10000x128xf32, #tpu.memory_space<hbm>> -> memref<10000x128xf32, #tpu.memory_space<hbm>>
    tpu.wait_indirect_dma semaphore(%arg21 : memref<!tpu.dma_semaphore, #tpu.memory_space<semaphore_mem>>) src(%dma_wait3A_224 : memref<10000x128xf32, #tpu.memory_space<hbm>>) dst(%arg11 : memref<80x128xf32, #tpu.memory_space<vmem>>)
    %dma_wait3A_225 = arith.constant 54 : i32
    %dma_wait3A_226 = arith.constant 0 : i32
    %dma_wait3A_227 = tpu.memref_slice %arg9[%dma_wait3A_225, %dma_wait3A_226] : memref<55x80xi32, #tpu.memory_space<vmem>> -> memref<1x80xi32, #tpu.memory_space<vmem>>
    %dma_wait3A_228 = tpu.memref_squeeze %dma_wait3A_227 : memref<1x80xi32, #tpu.memory_space<vmem>> -> memref<80xi32, #tpu.memory_space<vmem>>
    %dma_wait3A_229 = arith.constant 0 : i32
    %dma_wait3A_230 = arith.constant 0 : i32
    %dma_wait3A_231 = tpu.memref_slice %arg2[%dma_wait3A_229, %dma_wait3A_230] : memref<10000x128xf32, #tpu.memory_space<hbm>> -> memref<10000x128xf32, #tpu.memory_space<hbm>>
    tpu.wait_indirect_dma semaphore(%arg21 : memref<!tpu.dma_semaphore, #tpu.memory_space<semaphore_mem>>) src(%dma_wait3A_231 : memref<10000x128xf32, #tpu.memory_space<hbm>>) dst(%arg11 : memref<80x128xf32, #tpu.memory_space<vmem>>)
    %dma_wait3A_232 = arith.constant 0 : i32
    %dma_wait3A_233 = tpu.memref_slice %arg8[%mul3A_2, %dma_wait3A_232] : memref<140800x128xf32, #tpu.memory_space<hbm>> -> memref<80x128xf32, #tpu.memory_space<hbm>>
    %dma_wait3A_234 = arith.constant 0 : i32
    %dma_wait3A_235 = tpu.memref_slice %arg8[%mul3A_2, %dma_wait3A_234] : memref<140800x128xf32, #tpu.memory_space<hbm>> -> memref<80x128xf32, #tpu.memory_space<hbm>>
    tpu.wait_dma2 semaphore(%arg23 : memref<!tpu.dma_semaphore, #tpu.memory_space<semaphore_mem>>) src(%arg19 : memref<80x128xf32, #tpu.memory_space<vmem>>) dst(%dma_wait3A_235 : memref<80x128xf32, #tpu.memory_space<hbm>>)
    %scan3A_236 = arith.constant 0 : i32
    %scan3A_237 = arith.constant 0 : i32
    %scan3A_238 = arith.constant 80 : i32
    %scan3A_239 = arith.addi %scan3A_237, %scan3A_238 : i32
    %scan3A_240 = arith.constant 1 : i32
    %scan3A_241 = scf.for %scan3A_253 = %scan3A_237 to %scan3A_239 step %scan3A_240 iter_args(%scan3A_254 = %scan3A_236) -> (i32)  : i32 {
      %get3A_255 = arith.index_cast %scan3A_253 : i32 to index
      %get3A_256 = arith.constant 0 : index
      %get3A_257 = tpu.vector_load %arg15[%get3A_255, %get3A_256] {strides = array<i32>} : memref<80x128xf32, #tpu.memory_space<vmem>>, vector<1x16xf32>,
      %get3A_258 = vector.shape_cast %get3A_257 : vector<1x16xf32> to vector<16xf32>
      %get3A_259 = arith.index_cast %scan3A_253 : i32 to index
      %get3A_260 = arith.constant 0 : index
      %get3A_261 = tpu.vector_load %arg17[%get3A_259, %get3A_260] {strides = array<i32>} : memref<80x128xf32, #tpu.memory_space<vmem>>, vector<1x16xf32>,
      %get3A_262 = vector.shape_cast %get3A_261 : vector<1x16xf32> to vector<16xf32>
      %mul3A_263 = arith.mulf %get3A_258, %get3A_262 : vector<16xf32>
      %slice3A = vector.extract_strided_slice %mul3A_263 {offsets = [0], sizes = [1], strides = [1]} : vector<16xf32> to vector<1xf32>
      %squeeze3A = vector.extract %slice3A[0] : f32 from vector<1xf32>
      %slice3A_264 = vector.extract_strided_slice %mul3A_263 {offsets = [1], sizes = [1], strides = [1]} : vector<16xf32> to vector<1xf32>
      %squeeze3A_265 = vector.extract %slice3A_264[0] : f32 from vector<1xf32>
      %add3A_266 = arith.addf %squeeze3A, %squeeze3A_265 : f32
      %slice3A_267 = vector.extract_strided_slice %mul3A_263 {offsets = [2], sizes = [1], strides = [1]} : vector<16xf32> to vector<1xf32>
      %squeeze3A_268 = vector.extract %slice3A_267[0] : f32 from vector<1xf32>
      %add3A_269 = arith.addf %add3A_266, %squeeze3A_268 : f32
      %get3A_270 = arith.index_cast %scan3A_253 : i32 to index
      %get3A_271 = arith.constant 0 : index
      %get3A_272 = tpu.vector_load %arg11[%get3A_270, %get3A_271] {strides = array<i32>} : memref<80x128xf32, #tpu.memory_space<vmem>>, vector<1x16xf32>,
      %get3A_273 = vector.shape_cast %get3A_272 : vector<1x16xf32> to vector<16xf32>
      %get3A_274 = arith.index_cast %scan3A_253 : i32 to index
      %get3A_275 = arith.constant 0 : index
      %get3A_276 = tpu.vector_load %arg13[%get3A_274, %get3A_275] {strides = array<i32>} : memref<80x128xf32, #tpu.memory_space<vmem>>, vector<1x16xf32>,
      %get3A_277 = vector.shape_cast %get3A_276 : vector<1x16xf32> to vector<16xf32>
      %add3A_278 = arith.addf %get3A_273, %get3A_277 : vector<16xf32>
      %mul3A_279 = vector.broadcast %add3A_269 : f32 to vector<16xf32>
      %mul3A_280 = arith.mulf %mul3A_279, %get3A_4 : vector<16xf32>
      %add3A_281 = arith.addf %add3A_278, %mul3A_280 : vector<16xf32>
      %swap3A = arith.index_cast %scan3A_253 : i32 to index
      %swap3A_282 = arith.constant 0 : index
      %swap3A_283 = tpu.vector_load %arg19[%swap3A, %swap3A_282] {strides = array<i32>} : memref<80x128xf32, #tpu.memory_space<vmem>>, vector<1x16xf32>,
      %swap3A_284 = vector.shape_cast %swap3A_283 : vector<1x16xf32> to vector<16xf32>
      %swap3A_285 = vector.shape_cast %add3A_281 : vector<16xf32> to vector<1x16xf32>
      tpu.vector_store %arg19[%swap3A, %swap3A_282], %swap3A_285 {strides = array<i32>} : memref<80x128xf32, #tpu.memory_space<vmem>>, vector<1x16xf32>,
      %get3A_286 = arith.index_cast %scan3A_253 : i32 to index
      %get3A_287 = arith.constant 16 : index
      %get3A_288 = tpu.vector_load %arg11[%get3A_286, %get3A_287] {strides = array<i32>} : memref<80x128xf32, #tpu.memory_space<vmem>>, vector<1x16xf32>,
      %get3A_289 = vector.shape_cast %get3A_288 : vector<1x16xf32> to vector<16xf32>
      %get3A_290 = arith.index_cast %scan3A_253 : i32 to index
      %get3A_291 = arith.constant 16 : index
      %get3A_292 = tpu.vector_load %arg13[%get3A_290, %get3A_291] {strides = array<i32>} : memref<80x128xf32, #tpu.memory_space<vmem>>, vector<1x16xf32>,
      %get3A_293 = vector.shape_cast %get3A_292 : vector<1x16xf32> to vector<16xf32>
      %add3A_294 = arith.addf %get3A_289, %get3A_293 : vector<16xf32>
      %mul3A_295 = vector.broadcast %add3A_269 : f32 to vector<16xf32>
      %mul3A_296 = arith.mulf %mul3A_295, %get3A_7 : vector<16xf32>
      %add3A_297 = arith.addf %add3A_294, %mul3A_296 : vector<16xf32>
      %swap3A_298 = arith.index_cast %scan3A_253 : i32 to index
      %swap3A_299 = arith.constant 16 : index
      %swap3A_300 = tpu.vector_load %arg19[%swap3A_298, %swap3A_299] {strides = array<i32>} : memref<80x128xf32, #tpu.memory_space<vmem>>, vector<1x16xf32>,
      %swap3A_301 = vector.shape_cast %swap3A_300 : vector<1x16xf32> to vector<16xf32>
      %swap3A_302 = vector.shape_cast %add3A_297 : vector<16xf32> to vector<1x16xf32>
      tpu.vector_store %arg19[%swap3A_298, %swap3A_299], %swap3A_302 {strides = array<i32>} : memref<80x128xf32, #tpu.memory_space<vmem>>, vector<1x16xf32>,
      %get3A_303 = arith.index_cast %scan3A_253 : i32 to index
      %get3A_304 = arith.constant 32 : index
      %get3A_305 = tpu.vector_load %arg11[%get3A_303, %get3A_304] {strides = array<i32>} : memref<80x128xf32, #tpu.memory_space<vmem>>, vector<1x16xf32>,
      %get3A_306 = vector.shape_cast %get3A_305 : vector<1x16xf32> to vector<16xf32>
      %get3A_307 = arith.index_cast %scan3A_253 : i32 to index
      %get3A_308 = arith.constant 32 : index
      %get3A_309 = tpu.vector_load %arg13[%get3A_307, %get3A_308] {strides = array<i32>} : memref<80x128xf32, #tpu.memory_space<vmem>>, vector<1x16xf32>,
      %get3A_310 = vector.shape_cast %get3A_309 : vector<1x16xf32> to vector<16xf32>
      %add3A_311 = arith.addf %get3A_306, %get3A_310 : vector<16xf32>
      %mul3A_312 = vector.broadcast %add3A_269 : f32 to vector<16xf32>
      %mul3A_313 = arith.mulf %mul3A_312, %get3A_10 : vector<16xf32>
      %add3A_314 = arith.addf %add3A_311, %mul3A_313 : vector<16xf32>
      %swap3A_315 = arith.index_cast %scan3A_253 : i32 to index
      %swap3A_316 = arith.constant 32 : index
      %swap3A_317 = tpu.vector_load %arg19[%swap3A_315, %swap3A_316] {strides = array<i32>} : memref<80x128xf32, #tpu.memory_space<vmem>>, vector<1x16xf32>,
      %swap3A_318 = vector.shape_cast %swap3A_317 : vector<1x16xf32> to vector<16xf32>
      %swap3A_319 = vector.shape_cast %add3A_314 : vector<16xf32> to vector<1x16xf32>
      tpu.vector_store %arg19[%swap3A_315, %swap3A_316], %swap3A_319 {strides = array<i32>} : memref<80x128xf32, #tpu.memory_space<vmem>>, vector<1x16xf32>,
      %get3A_320 = arith.index_cast %scan3A_253 : i32 to index
      %get3A_321 = arith.constant 48 : index
      %get3A_322 = tpu.vector_load %arg11[%get3A_320, %get3A_321] {strides = array<i32>} : memref<80x128xf32, #tpu.memory_space<vmem>>, vector<1x16xf32>,
      %get3A_323 = vector.shape_cast %get3A_322 : vector<1x16xf32> to vector<16xf32>
      %get3A_324 = arith.index_cast %scan3A_253 : i32 to index
      %get3A_325 = arith.constant 48 : index
      %get3A_326 = tpu.vector_load %arg13[%get3A_324, %get3A_325] {strides = array<i32>} : memref<80x128xf32, #tpu.memory_space<vmem>>, vector<1x16xf32>,
      %get3A_327 = vector.shape_cast %get3A_326 : vector<1x16xf32> to vector<16xf32>
      %add3A_328 = arith.addf %get3A_323, %get3A_327 : vector<16xf32>
      %mul3A_329 = vector.broadcast %add3A_269 : f32 to vector<16xf32>
      %mul3A_330 = arith.mulf %mul3A_329, %get3A_13 : vector<16xf32>
      %add3A_331 = arith.addf %add3A_328, %mul3A_330 : vector<16xf32>
      %swap3A_332 = arith.index_cast %scan3A_253 : i32 to index
      %swap3A_333 = arith.constant 48 : index
      %swap3A_334 = tpu.vector_load %arg19[%swap3A_332, %swap3A_333] {strides = array<i32>} : memref<80x128xf32, #tpu.memory_space<vmem>>, vector<1x16xf32>,
      %swap3A_335 = vector.shape_cast %swap3A_334 : vector<1x16xf32> to vector<16xf32>
      %swap3A_336 = vector.shape_cast %add3A_331 : vector<16xf32> to vector<1x16xf32>
      tpu.vector_store %arg19[%swap3A_332, %swap3A_333], %swap3A_336 {strides = array<i32>} : memref<80x128xf32, #tpu.memory_space<vmem>>, vector<1x16xf32>,
      %get3A_337 = arith.index_cast %scan3A_253 : i32 to index
      %get3A_338 = arith.constant 64 : index
      %get3A_339 = tpu.vector_load %arg11[%get3A_337, %get3A_338] {strides = array<i32>} : memref<80x128xf32, #tpu.memory_space<vmem>>, vector<1x16xf32>,
      %get3A_340 = vector.shape_cast %get3A_339 : vector<1x16xf32> to vector<16xf32>
      %get3A_341 = arith.index_cast %scan3A_253 : i32 to index
      %get3A_342 = arith.constant 64 : index
      %get3A_343 = tpu.vector_load %arg13[%get3A_341, %get3A_342] {strides = array<i32>} : memref<80x128xf32, #tpu.memory_space<vmem>>, vector<1x16xf32>,
      %get3A_344 = vector.shape_cast %get3A_343 : vector<1x16xf32> to vector<16xf32>
      %add3A_345 = arith.addf %get3A_340, %get3A_344 : vector<16xf32>
      %mul3A_346 = vector.broadcast %add3A_269 : f32 to vector<16xf32>
      %mul3A_347 = arith.mulf %mul3A_346, %get3A_16 : vector<16xf32>
      %add3A_348 = arith.addf %add3A_345, %mul3A_347 : vector<16xf32>
      %swap3A_349 = arith.index_cast %scan3A_253 : i32 to index
      %swap3A_350 = arith.constant 64 : index
      %swap3A_351 = tpu.vector_load %arg19[%swap3A_349, %swap3A_350] {strides = array<i32>} : memref<80x128xf32, #tpu.memory_space<vmem>>, vector<1x16xf32>,
      %swap3A_352 = vector.shape_cast %swap3A_351 : vector<1x16xf32> to vector<16xf32>
      %swap3A_353 = vector.shape_cast %add3A_348 : vector<16xf32> to vector<1x16xf32>
      tpu.vector_store %arg19[%swap3A_349, %swap3A_350], %swap3A_353 {strides = array<i32>} : memref<80x128xf32, #tpu.memory_space<vmem>>, vector<1x16xf32>,
      %get3A_354 = arith.index_cast %scan3A_253 : i32 to index
      %get3A_355 = arith.constant 80 : index
      %get3A_356 = tpu.vector_load %arg11[%get3A_354, %get3A_355] {strides = array<i32>} : memref<80x128xf32, #tpu.memory_space<vmem>>, vector<1x16xf32>,
      %get3A_357 = vector.shape_cast %get3A_356 : vector<1x16xf32> to vector<16xf32>
      %get3A_358 = arith.index_cast %scan3A_253 : i32 to index
      %get3A_359 = arith.constant 80 : index
      %get3A_360 = tpu.vector_load %arg13[%get3A_358, %get3A_359] {strides = array<i32>} : memref<80x128xf32, #tpu.memory_space<vmem>>, vector<1x16xf32>,
      %get3A_361 = vector.shape_cast %get3A_360 : vector<1x16xf32> to vector<16xf32>
      %add3A_362 = arith.addf %get3A_357, %get3A_361 : vector<16xf32>
      %mul3A_363 = vector.broadcast %add3A_269 : f32 to vector<16xf32>
      %mul3A_364 = arith.mulf %mul3A_363, %get3A_19 : vector<16xf32>
      %add3A_365 = arith.addf %add3A_362, %mul3A_364 : vector<16xf32>
      %swap3A_366 = arith.index_cast %scan3A_253 : i32 to index
      %swap3A_367 = arith.constant 80 : index
      %swap3A_368 = tpu.vector_load %arg19[%swap3A_366, %swap3A_367] {strides = array<i32>} : memref<80x128xf32, #tpu.memory_space<vmem>>, vector<1x16xf32>,
      %swap3A_369 = vector.shape_cast %swap3A_368 : vector<1x16xf32> to vector<16xf32>
      %swap3A_370 = vector.shape_cast %add3A_365 : vector<16xf32> to vector<1x16xf32>
      tpu.vector_store %arg19[%swap3A_366, %swap3A_367], %swap3A_370 {strides = array<i32>} : memref<80x128xf32, #tpu.memory_space<vmem>>, vector<1x16xf32>,
      %get3A_371 = arith.index_cast %scan3A_253 : i32 to index
      %get3A_372 = arith.constant 96 : index
      %get3A_373 = tpu.vector_load %arg11[%get3A_371, %get3A_372] {strides = array<i32>} : memref<80x128xf32, #tpu.memory_space<vmem>>, vector<1x16xf32>,
      %get3A_374 = vector.shape_cast %get3A_373 : vector<1x16xf32> to vector<16xf32>
      %get3A_375 = arith.index_cast %scan3A_253 : i32 to index
      %get3A_376 = arith.constant 96 : index
      %get3A_377 = tpu.vector_load %arg13[%get3A_375, %get3A_376] {strides = array<i32>} : memref<80x128xf32, #tpu.memory_space<vmem>>, vector<1x16xf32>,
      %get3A_378 = vector.shape_cast %get3A_377 : vector<1x16xf32> to vector<16xf32>
      %add3A_379 = arith.addf %get3A_374, %get3A_378 : vector<16xf32>
      %mul3A_380 = vector.broadcast %add3A_269 : f32 to vector<16xf32>
      %mul3A_381 = arith.mulf %mul3A_380, %get3A_22 : vector<16xf32>
      %add3A_382 = arith.addf %add3A_379, %mul3A_381 : vector<16xf32>
      %swap3A_383 = arith.index_cast %scan3A_253 : i32 to index
      %swap3A_384 = arith.constant 96 : index
      %swap3A_385 = tpu.vector_load %arg19[%swap3A_383, %swap3A_384] {strides = array<i32>} : memref<80x128xf32, #tpu.memory_space<vmem>>, vector<1x16xf32>,
      %swap3A_386 = vector.shape_cast %swap3A_385 : vector<1x16xf32> to vector<16xf32>
      %swap3A_387 = vector.shape_cast %add3A_382 : vector<16xf32> to vector<1x16xf32>
      tpu.vector_store %arg19[%swap3A_383, %swap3A_384], %swap3A_387 {strides = array<i32>} : memref<80x128xf32, #tpu.memory_space<vmem>>, vector<1x16xf32>,
      %get3A_388 = arith.index_cast %scan3A_253 : i32 to index
      %get3A_389 = arith.constant 112 : index
      %get3A_390 = tpu.vector_load %arg11[%get3A_388, %get3A_389] {strides = array<i32>} : memref<80x128xf32, #tpu.memory_space<vmem>>, vector<1x16xf32>,
      %get3A_391 = vector.shape_cast %get3A_390 : vector<1x16xf32> to vector<16xf32>
      %get3A_392 = arith.index_cast %scan3A_253 : i32 to index
      %get3A_393 = arith.constant 112 : index
      %get3A_394 = tpu.vector_load %arg13[%get3A_392, %get3A_393] {strides = array<i32>} : memref<80x128xf32, #tpu.memory_space<vmem>>, vector<1x16xf32>,
      %get3A_395 = vector.shape_cast %get3A_394 : vector<1x16xf32> to vector<16xf32>
      %add3A_396 = arith.addf %get3A_391, %get3A_395 : vector<16xf32>
      %mul3A_397 = vector.broadcast %add3A_269 : f32 to vector<16xf32>
      %mul3A_398 = arith.mulf %mul3A_397, %get3A_25 : vector<16xf32>
      %add3A_399 = arith.addf %add3A_396, %mul3A_398 : vector<16xf32>
      %swap3A_400 = arith.index_cast %scan3A_253 : i32 to index
      %swap3A_401 = arith.constant 112 : index
      %swap3A_402 = tpu.vector_load %arg19[%swap3A_400, %swap3A_401] {strides = array<i32>} : memref<80x128xf32, #tpu.memory_space<vmem>>, vector<1x16xf32>,
      %swap3A_403 = vector.shape_cast %swap3A_402 : vector<1x16xf32> to vector<16xf32>
      %swap3A_404 = vector.shape_cast %add3A_399 : vector<16xf32> to vector<1x16xf32>
      tpu.vector_store %arg19[%swap3A_400, %swap3A_401], %swap3A_404 {strides = array<i32>} : memref<80x128xf32, #tpu.memory_space<vmem>>, vector<1x16xf32>,
      %scan3A_405 = arith.constant 0 : i32
      scf.yield %scan3A_405 : i32
    }
    %scan3A_242 = arith.constant 80 : i32
    %add3A_243 = arith.constant 4320 : i32
    %add3A_244 = arith.addi %mul3A_2, %add3A_243 : i32
    %dma_start3A_245 = arith.constant 0 : i32
    %dma_start3A_246 = tpu.memref_slice %arg8[%add3A_244, %dma_start3A_245] : memref<140800x128xf32, #tpu.memory_space<hbm>> -> memref<80x128xf32, #tpu.memory_space<hbm>>
    %dma_start3A_247 = arith.constant 0 : i32
    %dma_start3A_248 = tpu.memref_slice %arg8[%add3A_244, %dma_start3A_247] : memref<140800x128xf32, #tpu.memory_space<hbm>> -> memref<80x128xf32, #tpu.memory_space<hbm>>
    tpu.enqueue_dma source(%arg19 : memref<80x128xf32, #tpu.memory_space<vmem>>) target(%dma_start3A_248 : memref<80x128xf32, #tpu.memory_space<hbm>>) target_semaphore(%arg23 : memref<!tpu.dma_semaphore, #tpu.memory_space<semaphore_mem>>)
    %dma_wait3A_249 = arith.constant 0 : i32
    %dma_wait3A_250 = tpu.memref_slice %arg8[%mul3A_2, %dma_wait3A_249] : memref<140800x128xf32, #tpu.memory_space<hbm>> -> memref<80x128xf32, #tpu.memory_space<hbm>>
    %dma_wait3A_251 = arith.constant 0 : i32
    %dma_wait3A_252 = tpu.memref_slice %arg8[%mul3A_2, %dma_wait3A_251] : memref<140800x128xf32, #tpu.memory_space<hbm>> -> memref<80x128xf32, #tpu.memory_space<hbm>>
    tpu.wait_dma2 semaphore(%arg23 : memref<!tpu.dma_semaphore, #tpu.memory_space<semaphore_mem>>) src(%arg19 : memref<80x128xf32, #tpu.memory_space<vmem>>) dst(%dma_wait3A_252 : memref<80x128xf32, #tpu.memory_space<hbm>>)
    return
  }
}

#map = affine_map<(d0, d1) -> (0, 0)>
#map1 = affine_map<(d0, d1) -> (0)>
#map2 = affine_map<(d0, d1) -> (0, 0, 0)>
module attributes {stable_mosaic.version = 14 : i64} {
  func.func @body(%arg0: i32, %arg1: i32, %arg2: memref<10000x128xf32, #tpu.memory_space<hbm>>, %arg3: memref<10000x128xf32, #tpu.memory_space<hbm>>, %arg4: memref<10000x128xf32, #tpu.memory_space<hbm>>, %arg5: memref<128xf32, #tpu.memory_space<hbm>>, %arg6: memref<32x70x80xi32, #tpu.memory_space<hbm>>, %arg7: memref<32x70x80xi32, #tpu.memory_space<hbm>>, %arg8: memref<179200x128xf32, #tpu.memory_space<hbm>>, %arg9: memref<70x80xi32, #tpu.memory_space<vmem>>, %arg10: memref<70x80xi32, #tpu.memory_space<vmem>>, %arg11: memref<80x128xf32, #tpu.memory_space<vmem>>, %arg12: memref<80x128xf32, #tpu.memory_space<vmem>>, %arg13: memref<80x128xf32, #tpu.memory_space<vmem>>, %arg14: memref<80x128xf32, #tpu.memory_space<vmem>>, %arg15: memref<80x128xf32, #tpu.memory_space<vmem>>, %arg16: memref<80x128xf32, #tpu.memory_space<vmem>>, %arg17: memref<80x128xf32, #tpu.memory_space<vmem>>, %arg18: memref<80x128xf32, #tpu.memory_space<vmem>>, %arg19: memref<80x128xf32, #tpu.memory_space<vmem>>, %arg20: memref<128xf32, #tpu.memory_space<vmem>>, %arg21: memref<!tpu.dma_semaphore, #tpu.memory_space<semaphore_mem>>, %arg22: memref<!tpu.dma_semaphore, #tpu.memory_space<semaphore_mem>>, %arg23: memref<!tpu.dma_semaphore, #tpu.memory_space<semaphore_mem>>) attributes {dimension_semantics = [#tpu.dimension_semantics<core_parallel>, #tpu.dimension_semantics<subcore_parallel>], iteration_bounds = array<i64: 2, 16>, scalar_prefetch = 0 : i64, scratch_operands = 15 : i64, tpu.core_type = #tpu.core_type<sc_vector_subcore>, window_params = [{transform_indices = #map}, {transform_indices = #map}, {transform_indices = #map}, {transform_indices = #map1}, {transform_indices = #map2}, {transform_indices = #map2}, {transform_indices = #map}]} {
    %mul3A = arith.constant 2 : i32
    %mul3A_0 = arith.muli %arg1, %mul3A : i32
    %add3A = arith.addi %mul3A_0, %arg0 : i32
    "tpu.region"() ({
      %run_scoped3A = tpu.sem_alloc : memref<!tpu.dma_semaphore, #tpu.memory_space<semaphore_mem>>
      %dma_start3A_180 = arith.constant 0 : i32
      %dma_start3A_181 = arith.constant 0 : i32
      %dma_start3A_182 = tpu.memref_slice %arg6[%add3A, %dma_start3A_180, %dma_start3A_181] : memref<32x70x80xi32, #tpu.memory_space<hbm>> -> memref<1x70x80xi32, #tpu.memory_space<hbm>>
      %dma_start3A_183 = tpu.memref_squeeze %dma_start3A_182 : memref<1x70x80xi32, #tpu.memory_space<hbm>> -> memref<70x80xi32, #tpu.memory_space<hbm>>
      %dma_start3A_184 = arith.constant 0 : i32
      %dma_start3A_185 = arith.constant 0 : i32
      %dma_start3A_186 = tpu.memref_slice %arg6[%add3A, %dma_start3A_184, %dma_start3A_185] : memref<32x70x80xi32, #tpu.memory_space<hbm>> -> memref<1x70x80xi32, #tpu.memory_space<hbm>>
      %dma_start3A_187 = tpu.memref_squeeze %dma_start3A_186 : memref<1x70x80xi32, #tpu.memory_space<hbm>> -> memref<70x80xi32, #tpu.memory_space<hbm>>
      tpu.enqueue_dma source(%dma_start3A_187 : memref<70x80xi32, #tpu.memory_space<hbm>>) target(%arg9 : memref<70x80xi32, #tpu.memory_space<vmem>>) target_semaphore(%run_scoped3A : memref<!tpu.dma_semaphore, #tpu.memory_space<semaphore_mem>>)
      %dma_wait3A_188 = arith.constant 0 : i32
      %dma_wait3A_189 = arith.constant 0 : i32
      %dma_wait3A_190 = tpu.memref_slice %arg6[%add3A, %dma_wait3A_188, %dma_wait3A_189] : memref<32x70x80xi32, #tpu.memory_space<hbm>> -> memref<1x70x80xi32, #tpu.memory_space<hbm>>
      %dma_wait3A_191 = tpu.memref_squeeze %dma_wait3A_190 : memref<1x70x80xi32, #tpu.memory_space<hbm>> -> memref<70x80xi32, #tpu.memory_space<hbm>>
      %dma_wait3A_192 = arith.constant 0 : i32
      %dma_wait3A_193 = arith.constant 0 : i32
      %dma_wait3A_194 = tpu.memref_slice %arg6[%add3A, %dma_wait3A_192, %dma_wait3A_193] : memref<32x70x80xi32, #tpu.memory_space<hbm>> -> memref<1x70x80xi32, #tpu.memory_space<hbm>>
      %dma_wait3A_195 = tpu.memref_squeeze %dma_wait3A_194 : memref<1x70x80xi32, #tpu.memory_space<hbm>> -> memref<70x80xi32, #tpu.memory_space<hbm>>
      tpu.wait_dma2 semaphore(%run_scoped3A : memref<!tpu.dma_semaphore, #tpu.memory_space<semaphore_mem>>) src(%dma_wait3A_195 : memref<70x80xi32, #tpu.memory_space<hbm>>) dst(%arg9 : memref<70x80xi32, #tpu.memory_space<vmem>>)
      tpu.yield
    }) : () -> ()
    "tpu.region"() ({
      %run_scoped3A = tpu.sem_alloc : memref<!tpu.dma_semaphore, #tpu.memory_space<semaphore_mem>>
      %dma_start3A_180 = arith.constant 0 : i32
      %dma_start3A_181 = arith.constant 0 : i32
      %dma_start3A_182 = tpu.memref_slice %arg7[%add3A, %dma_start3A_180, %dma_start3A_181] : memref<32x70x80xi32, #tpu.memory_space<hbm>> -> memref<1x70x80xi32, #tpu.memory_space<hbm>>
      %dma_start3A_183 = tpu.memref_squeeze %dma_start3A_182 : memref<1x70x80xi32, #tpu.memory_space<hbm>> -> memref<70x80xi32, #tpu.memory_space<hbm>>
      %dma_start3A_184 = arith.constant 0 : i32
      %dma_start3A_185 = arith.constant 0 : i32
      %dma_start3A_186 = tpu.memref_slice %arg7[%add3A, %dma_start3A_184, %dma_start3A_185] : memref<32x70x80xi32, #tpu.memory_space<hbm>> -> memref<1x70x80xi32, #tpu.memory_space<hbm>>
      %dma_start3A_187 = tpu.memref_squeeze %dma_start3A_186 : memref<1x70x80xi32, #tpu.memory_space<hbm>> -> memref<70x80xi32, #tpu.memory_space<hbm>>
      tpu.enqueue_dma source(%dma_start3A_187 : memref<70x80xi32, #tpu.memory_space<hbm>>) target(%arg10 : memref<70x80xi32, #tpu.memory_space<vmem>>) target_semaphore(%run_scoped3A : memref<!tpu.dma_semaphore, #tpu.memory_space<semaphore_mem>>)
      %dma_wait3A_188 = arith.constant 0 : i32
      %dma_wait3A_189 = arith.constant 0 : i32
      %dma_wait3A_190 = tpu.memref_slice %arg7[%add3A, %dma_wait3A_188, %dma_wait3A_189] : memref<32x70x80xi32, #tpu.memory_space<hbm>> -> memref<1x70x80xi32, #tpu.memory_space<hbm>>
      %dma_wait3A_191 = tpu.memref_squeeze %dma_wait3A_190 : memref<1x70x80xi32, #tpu.memory_space<hbm>> -> memref<70x80xi32, #tpu.memory_space<hbm>>
      %dma_wait3A_192 = arith.constant 0 : i32
      %dma_wait3A_193 = arith.constant 0 : i32
      %dma_wait3A_194 = tpu.memref_slice %arg7[%add3A, %dma_wait3A_192, %dma_wait3A_193] : memref<32x70x80xi32, #tpu.memory_space<hbm>> -> memref<1x70x80xi32, #tpu.memory_space<hbm>>
      %dma_wait3A_195 = tpu.memref_squeeze %dma_wait3A_194 : memref<1x70x80xi32, #tpu.memory_space<hbm>> -> memref<70x80xi32, #tpu.memory_space<hbm>>
      tpu.wait_dma2 semaphore(%run_scoped3A : memref<!tpu.dma_semaphore, #tpu.memory_space<semaphore_mem>>) src(%dma_wait3A_195 : memref<70x80xi32, #tpu.memory_space<hbm>>) dst(%arg10 : memref<70x80xi32, #tpu.memory_space<vmem>>)
      tpu.yield
    }) : () -> ()
    "tpu.region"() ({
      %run_scoped3A = tpu.sem_alloc : memref<!tpu.dma_semaphore, #tpu.memory_space<semaphore_mem>>
      tpu.enqueue_dma source(%arg5 : memref<128xf32, #tpu.memory_space<hbm>>) target(%arg20 : memref<128xf32, #tpu.memory_space<vmem>>) target_semaphore(%run_scoped3A : memref<!tpu.dma_semaphore, #tpu.memory_space<semaphore_mem>>)
      tpu.wait_dma2 semaphore(%run_scoped3A : memref<!tpu.dma_semaphore, #tpu.memory_space<semaphore_mem>>) src(%arg5 : memref<128xf32, #tpu.memory_space<hbm>>) dst(%arg20 : memref<128xf32, #tpu.memory_space<vmem>>)
      tpu.yield
    }) : () -> ()
    %mul3A_1 = arith.constant 5600 : i32
    %mul3A_2 = arith.muli %add3A, %mul3A_1 : i32
    %get3A = arith.constant 0 : index
    %get3A_3 = tpu.vector_load %arg20[%get3A] {strides = array<i32>} : memref<128xf32, #tpu.memory_space<vmem>>, vector<16xf32>,
    %get3A_4 = vector.shape_cast %get3A_3 : vector<16xf32> to vector<16xf32>
    %get3A_5 = arith.constant 16 : index
    %get3A_6 = tpu.vector_load %arg20[%get3A_5] {strides = array<i32>} : memref<128xf32, #tpu.memory_space<vmem>>, vector<16xf32>,
    %get3A_7 = vector.shape_cast %get3A_6 : vector<16xf32> to vector<16xf32>
    %get3A_8 = arith.constant 32 : index
    %get3A_9 = tpu.vector_load %arg20[%get3A_8] {strides = array<i32>} : memref<128xf32, #tpu.memory_space<vmem>>, vector<16xf32>,
    %get3A_10 = vector.shape_cast %get3A_9 : vector<16xf32> to vector<16xf32>
    %get3A_11 = arith.constant 48 : index
    %get3A_12 = tpu.vector_load %arg20[%get3A_11] {strides = array<i32>} : memref<128xf32, #tpu.memory_space<vmem>>, vector<16xf32>,
    %get3A_13 = vector.shape_cast %get3A_12 : vector<16xf32> to vector<16xf32>
    %get3A_14 = arith.constant 64 : index
    %get3A_15 = tpu.vector_load %arg20[%get3A_14] {strides = array<i32>} : memref<128xf32, #tpu.memory_space<vmem>>, vector<16xf32>,
    %get3A_16 = vector.shape_cast %get3A_15 : vector<16xf32> to vector<16xf32>
    %get3A_17 = arith.constant 80 : index
    %get3A_18 = tpu.vector_load %arg20[%get3A_17] {strides = array<i32>} : memref<128xf32, #tpu.memory_space<vmem>>, vector<16xf32>,
    %get3A_19 = vector.shape_cast %get3A_18 : vector<16xf32> to vector<16xf32>
    %get3A_20 = arith.constant 96 : index
    %get3A_21 = tpu.vector_load %arg20[%get3A_20] {strides = array<i32>} : memref<128xf32, #tpu.memory_space<vmem>>, vector<16xf32>,
    %get3A_22 = vector.shape_cast %get3A_21 : vector<16xf32> to vector<16xf32>
    %get3A_23 = arith.constant 112 : index
    %get3A_24 = tpu.vector_load %arg20[%get3A_23] {strides = array<i32>} : memref<128xf32, #tpu.memory_space<vmem>>, vector<16xf32>,
    %get3A_25 = vector.shape_cast %get3A_24 : vector<16xf32> to vector<16xf32>
    %dma_start3A = arith.constant 0 : i32
    %dma_start3A_26 = arith.constant 0 : i32
    %dma_start3A_27 = tpu.memref_slice %arg9[%dma_start3A, %dma_start3A_26] : memref<70x80xi32, #tpu.memory_space<vmem>> -> memref<1x80xi32, #tpu.memory_space<vmem>>
    %dma_start3A_28 = tpu.memref_squeeze %dma_start3A_27 : memref<1x80xi32, #tpu.memory_space<vmem>> -> memref<80xi32, #tpu.memory_space<vmem>>
    %dma_start3A_29 = arith.constant 0 : i32
    %dma_start3A_30 = arith.constant 0 : i32
    %dma_start3A_31 = tpu.memref_slice %arg2[%dma_start3A_29, %dma_start3A_30] : memref<10000x128xf32, #tpu.memory_space<hbm>> -> memref<10000x128xf32, #tpu.memory_space<hbm>>
    tpu.enqueue_indirect_dma source(%dma_start3A_31 : memref<10000x128xf32, #tpu.memory_space<hbm>>) target(%arg11 : memref<80x128xf32, #tpu.memory_space<vmem>>) offsets(%dma_start3A_28 : memref<80xi32, #tpu.memory_space<vmem>>) semaphore(%arg21 : memref<!tpu.dma_semaphore, #tpu.memory_space<semaphore_mem>>)
    %dma_start3A_32 = arith.constant 0 : i32
    %dma_start3A_33 = arith.constant 0 : i32
    %dma_start3A_34 = tpu.memref_slice %arg10[%dma_start3A_32, %dma_start3A_33] : memref<70x80xi32, #tpu.memory_space<vmem>> -> memref<1x80xi32, #tpu.memory_space<vmem>>
    %dma_start3A_35 = tpu.memref_squeeze %dma_start3A_34 : memref<1x80xi32, #tpu.memory_space<vmem>> -> memref<80xi32, #tpu.memory_space<vmem>>
    %dma_start3A_36 = arith.constant 0 : i32
    %dma_start3A_37 = arith.constant 0 : i32
    %dma_start3A_38 = tpu.memref_slice %arg3[%dma_start3A_36, %dma_start3A_37] : memref<10000x128xf32, #tpu.memory_space<hbm>> -> memref<10000x128xf32, #tpu.memory_space<hbm>>
    tpu.enqueue_indirect_dma source(%dma_start3A_38 : memref<10000x128xf32, #tpu.memory_space<hbm>>) target(%arg13 : memref<80x128xf32, #tpu.memory_space<vmem>>) offsets(%dma_start3A_35 : memref<80xi32, #tpu.memory_space<vmem>>) semaphore(%arg21 : memref<!tpu.dma_semaphore, #tpu.memory_space<semaphore_mem>>)
    %dma_start3A_39 = arith.constant 0 : i32
    %dma_start3A_40 = arith.constant 0 : i32
    %dma_start3A_41 = tpu.memref_slice %arg9[%dma_start3A_39, %dma_start3A_40] : memref<70x80xi32, #tpu.memory_space<vmem>> -> memref<1x80xi32, #tpu.memory_space<vmem>>
    %dma_start3A_42 = tpu.memref_squeeze %dma_start3A_41 : memref<1x80xi32, #tpu.memory_space<vmem>> -> memref<80xi32, #tpu.memory_space<vmem>>
    %dma_start3A_43 = arith.constant 0 : i32
    %dma_start3A_44 = arith.constant 0 : i32
    %dma_start3A_45 = tpu.memref_slice %arg4[%dma_start3A_43, %dma_start3A_44] : memref<10000x128xf32, #tpu.memory_space<hbm>> -> memref<10000x128xf32, #tpu.memory_space<hbm>>
    tpu.enqueue_indirect_dma source(%dma_start3A_45 : memref<10000x128xf32, #tpu.memory_space<hbm>>) target(%arg15 : memref<80x128xf32, #tpu.memory_space<vmem>>) offsets(%dma_start3A_42 : memref<80xi32, #tpu.memory_space<vmem>>) semaphore(%arg21 : memref<!tpu.dma_semaphore, #tpu.memory_space<semaphore_mem>>)
    %dma_start3A_46 = arith.constant 0 : i32
    %dma_start3A_47 = arith.constant 0 : i32
    %dma_start3A_48 = tpu.memref_slice %arg10[%dma_start3A_46, %dma_start3A_47] : memref<70x80xi32, #tpu.memory_space<vmem>> -> memref<1x80xi32, #tpu.memory_space<vmem>>
    %dma_start3A_49 = tpu.memref_squeeze %dma_start3A_48 : memref<1x80xi32, #tpu.memory_space<vmem>> -> memref<80xi32, #tpu.memory_space<vmem>>
    %dma_start3A_50 = arith.constant 0 : i32
    %dma_start3A_51 = arith.constant 0 : i32
    %dma_start3A_52 = tpu.memref_slice %arg4[%dma_start3A_50, %dma_start3A_51] : memref<10000x128xf32, #tpu.memory_space<hbm>> -> memref<10000x128xf32, #tpu.memory_space<hbm>>
    tpu.enqueue_indirect_dma source(%dma_start3A_52 : memref<10000x128xf32, #tpu.memory_space<hbm>>) target(%arg17 : memref<80x128xf32, #tpu.memory_space<vmem>>) offsets(%dma_start3A_49 : memref<80xi32, #tpu.memory_space<vmem>>) semaphore(%arg21 : memref<!tpu.dma_semaphore, #tpu.memory_space<semaphore_mem>>)
    %dma_start3A_53 = arith.constant 1 : i32
    %dma_start3A_54 = arith.constant 0 : i32
    %dma_start3A_55 = tpu.memref_slice %arg9[%dma_start3A_53, %dma_start3A_54] : memref<70x80xi32, #tpu.memory_space<vmem>> -> memref<1x80xi32, #tpu.memory_space<vmem>>
    %dma_start3A_56 = tpu.memref_squeeze %dma_start3A_55 : memref<1x80xi32, #tpu.memory_space<vmem>> -> memref<80xi32, #tpu.memory_space<vmem>>
    %dma_start3A_57 = arith.constant 0 : i32
    %dma_start3A_58 = arith.constant 0 : i32
    %dma_start3A_59 = tpu.memref_slice %arg2[%dma_start3A_57, %dma_start3A_58] : memref<10000x128xf32, #tpu.memory_space<hbm>> -> memref<10000x128xf32, #tpu.memory_space<hbm>>
    tpu.enqueue_indirect_dma source(%dma_start3A_59 : memref<10000x128xf32, #tpu.memory_space<hbm>>) target(%arg12 : memref<80x128xf32, #tpu.memory_space<vmem>>) offsets(%dma_start3A_56 : memref<80xi32, #tpu.memory_space<vmem>>) semaphore(%arg22 : memref<!tpu.dma_semaphore, #tpu.memory_space<semaphore_mem>>)
    %dma_start3A_60 = arith.constant 1 : i32
    %dma_start3A_61 = arith.constant 0 : i32
    %dma_start3A_62 = tpu.memref_slice %arg10[%dma_start3A_60, %dma_start3A_61] : memref<70x80xi32, #tpu.memory_space<vmem>> -> memref<1x80xi32, #tpu.memory_space<vmem>>
    %dma_start3A_63 = tpu.memref_squeeze %dma_start3A_62 : memref<1x80xi32, #tpu.memory_space<vmem>> -> memref<80xi32, #tpu.memory_space<vmem>>
    %dma_start3A_64 = arith.constant 0 : i32
    %dma_start3A_65 = arith.constant 0 : i32
    %dma_start3A_66 = tpu.memref_slice %arg3[%dma_start3A_64, %dma_start3A_65] : memref<10000x128xf32, #tpu.memory_space<hbm>> -> memref<10000x128xf32, #tpu.memory_space<hbm>>
    tpu.enqueue_indirect_dma source(%dma_start3A_66 : memref<10000x128xf32, #tpu.memory_space<hbm>>) target(%arg14 : memref<80x128xf32, #tpu.memory_space<vmem>>) offsets(%dma_start3A_63 : memref<80xi32, #tpu.memory_space<vmem>>) semaphore(%arg22 : memref<!tpu.dma_semaphore, #tpu.memory_space<semaphore_mem>>)
    %dma_start3A_67 = arith.constant 1 : i32
    %dma_start3A_68 = arith.constant 0 : i32
    %dma_start3A_69 = tpu.memref_slice %arg9[%dma_start3A_67, %dma_start3A_68] : memref<70x80xi32, #tpu.memory_space<vmem>> -> memref<1x80xi32, #tpu.memory_space<vmem>>
    %dma_start3A_70 = tpu.memref_squeeze %dma_start3A_69 : memref<1x80xi32, #tpu.memory_space<vmem>> -> memref<80xi32, #tpu.memory_space<vmem>>
    %dma_start3A_71 = arith.constant 0 : i32
    %dma_start3A_72 = arith.constant 0 : i32
    %dma_start3A_73 = tpu.memref_slice %arg4[%dma_start3A_71, %dma_start3A_72] : memref<10000x128xf32, #tpu.memory_space<hbm>> -> memref<10000x128xf32, #tpu.memory_space<hbm>>
    tpu.enqueue_indirect_dma source(%dma_start3A_73 : memref<10000x128xf32, #tpu.memory_space<hbm>>) target(%arg16 : memref<80x128xf32, #tpu.memory_space<vmem>>) offsets(%dma_start3A_70 : memref<80xi32, #tpu.memory_space<vmem>>) semaphore(%arg22 : memref<!tpu.dma_semaphore, #tpu.memory_space<semaphore_mem>>)
    %dma_start3A_74 = arith.constant 1 : i32
    %dma_start3A_75 = arith.constant 0 : i32
    %dma_start3A_76 = tpu.memref_slice %arg10[%dma_start3A_74, %dma_start3A_75] : memref<70x80xi32, #tpu.memory_space<vmem>> -> memref<1x80xi32, #tpu.memory_space<vmem>>
    %dma_start3A_77 = tpu.memref_squeeze %dma_start3A_76 : memref<1x80xi32, #tpu.memory_space<vmem>> -> memref<80xi32, #tpu.memory_space<vmem>>
    %dma_start3A_78 = arith.constant 0 : i32
    %dma_start3A_79 = arith.constant 0 : i32
    %dma_start3A_80 = tpu.memref_slice %arg4[%dma_start3A_78, %dma_start3A_79] : memref<10000x128xf32, #tpu.memory_space<hbm>> -> memref<10000x128xf32, #tpu.memory_space<hbm>>
    tpu.enqueue_indirect_dma source(%dma_start3A_80 : memref<10000x128xf32, #tpu.memory_space<hbm>>) target(%arg18 : memref<80x128xf32, #tpu.memory_space<vmem>>) offsets(%dma_start3A_77 : memref<80xi32, #tpu.memory_space<vmem>>) semaphore(%arg22 : memref<!tpu.dma_semaphore, #tpu.memory_space<semaphore_mem>>)
    %scan3A = arith.constant 0 : i32
    %scan3A_81 = arith.constant 0 : i32
    %scan3A_82 = arith.constant 34 : i32
    %scan3A_83 = arith.addi %scan3A_81, %scan3A_82 : i32
    %scan3A_84 = arith.constant 1 : i32
    %scan3A_85 = scf.for %scan3A_180 = %scan3A_81 to %scan3A_83 step %scan3A_84 iter_args(%scan3A_181 = %scan3A) -> (i32)  : i32 {
      %mul3A_182 = arith.constant 2 : i32
      %mul3A_183 = arith.muli %mul3A_182, %scan3A_180 : i32
      %add3A_184 = arith.constant 0 : i32
      %add3A_185 = arith.addi %mul3A_183, %add3A_184 : i32
      %dma_wait3A_186 = arith.constant 0 : i32
      %dma_wait3A_187 = tpu.memref_slice %arg9[%add3A_185, %dma_wait3A_186] : memref<70x80xi32, #tpu.memory_space<vmem>> -> memref<1x80xi32, #tpu.memory_space<vmem>>
      %dma_wait3A_188 = tpu.memref_squeeze %dma_wait3A_187 : memref<1x80xi32, #tpu.memory_space<vmem>> -> memref<80xi32, #tpu.memory_space<vmem>>
      %dma_wait3A_189 = arith.constant 0 : i32
      %dma_wait3A_190 = arith.constant 0 : i32
      %dma_wait3A_191 = tpu.memref_slice %arg2[%dma_wait3A_189, %dma_wait3A_190] : memref<10000x128xf32, #tpu.memory_space<hbm>> -> memref<10000x128xf32, #tpu.memory_space<hbm>>
      tpu.wait_indirect_dma semaphore(%arg21 : memref<!tpu.dma_semaphore, #tpu.memory_space<semaphore_mem>>) src(%dma_wait3A_191 : memref<10000x128xf32, #tpu.memory_space<hbm>>) dst(%arg11 : memref<80x128xf32, #tpu.memory_space<vmem>>)
      %dma_wait3A_192 = arith.constant 0 : i32
      %dma_wait3A_193 = tpu.memref_slice %arg9[%add3A_185, %dma_wait3A_192] : memref<70x80xi32, #tpu.memory_space<vmem>> -> memref<1x80xi32, #tpu.memory_space<vmem>>
      %dma_wait3A_194 = tpu.memref_squeeze %dma_wait3A_193 : memref<1x80xi32, #tpu.memory_space<vmem>> -> memref<80xi32, #tpu.memory_space<vmem>>
      %dma_wait3A_195 = arith.constant 0 : i32
      %dma_wait3A_196 = arith.constant 0 : i32
      %dma_wait3A_197 = tpu.memref_slice %arg2[%dma_wait3A_195, %dma_wait3A_196] : memref<10000x128xf32, #tpu.memory_space<hbm>> -> memref<10000x128xf32, #tpu.memory_space<hbm>>
      tpu.wait_indirect_dma semaphore(%arg21 : memref<!tpu.dma_semaphore, #tpu.memory_space<semaphore_mem>>) src(%dma_wait3A_197 : memref<10000x128xf32, #tpu.memory_space<hbm>>) dst(%arg11 : memref<80x128xf32, #tpu.memory_space<vmem>>)
      %dma_wait3A_198 = arith.constant 0 : i32
      %dma_wait3A_199 = tpu.memref_slice %arg9[%add3A_185, %dma_wait3A_198] : memref<70x80xi32, #tpu.memory_space<vmem>> -> memref<1x80xi32, #tpu.memory_space<vmem>>
      %dma_wait3A_200 = tpu.memref_squeeze %dma_wait3A_199 : memref<1x80xi32, #tpu.memory_space<vmem>> -> memref<80xi32, #tpu.memory_space<vmem>>
      %dma_wait3A_201 = arith.constant 0 : i32
      %dma_wait3A_202 = arith.constant 0 : i32
      %dma_wait3A_203 = tpu.memref_slice %arg2[%dma_wait3A_201, %dma_wait3A_202] : memref<10000x128xf32, #tpu.memory_space<hbm>> -> memref<10000x128xf32, #tpu.memory_space<hbm>>
      tpu.wait_indirect_dma semaphore(%arg21 : memref<!tpu.dma_semaphore, #tpu.memory_space<semaphore_mem>>) src(%dma_wait3A_203 : memref<10000x128xf32, #tpu.memory_space<hbm>>) dst(%arg11 : memref<80x128xf32, #tpu.memory_space<vmem>>)
      %dma_wait3A_204 = arith.constant 0 : i32
      %dma_wait3A_205 = tpu.memref_slice %arg9[%add3A_185, %dma_wait3A_204] : memref<70x80xi32, #tpu.memory_space<vmem>> -> memref<1x80xi32, #tpu.memory_space<vmem>>
      %dma_wait3A_206 = tpu.memref_squeeze %dma_wait3A_205 : memref<1x80xi32, #tpu.memory_space<vmem>> -> memref<80xi32, #tpu.memory_space<vmem>>
      %dma_wait3A_207 = arith.constant 0 : i32
      %dma_wait3A_208 = arith.constant 0 : i32
      %dma_wait3A_209 = tpu.memref_slice %arg2[%dma_wait3A_207, %dma_wait3A_208] : memref<10000x128xf32, #tpu.memory_space<hbm>> -> memref<10000x128xf32, #tpu.memory_space<hbm>>
      tpu.wait_indirect_dma semaphore(%arg21 : memref<!tpu.dma_semaphore, #tpu.memory_space<semaphore_mem>>) src(%dma_wait3A_209 : memref<10000x128xf32, #tpu.memory_space<hbm>>) dst(%arg11 : memref<80x128xf32, #tpu.memory_space<vmem>>)
      %gt3A = arith.constant 0 : i32
      %gt3A_210 = arith.cmpi sgt, %scan3A_180, %gt3A : i32
      %convert_element_type3A = arith.extui %gt3A_210 : i1 to i32
      %cond3A = arith.constant 0 : i32
      %cond3A_211 = arith.cmpi ne, %convert_element_type3A, %cond3A : i32
      scf.if %cond3A_211 {
        %dma_wait3A_325 = arith.constant 0 : i32
        %dma_wait3A_326 = tpu.memref_slice %arg8[%mul3A_2, %dma_wait3A_325] : memref<179200x128xf32, #tpu.memory_space<hbm>> -> memref<80x128xf32, #tpu.memory_space<hbm>>
        %dma_wait3A_327 = arith.constant 0 : i32
        %dma_wait3A_328 = tpu.memref_slice %arg8[%mul3A_2, %dma_wait3A_327] : memref<179200x128xf32, #tpu.memory_space<hbm>> -> memref<80x128xf32, #tpu.memory_space<hbm>>
        tpu.wait_dma2 semaphore(%arg23 : memref<!tpu.dma_semaphore, #tpu.memory_space<semaphore_mem>>) src(%arg19 : memref<80x128xf32, #tpu.memory_space<vmem>>) dst(%dma_wait3A_328 : memref<80x128xf32, #tpu.memory_space<hbm>>)
      } else {
      }
      %scan3A_212 = arith.constant 0 : i32
      %scan3A_213 = arith.constant 0 : i32
      %scan3A_214 = arith.constant 80 : i32
      %scan3A_215 = arith.addi %scan3A_213, %scan3A_214 : i32
      %scan3A_216 = arith.constant 1 : i32
      %scan3A_217 = scf.for %scan3A_325 = %scan3A_213 to %scan3A_215 step %scan3A_216 iter_args(%scan3A_326 = %scan3A_212) -> (i32)  : i32 {
        %get3A_327 = arith.index_cast %scan3A_325 : i32 to index
        %get3A_328 = arith.constant 0 : index
        %get3A_329 = tpu.vector_load %arg15[%get3A_327, %get3A_328] {strides = array<i32>} : memref<80x128xf32, #tpu.memory_space<vmem>>, vector<1x16xf32>,
        %get3A_330 = vector.shape_cast %get3A_329 : vector<1x16xf32> to vector<16xf32>
        %get3A_331 = arith.index_cast %scan3A_325 : i32 to index
        %get3A_332 = arith.constant 0 : index
        %get3A_333 = tpu.vector_load %arg17[%get3A_331, %get3A_332] {strides = array<i32>} : memref<80x128xf32, #tpu.memory_space<vmem>>, vector<1x16xf32>,
        %get3A_334 = vector.shape_cast %get3A_333 : vector<1x16xf32> to vector<16xf32>
        %mul3A_335 = arith.mulf %get3A_330, %get3A_334 : vector<16xf32>
        %slice3A = vector.extract_strided_slice %mul3A_335 {offsets = [0], sizes = [1], strides = [1]} : vector<16xf32> to vector<1xf32>
        %squeeze3A = vector.extract %slice3A[0] : f32 from vector<1xf32>
        %slice3A_336 = vector.extract_strided_slice %mul3A_335 {offsets = [1], sizes = [1], strides = [1]} : vector<16xf32> to vector<1xf32>
        %squeeze3A_337 = vector.extract %slice3A_336[0] : f32 from vector<1xf32>
        %add3A_338 = arith.addf %squeeze3A, %squeeze3A_337 : f32
        %slice3A_339 = vector.extract_strided_slice %mul3A_335 {offsets = [2], sizes = [1], strides = [1]} : vector<16xf32> to vector<1xf32>
        %squeeze3A_340 = vector.extract %slice3A_339[0] : f32 from vector<1xf32>
        %add3A_341 = arith.addf %add3A_338, %squeeze3A_340 : f32
        %get3A_342 = arith.index_cast %scan3A_325 : i32 to index
        %get3A_343 = arith.constant 0 : index
        %get3A_344 = tpu.vector_load %arg11[%get3A_342, %get3A_343] {strides = array<i32>} : memref<80x128xf32, #tpu.memory_space<vmem>>, vector<1x16xf32>,
        %get3A_345 = vector.shape_cast %get3A_344 : vector<1x16xf32> to vector<16xf32>
        %get3A_346 = arith.index_cast %scan3A_325 : i32 to index
        %get3A_347 = arith.constant 0 : index
        %get3A_348 = tpu.vector_load %arg13[%get3A_346, %get3A_347] {strides = array<i32>} : memref<80x128xf32, #tpu.memory_space<vmem>>, vector<1x16xf32>,
        %get3A_349 = vector.shape_cast %get3A_348 : vector<1x16xf32> to vector<16xf32>
        %add3A_350 = arith.addf %get3A_345, %get3A_349 : vector<16xf32>
        %mul3A_351 = vector.broadcast %add3A_341 : f32 to vector<16xf32>
        %mul3A_352 = arith.mulf %mul3A_351, %get3A_4 : vector<16xf32>
        %add3A_353 = arith.addf %add3A_350, %mul3A_352 : vector<16xf32>
        %swap3A = arith.index_cast %scan3A_325 : i32 to index
        %swap3A_354 = arith.constant 0 : index
        %swap3A_355 = tpu.vector_load %arg19[%swap3A, %swap3A_354] {strides = array<i32>} : memref<80x128xf32, #tpu.memory_space<vmem>>, vector<1x16xf32>,
        %swap3A_356 = vector.shape_cast %swap3A_355 : vector<1x16xf32> to vector<16xf32>
        %swap3A_357 = vector.shape_cast %add3A_353 : vector<16xf32> to vector<1x16xf32>
        tpu.vector_store %arg19[%swap3A, %swap3A_354], %swap3A_357 {strides = array<i32>} : memref<80x128xf32, #tpu.memory_space<vmem>>, vector<1x16xf32>,
        %get3A_358 = arith.index_cast %scan3A_325 : i32 to index
        %get3A_359 = arith.constant 16 : index
        %get3A_360 = tpu.vector_load %arg11[%get3A_358, %get3A_359] {strides = array<i32>} : memref<80x128xf32, #tpu.memory_space<vmem>>, vector<1x16xf32>,
        %get3A_361 = vector.shape_cast %get3A_360 : vector<1x16xf32> to vector<16xf32>
        %get3A_362 = arith.index_cast %scan3A_325 : i32 to index
        %get3A_363 = arith.constant 16 : index
        %get3A_364 = tpu.vector_load %arg13[%get3A_362, %get3A_363] {strides = array<i32>} : memref<80x128xf32, #tpu.memory_space<vmem>>, vector<1x16xf32>,
        %get3A_365 = vector.shape_cast %get3A_364 : vector<1x16xf32> to vector<16xf32>
        %add3A_366 = arith.addf %get3A_361, %get3A_365 : vector<16xf32>
        %mul3A_367 = vector.broadcast %add3A_341 : f32 to vector<16xf32>
        %mul3A_368 = arith.mulf %mul3A_367, %get3A_7 : vector<16xf32>
        %add3A_369 = arith.addf %add3A_366, %mul3A_368 : vector<16xf32>
        %swap3A_370 = arith.index_cast %scan3A_325 : i32 to index
        %swap3A_371 = arith.constant 16 : index
        %swap3A_372 = tpu.vector_load %arg19[%swap3A_370, %swap3A_371] {strides = array<i32>} : memref<80x128xf32, #tpu.memory_space<vmem>>, vector<1x16xf32>,
        %swap3A_373 = vector.shape_cast %swap3A_372 : vector<1x16xf32> to vector<16xf32>
        %swap3A_374 = vector.shape_cast %add3A_369 : vector<16xf32> to vector<1x16xf32>
        tpu.vector_store %arg19[%swap3A_370, %swap3A_371], %swap3A_374 {strides = array<i32>} : memref<80x128xf32, #tpu.memory_space<vmem>>, vector<1x16xf32>,
        %get3A_375 = arith.index_cast %scan3A_325 : i32 to index
        %get3A_376 = arith.constant 32 : index
        %get3A_377 = tpu.vector_load %arg11[%get3A_375, %get3A_376] {strides = array<i32>} : memref<80x128xf32, #tpu.memory_space<vmem>>, vector<1x16xf32>,
        %get3A_378 = vector.shape_cast %get3A_377 : vector<1x16xf32> to vector<16xf32>
        %get3A_379 = arith.index_cast %scan3A_325 : i32 to index
        %get3A_380 = arith.constant 32 : index
        %get3A_381 = tpu.vector_load %arg13[%get3A_379, %get3A_380] {strides = array<i32>} : memref<80x128xf32, #tpu.memory_space<vmem>>, vector<1x16xf32>,
        %get3A_382 = vector.shape_cast %get3A_381 : vector<1x16xf32> to vector<16xf32>
        %add3A_383 = arith.addf %get3A_378, %get3A_382 : vector<16xf32>
        %mul3A_384 = vector.broadcast %add3A_341 : f32 to vector<16xf32>
        %mul3A_385 = arith.mulf %mul3A_384, %get3A_10 : vector<16xf32>
        %add3A_386 = arith.addf %add3A_383, %mul3A_385 : vector<16xf32>
        %swap3A_387 = arith.index_cast %scan3A_325 : i32 to index
        %swap3A_388 = arith.constant 32 : index
        %swap3A_389 = tpu.vector_load %arg19[%swap3A_387, %swap3A_388] {strides = array<i32>} : memref<80x128xf32, #tpu.memory_space<vmem>>, vector<1x16xf32>,
        %swap3A_390 = vector.shape_cast %swap3A_389 : vector<1x16xf32> to vector<16xf32>
        %swap3A_391 = vector.shape_cast %add3A_386 : vector<16xf32> to vector<1x16xf32>
        tpu.vector_store %arg19[%swap3A_387, %swap3A_388], %swap3A_391 {strides = array<i32>} : memref<80x128xf32, #tpu.memory_space<vmem>>, vector<1x16xf32>,
        %get3A_392 = arith.index_cast %scan3A_325 : i32 to index
        %get3A_393 = arith.constant 48 : index
        %get3A_394 = tpu.vector_load %arg11[%get3A_392, %get3A_393] {strides = array<i32>} : memref<80x128xf32, #tpu.memory_space<vmem>>, vector<1x16xf32>,
        %get3A_395 = vector.shape_cast %get3A_394 : vector<1x16xf32> to vector<16xf32>
        %get3A_396 = arith.index_cast %scan3A_325 : i32 to index
        %get3A_397 = arith.constant 48 : index
        %get3A_398 = tpu.vector_load %arg13[%get3A_396, %get3A_397] {strides = array<i32>} : memref<80x128xf32, #tpu.memory_space<vmem>>, vector<1x16xf32>,
        %get3A_399 = vector.shape_cast %get3A_398 : vector<1x16xf32> to vector<16xf32>
        %add3A_400 = arith.addf %get3A_395, %get3A_399 : vector<16xf32>
        %mul3A_401 = vector.broadcast %add3A_341 : f32 to vector<16xf32>
        %mul3A_402 = arith.mulf %mul3A_401, %get3A_13 : vector<16xf32>
        %add3A_403 = arith.addf %add3A_400, %mul3A_402 : vector<16xf32>
        %swap3A_404 = arith.index_cast %scan3A_325 : i32 to index
        %swap3A_405 = arith.constant 48 : index
        %swap3A_406 = tpu.vector_load %arg19[%swap3A_404, %swap3A_405] {strides = array<i32>} : memref<80x128xf32, #tpu.memory_space<vmem>>, vector<1x16xf32>,
        %swap3A_407 = vector.shape_cast %swap3A_406 : vector<1x16xf32> to vector<16xf32>
        %swap3A_408 = vector.shape_cast %add3A_403 : vector<16xf32> to vector<1x16xf32>
        tpu.vector_store %arg19[%swap3A_404, %swap3A_405], %swap3A_408 {strides = array<i32>} : memref<80x128xf32, #tpu.memory_space<vmem>>, vector<1x16xf32>,
        %get3A_409 = arith.index_cast %scan3A_325 : i32 to index
        %get3A_410 = arith.constant 64 : index
        %get3A_411 = tpu.vector_load %arg11[%get3A_409, %get3A_410] {strides = array<i32>} : memref<80x128xf32, #tpu.memory_space<vmem>>, vector<1x16xf32>,
        %get3A_412 = vector.shape_cast %get3A_411 : vector<1x16xf32> to vector<16xf32>
        %get3A_413 = arith.index_cast %scan3A_325 : i32 to index
        %get3A_414 = arith.constant 64 : index
        %get3A_415 = tpu.vector_load %arg13[%get3A_413, %get3A_414] {strides = array<i32>} : memref<80x128xf32, #tpu.memory_space<vmem>>, vector<1x16xf32>,
        %get3A_416 = vector.shape_cast %get3A_415 : vector<1x16xf32> to vector<16xf32>
        %add3A_417 = arith.addf %get3A_412, %get3A_416 : vector<16xf32>
        %mul3A_418 = vector.broadcast %add3A_341 : f32 to vector<16xf32>
        %mul3A_419 = arith.mulf %mul3A_418, %get3A_16 : vector<16xf32>
        %add3A_420 = arith.addf %add3A_417, %mul3A_419 : vector<16xf32>
        %swap3A_421 = arith.index_cast %scan3A_325 : i32 to index
        %swap3A_422 = arith.constant 64 : index
        %swap3A_423 = tpu.vector_load %arg19[%swap3A_421, %swap3A_422] {strides = array<i32>} : memref<80x128xf32, #tpu.memory_space<vmem>>, vector<1x16xf32>,
        %swap3A_424 = vector.shape_cast %swap3A_423 : vector<1x16xf32> to vector<16xf32>
        %swap3A_425 = vector.shape_cast %add3A_420 : vector<16xf32> to vector<1x16xf32>
        tpu.vector_store %arg19[%swap3A_421, %swap3A_422], %swap3A_425 {strides = array<i32>} : memref<80x128xf32, #tpu.memory_space<vmem>>, vector<1x16xf32>,
        %get3A_426 = arith.index_cast %scan3A_325 : i32 to index
        %get3A_427 = arith.constant 80 : index
        %get3A_428 = tpu.vector_load %arg11[%get3A_426, %get3A_427] {strides = array<i32>} : memref<80x128xf32, #tpu.memory_space<vmem>>, vector<1x16xf32>,
        %get3A_429 = vector.shape_cast %get3A_428 : vector<1x16xf32> to vector<16xf32>
        %get3A_430 = arith.index_cast %scan3A_325 : i32 to index
        %get3A_431 = arith.constant 80 : index
        %get3A_432 = tpu.vector_load %arg13[%get3A_430, %get3A_431] {strides = array<i32>} : memref<80x128xf32, #tpu.memory_space<vmem>>, vector<1x16xf32>,
        %get3A_433 = vector.shape_cast %get3A_432 : vector<1x16xf32> to vector<16xf32>
        %add3A_434 = arith.addf %get3A_429, %get3A_433 : vector<16xf32>
        %mul3A_435 = vector.broadcast %add3A_341 : f32 to vector<16xf32>
        %mul3A_436 = arith.mulf %mul3A_435, %get3A_19 : vector<16xf32>
        %add3A_437 = arith.addf %add3A_434, %mul3A_436 : vector<16xf32>
        %swap3A_438 = arith.index_cast %scan3A_325 : i32 to index
        %swap3A_439 = arith.constant 80 : index
        %swap3A_440 = tpu.vector_load %arg19[%swap3A_438, %swap3A_439] {strides = array<i32>} : memref<80x128xf32, #tpu.memory_space<vmem>>, vector<1x16xf32>,
        %swap3A_441 = vector.shape_cast %swap3A_440 : vector<1x16xf32> to vector<16xf32>
        %swap3A_442 = vector.shape_cast %add3A_437 : vector<16xf32> to vector<1x16xf32>
        tpu.vector_store %arg19[%swap3A_438, %swap3A_439], %swap3A_442 {strides = array<i32>} : memref<80x128xf32, #tpu.memory_space<vmem>>, vector<1x16xf32>,
        %get3A_443 = arith.index_cast %scan3A_325 : i32 to index
        %get3A_444 = arith.constant 96 : index
        %get3A_445 = tpu.vector_load %arg11[%get3A_443, %get3A_444] {strides = array<i32>} : memref<80x128xf32, #tpu.memory_space<vmem>>, vector<1x16xf32>,
        %get3A_446 = vector.shape_cast %get3A_445 : vector<1x16xf32> to vector<16xf32>
        %get3A_447 = arith.index_cast %scan3A_325 : i32 to index
        %get3A_448 = arith.constant 96 : index
        %get3A_449 = tpu.vector_load %arg13[%get3A_447, %get3A_448] {strides = array<i32>} : memref<80x128xf32, #tpu.memory_space<vmem>>, vector<1x16xf32>,
        %get3A_450 = vector.shape_cast %get3A_449 : vector<1x16xf32> to vector<16xf32>
        %add3A_451 = arith.addf %get3A_446, %get3A_450 : vector<16xf32>
        %mul3A_452 = vector.broadcast %add3A_341 : f32 to vector<16xf32>
        %mul3A_453 = arith.mulf %mul3A_452, %get3A_22 : vector<16xf32>
        %add3A_454 = arith.addf %add3A_451, %mul3A_453 : vector<16xf32>
        %swap3A_455 = arith.index_cast %scan3A_325 : i32 to index
        %swap3A_456 = arith.constant 96 : index
        %swap3A_457 = tpu.vector_load %arg19[%swap3A_455, %swap3A_456] {strides = array<i32>} : memref<80x128xf32, #tpu.memory_space<vmem>>, vector<1x16xf32>,
        %swap3A_458 = vector.shape_cast %swap3A_457 : vector<1x16xf32> to vector<16xf32>
        %swap3A_459 = vector.shape_cast %add3A_454 : vector<16xf32> to vector<1x16xf32>
        tpu.vector_store %arg19[%swap3A_455, %swap3A_456], %swap3A_459 {strides = array<i32>} : memref<80x128xf32, #tpu.memory_space<vmem>>, vector<1x16xf32>,
        %get3A_460 = arith.index_cast %scan3A_325 : i32 to index
        %get3A_461 = arith.constant 112 : index
        %get3A_462 = tpu.vector_load %arg11[%get3A_460, %get3A_461] {strides = array<i32>} : memref<80x128xf32, #tpu.memory_space<vmem>>, vector<1x16xf32>,
        %get3A_463 = vector.shape_cast %get3A_462 : vector<1x16xf32> to vector<16xf32>
        %get3A_464 = arith.index_cast %scan3A_325 : i32 to index
        %get3A_465 = arith.constant 112 : index
        %get3A_466 = tpu.vector_load %arg13[%get3A_464, %get3A_465] {strides = array<i32>} : memref<80x128xf32, #tpu.memory_space<vmem>>, vector<1x16xf32>,
        %get3A_467 = vector.shape_cast %get3A_466 : vector<1x16xf32> to vector<16xf32>
        %add3A_468 = arith.addf %get3A_463, %get3A_467 : vector<16xf32>
        %mul3A_469 = vector.broadcast %add3A_341 : f32 to vector<16xf32>
        %mul3A_470 = arith.mulf %mul3A_469, %get3A_25 : vector<16xf32>
        %add3A_471 = arith.addf %add3A_468, %mul3A_470 : vector<16xf32>
        %swap3A_472 = arith.index_cast %scan3A_325 : i32 to index
        %swap3A_473 = arith.constant 112 : index
        %swap3A_474 = tpu.vector_load %arg19[%swap3A_472, %swap3A_473] {strides = array<i32>} : memref<80x128xf32, #tpu.memory_space<vmem>>, vector<1x16xf32>,
        %swap3A_475 = vector.shape_cast %swap3A_474 : vector<1x16xf32> to vector<16xf32>
        %swap3A_476 = vector.shape_cast %add3A_471 : vector<16xf32> to vector<1x16xf32>
        tpu.vector_store %arg19[%swap3A_472, %swap3A_473], %swap3A_476 {strides = array<i32>} : memref<80x128xf32, #tpu.memory_space<vmem>>, vector<1x16xf32>,
        %scan3A_477 = arith.constant 0 : i32
        scf.yield %scan3A_477 : i32
      }
      %scan3A_218 = arith.constant 80 : i32
      %mul3A_219 = arith.constant 80 : i32
      %mul3A_220 = arith.muli %add3A_185, %mul3A_219 : i32
      %add3A_221 = arith.addi %mul3A_2, %mul3A_220 : i32
      %dma_start3A_222 = arith.constant 0 : i32
      %dma_start3A_223 = tpu.memref_slice %arg8[%add3A_221, %dma_start3A_222] : memref<179200x128xf32, #tpu.memory_space<hbm>> -> memref<80x128xf32, #tpu.memory_space<hbm>>
      %dma_start3A_224 = arith.constant 0 : i32
      %dma_start3A_225 = tpu.memref_slice %arg8[%add3A_221, %dma_start3A_224] : memref<179200x128xf32, #tpu.memory_space<hbm>> -> memref<80x128xf32, #tpu.memory_space<hbm>>
      tpu.enqueue_dma source(%arg19 : memref<80x128xf32, #tpu.memory_space<vmem>>) target(%dma_start3A_225 : memref<80x128xf32, #tpu.memory_space<hbm>>) target_semaphore(%arg23 : memref<!tpu.dma_semaphore, #tpu.memory_space<semaphore_mem>>)
      %add3A_226 = arith.constant 2 : i32
      %add3A_227 = arith.addi %add3A_185, %add3A_226 : i32
      %dma_start3A_228 = arith.constant 0 : i32
      %dma_start3A_229 = tpu.memref_slice %arg9[%add3A_227, %dma_start3A_228] : memref<70x80xi32, #tpu.memory_space<vmem>> -> memref<1x80xi32, #tpu.memory_space<vmem>>
      %dma_start3A_230 = tpu.memref_squeeze %dma_start3A_229 : memref<1x80xi32, #tpu.memory_space<vmem>> -> memref<80xi32, #tpu.memory_space<vmem>>
      %dma_start3A_231 = arith.constant 0 : i32
      %dma_start3A_232 = arith.constant 0 : i32
      %dma_start3A_233 = tpu.memref_slice %arg2[%dma_start3A_231, %dma_start3A_232] : memref<10000x128xf32, #tpu.memory_space<hbm>> -> memref<10000x128xf32, #tpu.memory_space<hbm>>
      tpu.enqueue_indirect_dma source(%dma_start3A_233 : memref<10000x128xf32, #tpu.memory_space<hbm>>) target(%arg11 : memref<80x128xf32, #tpu.memory_space<vmem>>) offsets(%dma_start3A_230 : memref<80xi32, #tpu.memory_space<vmem>>) semaphore(%arg21 : memref<!tpu.dma_semaphore, #tpu.memory_space<semaphore_mem>>)
      %dma_start3A_234 = arith.constant 0 : i32
      %dma_start3A_235 = tpu.memref_slice %arg10[%add3A_227, %dma_start3A_234] : memref<70x80xi32, #tpu.memory_space<vmem>> -> memref<1x80xi32, #tpu.memory_space<vmem>>
      %dma_start3A_236 = tpu.memref_squeeze %dma_start3A_235 : memref<1x80xi32, #tpu.memory_space<vmem>> -> memref<80xi32, #tpu.memory_space<vmem>>
      %dma_start3A_237 = arith.constant 0 : i32
      %dma_start3A_238 = arith.constant 0 : i32
      %dma_start3A_239 = tpu.memref_slice %arg3[%dma_start3A_237, %dma_start3A_238] : memref<10000x128xf32, #tpu.memory_space<hbm>> -> memref<10000x128xf32, #tpu.memory_space<hbm>>
      tpu.enqueue_indirect_dma source(%dma_start3A_239 : memref<10000x128xf32, #tpu.memory_space<hbm>>) target(%arg13 : memref<80x128xf32, #tpu.memory_space<vmem>>) offsets(%dma_start3A_236 : memref<80xi32, #tpu.memory_space<vmem>>) semaphore(%arg21 : memref<!tpu.dma_semaphore, #tpu.memory_space<semaphore_mem>>)
      %dma_start3A_240 = arith.constant 0 : i32
      %dma_start3A_241 = tpu.memref_slice %arg9[%add3A_227, %dma_start3A_240] : memref<70x80xi32, #tpu.memory_space<vmem>> -> memref<1x80xi32, #tpu.memory_space<vmem>>
      %dma_start3A_242 = tpu.memref_squeeze %dma_start3A_241 : memref<1x80xi32, #tpu.memory_space<vmem>> -> memref<80xi32, #tpu.memory_space<vmem>>
      %dma_start3A_243 = arith.constant 0 : i32
      %dma_start3A_244 = arith.constant 0 : i32
      %dma_start3A_245 = tpu.memref_slice %arg4[%dma_start3A_243, %dma_start3A_244] : memref<10000x128xf32, #tpu.memory_space<hbm>> -> memref<10000x128xf32, #tpu.memory_space<hbm>>
      tpu.enqueue_indirect_dma source(%dma_start3A_245 : memref<10000x128xf32, #tpu.memory_space<hbm>>) target(%arg15 : memref<80x128xf32, #tpu.memory_space<vmem>>) offsets(%dma_start3A_242 : memref<80xi32, #tpu.memory_space<vmem>>) semaphore(%arg21 : memref<!tpu.dma_semaphore, #tpu.memory_space<semaphore_mem>>)
      %dma_start3A_246 = arith.constant 0 : i32
      %dma_start3A_247 = tpu.memref_slice %arg10[%add3A_227, %dma_start3A_246] : memref<70x80xi32, #tpu.memory_space<vmem>> -> memref<1x80xi32, #tpu.memory_space<vmem>>
      %dma_start3A_248 = tpu.memref_squeeze %dma_start3A_247 : memref<1x80xi32, #tpu.memory_space<vmem>> -> memref<80xi32, #tpu.memory_space<vmem>>
      %dma_start3A_249 = arith.constant 0 : i32
      %dma_start3A_250 = arith.constant 0 : i32
      %dma_start3A_251 = tpu.memref_slice %arg4[%dma_start3A_249, %dma_start3A_250] : memref<10000x128xf32, #tpu.memory_space<hbm>> -> memref<10000x128xf32, #tpu.memory_space<hbm>>
      tpu.enqueue_indirect_dma source(%dma_start3A_251 : memref<10000x128xf32, #tpu.memory_space<hbm>>) target(%arg17 : memref<80x128xf32, #tpu.memory_space<vmem>>) offsets(%dma_start3A_248 : memref<80xi32, #tpu.memory_space<vmem>>) semaphore(%arg21 : memref<!tpu.dma_semaphore, #tpu.memory_space<semaphore_mem>>)
      %mul3A_252 = arith.constant 2 : i32
      %mul3A_253 = arith.muli %mul3A_252, %scan3A_180 : i32
      %add3A_254 = arith.constant 1 : i32
      %add3A_255 = arith.addi %mul3A_253, %add3A_254 : i32
      %dma_wait3A_256 = arith.constant 0 : i32
      %dma_wait3A_257 = tpu.memref_slice %arg9[%add3A_255, %dma_wait3A_256] : memref<70x80xi32, #tpu.memory_space<vmem>> -> memref<1x80xi32, #tpu.memory_space<vmem>>
      %dma_wait3A_258 = tpu.memref_squeeze %dma_wait3A_257 : memref<1x80xi32, #tpu.memory_space<vmem>> -> memref<80xi32, #tpu.memory_space<vmem>>
      %dma_wait3A_259 = arith.constant 0 : i32
      %dma_wait3A_260 = arith.constant 0 : i32
      %dma_wait3A_261 = tpu.memref_slice %arg2[%dma_wait3A_259, %dma_wait3A_260] : memref<10000x128xf32, #tpu.memory_space<hbm>> -> memref<10000x128xf32, #tpu.memory_space<hbm>>
      tpu.wait_indirect_dma semaphore(%arg22 : memref<!tpu.dma_semaphore, #tpu.memory_space<semaphore_mem>>) src(%dma_wait3A_261 : memref<10000x128xf32, #tpu.memory_space<hbm>>) dst(%arg12 : memref<80x128xf32, #tpu.memory_space<vmem>>)
      %dma_wait3A_262 = arith.constant 0 : i32
      %dma_wait3A_263 = tpu.memref_slice %arg9[%add3A_255, %dma_wait3A_262] : memref<70x80xi32, #tpu.memory_space<vmem>> -> memref<1x80xi32, #tpu.memory_space<vmem>>
      %dma_wait3A_264 = tpu.memref_squeeze %dma_wait3A_263 : memref<1x80xi32, #tpu.memory_space<vmem>> -> memref<80xi32, #tpu.memory_space<vmem>>
      %dma_wait3A_265 = arith.constant 0 : i32
      %dma_wait3A_266 = arith.constant 0 : i32
      %dma_wait3A_267 = tpu.memref_slice %arg2[%dma_wait3A_265, %dma_wait3A_266] : memref<10000x128xf32, #tpu.memory_space<hbm>> -> memref<10000x128xf32, #tpu.memory_space<hbm>>
      tpu.wait_indirect_dma semaphore(%arg22 : memref<!tpu.dma_semaphore, #tpu.memory_space<semaphore_mem>>) src(%dma_wait3A_267 : memref<10000x128xf32, #tpu.memory_space<hbm>>) dst(%arg12 : memref<80x128xf32, #tpu.memory_space<vmem>>)
      %dma_wait3A_268 = arith.constant 0 : i32
      %dma_wait3A_269 = tpu.memref_slice %arg9[%add3A_255, %dma_wait3A_268] : memref<70x80xi32, #tpu.memory_space<vmem>> -> memref<1x80xi32, #tpu.memory_space<vmem>>
      %dma_wait3A_270 = tpu.memref_squeeze %dma_wait3A_269 : memref<1x80xi32, #tpu.memory_space<vmem>> -> memref<80xi32, #tpu.memory_space<vmem>>
      %dma_wait3A_271 = arith.constant 0 : i32
      %dma_wait3A_272 = arith.constant 0 : i32
      %dma_wait3A_273 = tpu.memref_slice %arg2[%dma_wait3A_271, %dma_wait3A_272] : memref<10000x128xf32, #tpu.memory_space<hbm>> -> memref<10000x128xf32, #tpu.memory_space<hbm>>
      tpu.wait_indirect_dma semaphore(%arg22 : memref<!tpu.dma_semaphore, #tpu.memory_space<semaphore_mem>>) src(%dma_wait3A_273 : memref<10000x128xf32, #tpu.memory_space<hbm>>) dst(%arg12 : memref<80x128xf32, #tpu.memory_space<vmem>>)
      %dma_wait3A_274 = arith.constant 0 : i32
      %dma_wait3A_275 = tpu.memref_slice %arg9[%add3A_255, %dma_wait3A_274] : memref<70x80xi32, #tpu.memory_space<vmem>> -> memref<1x80xi32, #tpu.memory_space<vmem>>
      %dma_wait3A_276 = tpu.memref_squeeze %dma_wait3A_275 : memref<1x80xi32, #tpu.memory_space<vmem>> -> memref<80xi32, #tpu.memory_space<vmem>>
      %dma_wait3A_277 = arith.constant 0 : i32
      %dma_wait3A_278 = arith.constant 0 : i32
      %dma_wait3A_279 = tpu.memref_slice %arg2[%dma_wait3A_277, %dma_wait3A_278] : memref<10000x128xf32, #tpu.memory_space<hbm>> -> memref<10000x128xf32, #tpu.memory_space<hbm>>
      tpu.wait_indirect_dma semaphore(%arg22 : memref<!tpu.dma_semaphore, #tpu.memory_space<semaphore_mem>>) src(%dma_wait3A_279 : memref<10000x128xf32, #tpu.memory_space<hbm>>) dst(%arg12 : memref<80x128xf32, #tpu.memory_space<vmem>>)
      %dma_wait3A_280 = arith.constant 0 : i32
      %dma_wait3A_281 = tpu.memref_slice %arg8[%mul3A_2, %dma_wait3A_280] : memref<179200x128xf32, #tpu.memory_space<hbm>> -> memref<80x128xf32, #tpu.memory_space<hbm>>
      %dma_wait3A_282 = arith.constant 0 : i32
      %dma_wait3A_283 = tpu.memref_slice %arg8[%mul3A_2, %dma_wait3A_282] : memref<179200x128xf32, #tpu.memory_space<hbm>> -> memref<80x128xf32, #tpu.memory_space<hbm>>
      tpu.wait_dma2 semaphore(%arg23 : memref<!tpu.dma_semaphore, #tpu.memory_space<semaphore_mem>>) src(%arg19 : memref<80x128xf32, #tpu.memory_space<vmem>>) dst(%dma_wait3A_283 : memref<80x128xf32, #tpu.memory_space<hbm>>)
      %scan3A_284 = arith.constant 0 : i32
      %scan3A_285 = arith.constant 0 : i32
      %scan3A_286 = arith.constant 80 : i32
      %scan3A_287 = arith.addi %scan3A_285, %scan3A_286 : i32
      %scan3A_288 = arith.constant 1 : i32
      %scan3A_289 = scf.for %scan3A_325 = %scan3A_285 to %scan3A_287 step %scan3A_288 iter_args(%scan3A_326 = %scan3A_284) -> (i32)  : i32 {
        %get3A_327 = arith.index_cast %scan3A_325 : i32 to index
        %get3A_328 = arith.constant 0 : index
        %get3A_329 = tpu.vector_load %arg16[%get3A_327, %get3A_328] {strides = array<i32>} : memref<80x128xf32, #tpu.memory_space<vmem>>, vector<1x16xf32>,
        %get3A_330 = vector.shape_cast %get3A_329 : vector<1x16xf32> to vector<16xf32>
        %get3A_331 = arith.index_cast %scan3A_325 : i32 to index
        %get3A_332 = arith.constant 0 : index
        %get3A_333 = tpu.vector_load %arg18[%get3A_331, %get3A_332] {strides = array<i32>} : memref<80x128xf32, #tpu.memory_space<vmem>>, vector<1x16xf32>,
        %get3A_334 = vector.shape_cast %get3A_333 : vector<1x16xf32> to vector<16xf32>
        %mul3A_335 = arith.mulf %get3A_330, %get3A_334 : vector<16xf32>
        %slice3A = vector.extract_strided_slice %mul3A_335 {offsets = [0], sizes = [1], strides = [1]} : vector<16xf32> to vector<1xf32>
        %squeeze3A = vector.extract %slice3A[0] : f32 from vector<1xf32>
        %slice3A_336 = vector.extract_strided_slice %mul3A_335 {offsets = [1], sizes = [1], strides = [1]} : vector<16xf32> to vector<1xf32>
        %squeeze3A_337 = vector.extract %slice3A_336[0] : f32 from vector<1xf32>
        %add3A_338 = arith.addf %squeeze3A, %squeeze3A_337 : f32
        %slice3A_339 = vector.extract_strided_slice %mul3A_335 {offsets = [2], sizes = [1], strides = [1]} : vector<16xf32> to vector<1xf32>
        %squeeze3A_340 = vector.extract %slice3A_339[0] : f32 from vector<1xf32>
        %add3A_341 = arith.addf %add3A_338, %squeeze3A_340 : f32
        %get3A_342 = arith.index_cast %scan3A_325 : i32 to index
        %get3A_343 = arith.constant 0 : index
        %get3A_344 = tpu.vector_load %arg12[%get3A_342, %get3A_343] {strides = array<i32>} : memref<80x128xf32, #tpu.memory_space<vmem>>, vector<1x16xf32>,
        %get3A_345 = vector.shape_cast %get3A_344 : vector<1x16xf32> to vector<16xf32>
        %get3A_346 = arith.index_cast %scan3A_325 : i32 to index
        %get3A_347 = arith.constant 0 : index
        %get3A_348 = tpu.vector_load %arg14[%get3A_346, %get3A_347] {strides = array<i32>} : memref<80x128xf32, #tpu.memory_space<vmem>>, vector<1x16xf32>,
        %get3A_349 = vector.shape_cast %get3A_348 : vector<1x16xf32> to vector<16xf32>
        %add3A_350 = arith.addf %get3A_345, %get3A_349 : vector<16xf32>
        %mul3A_351 = vector.broadcast %add3A_341 : f32 to vector<16xf32>
        %mul3A_352 = arith.mulf %mul3A_351, %get3A_4 : vector<16xf32>
        %add3A_353 = arith.addf %add3A_350, %mul3A_352 : vector<16xf32>
        %swap3A = arith.index_cast %scan3A_325 : i32 to index
        %swap3A_354 = arith.constant 0 : index
        %swap3A_355 = tpu.vector_load %arg19[%swap3A, %swap3A_354] {strides = array<i32>} : memref<80x128xf32, #tpu.memory_space<vmem>>, vector<1x16xf32>,
        %swap3A_356 = vector.shape_cast %swap3A_355 : vector<1x16xf32> to vector<16xf32>
        %swap3A_357 = vector.shape_cast %add3A_353 : vector<16xf32> to vector<1x16xf32>
        tpu.vector_store %arg19[%swap3A, %swap3A_354], %swap3A_357 {strides = array<i32>} : memref<80x128xf32, #tpu.memory_space<vmem>>, vector<1x16xf32>,
        %get3A_358 = arith.index_cast %scan3A_325 : i32 to index
        %get3A_359 = arith.constant 16 : index
        %get3A_360 = tpu.vector_load %arg12[%get3A_358, %get3A_359] {strides = array<i32>} : memref<80x128xf32, #tpu.memory_space<vmem>>, vector<1x16xf32>,
        %get3A_361 = vector.shape_cast %get3A_360 : vector<1x16xf32> to vector<16xf32>
        %get3A_362 = arith.index_cast %scan3A_325 : i32 to index
        %get3A_363 = arith.constant 16 : index
        %get3A_364 = tpu.vector_load %arg14[%get3A_362, %get3A_363] {strides = array<i32>} : memref<80x128xf32, #tpu.memory_space<vmem>>, vector<1x16xf32>,
        %get3A_365 = vector.shape_cast %get3A_364 : vector<1x16xf32> to vector<16xf32>
        %add3A_366 = arith.addf %get3A_361, %get3A_365 : vector<16xf32>
        %mul3A_367 = vector.broadcast %add3A_341 : f32 to vector<16xf32>
        %mul3A_368 = arith.mulf %mul3A_367, %get3A_7 : vector<16xf32>
        %add3A_369 = arith.addf %add3A_366, %mul3A_368 : vector<16xf32>
        %swap3A_370 = arith.index_cast %scan3A_325 : i32 to index
        %swap3A_371 = arith.constant 16 : index
        %swap3A_372 = tpu.vector_load %arg19[%swap3A_370, %swap3A_371] {strides = array<i32>} : memref<80x128xf32, #tpu.memory_space<vmem>>, vector<1x16xf32>,
        %swap3A_373 = vector.shape_cast %swap3A_372 : vector<1x16xf32> to vector<16xf32>
        %swap3A_374 = vector.shape_cast %add3A_369 : vector<16xf32> to vector<1x16xf32>
        tpu.vector_store %arg19[%swap3A_370, %swap3A_371], %swap3A_374 {strides = array<i32>} : memref<80x128xf32, #tpu.memory_space<vmem>>, vector<1x16xf32>,
        %get3A_375 = arith.index_cast %scan3A_325 : i32 to index
        %get3A_376 = arith.constant 32 : index
        %get3A_377 = tpu.vector_load %arg12[%get3A_375, %get3A_376] {strides = array<i32>} : memref<80x128xf32, #tpu.memory_space<vmem>>, vector<1x16xf32>,
        %get3A_378 = vector.shape_cast %get3A_377 : vector<1x16xf32> to vector<16xf32>
        %get3A_379 = arith.index_cast %scan3A_325 : i32 to index
        %get3A_380 = arith.constant 32 : index
        %get3A_381 = tpu.vector_load %arg14[%get3A_379, %get3A_380] {strides = array<i32>} : memref<80x128xf32, #tpu.memory_space<vmem>>, vector<1x16xf32>,
        %get3A_382 = vector.shape_cast %get3A_381 : vector<1x16xf32> to vector<16xf32>
        %add3A_383 = arith.addf %get3A_378, %get3A_382 : vector<16xf32>
        %mul3A_384 = vector.broadcast %add3A_341 : f32 to vector<16xf32>
        %mul3A_385 = arith.mulf %mul3A_384, %get3A_10 : vector<16xf32>
        %add3A_386 = arith.addf %add3A_383, %mul3A_385 : vector<16xf32>
        %swap3A_387 = arith.index_cast %scan3A_325 : i32 to index
        %swap3A_388 = arith.constant 32 : index
        %swap3A_389 = tpu.vector_load %arg19[%swap3A_387, %swap3A_388] {strides = array<i32>} : memref<80x128xf32, #tpu.memory_space<vmem>>, vector<1x16xf32>,
        %swap3A_390 = vector.shape_cast %swap3A_389 : vector<1x16xf32> to vector<16xf32>
        %swap3A_391 = vector.shape_cast %add3A_386 : vector<16xf32> to vector<1x16xf32>
        tpu.vector_store %arg19[%swap3A_387, %swap3A_388], %swap3A_391 {strides = array<i32>} : memref<80x128xf32, #tpu.memory_space<vmem>>, vector<1x16xf32>,
        %get3A_392 = arith.index_cast %scan3A_325 : i32 to index
        %get3A_393 = arith.constant 48 : index
        %get3A_394 = tpu.vector_load %arg12[%get3A_392, %get3A_393] {strides = array<i32>} : memref<80x128xf32, #tpu.memory_space<vmem>>, vector<1x16xf32>,
        %get3A_395 = vector.shape_cast %get3A_394 : vector<1x16xf32> to vector<16xf32>
        %get3A_396 = arith.index_cast %scan3A_325 : i32 to index
        %get3A_397 = arith.constant 48 : index
        %get3A_398 = tpu.vector_load %arg14[%get3A_396, %get3A_397] {strides = array<i32>} : memref<80x128xf32, #tpu.memory_space<vmem>>, vector<1x16xf32>,
        %get3A_399 = vector.shape_cast %get3A_398 : vector<1x16xf32> to vector<16xf32>
        %add3A_400 = arith.addf %get3A_395, %get3A_399 : vector<16xf32>
        %mul3A_401 = vector.broadcast %add3A_341 : f32 to vector<16xf32>
        %mul3A_402 = arith.mulf %mul3A_401, %get3A_13 : vector<16xf32>
        %add3A_403 = arith.addf %add3A_400, %mul3A_402 : vector<16xf32>
        %swap3A_404 = arith.index_cast %scan3A_325 : i32 to index
        %swap3A_405 = arith.constant 48 : index
        %swap3A_406 = tpu.vector_load %arg19[%swap3A_404, %swap3A_405] {strides = array<i32>} : memref<80x128xf32, #tpu.memory_space<vmem>>, vector<1x16xf32>,
        %swap3A_407 = vector.shape_cast %swap3A_406 : vector<1x16xf32> to vector<16xf32>
        %swap3A_408 = vector.shape_cast %add3A_403 : vector<16xf32> to vector<1x16xf32>
        tpu.vector_store %arg19[%swap3A_404, %swap3A_405], %swap3A_408 {strides = array<i32>} : memref<80x128xf32, #tpu.memory_space<vmem>>, vector<1x16xf32>,
        %get3A_409 = arith.index_cast %scan3A_325 : i32 to index
        %get3A_410 = arith.constant 64 : index
        %get3A_411 = tpu.vector_load %arg12[%get3A_409, %get3A_410] {strides = array<i32>} : memref<80x128xf32, #tpu.memory_space<vmem>>, vector<1x16xf32>,
        %get3A_412 = vector.shape_cast %get3A_411 : vector<1x16xf32> to vector<16xf32>
        %get3A_413 = arith.index_cast %scan3A_325 : i32 to index
        %get3A_414 = arith.constant 64 : index
        %get3A_415 = tpu.vector_load %arg14[%get3A_413, %get3A_414] {strides = array<i32>} : memref<80x128xf32, #tpu.memory_space<vmem>>, vector<1x16xf32>,
        %get3A_416 = vector.shape_cast %get3A_415 : vector<1x16xf32> to vector<16xf32>
        %add3A_417 = arith.addf %get3A_412, %get3A_416 : vector<16xf32>
        %mul3A_418 = vector.broadcast %add3A_341 : f32 to vector<16xf32>
        %mul3A_419 = arith.mulf %mul3A_418, %get3A_16 : vector<16xf32>
        %add3A_420 = arith.addf %add3A_417, %mul3A_419 : vector<16xf32>
        %swap3A_421 = arith.index_cast %scan3A_325 : i32 to index
        %swap3A_422 = arith.constant 64 : index
        %swap3A_423 = tpu.vector_load %arg19[%swap3A_421, %swap3A_422] {strides = array<i32>} : memref<80x128xf32, #tpu.memory_space<vmem>>, vector<1x16xf32>,
        %swap3A_424 = vector.shape_cast %swap3A_423 : vector<1x16xf32> to vector<16xf32>
        %swap3A_425 = vector.shape_cast %add3A_420 : vector<16xf32> to vector<1x16xf32>
        tpu.vector_store %arg19[%swap3A_421, %swap3A_422], %swap3A_425 {strides = array<i32>} : memref<80x128xf32, #tpu.memory_space<vmem>>, vector<1x16xf32>,
        %get3A_426 = arith.index_cast %scan3A_325 : i32 to index
        %get3A_427 = arith.constant 80 : index
        %get3A_428 = tpu.vector_load %arg12[%get3A_426, %get3A_427] {strides = array<i32>} : memref<80x128xf32, #tpu.memory_space<vmem>>, vector<1x16xf32>,
        %get3A_429 = vector.shape_cast %get3A_428 : vector<1x16xf32> to vector<16xf32>
        %get3A_430 = arith.index_cast %scan3A_325 : i32 to index
        %get3A_431 = arith.constant 80 : index
        %get3A_432 = tpu.vector_load %arg14[%get3A_430, %get3A_431] {strides = array<i32>} : memref<80x128xf32, #tpu.memory_space<vmem>>, vector<1x16xf32>,
        %get3A_433 = vector.shape_cast %get3A_432 : vector<1x16xf32> to vector<16xf32>
        %add3A_434 = arith.addf %get3A_429, %get3A_433 : vector<16xf32>
        %mul3A_435 = vector.broadcast %add3A_341 : f32 to vector<16xf32>
        %mul3A_436 = arith.mulf %mul3A_435, %get3A_19 : vector<16xf32>
        %add3A_437 = arith.addf %add3A_434, %mul3A_436 : vector<16xf32>
        %swap3A_438 = arith.index_cast %scan3A_325 : i32 to index
        %swap3A_439 = arith.constant 80 : index
        %swap3A_440 = tpu.vector_load %arg19[%swap3A_438, %swap3A_439] {strides = array<i32>} : memref<80x128xf32, #tpu.memory_space<vmem>>, vector<1x16xf32>,
        %swap3A_441 = vector.shape_cast %swap3A_440 : vector<1x16xf32> to vector<16xf32>
        %swap3A_442 = vector.shape_cast %add3A_437 : vector<16xf32> to vector<1x16xf32>
        tpu.vector_store %arg19[%swap3A_438, %swap3A_439], %swap3A_442 {strides = array<i32>} : memref<80x128xf32, #tpu.memory_space<vmem>>, vector<1x16xf32>,
        %get3A_443 = arith.index_cast %scan3A_325 : i32 to index
        %get3A_444 = arith.constant 96 : index
        %get3A_445 = tpu.vector_load %arg12[%get3A_443, %get3A_444] {strides = array<i32>} : memref<80x128xf32, #tpu.memory_space<vmem>>, vector<1x16xf32>,
        %get3A_446 = vector.shape_cast %get3A_445 : vector<1x16xf32> to vector<16xf32>
        %get3A_447 = arith.index_cast %scan3A_325 : i32 to index
        %get3A_448 = arith.constant 96 : index
        %get3A_449 = tpu.vector_load %arg14[%get3A_447, %get3A_448] {strides = array<i32>} : memref<80x128xf32, #tpu.memory_space<vmem>>, vector<1x16xf32>,
        %get3A_450 = vector.shape_cast %get3A_449 : vector<1x16xf32> to vector<16xf32>
        %add3A_451 = arith.addf %get3A_446, %get3A_450 : vector<16xf32>
        %mul3A_452 = vector.broadcast %add3A_341 : f32 to vector<16xf32>
        %mul3A_453 = arith.mulf %mul3A_452, %get3A_22 : vector<16xf32>
        %add3A_454 = arith.addf %add3A_451, %mul3A_453 : vector<16xf32>
        %swap3A_455 = arith.index_cast %scan3A_325 : i32 to index
        %swap3A_456 = arith.constant 96 : index
        %swap3A_457 = tpu.vector_load %arg19[%swap3A_455, %swap3A_456] {strides = array<i32>} : memref<80x128xf32, #tpu.memory_space<vmem>>, vector<1x16xf32>,
        %swap3A_458 = vector.shape_cast %swap3A_457 : vector<1x16xf32> to vector<16xf32>
        %swap3A_459 = vector.shape_cast %add3A_454 : vector<16xf32> to vector<1x16xf32>
        tpu.vector_store %arg19[%swap3A_455, %swap3A_456], %swap3A_459 {strides = array<i32>} : memref<80x128xf32, #tpu.memory_space<vmem>>, vector<1x16xf32>,
        %get3A_460 = arith.index_cast %scan3A_325 : i32 to index
        %get3A_461 = arith.constant 112 : index
        %get3A_462 = tpu.vector_load %arg12[%get3A_460, %get3A_461] {strides = array<i32>} : memref<80x128xf32, #tpu.memory_space<vmem>>, vector<1x16xf32>,
        %get3A_463 = vector.shape_cast %get3A_462 : vector<1x16xf32> to vector<16xf32>
        %get3A_464 = arith.index_cast %scan3A_325 : i32 to index
        %get3A_465 = arith.constant 112 : index
        %get3A_466 = tpu.vector_load %arg14[%get3A_464, %get3A_465] {strides = array<i32>} : memref<80x128xf32, #tpu.memory_space<vmem>>, vector<1x16xf32>,
        %get3A_467 = vector.shape_cast %get3A_466 : vector<1x16xf32> to vector<16xf32>
        %add3A_468 = arith.addf %get3A_463, %get3A_467 : vector<16xf32>
        %mul3A_469 = vector.broadcast %add3A_341 : f32 to vector<16xf32>
        %mul3A_470 = arith.mulf %mul3A_469, %get3A_25 : vector<16xf32>
        %add3A_471 = arith.addf %add3A_468, %mul3A_470 : vector<16xf32>
        %swap3A_472 = arith.index_cast %scan3A_325 : i32 to index
        %swap3A_473 = arith.constant 112 : index
        %swap3A_474 = tpu.vector_load %arg19[%swap3A_472, %swap3A_473] {strides = array<i32>} : memref<80x128xf32, #tpu.memory_space<vmem>>, vector<1x16xf32>,
        %swap3A_475 = vector.shape_cast %swap3A_474 : vector<1x16xf32> to vector<16xf32>
        %swap3A_476 = vector.shape_cast %add3A_471 : vector<16xf32> to vector<1x16xf32>
        tpu.vector_store %arg19[%swap3A_472, %swap3A_473], %swap3A_476 {strides = array<i32>} : memref<80x128xf32, #tpu.memory_space<vmem>>, vector<1x16xf32>,
        %scan3A_477 = arith.constant 0 : i32
        scf.yield %scan3A_477 : i32
      }
      %scan3A_290 = arith.constant 80 : i32
      %mul3A_291 = arith.constant 80 : i32
      %mul3A_292 = arith.muli %add3A_255, %mul3A_291 : i32
      %add3A_293 = arith.addi %mul3A_2, %mul3A_292 : i32
      %dma_start3A_294 = arith.constant 0 : i32
      %dma_start3A_295 = tpu.memref_slice %arg8[%add3A_293, %dma_start3A_294] : memref<179200x128xf32, #tpu.memory_space<hbm>> -> memref<80x128xf32, #tpu.memory_space<hbm>>
      %dma_start3A_296 = arith.constant 0 : i32
      %dma_start3A_297 = tpu.memref_slice %arg8[%add3A_293, %dma_start3A_296] : memref<179200x128xf32, #tpu.memory_space<hbm>> -> memref<80x128xf32, #tpu.memory_space<hbm>>
      tpu.enqueue_dma source(%arg19 : memref<80x128xf32, #tpu.memory_space<vmem>>) target(%dma_start3A_297 : memref<80x128xf32, #tpu.memory_space<hbm>>) target_semaphore(%arg23 : memref<!tpu.dma_semaphore, #tpu.memory_space<semaphore_mem>>)
      %add3A_298 = arith.constant 2 : i32
      %add3A_299 = arith.addi %add3A_255, %add3A_298 : i32
      %dma_start3A_300 = arith.constant 0 : i32
      %dma_start3A_301 = tpu.memref_slice %arg9[%add3A_299, %dma_start3A_300] : memref<70x80xi32, #tpu.memory_space<vmem>> -> memref<1x80xi32, #tpu.memory_space<vmem>>
      %dma_start3A_302 = tpu.memref_squeeze %dma_start3A_301 : memref<1x80xi32, #tpu.memory_space<vmem>> -> memref<80xi32, #tpu.memory_space<vmem>>
      %dma_start3A_303 = arith.constant 0 : i32
      %dma_start3A_304 = arith.constant 0 : i32
      %dma_start3A_305 = tpu.memref_slice %arg2[%dma_start3A_303, %dma_start3A_304] : memref<10000x128xf32, #tpu.memory_space<hbm>> -> memref<10000x128xf32, #tpu.memory_space<hbm>>
      tpu.enqueue_indirect_dma source(%dma_start3A_305 : memref<10000x128xf32, #tpu.memory_space<hbm>>) target(%arg12 : memref<80x128xf32, #tpu.memory_space<vmem>>) offsets(%dma_start3A_302 : memref<80xi32, #tpu.memory_space<vmem>>) semaphore(%arg22 : memref<!tpu.dma_semaphore, #tpu.memory_space<semaphore_mem>>)
      %dma_start3A_306 = arith.constant 0 : i32
      %dma_start3A_307 = tpu.memref_slice %arg10[%add3A_299, %dma_start3A_306] : memref<70x80xi32, #tpu.memory_space<vmem>> -> memref<1x80xi32, #tpu.memory_space<vmem>>
      %dma_start3A_308 = tpu.memref_squeeze %dma_start3A_307 : memref<1x80xi32, #tpu.memory_space<vmem>> -> memref<80xi32, #tpu.memory_space<vmem>>
      %dma_start3A_309 = arith.constant 0 : i32
      %dma_start3A_310 = arith.constant 0 : i32
      %dma_start3A_311 = tpu.memref_slice %arg3[%dma_start3A_309, %dma_start3A_310] : memref<10000x128xf32, #tpu.memory_space<hbm>> -> memref<10000x128xf32, #tpu.memory_space<hbm>>
      tpu.enqueue_indirect_dma source(%dma_start3A_311 : memref<10000x128xf32, #tpu.memory_space<hbm>>) target(%arg14 : memref<80x128xf32, #tpu.memory_space<vmem>>) offsets(%dma_start3A_308 : memref<80xi32, #tpu.memory_space<vmem>>) semaphore(%arg22 : memref<!tpu.dma_semaphore, #tpu.memory_space<semaphore_mem>>)
      %dma_start3A_312 = arith.constant 0 : i32
      %dma_start3A_313 = tpu.memref_slice %arg9[%add3A_299, %dma_start3A_312] : memref<70x80xi32, #tpu.memory_space<vmem>> -> memref<1x80xi32, #tpu.memory_space<vmem>>
      %dma_start3A_314 = tpu.memref_squeeze %dma_start3A_313 : memref<1x80xi32, #tpu.memory_space<vmem>> -> memref<80xi32, #tpu.memory_space<vmem>>
      %dma_start3A_315 = arith.constant 0 : i32
      %dma_start3A_316 = arith.constant 0 : i32
      %dma_start3A_317 = tpu.memref_slice %arg4[%dma_start3A_315, %dma_start3A_316] : memref<10000x128xf32, #tpu.memory_space<hbm>> -> memref<10000x128xf32, #tpu.memory_space<hbm>>
      tpu.enqueue_indirect_dma source(%dma_start3A_317 : memref<10000x128xf32, #tpu.memory_space<hbm>>) target(%arg16 : memref<80x128xf32, #tpu.memory_space<vmem>>) offsets(%dma_start3A_314 : memref<80xi32, #tpu.memory_space<vmem>>) semaphore(%arg22 : memref<!tpu.dma_semaphore, #tpu.memory_space<semaphore_mem>>)
      %dma_start3A_318 = arith.constant 0 : i32
      %dma_start3A_319 = tpu.memref_slice %arg10[%add3A_299, %dma_start3A_318] : memref<70x80xi32, #tpu.memory_space<vmem>> -> memref<1x80xi32, #tpu.memory_space<vmem>>
      %dma_start3A_320 = tpu.memref_squeeze %dma_start3A_319 : memref<1x80xi32, #tpu.memory_space<vmem>> -> memref<80xi32, #tpu.memory_space<vmem>>
      %dma_start3A_321 = arith.constant 0 : i32
      %dma_start3A_322 = arith.constant 0 : i32
      %dma_start3A_323 = tpu.memref_slice %arg4[%dma_start3A_321, %dma_start3A_322] : memref<10000x128xf32, #tpu.memory_space<hbm>> -> memref<10000x128xf32, #tpu.memory_space<hbm>>
      tpu.enqueue_indirect_dma source(%dma_start3A_323 : memref<10000x128xf32, #tpu.memory_space<hbm>>) target(%arg18 : memref<80x128xf32, #tpu.memory_space<vmem>>) offsets(%dma_start3A_320 : memref<80xi32, #tpu.memory_space<vmem>>) semaphore(%arg22 : memref<!tpu.dma_semaphore, #tpu.memory_space<semaphore_mem>>)
      %scan3A_324 = arith.constant 0 : i32
      scf.yield %scan3A_324 : i32
    }
    %scan3A_86 = arith.constant 34 : i32
    %dma_wait3A = arith.constant 68 : i32
    %dma_wait3A_87 = arith.constant 0 : i32
    %dma_wait3A_88 = tpu.memref_slice %arg9[%dma_wait3A, %dma_wait3A_87] : memref<70x80xi32, #tpu.memory_space<vmem>> -> memref<1x80xi32, #tpu.memory_space<vmem>>
    %dma_wait3A_89 = tpu.memref_squeeze %dma_wait3A_88 : memref<1x80xi32, #tpu.memory_space<vmem>> -> memref<80xi32, #tpu.memory_space<vmem>>
    %dma_wait3A_90 = arith.constant 0 : i32
    %dma_wait3A_91 = arith.constant 0 : i32
    %dma_wait3A_92 = tpu.memref_slice %arg2[%dma_wait3A_90, %dma_wait3A_91] : memref<10000x128xf32, #tpu.memory_space<hbm>> -> memref<10000x128xf32, #tpu.memory_space<hbm>>
    tpu.wait_indirect_dma semaphore(%arg21 : memref<!tpu.dma_semaphore, #tpu.memory_space<semaphore_mem>>) src(%dma_wait3A_92 : memref<10000x128xf32, #tpu.memory_space<hbm>>) dst(%arg11 : memref<80x128xf32, #tpu.memory_space<vmem>>)
    %dma_wait3A_93 = arith.constant 68 : i32
    %dma_wait3A_94 = arith.constant 0 : i32
    %dma_wait3A_95 = tpu.memref_slice %arg9[%dma_wait3A_93, %dma_wait3A_94] : memref<70x80xi32, #tpu.memory_space<vmem>> -> memref<1x80xi32, #tpu.memory_space<vmem>>
    %dma_wait3A_96 = tpu.memref_squeeze %dma_wait3A_95 : memref<1x80xi32, #tpu.memory_space<vmem>> -> memref<80xi32, #tpu.memory_space<vmem>>
    %dma_wait3A_97 = arith.constant 0 : i32
    %dma_wait3A_98 = arith.constant 0 : i32
    %dma_wait3A_99 = tpu.memref_slice %arg2[%dma_wait3A_97, %dma_wait3A_98] : memref<10000x128xf32, #tpu.memory_space<hbm>> -> memref<10000x128xf32, #tpu.memory_space<hbm>>
    tpu.wait_indirect_dma semaphore(%arg21 : memref<!tpu.dma_semaphore, #tpu.memory_space<semaphore_mem>>) src(%dma_wait3A_99 : memref<10000x128xf32, #tpu.memory_space<hbm>>) dst(%arg11 : memref<80x128xf32, #tpu.memory_space<vmem>>)
    %dma_wait3A_100 = arith.constant 68 : i32
    %dma_wait3A_101 = arith.constant 0 : i32
    %dma_wait3A_102 = tpu.memref_slice %arg9[%dma_wait3A_100, %dma_wait3A_101] : memref<70x80xi32, #tpu.memory_space<vmem>> -> memref<1x80xi32, #tpu.memory_space<vmem>>
    %dma_wait3A_103 = tpu.memref_squeeze %dma_wait3A_102 : memref<1x80xi32, #tpu.memory_space<vmem>> -> memref<80xi32, #tpu.memory_space<vmem>>
    %dma_wait3A_104 = arith.constant 0 : i32
    %dma_wait3A_105 = arith.constant 0 : i32
    %dma_wait3A_106 = tpu.memref_slice %arg2[%dma_wait3A_104, %dma_wait3A_105] : memref<10000x128xf32, #tpu.memory_space<hbm>> -> memref<10000x128xf32, #tpu.memory_space<hbm>>
    tpu.wait_indirect_dma semaphore(%arg21 : memref<!tpu.dma_semaphore, #tpu.memory_space<semaphore_mem>>) src(%dma_wait3A_106 : memref<10000x128xf32, #tpu.memory_space<hbm>>) dst(%arg11 : memref<80x128xf32, #tpu.memory_space<vmem>>)
    %dma_wait3A_107 = arith.constant 68 : i32
    %dma_wait3A_108 = arith.constant 0 : i32
    %dma_wait3A_109 = tpu.memref_slice %arg9[%dma_wait3A_107, %dma_wait3A_108] : memref<70x80xi32, #tpu.memory_space<vmem>> -> memref<1x80xi32, #tpu.memory_space<vmem>>
    %dma_wait3A_110 = tpu.memref_squeeze %dma_wait3A_109 : memref<1x80xi32, #tpu.memory_space<vmem>> -> memref<80xi32, #tpu.memory_space<vmem>>
    %dma_wait3A_111 = arith.constant 0 : i32
    %dma_wait3A_112 = arith.constant 0 : i32
    %dma_wait3A_113 = tpu.memref_slice %arg2[%dma_wait3A_111, %dma_wait3A_112] : memref<10000x128xf32, #tpu.memory_space<hbm>> -> memref<10000x128xf32, #tpu.memory_space<hbm>>
    tpu.wait_indirect_dma semaphore(%arg21 : memref<!tpu.dma_semaphore, #tpu.memory_space<semaphore_mem>>) src(%dma_wait3A_113 : memref<10000x128xf32, #tpu.memory_space<hbm>>) dst(%arg11 : memref<80x128xf32, #tpu.memory_space<vmem>>)
    %dma_wait3A_114 = arith.constant 0 : i32
    %dma_wait3A_115 = tpu.memref_slice %arg8[%mul3A_2, %dma_wait3A_114] : memref<179200x128xf32, #tpu.memory_space<hbm>> -> memref<80x128xf32, #tpu.memory_space<hbm>>
    %dma_wait3A_116 = arith.constant 0 : i32
    %dma_wait3A_117 = tpu.memref_slice %arg8[%mul3A_2, %dma_wait3A_116] : memref<179200x128xf32, #tpu.memory_space<hbm>> -> memref<80x128xf32, #tpu.memory_space<hbm>>
    tpu.wait_dma2 semaphore(%arg23 : memref<!tpu.dma_semaphore, #tpu.memory_space<semaphore_mem>>) src(%arg19 : memref<80x128xf32, #tpu.memory_space<vmem>>) dst(%dma_wait3A_117 : memref<80x128xf32, #tpu.memory_space<hbm>>)
    %scan3A_118 = arith.constant 0 : i32
    %scan3A_119 = arith.constant 0 : i32
    %scan3A_120 = arith.constant 80 : i32
    %scan3A_121 = arith.addi %scan3A_119, %scan3A_120 : i32
    %scan3A_122 = arith.constant 1 : i32
    %scan3A_123 = scf.for %scan3A_180 = %scan3A_119 to %scan3A_121 step %scan3A_122 iter_args(%scan3A_181 = %scan3A_118) -> (i32)  : i32 {
      %get3A_182 = arith.index_cast %scan3A_180 : i32 to index
      %get3A_183 = arith.constant 0 : index
      %get3A_184 = tpu.vector_load %arg15[%get3A_182, %get3A_183] {strides = array<i32>} : memref<80x128xf32, #tpu.memory_space<vmem>>, vector<1x16xf32>,
      %get3A_185 = vector.shape_cast %get3A_184 : vector<1x16xf32> to vector<16xf32>
      %get3A_186 = arith.index_cast %scan3A_180 : i32 to index
      %get3A_187 = arith.constant 0 : index
      %get3A_188 = tpu.vector_load %arg17[%get3A_186, %get3A_187] {strides = array<i32>} : memref<80x128xf32, #tpu.memory_space<vmem>>, vector<1x16xf32>,
      %get3A_189 = vector.shape_cast %get3A_188 : vector<1x16xf32> to vector<16xf32>
      %mul3A_190 = arith.mulf %get3A_185, %get3A_189 : vector<16xf32>
      %slice3A = vector.extract_strided_slice %mul3A_190 {offsets = [0], sizes = [1], strides = [1]} : vector<16xf32> to vector<1xf32>
      %squeeze3A = vector.extract %slice3A[0] : f32 from vector<1xf32>
      %slice3A_191 = vector.extract_strided_slice %mul3A_190 {offsets = [1], sizes = [1], strides = [1]} : vector<16xf32> to vector<1xf32>
      %squeeze3A_192 = vector.extract %slice3A_191[0] : f32 from vector<1xf32>
      %add3A_193 = arith.addf %squeeze3A, %squeeze3A_192 : f32
      %slice3A_194 = vector.extract_strided_slice %mul3A_190 {offsets = [2], sizes = [1], strides = [1]} : vector<16xf32> to vector<1xf32>
      %squeeze3A_195 = vector.extract %slice3A_194[0] : f32 from vector<1xf32>
      %add3A_196 = arith.addf %add3A_193, %squeeze3A_195 : f32
      %get3A_197 = arith.index_cast %scan3A_180 : i32 to index
      %get3A_198 = arith.constant 0 : index
      %get3A_199 = tpu.vector_load %arg11[%get3A_197, %get3A_198] {strides = array<i32>} : memref<80x128xf32, #tpu.memory_space<vmem>>, vector<1x16xf32>,
      %get3A_200 = vector.shape_cast %get3A_199 : vector<1x16xf32> to vector<16xf32>
      %get3A_201 = arith.index_cast %scan3A_180 : i32 to index
      %get3A_202 = arith.constant 0 : index
      %get3A_203 = tpu.vector_load %arg13[%get3A_201, %get3A_202] {strides = array<i32>} : memref<80x128xf32, #tpu.memory_space<vmem>>, vector<1x16xf32>,
      %get3A_204 = vector.shape_cast %get3A_203 : vector<1x16xf32> to vector<16xf32>
      %add3A_205 = arith.addf %get3A_200, %get3A_204 : vector<16xf32>
      %mul3A_206 = vector.broadcast %add3A_196 : f32 to vector<16xf32>
      %mul3A_207 = arith.mulf %mul3A_206, %get3A_4 : vector<16xf32>
      %add3A_208 = arith.addf %add3A_205, %mul3A_207 : vector<16xf32>
      %swap3A = arith.index_cast %scan3A_180 : i32 to index
      %swap3A_209 = arith.constant 0 : index
      %swap3A_210 = tpu.vector_load %arg19[%swap3A, %swap3A_209] {strides = array<i32>} : memref<80x128xf32, #tpu.memory_space<vmem>>, vector<1x16xf32>,
      %swap3A_211 = vector.shape_cast %swap3A_210 : vector<1x16xf32> to vector<16xf32>
      %swap3A_212 = vector.shape_cast %add3A_208 : vector<16xf32> to vector<1x16xf32>
      tpu.vector_store %arg19[%swap3A, %swap3A_209], %swap3A_212 {strides = array<i32>} : memref<80x128xf32, #tpu.memory_space<vmem>>, vector<1x16xf32>,
      %get3A_213 = arith.index_cast %scan3A_180 : i32 to index
      %get3A_214 = arith.constant 16 : index
      %get3A_215 = tpu.vector_load %arg11[%get3A_213, %get3A_214] {strides = array<i32>} : memref<80x128xf32, #tpu.memory_space<vmem>>, vector<1x16xf32>,
      %get3A_216 = vector.shape_cast %get3A_215 : vector<1x16xf32> to vector<16xf32>
      %get3A_217 = arith.index_cast %scan3A_180 : i32 to index
      %get3A_218 = arith.constant 16 : index
      %get3A_219 = tpu.vector_load %arg13[%get3A_217, %get3A_218] {strides = array<i32>} : memref<80x128xf32, #tpu.memory_space<vmem>>, vector<1x16xf32>,
      %get3A_220 = vector.shape_cast %get3A_219 : vector<1x16xf32> to vector<16xf32>
      %add3A_221 = arith.addf %get3A_216, %get3A_220 : vector<16xf32>
      %mul3A_222 = vector.broadcast %add3A_196 : f32 to vector<16xf32>
      %mul3A_223 = arith.mulf %mul3A_222, %get3A_7 : vector<16xf32>
      %add3A_224 = arith.addf %add3A_221, %mul3A_223 : vector<16xf32>
      %swap3A_225 = arith.index_cast %scan3A_180 : i32 to index
      %swap3A_226 = arith.constant 16 : index
      %swap3A_227 = tpu.vector_load %arg19[%swap3A_225, %swap3A_226] {strides = array<i32>} : memref<80x128xf32, #tpu.memory_space<vmem>>, vector<1x16xf32>,
      %swap3A_228 = vector.shape_cast %swap3A_227 : vector<1x16xf32> to vector<16xf32>
      %swap3A_229 = vector.shape_cast %add3A_224 : vector<16xf32> to vector<1x16xf32>
      tpu.vector_store %arg19[%swap3A_225, %swap3A_226], %swap3A_229 {strides = array<i32>} : memref<80x128xf32, #tpu.memory_space<vmem>>, vector<1x16xf32>,
      %get3A_230 = arith.index_cast %scan3A_180 : i32 to index
      %get3A_231 = arith.constant 32 : index
      %get3A_232 = tpu.vector_load %arg11[%get3A_230, %get3A_231] {strides = array<i32>} : memref<80x128xf32, #tpu.memory_space<vmem>>, vector<1x16xf32>,
      %get3A_233 = vector.shape_cast %get3A_232 : vector<1x16xf32> to vector<16xf32>
      %get3A_234 = arith.index_cast %scan3A_180 : i32 to index
      %get3A_235 = arith.constant 32 : index
      %get3A_236 = tpu.vector_load %arg13[%get3A_234, %get3A_235] {strides = array<i32>} : memref<80x128xf32, #tpu.memory_space<vmem>>, vector<1x16xf32>,
      %get3A_237 = vector.shape_cast %get3A_236 : vector<1x16xf32> to vector<16xf32>
      %add3A_238 = arith.addf %get3A_233, %get3A_237 : vector<16xf32>
      %mul3A_239 = vector.broadcast %add3A_196 : f32 to vector<16xf32>
      %mul3A_240 = arith.mulf %mul3A_239, %get3A_10 : vector<16xf32>
      %add3A_241 = arith.addf %add3A_238, %mul3A_240 : vector<16xf32>
      %swap3A_242 = arith.index_cast %scan3A_180 : i32 to index
      %swap3A_243 = arith.constant 32 : index
      %swap3A_244 = tpu.vector_load %arg19[%swap3A_242, %swap3A_243] {strides = array<i32>} : memref<80x128xf32, #tpu.memory_space<vmem>>, vector<1x16xf32>,
      %swap3A_245 = vector.shape_cast %swap3A_244 : vector<1x16xf32> to vector<16xf32>
      %swap3A_246 = vector.shape_cast %add3A_241 : vector<16xf32> to vector<1x16xf32>
      tpu.vector_store %arg19[%swap3A_242, %swap3A_243], %swap3A_246 {strides = array<i32>} : memref<80x128xf32, #tpu.memory_space<vmem>>, vector<1x16xf32>,
      %get3A_247 = arith.index_cast %scan3A_180 : i32 to index
      %get3A_248 = arith.constant 48 : index
      %get3A_249 = tpu.vector_load %arg11[%get3A_247, %get3A_248] {strides = array<i32>} : memref<80x128xf32, #tpu.memory_space<vmem>>, vector<1x16xf32>,
      %get3A_250 = vector.shape_cast %get3A_249 : vector<1x16xf32> to vector<16xf32>
      %get3A_251 = arith.index_cast %scan3A_180 : i32 to index
      %get3A_252 = arith.constant 48 : index
      %get3A_253 = tpu.vector_load %arg13[%get3A_251, %get3A_252] {strides = array<i32>} : memref<80x128xf32, #tpu.memory_space<vmem>>, vector<1x16xf32>,
      %get3A_254 = vector.shape_cast %get3A_253 : vector<1x16xf32> to vector<16xf32>
      %add3A_255 = arith.addf %get3A_250, %get3A_254 : vector<16xf32>
      %mul3A_256 = vector.broadcast %add3A_196 : f32 to vector<16xf32>
      %mul3A_257 = arith.mulf %mul3A_256, %get3A_13 : vector<16xf32>
      %add3A_258 = arith.addf %add3A_255, %mul3A_257 : vector<16xf32>
      %swap3A_259 = arith.index_cast %scan3A_180 : i32 to index
      %swap3A_260 = arith.constant 48 : index
      %swap3A_261 = tpu.vector_load %arg19[%swap3A_259, %swap3A_260] {strides = array<i32>} : memref<80x128xf32, #tpu.memory_space<vmem>>, vector<1x16xf32>,
      %swap3A_262 = vector.shape_cast %swap3A_261 : vector<1x16xf32> to vector<16xf32>
      %swap3A_263 = vector.shape_cast %add3A_258 : vector<16xf32> to vector<1x16xf32>
      tpu.vector_store %arg19[%swap3A_259, %swap3A_260], %swap3A_263 {strides = array<i32>} : memref<80x128xf32, #tpu.memory_space<vmem>>, vector<1x16xf32>,
      %get3A_264 = arith.index_cast %scan3A_180 : i32 to index
      %get3A_265 = arith.constant 64 : index
      %get3A_266 = tpu.vector_load %arg11[%get3A_264, %get3A_265] {strides = array<i32>} : memref<80x128xf32, #tpu.memory_space<vmem>>, vector<1x16xf32>,
      %get3A_267 = vector.shape_cast %get3A_266 : vector<1x16xf32> to vector<16xf32>
      %get3A_268 = arith.index_cast %scan3A_180 : i32 to index
      %get3A_269 = arith.constant 64 : index
      %get3A_270 = tpu.vector_load %arg13[%get3A_268, %get3A_269] {strides = array<i32>} : memref<80x128xf32, #tpu.memory_space<vmem>>, vector<1x16xf32>,
      %get3A_271 = vector.shape_cast %get3A_270 : vector<1x16xf32> to vector<16xf32>
      %add3A_272 = arith.addf %get3A_267, %get3A_271 : vector<16xf32>
      %mul3A_273 = vector.broadcast %add3A_196 : f32 to vector<16xf32>
      %mul3A_274 = arith.mulf %mul3A_273, %get3A_16 : vector<16xf32>
      %add3A_275 = arith.addf %add3A_272, %mul3A_274 : vector<16xf32>
      %swap3A_276 = arith.index_cast %scan3A_180 : i32 to index
      %swap3A_277 = arith.constant 64 : index
      %swap3A_278 = tpu.vector_load %arg19[%swap3A_276, %swap3A_277] {strides = array<i32>} : memref<80x128xf32, #tpu.memory_space<vmem>>, vector<1x16xf32>,
      %swap3A_279 = vector.shape_cast %swap3A_278 : vector<1x16xf32> to vector<16xf32>
      %swap3A_280 = vector.shape_cast %add3A_275 : vector<16xf32> to vector<1x16xf32>
      tpu.vector_store %arg19[%swap3A_276, %swap3A_277], %swap3A_280 {strides = array<i32>} : memref<80x128xf32, #tpu.memory_space<vmem>>, vector<1x16xf32>,
      %get3A_281 = arith.index_cast %scan3A_180 : i32 to index
      %get3A_282 = arith.constant 80 : index
      %get3A_283 = tpu.vector_load %arg11[%get3A_281, %get3A_282] {strides = array<i32>} : memref<80x128xf32, #tpu.memory_space<vmem>>, vector<1x16xf32>,
      %get3A_284 = vector.shape_cast %get3A_283 : vector<1x16xf32> to vector<16xf32>
      %get3A_285 = arith.index_cast %scan3A_180 : i32 to index
      %get3A_286 = arith.constant 80 : index
      %get3A_287 = tpu.vector_load %arg13[%get3A_285, %get3A_286] {strides = array<i32>} : memref<80x128xf32, #tpu.memory_space<vmem>>, vector<1x16xf32>,
      %get3A_288 = vector.shape_cast %get3A_287 : vector<1x16xf32> to vector<16xf32>
      %add3A_289 = arith.addf %get3A_284, %get3A_288 : vector<16xf32>
      %mul3A_290 = vector.broadcast %add3A_196 : f32 to vector<16xf32>
      %mul3A_291 = arith.mulf %mul3A_290, %get3A_19 : vector<16xf32>
      %add3A_292 = arith.addf %add3A_289, %mul3A_291 : vector<16xf32>
      %swap3A_293 = arith.index_cast %scan3A_180 : i32 to index
      %swap3A_294 = arith.constant 80 : index
      %swap3A_295 = tpu.vector_load %arg19[%swap3A_293, %swap3A_294] {strides = array<i32>} : memref<80x128xf32, #tpu.memory_space<vmem>>, vector<1x16xf32>,
      %swap3A_296 = vector.shape_cast %swap3A_295 : vector<1x16xf32> to vector<16xf32>
      %swap3A_297 = vector.shape_cast %add3A_292 : vector<16xf32> to vector<1x16xf32>
      tpu.vector_store %arg19[%swap3A_293, %swap3A_294], %swap3A_297 {strides = array<i32>} : memref<80x128xf32, #tpu.memory_space<vmem>>, vector<1x16xf32>,
      %get3A_298 = arith.index_cast %scan3A_180 : i32 to index
      %get3A_299 = arith.constant 96 : index
      %get3A_300 = tpu.vector_load %arg11[%get3A_298, %get3A_299] {strides = array<i32>} : memref<80x128xf32, #tpu.memory_space<vmem>>, vector<1x16xf32>,
      %get3A_301 = vector.shape_cast %get3A_300 : vector<1x16xf32> to vector<16xf32>
      %get3A_302 = arith.index_cast %scan3A_180 : i32 to index
      %get3A_303 = arith.constant 96 : index
      %get3A_304 = tpu.vector_load %arg13[%get3A_302, %get3A_303] {strides = array<i32>} : memref<80x128xf32, #tpu.memory_space<vmem>>, vector<1x16xf32>,
      %get3A_305 = vector.shape_cast %get3A_304 : vector<1x16xf32> to vector<16xf32>
      %add3A_306 = arith.addf %get3A_301, %get3A_305 : vector<16xf32>
      %mul3A_307 = vector.broadcast %add3A_196 : f32 to vector<16xf32>
      %mul3A_308 = arith.mulf %mul3A_307, %get3A_22 : vector<16xf32>
      %add3A_309 = arith.addf %add3A_306, %mul3A_308 : vector<16xf32>
      %swap3A_310 = arith.index_cast %scan3A_180 : i32 to index
      %swap3A_311 = arith.constant 96 : index
      %swap3A_312 = tpu.vector_load %arg19[%swap3A_310, %swap3A_311] {strides = array<i32>} : memref<80x128xf32, #tpu.memory_space<vmem>>, vector<1x16xf32>,
      %swap3A_313 = vector.shape_cast %swap3A_312 : vector<1x16xf32> to vector<16xf32>
      %swap3A_314 = vector.shape_cast %add3A_309 : vector<16xf32> to vector<1x16xf32>
      tpu.vector_store %arg19[%swap3A_310, %swap3A_311], %swap3A_314 {strides = array<i32>} : memref<80x128xf32, #tpu.memory_space<vmem>>, vector<1x16xf32>,
      %get3A_315 = arith.index_cast %scan3A_180 : i32 to index
      %get3A_316 = arith.constant 112 : index
      %get3A_317 = tpu.vector_load %arg11[%get3A_315, %get3A_316] {strides = array<i32>} : memref<80x128xf32, #tpu.memory_space<vmem>>, vector<1x16xf32>,
      %get3A_318 = vector.shape_cast %get3A_317 : vector<1x16xf32> to vector<16xf32>
      %get3A_319 = arith.index_cast %scan3A_180 : i32 to index
      %get3A_320 = arith.constant 112 : index
      %get3A_321 = tpu.vector_load %arg13[%get3A_319, %get3A_320] {strides = array<i32>} : memref<80x128xf32, #tpu.memory_space<vmem>>, vector<1x16xf32>,
      %get3A_322 = vector.shape_cast %get3A_321 : vector<1x16xf32> to vector<16xf32>
      %add3A_323 = arith.addf %get3A_318, %get3A_322 : vector<16xf32>
      %mul3A_324 = vector.broadcast %add3A_196 : f32 to vector<16xf32>
      %mul3A_325 = arith.mulf %mul3A_324, %get3A_25 : vector<16xf32>
      %add3A_326 = arith.addf %add3A_323, %mul3A_325 : vector<16xf32>
      %swap3A_327 = arith.index_cast %scan3A_180 : i32 to index
      %swap3A_328 = arith.constant 112 : index
      %swap3A_329 = tpu.vector_load %arg19[%swap3A_327, %swap3A_328] {strides = array<i32>} : memref<80x128xf32, #tpu.memory_space<vmem>>, vector<1x16xf32>,
      %swap3A_330 = vector.shape_cast %swap3A_329 : vector<1x16xf32> to vector<16xf32>
      %swap3A_331 = vector.shape_cast %add3A_326 : vector<16xf32> to vector<1x16xf32>
      tpu.vector_store %arg19[%swap3A_327, %swap3A_328], %swap3A_331 {strides = array<i32>} : memref<80x128xf32, #tpu.memory_space<vmem>>, vector<1x16xf32>,
      %scan3A_332 = arith.constant 0 : i32
      scf.yield %scan3A_332 : i32
    }
    %scan3A_124 = arith.constant 80 : i32
    %add3A_125 = arith.constant 5440 : i32
    %add3A_126 = arith.addi %mul3A_2, %add3A_125 : i32
    %dma_start3A_127 = arith.constant 0 : i32
    %dma_start3A_128 = tpu.memref_slice %arg8[%add3A_126, %dma_start3A_127] : memref<179200x128xf32, #tpu.memory_space<hbm>> -> memref<80x128xf32, #tpu.memory_space<hbm>>
    %dma_start3A_129 = arith.constant 0 : i32
    %dma_start3A_130 = tpu.memref_slice %arg8[%add3A_126, %dma_start3A_129] : memref<179200x128xf32, #tpu.memory_space<hbm>> -> memref<80x128xf32, #tpu.memory_space<hbm>>
    tpu.enqueue_dma source(%arg19 : memref<80x128xf32, #tpu.memory_space<vmem>>) target(%dma_start3A_130 : memref<80x128xf32, #tpu.memory_space<hbm>>) target_semaphore(%arg23 : memref<!tpu.dma_semaphore, #tpu.memory_space<semaphore_mem>>)
    %dma_wait3A_131 = arith.constant 69 : i32
    %dma_wait3A_132 = arith.constant 0 : i32
    %dma_wait3A_133 = tpu.memref_slice %arg9[%dma_wait3A_131, %dma_wait3A_132] : memref<70x80xi32, #tpu.memory_space<vmem>> -> memref<1x80xi32, #tpu.memory_space<vmem>>
    %dma_wait3A_134 = tpu.memref_squeeze %dma_wait3A_133 : memref<1x80xi32, #tpu.memory_space<vmem>> -> memref<80xi32, #tpu.memory_space<vmem>>
    %dma_wait3A_135 = arith.constant 0 : i32
    %dma_wait3A_136 = arith.constant 0 : i32
    %dma_wait3A_137 = tpu.memref_slice %arg2[%dma_wait3A_135, %dma_wait3A_136] : memref<10000x128xf32, #tpu.memory_space<hbm>> -> memref<10000x128xf32, #tpu.memory_space<hbm>>
    tpu.wait_indirect_dma semaphore(%arg22 : memref<!tpu.dma_semaphore, #tpu.memory_space<semaphore_mem>>) src(%dma_wait3A_137 : memref<10000x128xf32, #tpu.memory_space<hbm>>) dst(%arg12 : memref<80x128xf32, #tpu.memory_space<vmem>>)
    %dma_wait3A_138 = arith.constant 69 : i32
    %dma_wait3A_139 = arith.constant 0 : i32
    %dma_wait3A_140 = tpu.memref_slice %arg9[%dma_wait3A_138, %dma_wait3A_139] : memref<70x80xi32, #tpu.memory_space<vmem>> -> memref<1x80xi32, #tpu.memory_space<vmem>>
    %dma_wait3A_141 = tpu.memref_squeeze %dma_wait3A_140 : memref<1x80xi32, #tpu.memory_space<vmem>> -> memref<80xi32, #tpu.memory_space<vmem>>
    %dma_wait3A_142 = arith.constant 0 : i32
    %dma_wait3A_143 = arith.constant 0 : i32
    %dma_wait3A_144 = tpu.memref_slice %arg2[%dma_wait3A_142, %dma_wait3A_143] : memref<10000x128xf32, #tpu.memory_space<hbm>> -> memref<10000x128xf32, #tpu.memory_space<hbm>>
    tpu.wait_indirect_dma semaphore(%arg22 : memref<!tpu.dma_semaphore, #tpu.memory_space<semaphore_mem>>) src(%dma_wait3A_144 : memref<10000x128xf32, #tpu.memory_space<hbm>>) dst(%arg12 : memref<80x128xf32, #tpu.memory_space<vmem>>)
    %dma_wait3A_145 = arith.constant 69 : i32
    %dma_wait3A_146 = arith.constant 0 : i32
    %dma_wait3A_147 = tpu.memref_slice %arg9[%dma_wait3A_145, %dma_wait3A_146] : memref<70x80xi32, #tpu.memory_space<vmem>> -> memref<1x80xi32, #tpu.memory_space<vmem>>
    %dma_wait3A_148 = tpu.memref_squeeze %dma_wait3A_147 : memref<1x80xi32, #tpu.memory_space<vmem>> -> memref<80xi32, #tpu.memory_space<vmem>>
    %dma_wait3A_149 = arith.constant 0 : i32
    %dma_wait3A_150 = arith.constant 0 : i32
    %dma_wait3A_151 = tpu.memref_slice %arg2[%dma_wait3A_149, %dma_wait3A_150] : memref<10000x128xf32, #tpu.memory_space<hbm>> -> memref<10000x128xf32, #tpu.memory_space<hbm>>
    tpu.wait_indirect_dma semaphore(%arg22 : memref<!tpu.dma_semaphore, #tpu.memory_space<semaphore_mem>>) src(%dma_wait3A_151 : memref<10000x128xf32, #tpu.memory_space<hbm>>) dst(%arg12 : memref<80x128xf32, #tpu.memory_space<vmem>>)
    %dma_wait3A_152 = arith.constant 69 : i32
    %dma_wait3A_153 = arith.constant 0 : i32
    %dma_wait3A_154 = tpu.memref_slice %arg9[%dma_wait3A_152, %dma_wait3A_153] : memref<70x80xi32, #tpu.memory_space<vmem>> -> memref<1x80xi32, #tpu.memory_space<vmem>>
    %dma_wait3A_155 = tpu.memref_squeeze %dma_wait3A_154 : memref<1x80xi32, #tpu.memory_space<vmem>> -> memref<80xi32, #tpu.memory_space<vmem>>
    %dma_wait3A_156 = arith.constant 0 : i32
    %dma_wait3A_157 = arith.constant 0 : i32
    %dma_wait3A_158 = tpu.memref_slice %arg2[%dma_wait3A_156, %dma_wait3A_157] : memref<10000x128xf32, #tpu.memory_space<hbm>> -> memref<10000x128xf32, #tpu.memory_space<hbm>>
    tpu.wait_indirect_dma semaphore(%arg22 : memref<!tpu.dma_semaphore, #tpu.memory_space<semaphore_mem>>) src(%dma_wait3A_158 : memref<10000x128xf32, #tpu.memory_space<hbm>>) dst(%arg12 : memref<80x128xf32, #tpu.memory_space<vmem>>)
    %dma_wait3A_159 = arith.constant 0 : i32
    %dma_wait3A_160 = tpu.memref_slice %arg8[%mul3A_2, %dma_wait3A_159] : memref<179200x128xf32, #tpu.memory_space<hbm>> -> memref<80x128xf32, #tpu.memory_space<hbm>>
    %dma_wait3A_161 = arith.constant 0 : i32
    %dma_wait3A_162 = tpu.memref_slice %arg8[%mul3A_2, %dma_wait3A_161] : memref<179200x128xf32, #tpu.memory_space<hbm>> -> memref<80x128xf32, #tpu.memory_space<hbm>>
    tpu.wait_dma2 semaphore(%arg23 : memref<!tpu.dma_semaphore, #tpu.memory_space<semaphore_mem>>) src(%arg19 : memref<80x128xf32, #tpu.memory_space<vmem>>) dst(%dma_wait3A_162 : memref<80x128xf32, #tpu.memory_space<hbm>>)
    %scan3A_163 = arith.constant 0 : i32
    %scan3A_164 = arith.constant 0 : i32
    %scan3A_165 = arith.constant 80 : i32
    %scan3A_166 = arith.addi %scan3A_164, %scan3A_165 : i32
    %scan3A_167 = arith.constant 1 : i32
    %scan3A_168 = scf.for %scan3A_180 = %scan3A_164 to %scan3A_166 step %scan3A_167 iter_args(%scan3A_181 = %scan3A_163) -> (i32)  : i32 {
      %get3A_182 = arith.index_cast %scan3A_180 : i32 to index
      %get3A_183 = arith.constant 0 : index
      %get3A_184 = tpu.vector_load %arg16[%get3A_182, %get3A_183] {strides = array<i32>} : memref<80x128xf32, #tpu.memory_space<vmem>>, vector<1x16xf32>,
      %get3A_185 = vector.shape_cast %get3A_184 : vector<1x16xf32> to vector<16xf32>
      %get3A_186 = arith.index_cast %scan3A_180 : i32 to index
      %get3A_187 = arith.constant 0 : index
      %get3A_188 = tpu.vector_load %arg18[%get3A_186, %get3A_187] {strides = array<i32>} : memref<80x128xf32, #tpu.memory_space<vmem>>, vector<1x16xf32>,
      %get3A_189 = vector.shape_cast %get3A_188 : vector<1x16xf32> to vector<16xf32>
      %mul3A_190 = arith.mulf %get3A_185, %get3A_189 : vector<16xf32>
      %slice3A = vector.extract_strided_slice %mul3A_190 {offsets = [0], sizes = [1], strides = [1]} : vector<16xf32> to vector<1xf32>
      %squeeze3A = vector.extract %slice3A[0] : f32 from vector<1xf32>
      %slice3A_191 = vector.extract_strided_slice %mul3A_190 {offsets = [1], sizes = [1], strides = [1]} : vector<16xf32> to vector<1xf32>
      %squeeze3A_192 = vector.extract %slice3A_191[0] : f32 from vector<1xf32>
      %add3A_193 = arith.addf %squeeze3A, %squeeze3A_192 : f32
      %slice3A_194 = vector.extract_strided_slice %mul3A_190 {offsets = [2], sizes = [1], strides = [1]} : vector<16xf32> to vector<1xf32>
      %squeeze3A_195 = vector.extract %slice3A_194[0] : f32 from vector<1xf32>
      %add3A_196 = arith.addf %add3A_193, %squeeze3A_195 : f32
      %get3A_197 = arith.index_cast %scan3A_180 : i32 to index
      %get3A_198 = arith.constant 0 : index
      %get3A_199 = tpu.vector_load %arg12[%get3A_197, %get3A_198] {strides = array<i32>} : memref<80x128xf32, #tpu.memory_space<vmem>>, vector<1x16xf32>,
      %get3A_200 = vector.shape_cast %get3A_199 : vector<1x16xf32> to vector<16xf32>
      %get3A_201 = arith.index_cast %scan3A_180 : i32 to index
      %get3A_202 = arith.constant 0 : index
      %get3A_203 = tpu.vector_load %arg14[%get3A_201, %get3A_202] {strides = array<i32>} : memref<80x128xf32, #tpu.memory_space<vmem>>, vector<1x16xf32>,
      %get3A_204 = vector.shape_cast %get3A_203 : vector<1x16xf32> to vector<16xf32>
      %add3A_205 = arith.addf %get3A_200, %get3A_204 : vector<16xf32>
      %mul3A_206 = vector.broadcast %add3A_196 : f32 to vector<16xf32>
      %mul3A_207 = arith.mulf %mul3A_206, %get3A_4 : vector<16xf32>
      %add3A_208 = arith.addf %add3A_205, %mul3A_207 : vector<16xf32>
      %swap3A = arith.index_cast %scan3A_180 : i32 to index
      %swap3A_209 = arith.constant 0 : index
      %swap3A_210 = tpu.vector_load %arg19[%swap3A, %swap3A_209] {strides = array<i32>} : memref<80x128xf32, #tpu.memory_space<vmem>>, vector<1x16xf32>,
      %swap3A_211 = vector.shape_cast %swap3A_210 : vector<1x16xf32> to vector<16xf32>
      %swap3A_212 = vector.shape_cast %add3A_208 : vector<16xf32> to vector<1x16xf32>
      tpu.vector_store %arg19[%swap3A, %swap3A_209], %swap3A_212 {strides = array<i32>} : memref<80x128xf32, #tpu.memory_space<vmem>>, vector<1x16xf32>,
      %get3A_213 = arith.index_cast %scan3A_180 : i32 to index
      %get3A_214 = arith.constant 16 : index
      %get3A_215 = tpu.vector_load %arg12[%get3A_213, %get3A_214] {strides = array<i32>} : memref<80x128xf32, #tpu.memory_space<vmem>>, vector<1x16xf32>,
      %get3A_216 = vector.shape_cast %get3A_215 : vector<1x16xf32> to vector<16xf32>
      %get3A_217 = arith.index_cast %scan3A_180 : i32 to index
      %get3A_218 = arith.constant 16 : index
      %get3A_219 = tpu.vector_load %arg14[%get3A_217, %get3A_218] {strides = array<i32>} : memref<80x128xf32, #tpu.memory_space<vmem>>, vector<1x16xf32>,
      %get3A_220 = vector.shape_cast %get3A_219 : vector<1x16xf32> to vector<16xf32>
      %add3A_221 = arith.addf %get3A_216, %get3A_220 : vector<16xf32>
      %mul3A_222 = vector.broadcast %add3A_196 : f32 to vector<16xf32>
      %mul3A_223 = arith.mulf %mul3A_222, %get3A_7 : vector<16xf32>
      %add3A_224 = arith.addf %add3A_221, %mul3A_223 : vector<16xf32>
      %swap3A_225 = arith.index_cast %scan3A_180 : i32 to index
      %swap3A_226 = arith.constant 16 : index
      %swap3A_227 = tpu.vector_load %arg19[%swap3A_225, %swap3A_226] {strides = array<i32>} : memref<80x128xf32, #tpu.memory_space<vmem>>, vector<1x16xf32>,
      %swap3A_228 = vector.shape_cast %swap3A_227 : vector<1x16xf32> to vector<16xf32>
      %swap3A_229 = vector.shape_cast %add3A_224 : vector<16xf32> to vector<1x16xf32>
      tpu.vector_store %arg19[%swap3A_225, %swap3A_226], %swap3A_229 {strides = array<i32>} : memref<80x128xf32, #tpu.memory_space<vmem>>, vector<1x16xf32>,
      %get3A_230 = arith.index_cast %scan3A_180 : i32 to index
      %get3A_231 = arith.constant 32 : index
      %get3A_232 = tpu.vector_load %arg12[%get3A_230, %get3A_231] {strides = array<i32>} : memref<80x128xf32, #tpu.memory_space<vmem>>, vector<1x16xf32>,
      %get3A_233 = vector.shape_cast %get3A_232 : vector<1x16xf32> to vector<16xf32>
      %get3A_234 = arith.index_cast %scan3A_180 : i32 to index
      %get3A_235 = arith.constant 32 : index
      %get3A_236 = tpu.vector_load %arg14[%get3A_234, %get3A_235] {strides = array<i32>} : memref<80x128xf32, #tpu.memory_space<vmem>>, vector<1x16xf32>,
      %get3A_237 = vector.shape_cast %get3A_236 : vector<1x16xf32> to vector<16xf32>
      %add3A_238 = arith.addf %get3A_233, %get3A_237 : vector<16xf32>
      %mul3A_239 = vector.broadcast %add3A_196 : f32 to vector<16xf32>
      %mul3A_240 = arith.mulf %mul3A_239, %get3A_10 : vector<16xf32>
      %add3A_241 = arith.addf %add3A_238, %mul3A_240 : vector<16xf32>
      %swap3A_242 = arith.index_cast %scan3A_180 : i32 to index
      %swap3A_243 = arith.constant 32 : index
      %swap3A_244 = tpu.vector_load %arg19[%swap3A_242, %swap3A_243] {strides = array<i32>} : memref<80x128xf32, #tpu.memory_space<vmem>>, vector<1x16xf32>,
      %swap3A_245 = vector.shape_cast %swap3A_244 : vector<1x16xf32> to vector<16xf32>
      %swap3A_246 = vector.shape_cast %add3A_241 : vector<16xf32> to vector<1x16xf32>
      tpu.vector_store %arg19[%swap3A_242, %swap3A_243], %swap3A_246 {strides = array<i32>} : memref<80x128xf32, #tpu.memory_space<vmem>>, vector<1x16xf32>,
      %get3A_247 = arith.index_cast %scan3A_180 : i32 to index
      %get3A_248 = arith.constant 48 : index
      %get3A_249 = tpu.vector_load %arg12[%get3A_247, %get3A_248] {strides = array<i32>} : memref<80x128xf32, #tpu.memory_space<vmem>>, vector<1x16xf32>,
      %get3A_250 = vector.shape_cast %get3A_249 : vector<1x16xf32> to vector<16xf32>
      %get3A_251 = arith.index_cast %scan3A_180 : i32 to index
      %get3A_252 = arith.constant 48 : index
      %get3A_253 = tpu.vector_load %arg14[%get3A_251, %get3A_252] {strides = array<i32>} : memref<80x128xf32, #tpu.memory_space<vmem>>, vector<1x16xf32>,
      %get3A_254 = vector.shape_cast %get3A_253 : vector<1x16xf32> to vector<16xf32>
      %add3A_255 = arith.addf %get3A_250, %get3A_254 : vector<16xf32>
      %mul3A_256 = vector.broadcast %add3A_196 : f32 to vector<16xf32>
      %mul3A_257 = arith.mulf %mul3A_256, %get3A_13 : vector<16xf32>
      %add3A_258 = arith.addf %add3A_255, %mul3A_257 : vector<16xf32>
      %swap3A_259 = arith.index_cast %scan3A_180 : i32 to index
      %swap3A_260 = arith.constant 48 : index
      %swap3A_261 = tpu.vector_load %arg19[%swap3A_259, %swap3A_260] {strides = array<i32>} : memref<80x128xf32, #tpu.memory_space<vmem>>, vector<1x16xf32>,
      %swap3A_262 = vector.shape_cast %swap3A_261 : vector<1x16xf32> to vector<16xf32>
      %swap3A_263 = vector.shape_cast %add3A_258 : vector<16xf32> to vector<1x16xf32>
      tpu.vector_store %arg19[%swap3A_259, %swap3A_260], %swap3A_263 {strides = array<i32>} : memref<80x128xf32, #tpu.memory_space<vmem>>, vector<1x16xf32>,
      %get3A_264 = arith.index_cast %scan3A_180 : i32 to index
      %get3A_265 = arith.constant 64 : index
      %get3A_266 = tpu.vector_load %arg12[%get3A_264, %get3A_265] {strides = array<i32>} : memref<80x128xf32, #tpu.memory_space<vmem>>, vector<1x16xf32>,
      %get3A_267 = vector.shape_cast %get3A_266 : vector<1x16xf32> to vector<16xf32>
      %get3A_268 = arith.index_cast %scan3A_180 : i32 to index
      %get3A_269 = arith.constant 64 : index
      %get3A_270 = tpu.vector_load %arg14[%get3A_268, %get3A_269] {strides = array<i32>} : memref<80x128xf32, #tpu.memory_space<vmem>>, vector<1x16xf32>,
      %get3A_271 = vector.shape_cast %get3A_270 : vector<1x16xf32> to vector<16xf32>
      %add3A_272 = arith.addf %get3A_267, %get3A_271 : vector<16xf32>
      %mul3A_273 = vector.broadcast %add3A_196 : f32 to vector<16xf32>
      %mul3A_274 = arith.mulf %mul3A_273, %get3A_16 : vector<16xf32>
      %add3A_275 = arith.addf %add3A_272, %mul3A_274 : vector<16xf32>
      %swap3A_276 = arith.index_cast %scan3A_180 : i32 to index
      %swap3A_277 = arith.constant 64 : index
      %swap3A_278 = tpu.vector_load %arg19[%swap3A_276, %swap3A_277] {strides = array<i32>} : memref<80x128xf32, #tpu.memory_space<vmem>>, vector<1x16xf32>,
      %swap3A_279 = vector.shape_cast %swap3A_278 : vector<1x16xf32> to vector<16xf32>
      %swap3A_280 = vector.shape_cast %add3A_275 : vector<16xf32> to vector<1x16xf32>
      tpu.vector_store %arg19[%swap3A_276, %swap3A_277], %swap3A_280 {strides = array<i32>} : memref<80x128xf32, #tpu.memory_space<vmem>>, vector<1x16xf32>,
      %get3A_281 = arith.index_cast %scan3A_180 : i32 to index
      %get3A_282 = arith.constant 80 : index
      %get3A_283 = tpu.vector_load %arg12[%get3A_281, %get3A_282] {strides = array<i32>} : memref<80x128xf32, #tpu.memory_space<vmem>>, vector<1x16xf32>,
      %get3A_284 = vector.shape_cast %get3A_283 : vector<1x16xf32> to vector<16xf32>
      %get3A_285 = arith.index_cast %scan3A_180 : i32 to index
      %get3A_286 = arith.constant 80 : index
      %get3A_287 = tpu.vector_load %arg14[%get3A_285, %get3A_286] {strides = array<i32>} : memref<80x128xf32, #tpu.memory_space<vmem>>, vector<1x16xf32>,
      %get3A_288 = vector.shape_cast %get3A_287 : vector<1x16xf32> to vector<16xf32>
      %add3A_289 = arith.addf %get3A_284, %get3A_288 : vector<16xf32>
      %mul3A_290 = vector.broadcast %add3A_196 : f32 to vector<16xf32>
      %mul3A_291 = arith.mulf %mul3A_290, %get3A_19 : vector<16xf32>
      %add3A_292 = arith.addf %add3A_289, %mul3A_291 : vector<16xf32>
      %swap3A_293 = arith.index_cast %scan3A_180 : i32 to index
      %swap3A_294 = arith.constant 80 : index
      %swap3A_295 = tpu.vector_load %arg19[%swap3A_293, %swap3A_294] {strides = array<i32>} : memref<80x128xf32, #tpu.memory_space<vmem>>, vector<1x16xf32>,
      %swap3A_296 = vector.shape_cast %swap3A_295 : vector<1x16xf32> to vector<16xf32>
      %swap3A_297 = vector.shape_cast %add3A_292 : vector<16xf32> to vector<1x16xf32>
      tpu.vector_store %arg19[%swap3A_293, %swap3A_294], %swap3A_297 {strides = array<i32>} : memref<80x128xf32, #tpu.memory_space<vmem>>, vector<1x16xf32>,
      %get3A_298 = arith.index_cast %scan3A_180 : i32 to index
      %get3A_299 = arith.constant 96 : index
      %get3A_300 = tpu.vector_load %arg12[%get3A_298, %get3A_299] {strides = array<i32>} : memref<80x128xf32, #tpu.memory_space<vmem>>, vector<1x16xf32>,
      %get3A_301 = vector.shape_cast %get3A_300 : vector<1x16xf32> to vector<16xf32>
      %get3A_302 = arith.index_cast %scan3A_180 : i32 to index
      %get3A_303 = arith.constant 96 : index
      %get3A_304 = tpu.vector_load %arg14[%get3A_302, %get3A_303] {strides = array<i32>} : memref<80x128xf32, #tpu.memory_space<vmem>>, vector<1x16xf32>,
      %get3A_305 = vector.shape_cast %get3A_304 : vector<1x16xf32> to vector<16xf32>
      %add3A_306 = arith.addf %get3A_301, %get3A_305 : vector<16xf32>
      %mul3A_307 = vector.broadcast %add3A_196 : f32 to vector<16xf32>
      %mul3A_308 = arith.mulf %mul3A_307, %get3A_22 : vector<16xf32>
      %add3A_309 = arith.addf %add3A_306, %mul3A_308 : vector<16xf32>
      %swap3A_310 = arith.index_cast %scan3A_180 : i32 to index
      %swap3A_311 = arith.constant 96 : index
      %swap3A_312 = tpu.vector_load %arg19[%swap3A_310, %swap3A_311] {strides = array<i32>} : memref<80x128xf32, #tpu.memory_space<vmem>>, vector<1x16xf32>,
      %swap3A_313 = vector.shape_cast %swap3A_312 : vector<1x16xf32> to vector<16xf32>
      %swap3A_314 = vector.shape_cast %add3A_309 : vector<16xf32> to vector<1x16xf32>
      tpu.vector_store %arg19[%swap3A_310, %swap3A_311], %swap3A_314 {strides = array<i32>} : memref<80x128xf32, #tpu.memory_space<vmem>>, vector<1x16xf32>,
      %get3A_315 = arith.index_cast %scan3A_180 : i32 to index
      %get3A_316 = arith.constant 112 : index
      %get3A_317 = tpu.vector_load %arg12[%get3A_315, %get3A_316] {strides = array<i32>} : memref<80x128xf32, #tpu.memory_space<vmem>>, vector<1x16xf32>,
      %get3A_318 = vector.shape_cast %get3A_317 : vector<1x16xf32> to vector<16xf32>
      %get3A_319 = arith.index_cast %scan3A_180 : i32 to index
      %get3A_320 = arith.constant 112 : index
      %get3A_321 = tpu.vector_load %arg14[%get3A_319, %get3A_320] {strides = array<i32>} : memref<80x128xf32, #tpu.memory_space<vmem>>, vector<1x16xf32>,
      %get3A_322 = vector.shape_cast %get3A_321 : vector<1x16xf32> to vector<16xf32>
      %add3A_323 = arith.addf %get3A_318, %get3A_322 : vector<16xf32>
      %mul3A_324 = vector.broadcast %add3A_196 : f32 to vector<16xf32>
      %mul3A_325 = arith.mulf %mul3A_324, %get3A_25 : vector<16xf32>
      %add3A_326 = arith.addf %add3A_323, %mul3A_325 : vector<16xf32>
      %swap3A_327 = arith.index_cast %scan3A_180 : i32 to index
      %swap3A_328 = arith.constant 112 : index
      %swap3A_329 = tpu.vector_load %arg19[%swap3A_327, %swap3A_328] {strides = array<i32>} : memref<80x128xf32, #tpu.memory_space<vmem>>, vector<1x16xf32>,
      %swap3A_330 = vector.shape_cast %swap3A_329 : vector<1x16xf32> to vector<16xf32>
      %swap3A_331 = vector.shape_cast %add3A_326 : vector<16xf32> to vector<1x16xf32>
      tpu.vector_store %arg19[%swap3A_327, %swap3A_328], %swap3A_331 {strides = array<i32>} : memref<80x128xf32, #tpu.memory_space<vmem>>, vector<1x16xf32>,
      %scan3A_332 = arith.constant 0 : i32
      scf.yield %scan3A_332 : i32
    }
    %scan3A_169 = arith.constant 80 : i32
    %add3A_170 = arith.constant 5520 : i32
    %add3A_171 = arith.addi %mul3A_2, %add3A_170 : i32
    %dma_start3A_172 = arith.constant 0 : i32
    %dma_start3A_173 = tpu.memref_slice %arg8[%add3A_171, %dma_start3A_172] : memref<179200x128xf32, #tpu.memory_space<hbm>> -> memref<80x128xf32, #tpu.memory_space<hbm>>
    %dma_start3A_174 = arith.constant 0 : i32
    %dma_start3A_175 = tpu.memref_slice %arg8[%add3A_171, %dma_start3A_174] : memref<179200x128xf32, #tpu.memory_space<hbm>> -> memref<80x128xf32, #tpu.memory_space<hbm>>
    tpu.enqueue_dma source(%arg19 : memref<80x128xf32, #tpu.memory_space<vmem>>) target(%dma_start3A_175 : memref<80x128xf32, #tpu.memory_space<hbm>>) target_semaphore(%arg23 : memref<!tpu.dma_semaphore, #tpu.memory_space<semaphore_mem>>)
    %dma_wait3A_176 = arith.constant 0 : i32
    %dma_wait3A_177 = tpu.memref_slice %arg8[%mul3A_2, %dma_wait3A_176] : memref<179200x128xf32, #tpu.memory_space<hbm>> -> memref<80x128xf32, #tpu.memory_space<hbm>>
    %dma_wait3A_178 = arith.constant 0 : i32
    %dma_wait3A_179 = tpu.memref_slice %arg8[%mul3A_2, %dma_wait3A_178] : memref<179200x128xf32, #tpu.memory_space<hbm>> -> memref<80x128xf32, #tpu.memory_space<hbm>>
    tpu.wait_dma2 semaphore(%arg23 : memref<!tpu.dma_semaphore, #tpu.memory_space<semaphore_mem>>) src(%arg19 : memref<80x128xf32, #tpu.memory_space<vmem>>) dst(%dma_wait3A_179 : memref<80x128xf32, #tpu.memory_space<hbm>>)
    return
  }
}

#map = affine_map<(d0, d1) -> (0, 0)>
#map1 = affine_map<(d0, d1) -> (0, 0, 0)>
module attributes {stable_mosaic.version = 14 : i64} {
  func.func @body(%arg0: i32, %arg1: i32, %arg2: memref<140800x128xf32, #tpu.memory_space<hbm>>, %arg3: memref<32x55x80xi32, #tpu.memory_space<hbm>>, %arg4: memref<20224x128xf32, #tpu.memory_space<hbm>>, %arg5: memref<10112x128xf32, #tpu.memory_space<vmem_shared>>, %arg6: memref<55x80xi32, #tpu.memory_space<vmem>>, %arg7: memref<80x128xf32, #tpu.memory_space<vmem>>, %arg8: memref<80x128xf32, #tpu.memory_space<vmem>>, %arg9: memref<8x128xf32, #tpu.memory_space<vmem>>, %arg10: memref<!tpu.dma_semaphore, #tpu.memory_space<semaphore_mem>>, %arg11: memref<!tpu.dma_semaphore, #tpu.memory_space<semaphore_mem>>) attributes {dimension_semantics = [#tpu.dimension_semantics<core_parallel>, #tpu.dimension_semantics<subcore_parallel>], iteration_bounds = array<i64: 2, 16>, scalar_prefetch = 0 : i64, scratch_operands = 7 : i64, tpu.core_type = #tpu.core_type<sc_vector_subcore>, window_params = [{transform_indices = #map}, {transform_indices = #map1}, {transform_indices = #map}]} {
    %mul3A = arith.constant 2 : i32
    %mul3A_0 = arith.muli %arg1, %mul3A : i32
    %add3A = arith.addi %mul3A_0, %arg0 : i32
    %scan3A = arith.constant 0 : i32
    %scan3A_1 = arith.constant 0 : i32
    %scan3A_2 = arith.constant 8 : i32
    %scan3A_3 = arith.addi %scan3A_1, %scan3A_2 : i32
    %scan3A_4 = arith.constant 1 : i32
    %scan3A_5 = scf.for %scan3A_67 = %scan3A_1 to %scan3A_3 step %scan3A_4 iter_args(%scan3A_68 = %scan3A) -> (i32)  : i32 {
      %broadcast_in_dim3A = arith.constant 0.000000e+00 : f32
      %broadcast_in_dim3A_69 = vector.broadcast %broadcast_in_dim3A : f32 to vector<16xf32>
      %swap3A = arith.index_cast %scan3A_67 : i32 to index
      %swap3A_70 = arith.constant 0 : index
      %swap3A_71 = tpu.vector_load %arg9[%swap3A, %swap3A_70] {strides = array<i32>} : memref<8x128xf32, #tpu.memory_space<vmem>>, vector<1x16xf32>,
      %swap3A_72 = vector.shape_cast %swap3A_71 : vector<1x16xf32> to vector<16xf32>
      %swap3A_73 = vector.shape_cast %broadcast_in_dim3A_69 : vector<16xf32> to vector<1x16xf32>
      tpu.vector_store %arg9[%swap3A, %swap3A_70], %swap3A_73 {strides = array<i32>} : memref<8x128xf32, #tpu.memory_space<vmem>>, vector<1x16xf32>,
      %broadcast_in_dim3A_74 = arith.constant 0.000000e+00 : f32
      %broadcast_in_dim3A_75 = vector.broadcast %broadcast_in_dim3A_74 : f32 to vector<16xf32>
      %swap3A_76 = arith.index_cast %scan3A_67 : i32 to index
      %swap3A_77 = arith.constant 16 : index
      %swap3A_78 = tpu.vector_load %arg9[%swap3A_76, %swap3A_77] {strides = array<i32>} : memref<8x128xf32, #tpu.memory_space<vmem>>, vector<1x16xf32>,
      %swap3A_79 = vector.shape_cast %swap3A_78 : vector<1x16xf32> to vector<16xf32>
      %swap3A_80 = vector.shape_cast %broadcast_in_dim3A_75 : vector<16xf32> to vector<1x16xf32>
      tpu.vector_store %arg9[%swap3A_76, %swap3A_77], %swap3A_80 {strides = array<i32>} : memref<8x128xf32, #tpu.memory_space<vmem>>, vector<1x16xf32>,
      %broadcast_in_dim3A_81 = arith.constant 0.000000e+00 : f32
      %broadcast_in_dim3A_82 = vector.broadcast %broadcast_in_dim3A_81 : f32 to vector<16xf32>
      %swap3A_83 = arith.index_cast %scan3A_67 : i32 to index
      %swap3A_84 = arith.constant 32 : index
      %swap3A_85 = tpu.vector_load %arg9[%swap3A_83, %swap3A_84] {strides = array<i32>} : memref<8x128xf32, #tpu.memory_space<vmem>>, vector<1x16xf32>,
      %swap3A_86 = vector.shape_cast %swap3A_85 : vector<1x16xf32> to vector<16xf32>
      %swap3A_87 = vector.shape_cast %broadcast_in_dim3A_82 : vector<16xf32> to vector<1x16xf32>
      tpu.vector_store %arg9[%swap3A_83, %swap3A_84], %swap3A_87 {strides = array<i32>} : memref<8x128xf32, #tpu.memory_space<vmem>>, vector<1x16xf32>,
      %broadcast_in_dim3A_88 = arith.constant 0.000000e+00 : f32
      %broadcast_in_dim3A_89 = vector.broadcast %broadcast_in_dim3A_88 : f32 to vector<16xf32>
      %swap3A_90 = arith.index_cast %scan3A_67 : i32 to index
      %swap3A_91 = arith.constant 48 : index
      %swap3A_92 = tpu.vector_load %arg9[%swap3A_90, %swap3A_91] {strides = array<i32>} : memref<8x128xf32, #tpu.memory_space<vmem>>, vector<1x16xf32>,
      %swap3A_93 = vector.shape_cast %swap3A_92 : vector<1x16xf32> to vector<16xf32>
      %swap3A_94 = vector.shape_cast %broadcast_in_dim3A_89 : vector<16xf32> to vector<1x16xf32>
      tpu.vector_store %arg9[%swap3A_90, %swap3A_91], %swap3A_94 {strides = array<i32>} : memref<8x128xf32, #tpu.memory_space<vmem>>, vector<1x16xf32>,
      %broadcast_in_dim3A_95 = arith.constant 0.000000e+00 : f32
      %broadcast_in_dim3A_96 = vector.broadcast %broadcast_in_dim3A_95 : f32 to vector<16xf32>
      %swap3A_97 = arith.index_cast %scan3A_67 : i32 to index
      %swap3A_98 = arith.constant 64 : index
      %swap3A_99 = tpu.vector_load %arg9[%swap3A_97, %swap3A_98] {strides = array<i32>} : memref<8x128xf32, #tpu.memory_space<vmem>>, vector<1x16xf32>,
      %swap3A_100 = vector.shape_cast %swap3A_99 : vector<1x16xf32> to vector<16xf32>
      %swap3A_101 = vector.shape_cast %broadcast_in_dim3A_96 : vector<16xf32> to vector<1x16xf32>
      tpu.vector_store %arg9[%swap3A_97, %swap3A_98], %swap3A_101 {strides = array<i32>} : memref<8x128xf32, #tpu.memory_space<vmem>>, vector<1x16xf32>,
      %broadcast_in_dim3A_102 = arith.constant 0.000000e+00 : f32
      %broadcast_in_dim3A_103 = vector.broadcast %broadcast_in_dim3A_102 : f32 to vector<16xf32>
      %swap3A_104 = arith.index_cast %scan3A_67 : i32 to index
      %swap3A_105 = arith.constant 80 : index
      %swap3A_106 = tpu.vector_load %arg9[%swap3A_104, %swap3A_105] {strides = array<i32>} : memref<8x128xf32, #tpu.memory_space<vmem>>, vector<1x16xf32>,
      %swap3A_107 = vector.shape_cast %swap3A_106 : vector<1x16xf32> to vector<16xf32>
      %swap3A_108 = vector.shape_cast %broadcast_in_dim3A_103 : vector<16xf32> to vector<1x16xf32>
      tpu.vector_store %arg9[%swap3A_104, %swap3A_105], %swap3A_108 {strides = array<i32>} : memref<8x128xf32, #tpu.memory_space<vmem>>, vector<1x16xf32>,
      %broadcast_in_dim3A_109 = arith.constant 0.000000e+00 : f32
      %broadcast_in_dim3A_110 = vector.broadcast %broadcast_in_dim3A_109 : f32 to vector<16xf32>
      %swap3A_111 = arith.index_cast %scan3A_67 : i32 to index
      %swap3A_112 = arith.constant 96 : index
      %swap3A_113 = tpu.vector_load %arg9[%swap3A_111, %swap3A_112] {strides = array<i32>} : memref<8x128xf32, #tpu.memory_space<vmem>>, vector<1x16xf32>,
      %swap3A_114 = vector.shape_cast %swap3A_113 : vector<1x16xf32> to vector<16xf32>
      %swap3A_115 = vector.shape_cast %broadcast_in_dim3A_110 : vector<16xf32> to vector<1x16xf32>
      tpu.vector_store %arg9[%swap3A_111, %swap3A_112], %swap3A_115 {strides = array<i32>} : memref<8x128xf32, #tpu.memory_space<vmem>>, vector<1x16xf32>,
      %broadcast_in_dim3A_116 = arith.constant 0.000000e+00 : f32
      %broadcast_in_dim3A_117 = vector.broadcast %broadcast_in_dim3A_116 : f32 to vector<16xf32>
      %swap3A_118 = arith.index_cast %scan3A_67 : i32 to index
      %swap3A_119 = arith.constant 112 : index
      %swap3A_120 = tpu.vector_load %arg9[%swap3A_118, %swap3A_119] {strides = array<i32>} : memref<8x128xf32, #tpu.memory_space<vmem>>, vector<1x16xf32>,
      %swap3A_121 = vector.shape_cast %swap3A_120 : vector<1x16xf32> to vector<16xf32>
      %swap3A_122 = vector.shape_cast %broadcast_in_dim3A_117 : vector<16xf32> to vector<1x16xf32>
      tpu.vector_store %arg9[%swap3A_118, %swap3A_119], %swap3A_122 {strides = array<i32>} : memref<8x128xf32, #tpu.memory_space<vmem>>, vector<1x16xf32>,
      %scan3A_123 = arith.constant 0 : i32
      scf.yield %scan3A_123 : i32
    }
    %scan3A_6 = arith.constant 8 : i32
    %scan3A_7 = arith.constant 0 : i32
    %scan3A_8 = arith.constant 0 : i32
    %scan3A_9 = arith.constant 79 : i32
    %scan3A_10 = arith.addi %scan3A_8, %scan3A_9 : i32
    %scan3A_11 = arith.constant 1 : i32
    %scan3A_12 = scf.for %scan3A_67 = %scan3A_8 to %scan3A_10 step %scan3A_11 iter_args(%scan3A_68 = %scan3A_7) -> (i32)  : i32 {
      %mul3A_69 = arith.constant 632 : i32
      %mul3A_70 = arith.muli %arg1, %mul3A_69 : i32
      %mul3A_71 = arith.constant 8 : i32
      %mul3A_72 = arith.muli %scan3A_67, %mul3A_71 : i32
      %add3A_73 = arith.addi %mul3A_70, %mul3A_72 : i32
      "tpu.region"() ({
        %run_scoped3A_75 = tpu.sem_alloc : memref<!tpu.dma_semaphore, #tpu.memory_space<semaphore_mem>>
        %dma_start3A_76 = arith.constant 0 : i32
        %dma_start3A_77 = tpu.memref_slice %arg5[%add3A_73, %dma_start3A_76] : memref<10112x128xf32, #tpu.memory_space<vmem_shared>> -> memref<8x128xf32, #tpu.memory_space<vmem_shared>>
        %dma_start3A_78 = arith.constant 0 : i32
        %dma_start3A_79 = tpu.memref_slice %arg5[%add3A_73, %dma_start3A_78] : memref<10112x128xf32, #tpu.memory_space<vmem_shared>> -> memref<8x128xf32, #tpu.memory_space<vmem_shared>>
        tpu.enqueue_dma source(%arg9 : memref<8x128xf32, #tpu.memory_space<vmem>>) target(%dma_start3A_79 : memref<8x128xf32, #tpu.memory_space<vmem_shared>>) target_semaphore(%run_scoped3A_75 : memref<!tpu.dma_semaphore, #tpu.memory_space<semaphore_mem>>)
        %dma_wait3A_80 = arith.constant 0 : i32
        %dma_wait3A_81 = tpu.memref_slice %arg5[%add3A_73, %dma_wait3A_80] : memref<10112x128xf32, #tpu.memory_space<vmem_shared>> -> memref<8x128xf32, #tpu.memory_space<vmem_shared>>
        %dma_wait3A_82 = arith.constant 0 : i32
        %dma_wait3A_83 = tpu.memref_slice %arg5[%add3A_73, %dma_wait3A_82] : memref<10112x128xf32, #tpu.memory_space<vmem_shared>> -> memref<8x128xf32, #tpu.memory_space<vmem_shared>>
        tpu.wait_dma2 semaphore(%run_scoped3A_75 : memref<!tpu.dma_semaphore, #tpu.memory_space<semaphore_mem>>) src(%arg9 : memref<8x128xf32, #tpu.memory_space<vmem>>) dst(%dma_wait3A_83 : memref<8x128xf32, #tpu.memory_space<vmem_shared>>)
        tpu.yield
      }) : () -> ()
      %scan3A_74 = arith.constant 0 : i32
      scf.yield %scan3A_74 : i32
    }
    %scan3A_13 = arith.constant 79 : i32
    %barrier3A = arith.constant 0 : index
    tpu.barrier barrier_id(%barrier3A)
    "tpu.region"() ({
      %run_scoped3A_67 = tpu.sem_alloc : memref<!tpu.dma_semaphore, #tpu.memory_space<semaphore_mem>>
      %dma_start3A_68 = arith.constant 0 : i32
      %dma_start3A_69 = arith.constant 0 : i32
      %dma_start3A_70 = tpu.memref_slice %arg3[%add3A, %dma_start3A_68, %dma_start3A_69] : memref<32x55x80xi32, #tpu.memory_space<hbm>> -> memref<1x55x80xi32, #tpu.memory_space<hbm>>
      %dma_start3A_71 = tpu.memref_squeeze %dma_start3A_70 : memref<1x55x80xi32, #tpu.memory_space<hbm>> -> memref<55x80xi32, #tpu.memory_space<hbm>>
      %dma_start3A_72 = arith.constant 0 : i32
      %dma_start3A_73 = arith.constant 0 : i32
      %dma_start3A_74 = tpu.memref_slice %arg3[%add3A, %dma_start3A_72, %dma_start3A_73] : memref<32x55x80xi32, #tpu.memory_space<hbm>> -> memref<1x55x80xi32, #tpu.memory_space<hbm>>
      %dma_start3A_75 = tpu.memref_squeeze %dma_start3A_74 : memref<1x55x80xi32, #tpu.memory_space<hbm>> -> memref<55x80xi32, #tpu.memory_space<hbm>>
      tpu.enqueue_dma source(%dma_start3A_75 : memref<55x80xi32, #tpu.memory_space<hbm>>) target(%arg6 : memref<55x80xi32, #tpu.memory_space<vmem>>) target_semaphore(%run_scoped3A_67 : memref<!tpu.dma_semaphore, #tpu.memory_space<semaphore_mem>>)
      %dma_wait3A_76 = arith.constant 0 : i32
      %dma_wait3A_77 = arith.constant 0 : i32
      %dma_wait3A_78 = tpu.memref_slice %arg3[%add3A, %dma_wait3A_76, %dma_wait3A_77] : memref<32x55x80xi32, #tpu.memory_space<hbm>> -> memref<1x55x80xi32, #tpu.memory_space<hbm>>
      %dma_wait3A_79 = tpu.memref_squeeze %dma_wait3A_78 : memref<1x55x80xi32, #tpu.memory_space<hbm>> -> memref<55x80xi32, #tpu.memory_space<hbm>>
      %dma_wait3A_80 = arith.constant 0 : i32
      %dma_wait3A_81 = arith.constant 0 : i32
      %dma_wait3A_82 = tpu.memref_slice %arg3[%add3A, %dma_wait3A_80, %dma_wait3A_81] : memref<32x55x80xi32, #tpu.memory_space<hbm>> -> memref<1x55x80xi32, #tpu.memory_space<hbm>>
      %dma_wait3A_83 = tpu.memref_squeeze %dma_wait3A_82 : memref<1x55x80xi32, #tpu.memory_space<hbm>> -> memref<55x80xi32, #tpu.memory_space<hbm>>
      tpu.wait_dma2 semaphore(%run_scoped3A_67 : memref<!tpu.dma_semaphore, #tpu.memory_space<semaphore_mem>>) src(%dma_wait3A_83 : memref<55x80xi32, #tpu.memory_space<hbm>>) dst(%arg6 : memref<55x80xi32, #tpu.memory_space<vmem>>)
      tpu.yield
    }) : () -> ()
    %mul3A_14 = arith.constant 4400 : i32
    %mul3A_15 = arith.muli %add3A, %mul3A_14 : i32
    %add3A_16 = arith.constant 0 : i32
    %add3A_17 = arith.addi %mul3A_15, %add3A_16 : i32
    %dma_start3A = arith.constant 0 : i32
    %dma_start3A_18 = tpu.memref_slice %arg2[%add3A_17, %dma_start3A] : memref<140800x128xf32, #tpu.memory_space<hbm>> -> memref<80x128xf32, #tpu.memory_space<hbm>>
    %dma_start3A_19 = arith.constant 0 : i32
    %dma_start3A_20 = tpu.memref_slice %arg2[%add3A_17, %dma_start3A_19] : memref<140800x128xf32, #tpu.memory_space<hbm>> -> memref<80x128xf32, #tpu.memory_space<hbm>>
    tpu.enqueue_dma source(%dma_start3A_20 : memref<80x128xf32, #tpu.memory_space<hbm>>) target(%arg7 : memref<80x128xf32, #tpu.memory_space<vmem>>) target_semaphore(%arg10 : memref<!tpu.dma_semaphore, #tpu.memory_space<semaphore_mem>>)
    %add3A_21 = arith.constant 80 : i32
    %add3A_22 = arith.addi %mul3A_15, %add3A_21 : i32
    %dma_start3A_23 = arith.constant 0 : i32
    %dma_start3A_24 = tpu.memref_slice %arg2[%add3A_22, %dma_start3A_23] : memref<140800x128xf32, #tpu.memory_space<hbm>> -> memref<80x128xf32, #tpu.memory_space<hbm>>
    %dma_start3A_25 = arith.constant 0 : i32
    %dma_start3A_26 = tpu.memref_slice %arg2[%add3A_22, %dma_start3A_25] : memref<140800x128xf32, #tpu.memory_space<hbm>> -> memref<80x128xf32, #tpu.memory_space<hbm>>
    tpu.enqueue_dma source(%dma_start3A_26 : memref<80x128xf32, #tpu.memory_space<hbm>>) target(%arg8 : memref<80x128xf32, #tpu.memory_space<vmem>>) target_semaphore(%arg11 : memref<!tpu.dma_semaphore, #tpu.memory_space<semaphore_mem>>)
    %scan3A_27 = arith.constant 0 : i32
    %scan3A_28 = arith.constant 0 : i32
    %scan3A_29 = arith.constant 26 : i32
    %scan3A_30 = arith.addi %scan3A_28, %scan3A_29 : i32
    %scan3A_31 = arith.constant 1 : i32
    %scan3A_32 = scf.for %scan3A_67 = %scan3A_28 to %scan3A_30 step %scan3A_31 iter_args(%scan3A_68 = %scan3A_27) -> (i32)  : i32 {
      %mul3A_69 = arith.constant 2 : i32
      %mul3A_70 = arith.muli %mul3A_69, %scan3A_67 : i32
      %add3A_71 = arith.constant 0 : i32
      %add3A_72 = arith.addi %mul3A_70, %add3A_71 : i32
      %mul3A_73 = arith.constant 80 : i32
      %mul3A_74 = arith.muli %add3A_72, %mul3A_73 : i32
      %add3A_75 = arith.addi %mul3A_15, %mul3A_74 : i32
      %dma_wait3A_76 = arith.constant 0 : i32
      %dma_wait3A_77 = tpu.memref_slice %arg2[%add3A_75, %dma_wait3A_76] : memref<140800x128xf32, #tpu.memory_space<hbm>> -> memref<80x128xf32, #tpu.memory_space<hbm>>
      %dma_wait3A_78 = arith.constant 0 : i32
      %dma_wait3A_79 = tpu.memref_slice %arg2[%add3A_75, %dma_wait3A_78] : memref<140800x128xf32, #tpu.memory_space<hbm>> -> memref<80x128xf32, #tpu.memory_space<hbm>>
      tpu.wait_dma2 semaphore(%arg10 : memref<!tpu.dma_semaphore, #tpu.memory_space<semaphore_mem>>) src(%dma_wait3A_79 : memref<80x128xf32, #tpu.memory_space<hbm>>) dst(%arg7 : memref<80x128xf32, #tpu.memory_space<vmem>>)
      %gt3A = arith.constant 0 : i32
      %gt3A_80 = arith.cmpi sgt, %scan3A_67, %gt3A : i32
      %convert_element_type3A = arith.extui %gt3A_80 : i1 to i32
      %cond3A = arith.constant 0 : i32
      %cond3A_81 = arith.cmpi ne, %convert_element_type3A, %cond3A : i32
      scf.if %cond3A_81 {
      } else {
      }
      "tpu.region"() ({
        %run_scoped3A_112 = tpu.sem_alloc : memref<!tpu.dma_semaphore, #tpu.memory_space<semaphore_mem>>
        %dma_start3A_113 = arith.constant 0 : i32
        %dma_start3A_114 = tpu.memref_slice %arg6[%add3A_72, %dma_start3A_113] : memref<55x80xi32, #tpu.memory_space<vmem>> -> memref<1x80xi32, #tpu.memory_space<vmem>>
        %dma_start3A_115 = tpu.memref_squeeze %dma_start3A_114 : memref<1x80xi32, #tpu.memory_space<vmem>> -> memref<80xi32, #tpu.memory_space<vmem>>
        %dma_start3A_116 = arith.constant 0 : i32
        %dma_start3A_117 = arith.constant 0 : i32
        %dma_start3A_118 = tpu.memref_slice %arg5[%dma_start3A_116, %dma_start3A_117] : memref<10112x128xf32, #tpu.memory_space<vmem_shared>> -> memref<10112x128xf32, #tpu.memory_space<vmem_shared>>
        tpu.enqueue_indirect_dma source(%arg7 : memref<80x128xf32, #tpu.memory_space<vmem>>) target(%dma_start3A_118 : memref<10112x128xf32, #tpu.memory_space<vmem_shared>>) offsets(%dma_start3A_115 : memref<80xi32, #tpu.memory_space<vmem>>) semaphore(%run_scoped3A_112 : memref<!tpu.dma_semaphore, #tpu.memory_space<semaphore_mem>>) {add = true}
        %dma_wait3A_119 = arith.constant 0 : i32
        %dma_wait3A_120 = tpu.memref_slice %arg6[%add3A_72, %dma_wait3A_119] : memref<55x80xi32, #tpu.memory_space<vmem>> -> memref<1x80xi32, #tpu.memory_space<vmem>>
        %dma_wait3A_121 = tpu.memref_squeeze %dma_wait3A_120 : memref<1x80xi32, #tpu.memory_space<vmem>> -> memref<80xi32, #tpu.memory_space<vmem>>
        %dma_wait3A_122 = arith.constant 0 : i32
        %dma_wait3A_123 = arith.constant 0 : i32
        %dma_wait3A_124 = tpu.memref_slice %arg5[%dma_wait3A_122, %dma_wait3A_123] : memref<10112x128xf32, #tpu.memory_space<vmem_shared>> -> memref<10112x128xf32, #tpu.memory_space<vmem_shared>>
        tpu.wait_indirect_dma semaphore(%run_scoped3A_112 : memref<!tpu.dma_semaphore, #tpu.memory_space<semaphore_mem>>) src(%arg7 : memref<80x128xf32, #tpu.memory_space<vmem>>) dst(%dma_wait3A_124 : memref<10112x128xf32, #tpu.memory_space<vmem_shared>>)
        tpu.yield
      }) : () -> ()
      %add3A_82 = arith.constant 2 : i32
      %add3A_83 = arith.addi %add3A_72, %add3A_82 : i32
      %mul3A_84 = arith.constant 80 : i32
      %mul3A_85 = arith.muli %add3A_83, %mul3A_84 : i32
      %add3A_86 = arith.addi %mul3A_15, %mul3A_85 : i32
      %dma_start3A_87 = arith.constant 0 : i32
      %dma_start3A_88 = tpu.memref_slice %arg2[%add3A_86, %dma_start3A_87] : memref<140800x128xf32, #tpu.memory_space<hbm>> -> memref<80x128xf32, #tpu.memory_space<hbm>>
      %dma_start3A_89 = arith.constant 0 : i32
      %dma_start3A_90 = tpu.memref_slice %arg2[%add3A_86, %dma_start3A_89] : memref<140800x128xf32, #tpu.memory_space<hbm>> -> memref<80x128xf32, #tpu.memory_space<hbm>>
      tpu.enqueue_dma source(%dma_start3A_90 : memref<80x128xf32, #tpu.memory_space<hbm>>) target(%arg7 : memref<80x128xf32, #tpu.memory_space<vmem>>) target_semaphore(%arg10 : memref<!tpu.dma_semaphore, #tpu.memory_space<semaphore_mem>>)
      %mul3A_91 = arith.constant 2 : i32
      %mul3A_92 = arith.muli %mul3A_91, %scan3A_67 : i32
      %add3A_93 = arith.constant 1 : i32
      %add3A_94 = arith.addi %mul3A_92, %add3A_93 : i32
      %mul3A_95 = arith.constant 80 : i32
      %mul3A_96 = arith.muli %add3A_94, %mul3A_95 : i32
      %add3A_97 = arith.addi %mul3A_15, %mul3A_96 : i32
      %dma_wait3A_98 = arith.constant 0 : i32
      %dma_wait3A_99 = tpu.memref_slice %arg2[%add3A_97, %dma_wait3A_98] : memref<140800x128xf32, #tpu.memory_space<hbm>> -> memref<80x128xf32, #tpu.memory_space<hbm>>
      %dma_wait3A_100 = arith.constant 0 : i32
      %dma_wait3A_101 = tpu.memref_slice %arg2[%add3A_97, %dma_wait3A_100] : memref<140800x128xf32, #tpu.memory_space<hbm>> -> memref<80x128xf32, #tpu.memory_space<hbm>>
      tpu.wait_dma2 semaphore(%arg11 : memref<!tpu.dma_semaphore, #tpu.memory_space<semaphore_mem>>) src(%dma_wait3A_101 : memref<80x128xf32, #tpu.memory_space<hbm>>) dst(%arg8 : memref<80x128xf32, #tpu.memory_space<vmem>>)
      "tpu.region"() ({
        %run_scoped3A_112 = tpu.sem_alloc : memref<!tpu.dma_semaphore, #tpu.memory_space<semaphore_mem>>
        %dma_start3A_113 = arith.constant 0 : i32
        %dma_start3A_114 = tpu.memref_slice %arg6[%add3A_94, %dma_start3A_113] : memref<55x80xi32, #tpu.memory_space<vmem>> -> memref<1x80xi32, #tpu.memory_space<vmem>>
        %dma_start3A_115 = tpu.memref_squeeze %dma_start3A_114 : memref<1x80xi32, #tpu.memory_space<vmem>> -> memref<80xi32, #tpu.memory_space<vmem>>
        %dma_start3A_116 = arith.constant 0 : i32
        %dma_start3A_117 = arith.constant 0 : i32
        %dma_start3A_118 = tpu.memref_slice %arg5[%dma_start3A_116, %dma_start3A_117] : memref<10112x128xf32, #tpu.memory_space<vmem_shared>> -> memref<10112x128xf32, #tpu.memory_space<vmem_shared>>
        tpu.enqueue_indirect_dma source(%arg8 : memref<80x128xf32, #tpu.memory_space<vmem>>) target(%dma_start3A_118 : memref<10112x128xf32, #tpu.memory_space<vmem_shared>>) offsets(%dma_start3A_115 : memref<80xi32, #tpu.memory_space<vmem>>) semaphore(%run_scoped3A_112 : memref<!tpu.dma_semaphore, #tpu.memory_space<semaphore_mem>>) {add = true}
        %dma_wait3A_119 = arith.constant 0 : i32
        %dma_wait3A_120 = tpu.memref_slice %arg6[%add3A_94, %dma_wait3A_119] : memref<55x80xi32, #tpu.memory_space<vmem>> -> memref<1x80xi32, #tpu.memory_space<vmem>>
        %dma_wait3A_121 = tpu.memref_squeeze %dma_wait3A_120 : memref<1x80xi32, #tpu.memory_space<vmem>> -> memref<80xi32, #tpu.memory_space<vmem>>
        %dma_wait3A_122 = arith.constant 0 : i32
        %dma_wait3A_123 = arith.constant 0 : i32
        %dma_wait3A_124 = tpu.memref_slice %arg5[%dma_wait3A_122, %dma_wait3A_123] : memref<10112x128xf32, #tpu.memory_space<vmem_shared>> -> memref<10112x128xf32, #tpu.memory_space<vmem_shared>>
        tpu.wait_indirect_dma semaphore(%run_scoped3A_112 : memref<!tpu.dma_semaphore, #tpu.memory_space<semaphore_mem>>) src(%arg8 : memref<80x128xf32, #tpu.memory_space<vmem>>) dst(%dma_wait3A_124 : memref<10112x128xf32, #tpu.memory_space<vmem_shared>>)
        tpu.yield
      }) : () -> ()
      %add3A_102 = arith.constant 2 : i32
      %add3A_103 = arith.addi %add3A_94, %add3A_102 : i32
      %mul3A_104 = arith.constant 80 : i32
      %mul3A_105 = arith.muli %add3A_103, %mul3A_104 : i32
      %add3A_106 = arith.addi %mul3A_15, %mul3A_105 : i32
      %dma_start3A_107 = arith.constant 0 : i32
      %dma_start3A_108 = tpu.memref_slice %arg2[%add3A_106, %dma_start3A_107] : memref<140800x128xf32, #tpu.memory_space<hbm>> -> memref<80x128xf32, #tpu.memory_space<hbm>>
      %dma_start3A_109 = arith.constant 0 : i32
      %dma_start3A_110 = tpu.memref_slice %arg2[%add3A_106, %dma_start3A_109] : memref<140800x128xf32, #tpu.memory_space<hbm>> -> memref<80x128xf32, #tpu.memory_space<hbm>>
      tpu.enqueue_dma source(%dma_start3A_110 : memref<80x128xf32, #tpu.memory_space<hbm>>) target(%arg8 : memref<80x128xf32, #tpu.memory_space<vmem>>) target_semaphore(%arg11 : memref<!tpu.dma_semaphore, #tpu.memory_space<semaphore_mem>>)
      %scan3A_111 = arith.constant 0 : i32
      scf.yield %scan3A_111 : i32
    }
    %scan3A_33 = arith.constant 26 : i32
    %add3A_34 = arith.constant 4160 : i32
    %add3A_35 = arith.addi %mul3A_15, %add3A_34 : i32
    %dma_wait3A = arith.constant 0 : i32
    %dma_wait3A_36 = tpu.memref_slice %arg2[%add3A_35, %dma_wait3A] : memref<140800x128xf32, #tpu.memory_space<hbm>> -> memref<80x128xf32, #tpu.memory_space<hbm>>
    %dma_wait3A_37 = arith.constant 0 : i32
    %dma_wait3A_38 = tpu.memref_slice %arg2[%add3A_35, %dma_wait3A_37] : memref<140800x128xf32, #tpu.memory_space<hbm>> -> memref<80x128xf32, #tpu.memory_space<hbm>>
    tpu.wait_dma2 semaphore(%arg10 : memref<!tpu.dma_semaphore, #tpu.memory_space<semaphore_mem>>) src(%dma_wait3A_38 : memref<80x128xf32, #tpu.memory_space<hbm>>) dst(%arg7 : memref<80x128xf32, #tpu.memory_space<vmem>>)
    %run_scoped3A = arith.constant 52 : i32
    "tpu.region"() ({
      %run_scoped3A_67 = tpu.sem_alloc : memref<!tpu.dma_semaphore, #tpu.memory_space<semaphore_mem>>
      %dma_start3A_68 = arith.constant 0 : i32
      %dma_start3A_69 = tpu.memref_slice %arg6[%run_scoped3A, %dma_start3A_68] : memref<55x80xi32, #tpu.memory_space<vmem>> -> memref<1x80xi32, #tpu.memory_space<vmem>>
      %dma_start3A_70 = tpu.memref_squeeze %dma_start3A_69 : memref<1x80xi32, #tpu.memory_space<vmem>> -> memref<80xi32, #tpu.memory_space<vmem>>
      %dma_start3A_71 = arith.constant 0 : i32
      %dma_start3A_72 = arith.constant 0 : i32
      %dma_start3A_73 = tpu.memref_slice %arg5[%dma_start3A_71, %dma_start3A_72] : memref<10112x128xf32, #tpu.memory_space<vmem_shared>> -> memref<10112x128xf32, #tpu.memory_space<vmem_shared>>
      tpu.enqueue_indirect_dma source(%arg7 : memref<80x128xf32, #tpu.memory_space<vmem>>) target(%dma_start3A_73 : memref<10112x128xf32, #tpu.memory_space<vmem_shared>>) offsets(%dma_start3A_70 : memref<80xi32, #tpu.memory_space<vmem>>) semaphore(%run_scoped3A_67 : memref<!tpu.dma_semaphore, #tpu.memory_space<semaphore_mem>>) {add = true}
      %dma_wait3A_74 = arith.constant 0 : i32
      %dma_wait3A_75 = tpu.memref_slice %arg6[%run_scoped3A, %dma_wait3A_74] : memref<55x80xi32, #tpu.memory_space<vmem>> -> memref<1x80xi32, #tpu.memory_space<vmem>>
      %dma_wait3A_76 = tpu.memref_squeeze %dma_wait3A_75 : memref<1x80xi32, #tpu.memory_space<vmem>> -> memref<80xi32, #tpu.memory_space<vmem>>
      %dma_wait3A_77 = arith.constant 0 : i32
      %dma_wait3A_78 = arith.constant 0 : i32
      %dma_wait3A_79 = tpu.memref_slice %arg5[%dma_wait3A_77, %dma_wait3A_78] : memref<10112x128xf32, #tpu.memory_space<vmem_shared>> -> memref<10112x128xf32, #tpu.memory_space<vmem_shared>>
      tpu.wait_indirect_dma semaphore(%run_scoped3A_67 : memref<!tpu.dma_semaphore, #tpu.memory_space<semaphore_mem>>) src(%arg7 : memref<80x128xf32, #tpu.memory_space<vmem>>) dst(%dma_wait3A_79 : memref<10112x128xf32, #tpu.memory_space<vmem_shared>>)
      tpu.yield
    }) : () -> ()
    %add3A_39 = arith.constant 4320 : i32
    %add3A_40 = arith.addi %mul3A_15, %add3A_39 : i32
    %dma_start3A_41 = arith.constant 0 : i32
    %dma_start3A_42 = tpu.memref_slice %arg2[%add3A_40, %dma_start3A_41] : memref<140800x128xf32, #tpu.memory_space<hbm>> -> memref<80x128xf32, #tpu.memory_space<hbm>>
    %dma_start3A_43 = arith.constant 0 : i32
    %dma_start3A_44 = tpu.memref_slice %arg2[%add3A_40, %dma_start3A_43] : memref<140800x128xf32, #tpu.memory_space<hbm>> -> memref<80x128xf32, #tpu.memory_space<hbm>>
    tpu.enqueue_dma source(%dma_start3A_44 : memref<80x128xf32, #tpu.memory_space<hbm>>) target(%arg7 : memref<80x128xf32, #tpu.memory_space<vmem>>) target_semaphore(%arg10 : memref<!tpu.dma_semaphore, #tpu.memory_space<semaphore_mem>>)
    %add3A_45 = arith.constant 4240 : i32
    %add3A_46 = arith.addi %mul3A_15, %add3A_45 : i32
    %dma_wait3A_47 = arith.constant 0 : i32
    %dma_wait3A_48 = tpu.memref_slice %arg2[%add3A_46, %dma_wait3A_47] : memref<140800x128xf32, #tpu.memory_space<hbm>> -> memref<80x128xf32, #tpu.memory_space<hbm>>
    %dma_wait3A_49 = arith.constant 0 : i32
    %dma_wait3A_50 = tpu.memref_slice %arg2[%add3A_46, %dma_wait3A_49] : memref<140800x128xf32, #tpu.memory_space<hbm>> -> memref<80x128xf32, #tpu.memory_space<hbm>>
    tpu.wait_dma2 semaphore(%arg11 : memref<!tpu.dma_semaphore, #tpu.memory_space<semaphore_mem>>) src(%dma_wait3A_50 : memref<80x128xf32, #tpu.memory_space<hbm>>) dst(%arg8 : memref<80x128xf32, #tpu.memory_space<vmem>>)
    %run_scoped3A_51 = arith.constant 53 : i32
    "tpu.region"() ({
      %run_scoped3A_67 = tpu.sem_alloc : memref<!tpu.dma_semaphore, #tpu.memory_space<semaphore_mem>>
      %dma_start3A_68 = arith.constant 0 : i32
      %dma_start3A_69 = tpu.memref_slice %arg6[%run_scoped3A_51, %dma_start3A_68] : memref<55x80xi32, #tpu.memory_space<vmem>> -> memref<1x80xi32, #tpu.memory_space<vmem>>
      %dma_start3A_70 = tpu.memref_squeeze %dma_start3A_69 : memref<1x80xi32, #tpu.memory_space<vmem>> -> memref<80xi32, #tpu.memory_space<vmem>>
      %dma_start3A_71 = arith.constant 0 : i32
      %dma_start3A_72 = arith.constant 0 : i32
      %dma_start3A_73 = tpu.memref_slice %arg5[%dma_start3A_71, %dma_start3A_72] : memref<10112x128xf32, #tpu.memory_space<vmem_shared>> -> memref<10112x128xf32, #tpu.memory_space<vmem_shared>>
      tpu.enqueue_indirect_dma source(%arg8 : memref<80x128xf32, #tpu.memory_space<vmem>>) target(%dma_start3A_73 : memref<10112x128xf32, #tpu.memory_space<vmem_shared>>) offsets(%dma_start3A_70 : memref<80xi32, #tpu.memory_space<vmem>>) semaphore(%run_scoped3A_67 : memref<!tpu.dma_semaphore, #tpu.memory_space<semaphore_mem>>) {add = true}
      %dma_wait3A_74 = arith.constant 0 : i32
      %dma_wait3A_75 = tpu.memref_slice %arg6[%run_scoped3A_51, %dma_wait3A_74] : memref<55x80xi32, #tpu.memory_space<vmem>> -> memref<1x80xi32, #tpu.memory_space<vmem>>
      %dma_wait3A_76 = tpu.memref_squeeze %dma_wait3A_75 : memref<1x80xi32, #tpu.memory_space<vmem>> -> memref<80xi32, #tpu.memory_space<vmem>>
      %dma_wait3A_77 = arith.constant 0 : i32
      %dma_wait3A_78 = arith.constant 0 : i32
      %dma_wait3A_79 = tpu.memref_slice %arg5[%dma_wait3A_77, %dma_wait3A_78] : memref<10112x128xf32, #tpu.memory_space<vmem_shared>> -> memref<10112x128xf32, #tpu.memory_space<vmem_shared>>
      tpu.wait_indirect_dma semaphore(%run_scoped3A_67 : memref<!tpu.dma_semaphore, #tpu.memory_space<semaphore_mem>>) src(%arg8 : memref<80x128xf32, #tpu.memory_space<vmem>>) dst(%dma_wait3A_79 : memref<10112x128xf32, #tpu.memory_space<vmem_shared>>)
      tpu.yield
    }) : () -> ()
    %add3A_52 = arith.constant 4320 : i32
    %add3A_53 = arith.addi %mul3A_15, %add3A_52 : i32
    %dma_wait3A_54 = arith.constant 0 : i32
    %dma_wait3A_55 = tpu.memref_slice %arg2[%add3A_53, %dma_wait3A_54] : memref<140800x128xf32, #tpu.memory_space<hbm>> -> memref<80x128xf32, #tpu.memory_space<hbm>>
    %dma_wait3A_56 = arith.constant 0 : i32
    %dma_wait3A_57 = tpu.memref_slice %arg2[%add3A_53, %dma_wait3A_56] : memref<140800x128xf32, #tpu.memory_space<hbm>> -> memref<80x128xf32, #tpu.memory_space<hbm>>
    tpu.wait_dma2 semaphore(%arg10 : memref<!tpu.dma_semaphore, #tpu.memory_space<semaphore_mem>>) src(%dma_wait3A_57 : memref<80x128xf32, #tpu.memory_space<hbm>>) dst(%arg7 : memref<80x128xf32, #tpu.memory_space<vmem>>)
    %run_scoped3A_58 = arith.constant 54 : i32
    "tpu.region"() ({
      %run_scoped3A_67 = tpu.sem_alloc : memref<!tpu.dma_semaphore, #tpu.memory_space<semaphore_mem>>
      %dma_start3A_68 = arith.constant 0 : i32
      %dma_start3A_69 = tpu.memref_slice %arg6[%run_scoped3A_58, %dma_start3A_68] : memref<55x80xi32, #tpu.memory_space<vmem>> -> memref<1x80xi32, #tpu.memory_space<vmem>>
      %dma_start3A_70 = tpu.memref_squeeze %dma_start3A_69 : memref<1x80xi32, #tpu.memory_space<vmem>> -> memref<80xi32, #tpu.memory_space<vmem>>
      %dma_start3A_71 = arith.constant 0 : i32
      %dma_start3A_72 = arith.constant 0 : i32
      %dma_start3A_73 = tpu.memref_slice %arg5[%dma_start3A_71, %dma_start3A_72] : memref<10112x128xf32, #tpu.memory_space<vmem_shared>> -> memref<10112x128xf32, #tpu.memory_space<vmem_shared>>
      tpu.enqueue_indirect_dma source(%arg7 : memref<80x128xf32, #tpu.memory_space<vmem>>) target(%dma_start3A_73 : memref<10112x128xf32, #tpu.memory_space<vmem_shared>>) offsets(%dma_start3A_70 : memref<80xi32, #tpu.memory_space<vmem>>) semaphore(%run_scoped3A_67 : memref<!tpu.dma_semaphore, #tpu.memory_space<semaphore_mem>>) {add = true}
      %dma_wait3A_74 = arith.constant 0 : i32
      %dma_wait3A_75 = tpu.memref_slice %arg6[%run_scoped3A_58, %dma_wait3A_74] : memref<55x80xi32, #tpu.memory_space<vmem>> -> memref<1x80xi32, #tpu.memory_space<vmem>>
      %dma_wait3A_76 = tpu.memref_squeeze %dma_wait3A_75 : memref<1x80xi32, #tpu.memory_space<vmem>> -> memref<80xi32, #tpu.memory_space<vmem>>
      %dma_wait3A_77 = arith.constant 0 : i32
      %dma_wait3A_78 = arith.constant 0 : i32
      %dma_wait3A_79 = tpu.memref_slice %arg5[%dma_wait3A_77, %dma_wait3A_78] : memref<10112x128xf32, #tpu.memory_space<vmem_shared>> -> memref<10112x128xf32, #tpu.memory_space<vmem_shared>>
      tpu.wait_indirect_dma semaphore(%run_scoped3A_67 : memref<!tpu.dma_semaphore, #tpu.memory_space<semaphore_mem>>) src(%arg7 : memref<80x128xf32, #tpu.memory_space<vmem>>) dst(%dma_wait3A_79 : memref<10112x128xf32, #tpu.memory_space<vmem_shared>>)
      tpu.yield
    }) : () -> ()
    %barrier3A_59 = arith.constant 0 : index
    tpu.barrier barrier_id(%barrier3A_59)
    %mul3A_60 = arith.constant 632 : i32
    %mul3A_61 = arith.muli %arg1, %mul3A_60 : i32
    %mul3A_62 = arith.constant 10112 : i32
    %mul3A_63 = arith.muli %arg0, %mul3A_62 : i32
    %mul3A_64 = arith.constant 632 : i32
    %mul3A_65 = arith.muli %arg1, %mul3A_64 : i32
    %add3A_66 = arith.addi %mul3A_63, %mul3A_65 : i32
    "tpu.region"() ({
      %run_scoped3A_67 = tpu.sem_alloc : memref<!tpu.dma_semaphore, #tpu.memory_space<semaphore_mem>>
      %dma_start3A_68 = arith.constant 0 : i32
      %dma_start3A_69 = tpu.memref_slice %arg4[%add3A_66, %dma_start3A_68] : memref<20224x128xf32, #tpu.memory_space<hbm>> -> memref<632x128xf32, #tpu.memory_space<hbm>>
      %dma_start3A_70 = arith.constant 0 : i32
      %dma_start3A_71 = tpu.memref_slice %arg5[%mul3A_61, %dma_start3A_70] : memref<10112x128xf32, #tpu.memory_space<vmem_shared>> -> memref<632x128xf32, #tpu.memory_space<vmem_shared>>
      tpu.enqueue_dma source(%dma_start3A_71 : memref<632x128xf32, #tpu.memory_space<vmem_shared>>) target(%dma_start3A_69 : memref<632x128xf32, #tpu.memory_space<hbm>>) target_semaphore(%run_scoped3A_67 : memref<!tpu.dma_semaphore, #tpu.memory_space<semaphore_mem>>)
      %dma_wait3A_72 = arith.constant 0 : i32
      %dma_wait3A_73 = tpu.memref_slice %arg4[%add3A_66, %dma_wait3A_72] : memref<20224x128xf32, #tpu.memory_space<hbm>> -> memref<632x128xf32, #tpu.memory_space<hbm>>
      %dma_wait3A_74 = arith.constant 0 : i32
      %dma_wait3A_75 = tpu.memref_slice %arg5[%mul3A_61, %dma_wait3A_74] : memref<10112x128xf32, #tpu.memory_space<vmem_shared>> -> memref<632x128xf32, #tpu.memory_space<vmem_shared>>
      tpu.wait_dma2 semaphore(%run_scoped3A_67 : memref<!tpu.dma_semaphore, #tpu.memory_space<semaphore_mem>>) src(%dma_wait3A_75 : memref<632x128xf32, #tpu.memory_space<vmem_shared>>) dst(%dma_wait3A_73 : memref<632x128xf32, #tpu.memory_space<hbm>>)
      tpu.yield
    }) : () -> ()
    return
  }
}

#map = affine_map<(d0, d1) -> (0, 0)>
#map1 = affine_map<(d0, d1) -> (0, 0, 0)>
module attributes {stable_mosaic.version = 14 : i64} {
  func.func @body(%arg0: i32, %arg1: i32, %arg2: memref<179200x128xf32, #tpu.memory_space<hbm>>, %arg3: memref<32x70x80xi32, #tpu.memory_space<hbm>>, %arg4: memref<20224x128xf32, #tpu.memory_space<hbm>>, %arg5: memref<10112x128xf32, #tpu.memory_space<vmem_shared>>, %arg6: memref<70x80xi32, #tpu.memory_space<vmem>>, %arg7: memref<80x128xf32, #tpu.memory_space<vmem>>, %arg8: memref<80x128xf32, #tpu.memory_space<vmem>>, %arg9: memref<8x128xf32, #tpu.memory_space<vmem>>, %arg10: memref<!tpu.dma_semaphore, #tpu.memory_space<semaphore_mem>>, %arg11: memref<!tpu.dma_semaphore, #tpu.memory_space<semaphore_mem>>) attributes {dimension_semantics = [#tpu.dimension_semantics<core_parallel>, #tpu.dimension_semantics<subcore_parallel>], iteration_bounds = array<i64: 2, 16>, scalar_prefetch = 0 : i64, scratch_operands = 7 : i64, tpu.core_type = #tpu.core_type<sc_vector_subcore>, window_params = [{transform_indices = #map}, {transform_indices = #map1}, {transform_indices = #map}]} {
    %mul3A = arith.constant 2 : i32
    %mul3A_0 = arith.muli %arg1, %mul3A : i32
    %add3A = arith.addi %mul3A_0, %arg0 : i32
    %scan3A = arith.constant 0 : i32
    %scan3A_1 = arith.constant 0 : i32
    %scan3A_2 = arith.constant 8 : i32
    %scan3A_3 = arith.addi %scan3A_1, %scan3A_2 : i32
    %scan3A_4 = arith.constant 1 : i32
    %scan3A_5 = scf.for %scan3A_54 = %scan3A_1 to %scan3A_3 step %scan3A_4 iter_args(%scan3A_55 = %scan3A) -> (i32)  : i32 {
      %broadcast_in_dim3A = arith.constant 0.000000e+00 : f32
      %broadcast_in_dim3A_56 = vector.broadcast %broadcast_in_dim3A : f32 to vector<16xf32>
      %swap3A = arith.index_cast %scan3A_54 : i32 to index
      %swap3A_57 = arith.constant 0 : index
      %swap3A_58 = tpu.vector_load %arg9[%swap3A, %swap3A_57] {strides = array<i32>} : memref<8x128xf32, #tpu.memory_space<vmem>>, vector<1x16xf32>,
      %swap3A_59 = vector.shape_cast %swap3A_58 : vector<1x16xf32> to vector<16xf32>
      %swap3A_60 = vector.shape_cast %broadcast_in_dim3A_56 : vector<16xf32> to vector<1x16xf32>
      tpu.vector_store %arg9[%swap3A, %swap3A_57], %swap3A_60 {strides = array<i32>} : memref<8x128xf32, #tpu.memory_space<vmem>>, vector<1x16xf32>,
      %broadcast_in_dim3A_61 = arith.constant 0.000000e+00 : f32
      %broadcast_in_dim3A_62 = vector.broadcast %broadcast_in_dim3A_61 : f32 to vector<16xf32>
      %swap3A_63 = arith.index_cast %scan3A_54 : i32 to index
      %swap3A_64 = arith.constant 16 : index
      %swap3A_65 = tpu.vector_load %arg9[%swap3A_63, %swap3A_64] {strides = array<i32>} : memref<8x128xf32, #tpu.memory_space<vmem>>, vector<1x16xf32>,
      %swap3A_66 = vector.shape_cast %swap3A_65 : vector<1x16xf32> to vector<16xf32>
      %swap3A_67 = vector.shape_cast %broadcast_in_dim3A_62 : vector<16xf32> to vector<1x16xf32>
      tpu.vector_store %arg9[%swap3A_63, %swap3A_64], %swap3A_67 {strides = array<i32>} : memref<8x128xf32, #tpu.memory_space<vmem>>, vector<1x16xf32>,
      %broadcast_in_dim3A_68 = arith.constant 0.000000e+00 : f32
      %broadcast_in_dim3A_69 = vector.broadcast %broadcast_in_dim3A_68 : f32 to vector<16xf32>
      %swap3A_70 = arith.index_cast %scan3A_54 : i32 to index
      %swap3A_71 = arith.constant 32 : index
      %swap3A_72 = tpu.vector_load %arg9[%swap3A_70, %swap3A_71] {strides = array<i32>} : memref<8x128xf32, #tpu.memory_space<vmem>>, vector<1x16xf32>,
      %swap3A_73 = vector.shape_cast %swap3A_72 : vector<1x16xf32> to vector<16xf32>
      %swap3A_74 = vector.shape_cast %broadcast_in_dim3A_69 : vector<16xf32> to vector<1x16xf32>
      tpu.vector_store %arg9[%swap3A_70, %swap3A_71], %swap3A_74 {strides = array<i32>} : memref<8x128xf32, #tpu.memory_space<vmem>>, vector<1x16xf32>,
      %broadcast_in_dim3A_75 = arith.constant 0.000000e+00 : f32
      %broadcast_in_dim3A_76 = vector.broadcast %broadcast_in_dim3A_75 : f32 to vector<16xf32>
      %swap3A_77 = arith.index_cast %scan3A_54 : i32 to index
      %swap3A_78 = arith.constant 48 : index
      %swap3A_79 = tpu.vector_load %arg9[%swap3A_77, %swap3A_78] {strides = array<i32>} : memref<8x128xf32, #tpu.memory_space<vmem>>, vector<1x16xf32>,
      %swap3A_80 = vector.shape_cast %swap3A_79 : vector<1x16xf32> to vector<16xf32>
      %swap3A_81 = vector.shape_cast %broadcast_in_dim3A_76 : vector<16xf32> to vector<1x16xf32>
      tpu.vector_store %arg9[%swap3A_77, %swap3A_78], %swap3A_81 {strides = array<i32>} : memref<8x128xf32, #tpu.memory_space<vmem>>, vector<1x16xf32>,
      %broadcast_in_dim3A_82 = arith.constant 0.000000e+00 : f32
      %broadcast_in_dim3A_83 = vector.broadcast %broadcast_in_dim3A_82 : f32 to vector<16xf32>
      %swap3A_84 = arith.index_cast %scan3A_54 : i32 to index
      %swap3A_85 = arith.constant 64 : index
      %swap3A_86 = tpu.vector_load %arg9[%swap3A_84, %swap3A_85] {strides = array<i32>} : memref<8x128xf32, #tpu.memory_space<vmem>>, vector<1x16xf32>,
      %swap3A_87 = vector.shape_cast %swap3A_86 : vector<1x16xf32> to vector<16xf32>
      %swap3A_88 = vector.shape_cast %broadcast_in_dim3A_83 : vector<16xf32> to vector<1x16xf32>
      tpu.vector_store %arg9[%swap3A_84, %swap3A_85], %swap3A_88 {strides = array<i32>} : memref<8x128xf32, #tpu.memory_space<vmem>>, vector<1x16xf32>,
      %broadcast_in_dim3A_89 = arith.constant 0.000000e+00 : f32
      %broadcast_in_dim3A_90 = vector.broadcast %broadcast_in_dim3A_89 : f32 to vector<16xf32>
      %swap3A_91 = arith.index_cast %scan3A_54 : i32 to index
      %swap3A_92 = arith.constant 80 : index
      %swap3A_93 = tpu.vector_load %arg9[%swap3A_91, %swap3A_92] {strides = array<i32>} : memref<8x128xf32, #tpu.memory_space<vmem>>, vector<1x16xf32>,
      %swap3A_94 = vector.shape_cast %swap3A_93 : vector<1x16xf32> to vector<16xf32>
      %swap3A_95 = vector.shape_cast %broadcast_in_dim3A_90 : vector<16xf32> to vector<1x16xf32>
      tpu.vector_store %arg9[%swap3A_91, %swap3A_92], %swap3A_95 {strides = array<i32>} : memref<8x128xf32, #tpu.memory_space<vmem>>, vector<1x16xf32>,
      %broadcast_in_dim3A_96 = arith.constant 0.000000e+00 : f32
      %broadcast_in_dim3A_97 = vector.broadcast %broadcast_in_dim3A_96 : f32 to vector<16xf32>
      %swap3A_98 = arith.index_cast %scan3A_54 : i32 to index
      %swap3A_99 = arith.constant 96 : index
      %swap3A_100 = tpu.vector_load %arg9[%swap3A_98, %swap3A_99] {strides = array<i32>} : memref<8x128xf32, #tpu.memory_space<vmem>>, vector<1x16xf32>,
      %swap3A_101 = vector.shape_cast %swap3A_100 : vector<1x16xf32> to vector<16xf32>
      %swap3A_102 = vector.shape_cast %broadcast_in_dim3A_97 : vector<16xf32> to vector<1x16xf32>
      tpu.vector_store %arg9[%swap3A_98, %swap3A_99], %swap3A_102 {strides = array<i32>} : memref<8x128xf32, #tpu.memory_space<vmem>>, vector<1x16xf32>,
      %broadcast_in_dim3A_103 = arith.constant 0.000000e+00 : f32
      %broadcast_in_dim3A_104 = vector.broadcast %broadcast_in_dim3A_103 : f32 to vector<16xf32>
      %swap3A_105 = arith.index_cast %scan3A_54 : i32 to index
      %swap3A_106 = arith.constant 112 : index
      %swap3A_107 = tpu.vector_load %arg9[%swap3A_105, %swap3A_106] {strides = array<i32>} : memref<8x128xf32, #tpu.memory_space<vmem>>, vector<1x16xf32>,
      %swap3A_108 = vector.shape_cast %swap3A_107 : vector<1x16xf32> to vector<16xf32>
      %swap3A_109 = vector.shape_cast %broadcast_in_dim3A_104 : vector<16xf32> to vector<1x16xf32>
      tpu.vector_store %arg9[%swap3A_105, %swap3A_106], %swap3A_109 {strides = array<i32>} : memref<8x128xf32, #tpu.memory_space<vmem>>, vector<1x16xf32>,
      %scan3A_110 = arith.constant 0 : i32
      scf.yield %scan3A_110 : i32
    }
    %scan3A_6 = arith.constant 8 : i32
    %scan3A_7 = arith.constant 0 : i32
    %scan3A_8 = arith.constant 0 : i32
    %scan3A_9 = arith.constant 79 : i32
    %scan3A_10 = arith.addi %scan3A_8, %scan3A_9 : i32
    %scan3A_11 = arith.constant 1 : i32
    %scan3A_12 = scf.for %scan3A_54 = %scan3A_8 to %scan3A_10 step %scan3A_11 iter_args(%scan3A_55 = %scan3A_7) -> (i32)  : i32 {
      %mul3A_56 = arith.constant 632 : i32
      %mul3A_57 = arith.muli %arg1, %mul3A_56 : i32
      %mul3A_58 = arith.constant 8 : i32
      %mul3A_59 = arith.muli %scan3A_54, %mul3A_58 : i32
      %add3A_60 = arith.addi %mul3A_57, %mul3A_59 : i32
      "tpu.region"() ({
        %run_scoped3A_62 = tpu.sem_alloc : memref<!tpu.dma_semaphore, #tpu.memory_space<semaphore_mem>>
        %dma_start3A_63 = arith.constant 0 : i32
        %dma_start3A_64 = tpu.memref_slice %arg5[%add3A_60, %dma_start3A_63] : memref<10112x128xf32, #tpu.memory_space<vmem_shared>> -> memref<8x128xf32, #tpu.memory_space<vmem_shared>>
        %dma_start3A_65 = arith.constant 0 : i32
        %dma_start3A_66 = tpu.memref_slice %arg5[%add3A_60, %dma_start3A_65] : memref<10112x128xf32, #tpu.memory_space<vmem_shared>> -> memref<8x128xf32, #tpu.memory_space<vmem_shared>>
        tpu.enqueue_dma source(%arg9 : memref<8x128xf32, #tpu.memory_space<vmem>>) target(%dma_start3A_66 : memref<8x128xf32, #tpu.memory_space<vmem_shared>>) target_semaphore(%run_scoped3A_62 : memref<!tpu.dma_semaphore, #tpu.memory_space<semaphore_mem>>)
        %dma_wait3A_67 = arith.constant 0 : i32
        %dma_wait3A_68 = tpu.memref_slice %arg5[%add3A_60, %dma_wait3A_67] : memref<10112x128xf32, #tpu.memory_space<vmem_shared>> -> memref<8x128xf32, #tpu.memory_space<vmem_shared>>
        %dma_wait3A_69 = arith.constant 0 : i32
        %dma_wait3A_70 = tpu.memref_slice %arg5[%add3A_60, %dma_wait3A_69] : memref<10112x128xf32, #tpu.memory_space<vmem_shared>> -> memref<8x128xf32, #tpu.memory_space<vmem_shared>>
        tpu.wait_dma2 semaphore(%run_scoped3A_62 : memref<!tpu.dma_semaphore, #tpu.memory_space<semaphore_mem>>) src(%arg9 : memref<8x128xf32, #tpu.memory_space<vmem>>) dst(%dma_wait3A_70 : memref<8x128xf32, #tpu.memory_space<vmem_shared>>)
        tpu.yield
      }) : () -> ()
      %scan3A_61 = arith.constant 0 : i32
      scf.yield %scan3A_61 : i32
    }
    %scan3A_13 = arith.constant 79 : i32
    %barrier3A = arith.constant 0 : index
    tpu.barrier barrier_id(%barrier3A)
    "tpu.region"() ({
      %run_scoped3A_54 = tpu.sem_alloc : memref<!tpu.dma_semaphore, #tpu.memory_space<semaphore_mem>>
      %dma_start3A_55 = arith.constant 0 : i32
      %dma_start3A_56 = arith.constant 0 : i32
      %dma_start3A_57 = tpu.memref_slice %arg3[%add3A, %dma_start3A_55, %dma_start3A_56] : memref<32x70x80xi32, #tpu.memory_space<hbm>> -> memref<1x70x80xi32, #tpu.memory_space<hbm>>
      %dma_start3A_58 = tpu.memref_squeeze %dma_start3A_57 : memref<1x70x80xi32, #tpu.memory_space<hbm>> -> memref<70x80xi32, #tpu.memory_space<hbm>>
      %dma_start3A_59 = arith.constant 0 : i32
      %dma_start3A_60 = arith.constant 0 : i32
      %dma_start3A_61 = tpu.memref_slice %arg3[%add3A, %dma_start3A_59, %dma_start3A_60] : memref<32x70x80xi32, #tpu.memory_space<hbm>> -> memref<1x70x80xi32, #tpu.memory_space<hbm>>
      %dma_start3A_62 = tpu.memref_squeeze %dma_start3A_61 : memref<1x70x80xi32, #tpu.memory_space<hbm>> -> memref<70x80xi32, #tpu.memory_space<hbm>>
      tpu.enqueue_dma source(%dma_start3A_62 : memref<70x80xi32, #tpu.memory_space<hbm>>) target(%arg6 : memref<70x80xi32, #tpu.memory_space<vmem>>) target_semaphore(%run_scoped3A_54 : memref<!tpu.dma_semaphore, #tpu.memory_space<semaphore_mem>>)
      %dma_wait3A_63 = arith.constant 0 : i32
      %dma_wait3A_64 = arith.constant 0 : i32
      %dma_wait3A_65 = tpu.memref_slice %arg3[%add3A, %dma_wait3A_63, %dma_wait3A_64] : memref<32x70x80xi32, #tpu.memory_space<hbm>> -> memref<1x70x80xi32, #tpu.memory_space<hbm>>
      %dma_wait3A_66 = tpu.memref_squeeze %dma_wait3A_65 : memref<1x70x80xi32, #tpu.memory_space<hbm>> -> memref<70x80xi32, #tpu.memory_space<hbm>>
      %dma_wait3A_67 = arith.constant 0 : i32
      %dma_wait3A_68 = arith.constant 0 : i32
      %dma_wait3A_69 = tpu.memref_slice %arg3[%add3A, %dma_wait3A_67, %dma_wait3A_68] : memref<32x70x80xi32, #tpu.memory_space<hbm>> -> memref<1x70x80xi32, #tpu.memory_space<hbm>>
      %dma_wait3A_70 = tpu.memref_squeeze %dma_wait3A_69 : memref<1x70x80xi32, #tpu.memory_space<hbm>> -> memref<70x80xi32, #tpu.memory_space<hbm>>
      tpu.wait_dma2 semaphore(%run_scoped3A_54 : memref<!tpu.dma_semaphore, #tpu.memory_space<semaphore_mem>>) src(%dma_wait3A_70 : memref<70x80xi32, #tpu.memory_space<hbm>>) dst(%arg6 : memref<70x80xi32, #tpu.memory_space<vmem>>)
      tpu.yield
    }) : () -> ()
    %mul3A_14 = arith.constant 5600 : i32
    %mul3A_15 = arith.muli %add3A, %mul3A_14 : i32
    %add3A_16 = arith.constant 0 : i32
    %add3A_17 = arith.addi %mul3A_15, %add3A_16 : i32
    %dma_start3A = arith.constant 0 : i32
    %dma_start3A_18 = tpu.memref_slice %arg2[%add3A_17, %dma_start3A] : memref<179200x128xf32, #tpu.memory_space<hbm>> -> memref<80x128xf32, #tpu.memory_space<hbm>>
    %dma_start3A_19 = arith.constant 0 : i32
    %dma_start3A_20 = tpu.memref_slice %arg2[%add3A_17, %dma_start3A_19] : memref<179200x128xf32, #tpu.memory_space<hbm>> -> memref<80x128xf32, #tpu.memory_space<hbm>>
    tpu.enqueue_dma source(%dma_start3A_20 : memref<80x128xf32, #tpu.memory_space<hbm>>) target(%arg7 : memref<80x128xf32, #tpu.memory_space<vmem>>) target_semaphore(%arg10 : memref<!tpu.dma_semaphore, #tpu.memory_space<semaphore_mem>>)
    %add3A_21 = arith.constant 80 : i32
    %add3A_22 = arith.addi %mul3A_15, %add3A_21 : i32
    %dma_start3A_23 = arith.constant 0 : i32
    %dma_start3A_24 = tpu.memref_slice %arg2[%add3A_22, %dma_start3A_23] : memref<179200x128xf32, #tpu.memory_space<hbm>> -> memref<80x128xf32, #tpu.memory_space<hbm>>
    %dma_start3A_25 = arith.constant 0 : i32
    %dma_start3A_26 = tpu.memref_slice %arg2[%add3A_22, %dma_start3A_25] : memref<179200x128xf32, #tpu.memory_space<hbm>> -> memref<80x128xf32, #tpu.memory_space<hbm>>
    tpu.enqueue_dma source(%dma_start3A_26 : memref<80x128xf32, #tpu.memory_space<hbm>>) target(%arg8 : memref<80x128xf32, #tpu.memory_space<vmem>>) target_semaphore(%arg11 : memref<!tpu.dma_semaphore, #tpu.memory_space<semaphore_mem>>)
    %scan3A_27 = arith.constant 0 : i32
    %scan3A_28 = arith.constant 0 : i32
    %scan3A_29 = arith.constant 34 : i32
    %scan3A_30 = arith.addi %scan3A_28, %scan3A_29 : i32
    %scan3A_31 = arith.constant 1 : i32
    %scan3A_32 = scf.for %scan3A_54 = %scan3A_28 to %scan3A_30 step %scan3A_31 iter_args(%scan3A_55 = %scan3A_27) -> (i32)  : i32 {
      %mul3A_56 = arith.constant 2 : i32
      %mul3A_57 = arith.muli %mul3A_56, %scan3A_54 : i32
      %add3A_58 = arith.constant 0 : i32
      %add3A_59 = arith.addi %mul3A_57, %add3A_58 : i32
      %mul3A_60 = arith.constant 80 : i32
      %mul3A_61 = arith.muli %add3A_59, %mul3A_60 : i32
      %add3A_62 = arith.addi %mul3A_15, %mul3A_61 : i32
      %dma_wait3A_63 = arith.constant 0 : i32
      %dma_wait3A_64 = tpu.memref_slice %arg2[%add3A_62, %dma_wait3A_63] : memref<179200x128xf32, #tpu.memory_space<hbm>> -> memref<80x128xf32, #tpu.memory_space<hbm>>
      %dma_wait3A_65 = arith.constant 0 : i32
      %dma_wait3A_66 = tpu.memref_slice %arg2[%add3A_62, %dma_wait3A_65] : memref<179200x128xf32, #tpu.memory_space<hbm>> -> memref<80x128xf32, #tpu.memory_space<hbm>>
      tpu.wait_dma2 semaphore(%arg10 : memref<!tpu.dma_semaphore, #tpu.memory_space<semaphore_mem>>) src(%dma_wait3A_66 : memref<80x128xf32, #tpu.memory_space<hbm>>) dst(%arg7 : memref<80x128xf32, #tpu.memory_space<vmem>>)
      %gt3A = arith.constant 0 : i32
      %gt3A_67 = arith.cmpi sgt, %scan3A_54, %gt3A : i32
      %convert_element_type3A = arith.extui %gt3A_67 : i1 to i32
      %cond3A = arith.constant 0 : i32
      %cond3A_68 = arith.cmpi ne, %convert_element_type3A, %cond3A : i32
      scf.if %cond3A_68 {
      } else {
      }
      "tpu.region"() ({
        %run_scoped3A_99 = tpu.sem_alloc : memref<!tpu.dma_semaphore, #tpu.memory_space<semaphore_mem>>
        %dma_start3A_100 = arith.constant 0 : i32
        %dma_start3A_101 = tpu.memref_slice %arg6[%add3A_59, %dma_start3A_100] : memref<70x80xi32, #tpu.memory_space<vmem>> -> memref<1x80xi32, #tpu.memory_space<vmem>>
        %dma_start3A_102 = tpu.memref_squeeze %dma_start3A_101 : memref<1x80xi32, #tpu.memory_space<vmem>> -> memref<80xi32, #tpu.memory_space<vmem>>
        %dma_start3A_103 = arith.constant 0 : i32
        %dma_start3A_104 = arith.constant 0 : i32
        %dma_start3A_105 = tpu.memref_slice %arg5[%dma_start3A_103, %dma_start3A_104] : memref<10112x128xf32, #tpu.memory_space<vmem_shared>> -> memref<10112x128xf32, #tpu.memory_space<vmem_shared>>
        tpu.enqueue_indirect_dma source(%arg7 : memref<80x128xf32, #tpu.memory_space<vmem>>) target(%dma_start3A_105 : memref<10112x128xf32, #tpu.memory_space<vmem_shared>>) offsets(%dma_start3A_102 : memref<80xi32, #tpu.memory_space<vmem>>) semaphore(%run_scoped3A_99 : memref<!tpu.dma_semaphore, #tpu.memory_space<semaphore_mem>>) {add = true}
        %dma_wait3A_106 = arith.constant 0 : i32
        %dma_wait3A_107 = tpu.memref_slice %arg6[%add3A_59, %dma_wait3A_106] : memref<70x80xi32, #tpu.memory_space<vmem>> -> memref<1x80xi32, #tpu.memory_space<vmem>>
        %dma_wait3A_108 = tpu.memref_squeeze %dma_wait3A_107 : memref<1x80xi32, #tpu.memory_space<vmem>> -> memref<80xi32, #tpu.memory_space<vmem>>
        %dma_wait3A_109 = arith.constant 0 : i32
        %dma_wait3A_110 = arith.constant 0 : i32
        %dma_wait3A_111 = tpu.memref_slice %arg5[%dma_wait3A_109, %dma_wait3A_110] : memref<10112x128xf32, #tpu.memory_space<vmem_shared>> -> memref<10112x128xf32, #tpu.memory_space<vmem_shared>>
        tpu.wait_indirect_dma semaphore(%run_scoped3A_99 : memref<!tpu.dma_semaphore, #tpu.memory_space<semaphore_mem>>) src(%arg7 : memref<80x128xf32, #tpu.memory_space<vmem>>) dst(%dma_wait3A_111 : memref<10112x128xf32, #tpu.memory_space<vmem_shared>>)
        tpu.yield
      }) : () -> ()
      %add3A_69 = arith.constant 2 : i32
      %add3A_70 = arith.addi %add3A_59, %add3A_69 : i32
      %mul3A_71 = arith.constant 80 : i32
      %mul3A_72 = arith.muli %add3A_70, %mul3A_71 : i32
      %add3A_73 = arith.addi %mul3A_15, %mul3A_72 : i32
      %dma_start3A_74 = arith.constant 0 : i32
      %dma_start3A_75 = tpu.memref_slice %arg2[%add3A_73, %dma_start3A_74] : memref<179200x128xf32, #tpu.memory_space<hbm>> -> memref<80x128xf32, #tpu.memory_space<hbm>>
      %dma_start3A_76 = arith.constant 0 : i32
      %dma_start3A_77 = tpu.memref_slice %arg2[%add3A_73, %dma_start3A_76] : memref<179200x128xf32, #tpu.memory_space<hbm>> -> memref<80x128xf32, #tpu.memory_space<hbm>>
      tpu.enqueue_dma source(%dma_start3A_77 : memref<80x128xf32, #tpu.memory_space<hbm>>) target(%arg7 : memref<80x128xf32, #tpu.memory_space<vmem>>) target_semaphore(%arg10 : memref<!tpu.dma_semaphore, #tpu.memory_space<semaphore_mem>>)
      %mul3A_78 = arith.constant 2 : i32
      %mul3A_79 = arith.muli %mul3A_78, %scan3A_54 : i32
      %add3A_80 = arith.constant 1 : i32
      %add3A_81 = arith.addi %mul3A_79, %add3A_80 : i32
      %mul3A_82 = arith.constant 80 : i32
      %mul3A_83 = arith.muli %add3A_81, %mul3A_82 : i32
      %add3A_84 = arith.addi %mul3A_15, %mul3A_83 : i32
      %dma_wait3A_85 = arith.constant 0 : i32
      %dma_wait3A_86 = tpu.memref_slice %arg2[%add3A_84, %dma_wait3A_85] : memref<179200x128xf32, #tpu.memory_space<hbm>> -> memref<80x128xf32, #tpu.memory_space<hbm>>
      %dma_wait3A_87 = arith.constant 0 : i32
      %dma_wait3A_88 = tpu.memref_slice %arg2[%add3A_84, %dma_wait3A_87] : memref<179200x128xf32, #tpu.memory_space<hbm>> -> memref<80x128xf32, #tpu.memory_space<hbm>>
      tpu.wait_dma2 semaphore(%arg11 : memref<!tpu.dma_semaphore, #tpu.memory_space<semaphore_mem>>) src(%dma_wait3A_88 : memref<80x128xf32, #tpu.memory_space<hbm>>) dst(%arg8 : memref<80x128xf32, #tpu.memory_space<vmem>>)
      "tpu.region"() ({
        %run_scoped3A_99 = tpu.sem_alloc : memref<!tpu.dma_semaphore, #tpu.memory_space<semaphore_mem>>
        %dma_start3A_100 = arith.constant 0 : i32
        %dma_start3A_101 = tpu.memref_slice %arg6[%add3A_81, %dma_start3A_100] : memref<70x80xi32, #tpu.memory_space<vmem>> -> memref<1x80xi32, #tpu.memory_space<vmem>>
        %dma_start3A_102 = tpu.memref_squeeze %dma_start3A_101 : memref<1x80xi32, #tpu.memory_space<vmem>> -> memref<80xi32, #tpu.memory_space<vmem>>
        %dma_start3A_103 = arith.constant 0 : i32
        %dma_start3A_104 = arith.constant 0 : i32
        %dma_start3A_105 = tpu.memref_slice %arg5[%dma_start3A_103, %dma_start3A_104] : memref<10112x128xf32, #tpu.memory_space<vmem_shared>> -> memref<10112x128xf32, #tpu.memory_space<vmem_shared>>
        tpu.enqueue_indirect_dma source(%arg8 : memref<80x128xf32, #tpu.memory_space<vmem>>) target(%dma_start3A_105 : memref<10112x128xf32, #tpu.memory_space<vmem_shared>>) offsets(%dma_start3A_102 : memref<80xi32, #tpu.memory_space<vmem>>) semaphore(%run_scoped3A_99 : memref<!tpu.dma_semaphore, #tpu.memory_space<semaphore_mem>>) {add = true}
        %dma_wait3A_106 = arith.constant 0 : i32
        %dma_wait3A_107 = tpu.memref_slice %arg6[%add3A_81, %dma_wait3A_106] : memref<70x80xi32, #tpu.memory_space<vmem>> -> memref<1x80xi32, #tpu.memory_space<vmem>>
        %dma_wait3A_108 = tpu.memref_squeeze %dma_wait3A_107 : memref<1x80xi32, #tpu.memory_space<vmem>> -> memref<80xi32, #tpu.memory_space<vmem>>
        %dma_wait3A_109 = arith.constant 0 : i32
        %dma_wait3A_110 = arith.constant 0 : i32
        %dma_wait3A_111 = tpu.memref_slice %arg5[%dma_wait3A_109, %dma_wait3A_110] : memref<10112x128xf32, #tpu.memory_space<vmem_shared>> -> memref<10112x128xf32, #tpu.memory_space<vmem_shared>>
        tpu.wait_indirect_dma semaphore(%run_scoped3A_99 : memref<!tpu.dma_semaphore, #tpu.memory_space<semaphore_mem>>) src(%arg8 : memref<80x128xf32, #tpu.memory_space<vmem>>) dst(%dma_wait3A_111 : memref<10112x128xf32, #tpu.memory_space<vmem_shared>>)
        tpu.yield
      }) : () -> ()
      %add3A_89 = arith.constant 2 : i32
      %add3A_90 = arith.addi %add3A_81, %add3A_89 : i32
      %mul3A_91 = arith.constant 80 : i32
      %mul3A_92 = arith.muli %add3A_90, %mul3A_91 : i32
      %add3A_93 = arith.addi %mul3A_15, %mul3A_92 : i32
      %dma_start3A_94 = arith.constant 0 : i32
      %dma_start3A_95 = tpu.memref_slice %arg2[%add3A_93, %dma_start3A_94] : memref<179200x128xf32, #tpu.memory_space<hbm>> -> memref<80x128xf32, #tpu.memory_space<hbm>>
      %dma_start3A_96 = arith.constant 0 : i32
      %dma_start3A_97 = tpu.memref_slice %arg2[%add3A_93, %dma_start3A_96] : memref<179200x128xf32, #tpu.memory_space<hbm>> -> memref<80x128xf32, #tpu.memory_space<hbm>>
      tpu.enqueue_dma source(%dma_start3A_97 : memref<80x128xf32, #tpu.memory_space<hbm>>) target(%arg8 : memref<80x128xf32, #tpu.memory_space<vmem>>) target_semaphore(%arg11 : memref<!tpu.dma_semaphore, #tpu.memory_space<semaphore_mem>>)
      %scan3A_98 = arith.constant 0 : i32
      scf.yield %scan3A_98 : i32
    }
    %scan3A_33 = arith.constant 34 : i32
    %add3A_34 = arith.constant 5440 : i32
    %add3A_35 = arith.addi %mul3A_15, %add3A_34 : i32
    %dma_wait3A = arith.constant 0 : i32
    %dma_wait3A_36 = tpu.memref_slice %arg2[%add3A_35, %dma_wait3A] : memref<179200x128xf32, #tpu.memory_space<hbm>> -> memref<80x128xf32, #tpu.memory_space<hbm>>
    %dma_wait3A_37 = arith.constant 0 : i32
    %dma_wait3A_38 = tpu.memref_slice %arg2[%add3A_35, %dma_wait3A_37] : memref<179200x128xf32, #tpu.memory_space<hbm>> -> memref<80x128xf32, #tpu.memory_space<hbm>>
    tpu.wait_dma2 semaphore(%arg10 : memref<!tpu.dma_semaphore, #tpu.memory_space<semaphore_mem>>) src(%dma_wait3A_38 : memref<80x128xf32, #tpu.memory_space<hbm>>) dst(%arg7 : memref<80x128xf32, #tpu.memory_space<vmem>>)
    %run_scoped3A = arith.constant 68 : i32
    "tpu.region"() ({
      %run_scoped3A_54 = tpu.sem_alloc : memref<!tpu.dma_semaphore, #tpu.memory_space<semaphore_mem>>
      %dma_start3A_55 = arith.constant 0 : i32
      %dma_start3A_56 = tpu.memref_slice %arg6[%run_scoped3A, %dma_start3A_55] : memref<70x80xi32, #tpu.memory_space<vmem>> -> memref<1x80xi32, #tpu.memory_space<vmem>>
      %dma_start3A_57 = tpu.memref_squeeze %dma_start3A_56 : memref<1x80xi32, #tpu.memory_space<vmem>> -> memref<80xi32, #tpu.memory_space<vmem>>
      %dma_start3A_58 = arith.constant 0 : i32
      %dma_start3A_59 = arith.constant 0 : i32
      %dma_start3A_60 = tpu.memref_slice %arg5[%dma_start3A_58, %dma_start3A_59] : memref<10112x128xf32, #tpu.memory_space<vmem_shared>> -> memref<10112x128xf32, #tpu.memory_space<vmem_shared>>
      tpu.enqueue_indirect_dma source(%arg7 : memref<80x128xf32, #tpu.memory_space<vmem>>) target(%dma_start3A_60 : memref<10112x128xf32, #tpu.memory_space<vmem_shared>>) offsets(%dma_start3A_57 : memref<80xi32, #tpu.memory_space<vmem>>) semaphore(%run_scoped3A_54 : memref<!tpu.dma_semaphore, #tpu.memory_space<semaphore_mem>>) {add = true}
      %dma_wait3A_61 = arith.constant 0 : i32
      %dma_wait3A_62 = tpu.memref_slice %arg6[%run_scoped3A, %dma_wait3A_61] : memref<70x80xi32, #tpu.memory_space<vmem>> -> memref<1x80xi32, #tpu.memory_space<vmem>>
      %dma_wait3A_63 = tpu.memref_squeeze %dma_wait3A_62 : memref<1x80xi32, #tpu.memory_space<vmem>> -> memref<80xi32, #tpu.memory_space<vmem>>
      %dma_wait3A_64 = arith.constant 0 : i32
      %dma_wait3A_65 = arith.constant 0 : i32
      %dma_wait3A_66 = tpu.memref_slice %arg5[%dma_wait3A_64, %dma_wait3A_65] : memref<10112x128xf32, #tpu.memory_space<vmem_shared>> -> memref<10112x128xf32, #tpu.memory_space<vmem_shared>>
      tpu.wait_indirect_dma semaphore(%run_scoped3A_54 : memref<!tpu.dma_semaphore, #tpu.memory_space<semaphore_mem>>) src(%arg7 : memref<80x128xf32, #tpu.memory_space<vmem>>) dst(%dma_wait3A_66 : memref<10112x128xf32, #tpu.memory_space<vmem_shared>>)
      tpu.yield
    }) : () -> ()
    %add3A_39 = arith.constant 5520 : i32
    %add3A_40 = arith.addi %mul3A_15, %add3A_39 : i32
    %dma_wait3A_41 = arith.constant 0 : i32
    %dma_wait3A_42 = tpu.memref_slice %arg2[%add3A_40, %dma_wait3A_41] : memref<179200x128xf32, #tpu.memory_space<hbm>> -> memref<80x128xf32, #tpu.memory_space<hbm>>
    %dma_wait3A_43 = arith.constant 0 : i32
    %dma_wait3A_44 = tpu.memref_slice %arg2[%add3A_40, %dma_wait3A_43] : memref<179200x128xf32, #tpu.memory_space<hbm>> -> memref<80x128xf32, #tpu.memory_space<hbm>>
    tpu.wait_dma2 semaphore(%arg11 : memref<!tpu.dma_semaphore, #tpu.memory_space<semaphore_mem>>) src(%dma_wait3A_44 : memref<80x128xf32, #tpu.memory_space<hbm>>) dst(%arg8 : memref<80x128xf32, #tpu.memory_space<vmem>>)
    %run_scoped3A_45 = arith.constant 69 : i32
    "tpu.region"() ({
      %run_scoped3A_54 = tpu.sem_alloc : memref<!tpu.dma_semaphore, #tpu.memory_space<semaphore_mem>>
      %dma_start3A_55 = arith.constant 0 : i32
      %dma_start3A_56 = tpu.memref_slice %arg6[%run_scoped3A_45, %dma_start3A_55] : memref<70x80xi32, #tpu.memory_space<vmem>> -> memref<1x80xi32, #tpu.memory_space<vmem>>
      %dma_start3A_57 = tpu.memref_squeeze %dma_start3A_56 : memref<1x80xi32, #tpu.memory_space<vmem>> -> memref<80xi32, #tpu.memory_space<vmem>>
      %dma_start3A_58 = arith.constant 0 : i32
      %dma_start3A_59 = arith.constant 0 : i32
      %dma_start3A_60 = tpu.memref_slice %arg5[%dma_start3A_58, %dma_start3A_59] : memref<10112x128xf32, #tpu.memory_space<vmem_shared>> -> memref<10112x128xf32, #tpu.memory_space<vmem_shared>>
      tpu.enqueue_indirect_dma source(%arg8 : memref<80x128xf32, #tpu.memory_space<vmem>>) target(%dma_start3A_60 : memref<10112x128xf32, #tpu.memory_space<vmem_shared>>) offsets(%dma_start3A_57 : memref<80xi32, #tpu.memory_space<vmem>>) semaphore(%run_scoped3A_54 : memref<!tpu.dma_semaphore, #tpu.memory_space<semaphore_mem>>) {add = true}
      %dma_wait3A_61 = arith.constant 0 : i32
      %dma_wait3A_62 = tpu.memref_slice %arg6[%run_scoped3A_45, %dma_wait3A_61] : memref<70x80xi32, #tpu.memory_space<vmem>> -> memref<1x80xi32, #tpu.memory_space<vmem>>
      %dma_wait3A_63 = tpu.memref_squeeze %dma_wait3A_62 : memref<1x80xi32, #tpu.memory_space<vmem>> -> memref<80xi32, #tpu.memory_space<vmem>>
      %dma_wait3A_64 = arith.constant 0 : i32
      %dma_wait3A_65 = arith.constant 0 : i32
      %dma_wait3A_66 = tpu.memref_slice %arg5[%dma_wait3A_64, %dma_wait3A_65] : memref<10112x128xf32, #tpu.memory_space<vmem_shared>> -> memref<10112x128xf32, #tpu.memory_space<vmem_shared>>
      tpu.wait_indirect_dma semaphore(%run_scoped3A_54 : memref<!tpu.dma_semaphore, #tpu.memory_space<semaphore_mem>>) src(%arg8 : memref<80x128xf32, #tpu.memory_space<vmem>>) dst(%dma_wait3A_66 : memref<10112x128xf32, #tpu.memory_space<vmem_shared>>)
      tpu.yield
    }) : () -> ()
    %barrier3A_46 = arith.constant 0 : index
    tpu.barrier barrier_id(%barrier3A_46)
    %mul3A_47 = arith.constant 632 : i32
    %mul3A_48 = arith.muli %arg1, %mul3A_47 : i32
    %mul3A_49 = arith.constant 10112 : i32
    %mul3A_50 = arith.muli %arg0, %mul3A_49 : i32
    %mul3A_51 = arith.constant 632 : i32
    %mul3A_52 = arith.muli %arg1, %mul3A_51 : i32
    %add3A_53 = arith.addi %mul3A_50, %mul3A_52 : i32
    "tpu.region"() ({
      %run_scoped3A_54 = tpu.sem_alloc : memref<!tpu.dma_semaphore, #tpu.memory_space<semaphore_mem>>
      %dma_start3A_55 = arith.constant 0 : i32
      %dma_start3A_56 = tpu.memref_slice %arg4[%add3A_53, %dma_start3A_55] : memref<20224x128xf32, #tpu.memory_space<hbm>> -> memref<632x128xf32, #tpu.memory_space<hbm>>
      %dma_start3A_57 = arith.constant 0 : i32
      %dma_start3A_58 = tpu.memref_slice %arg5[%mul3A_48, %dma_start3A_57] : memref<10112x128xf32, #tpu.memory_space<vmem_shared>> -> memref<632x128xf32, #tpu.memory_space<vmem_shared>>
      tpu.enqueue_dma source(%dma_start3A_58 : memref<632x128xf32, #tpu.memory_space<vmem_shared>>) target(%dma_start3A_56 : memref<632x128xf32, #tpu.memory_space<hbm>>) target_semaphore(%run_scoped3A_54 : memref<!tpu.dma_semaphore, #tpu.memory_space<semaphore_mem>>)
      %dma_wait3A_59 = arith.constant 0 : i32
      %dma_wait3A_60 = tpu.memref_slice %arg4[%add3A_53, %dma_wait3A_59] : memref<20224x128xf32, #tpu.memory_space<hbm>> -> memref<632x128xf32, #tpu.memory_space<hbm>>
      %dma_wait3A_61 = arith.constant 0 : i32
      %dma_wait3A_62 = tpu.memref_slice %arg5[%mul3A_48, %dma_wait3A_61] : memref<10112x128xf32, #tpu.memory_space<vmem_shared>> -> memref<632x128xf32, #tpu.memory_space<vmem_shared>>
      tpu.wait_dma2 semaphore(%run_scoped3A_54 : memref<!tpu.dma_semaphore, #tpu.memory_space<semaphore_mem>>) src(%dma_wait3A_62 : memref<632x128xf32, #tpu.memory_space<vmem_shared>>) dst(%dma_wait3A_60 : memref<632x128xf32, #tpu.memory_space<hbm>>)
      tpu.yield
    }) : () -> ()
    return
  }
}

module attributes {stable_mosaic.version = 14 : i64} {
  func.func @_p0_body(%arg0: i32, %arg1: memref<2000x128xf32, #tpu.memory_space<vmem>>, %arg2: memref<2000x8xf32, #tpu.memory_space<vmem>>, %arg3: memref<128x128xf32, #tpu.memory_space<vmem>>, %arg4: memref<128x128xf32, #tpu.memory_space<vmem>>, %arg5: memref<1x128xf32, #tpu.memory_space<vmem>>, %arg6: memref<1x128xf32, #tpu.memory_space<vmem>>, %arg7: memref<2000x128xf32, #tpu.memory_space<vmem>>, %arg8: memref<2000x128xf32, #tpu.memory_space<vmem>>, %arg9: memref<2000x128xf32, #tpu.memory_space<vmem>>) attributes {dimension_semantics = [#tpu.dimension_semantics<arbitrary>], iteration_bounds = array<i64: 5>, scalar_prefetch = 0 : i64, scratch_operands = 0 : i64, tpu.core_type = #tpu.core_type<tc>, window_params = [{transform_indices = @transform_0, window_bounds = array<i64: 2000, 128>}, {transform_indices = @transform_1, window_bounds = array<i64: 2000, 8>}, {pipeline_mode = #tpu.pipeline_mode<synchronous>, transform_indices = @transform_2, window_bounds = array<i64: 128, 128>}, {pipeline_mode = #tpu.pipeline_mode<synchronous>, transform_indices = @transform_3, window_bounds = array<i64: 128, 128>}, {pipeline_mode = #tpu.pipeline_mode<synchronous>, transform_indices = @transform_4, window_bounds = array<i64: 1, 128>}, {pipeline_mode = #tpu.pipeline_mode<synchronous>, transform_indices = @transform_5, window_bounds = array<i64: 1, 128>}, {transform_indices = @transform_6, window_bounds = array<i64: 2000, 128>}, {transform_indices = @transform_7, window_bounds = array<i64: 2000, 128>}, {transform_indices = @transform_8, window_bounds = array<i64: 2000, 128>}]} {
    %get3A = arith.constant 0 : index
    %get3A_0 = arith.constant 0 : index
    %get3A_1 = vector.load %arg1[%get3A, %get3A_0] : memref<2000x128xf32, #tpu.memory_space<vmem>>, vector<2000x128xf32>
    %get3A_2 = arith.constant 0 : index
    %get3A_3 = arith.constant 0 : index
    %get3A_4 = vector.load %arg2[%get3A_2, %get3A_3] : memref<2000x8xf32, #tpu.memory_space<vmem>>, vector<2000x8xf32>
    %mul3A = arith.mulf %get3A_4, %get3A_4 : vector<2000x8xf32>
    %reduce_sum3A = arith.constant dense<0.000000e+00> : vector<2000xf32>
    %reduce_sum3A_5 = vector.multi_reduction <add>, %mul3A, %reduce_sum3A [1] : vector<2000x8xf32> to vector<2000xf32>
    %broadcast_in_dim3A = vector.shape_cast %reduce_sum3A_5 : vector<2000xf32> to vector<2000x1xf32>
    %get3A_6 = arith.constant 0 : index
    %get3A_7 = arith.constant 0 : index
    %get3A_8 = vector.load %arg6[%get3A_6, %get3A_7] : memref<1x128xf32, #tpu.memory_space<vmem>>, vector<1x128xf32>
    %mul3A_9 = vector.broadcast %broadcast_in_dim3A : vector<2000x1xf32> to vector<2000x128xf32>
    %mul3A_10 = vector.broadcast %get3A_8 : vector<1x128xf32> to vector<2000x128xf32>
    %mul3A_11 = arith.mulf %mul3A_9, %mul3A_10 : vector<2000x128xf32>
    %get3A_12 = arith.constant 0 : index
    %get3A_13 = arith.constant 0 : index
    %get3A_14 = vector.load %arg3[%get3A_12, %get3A_13] : memref<128x128xf32, #tpu.memory_space<vmem>>, vector<128x128xf32>
    %dot_general3A = arith.constant dense<0.000000e+00> : vector<2000x128xf32>
    %dot_general3A_15 = tpu.matmul %get3A_1, %get3A_14, %dot_general3A {dimension_numbers = #tpu.dot_dimension_numbers<[1], [0], [0], [1], [0, 0, 1, 1], [], []>, transpose_lhs_hint = false} : vector<2000x128xf32>, vector<128x128xf32>, vector<2000x128xf32> -> vector<2000x128xf32>
    %get3A_16 = arith.constant 0 : index
    %get3A_17 = arith.constant 0 : index
    %get3A_18 = vector.load %arg5[%get3A_16, %get3A_17] : memref<1x128xf32, #tpu.memory_space<vmem>>, vector<1x128xf32>
    %add3A = vector.broadcast %get3A_18 : vector<1x128xf32> to vector<2000x128xf32>
    %add3A_19 = arith.addf %dot_general3A_15, %add3A : vector<2000x128xf32>
    %add3A_20 = arith.addf %add3A_19, %mul3A_11 : vector<2000x128xf32>
    %swap3A = arith.constant 0 : index
    %swap3A_21 = arith.constant 0 : index
    %swap3A_22 = vector.load %arg7[%swap3A, %swap3A_21] : memref<2000x128xf32, #tpu.memory_space<vmem>>, vector<2000x128xf32>
    tpu.vector_store %arg7[%swap3A, %swap3A_21], %add3A_20 {strides = array<i32>} : memref<2000x128xf32, #tpu.memory_space<vmem>>, vector<2000x128xf32>,
    %get3A_23 = arith.constant 0 : index
    %get3A_24 = arith.constant 0 : index
    %get3A_25 = vector.load %arg4[%get3A_23, %get3A_24] : memref<128x128xf32, #tpu.memory_space<vmem>>, vector<128x128xf32>
    %dot_general3A_26 = arith.constant dense<0.000000e+00> : vector<2000x128xf32>
    %dot_general3A_27 = tpu.matmul %get3A_1, %get3A_25, %dot_general3A_26 {dimension_numbers = #tpu.dot_dimension_numbers<[1], [0], [0], [1], [0, 0, 1, 1], [], []>, transpose_lhs_hint = false} : vector<2000x128xf32>, vector<128x128xf32>, vector<2000x128xf32> -> vector<2000x128xf32>
    %add3A_28 = arith.addf %dot_general3A_27, %mul3A_11 : vector<2000x128xf32>
    %swap3A_29 = arith.constant 0 : index
    %swap3A_30 = arith.constant 0 : index
    %swap3A_31 = vector.load %arg8[%swap3A_29, %swap3A_30] : memref<2000x128xf32, #tpu.memory_space<vmem>>, vector<2000x128xf32>
    tpu.vector_store %arg8[%swap3A_29, %swap3A_30], %add3A_28 {strides = array<i32>} : memref<2000x128xf32, #tpu.memory_space<vmem>>, vector<2000x128xf32>,
    %slice3A = vector.extract_strided_slice %get3A_4 {offsets = [0, 0], sizes = [2000, 3], strides = [1, 1]} : vector<2000x8xf32> to vector<2000x3xf32>
    %broadcast_in_dim3A_32 = arith.constant 0.000000e+00 : f32
    %broadcast_in_dim3A_33 = vector.broadcast %broadcast_in_dim3A_32 : f32 to vector<2000x125xf32>
    %concatenate3A = tpu.concatenate %slice3A, %broadcast_in_dim3A_33 in 1 : vector<2000x3xf32>, vector<2000x125xf32> -> vector<2000x128xf32>
    %swap3A_34 = arith.constant 0 : index
    %swap3A_35 = arith.constant 0 : index
    %swap3A_36 = vector.load %arg9[%swap3A_34, %swap3A_35] : memref<2000x128xf32, #tpu.memory_space<vmem>>, vector<2000x128xf32>
    tpu.vector_store %arg9[%swap3A_34, %swap3A_35], %concatenate3A {strides = array<i32>} : memref<2000x128xf32, #tpu.memory_space<vmem>>, vector<2000x128xf32>,
    return
  }
  func.func @transform_0(%arg0: i32) -> (i32, i32) {
    %c0_i32 = arith.constant 0 : i32
    %c0_i32_0 = arith.constant 0 : i32
    return %arg0, %c0_i32 : i32, i32
  }
  func.func @transform_1(%arg0: i32) -> (i32, i32) {
    %c0_i32 = arith.constant 0 : i32
    %c0_i32_0 = arith.constant 0 : i32
    return %arg0, %c0_i32 : i32, i32
  }
  func.func @transform_2(%arg0: i32) -> (i32, i32) {
    %c0_i32 = arith.constant 0 : i32
    %c0_i32_0 = arith.constant 0 : i32
    %c0_i32_1 = arith.constant 0 : i32
    return %c0_i32, %c0_i32_0 : i32, i32
  }
  func.func @transform_3(%arg0: i32) -> (i32, i32) {
    %c0_i32 = arith.constant 0 : i32
    %c0_i32_0 = arith.constant 0 : i32
    %c0_i32_1 = arith.constant 0 : i32
    return %c0_i32, %c0_i32_0 : i32, i32
  }
  func.func @transform_4(%arg0: i32) -> (i32, i32) {
    %c0_i32 = arith.constant 0 : i32
    %c0_i32_0 = arith.constant 0 : i32
    %c0_i32_1 = arith.constant 0 : i32
    return %c0_i32, %c0_i32_0 : i32, i32
  }
  func.func @transform_5(%arg0: i32) -> (i32, i32) {
    %c0_i32 = arith.constant 0 : i32
    %c0_i32_0 = arith.constant 0 : i32
    %c0_i32_1 = arith.constant 0 : i32
    return %c0_i32, %c0_i32_0 : i32, i32
  }
  func.func @transform_6(%arg0: i32) -> (i32, i32) {
    %c0_i32 = arith.constant 0 : i32
    %c0_i32_0 = arith.constant 0 : i32
    return %arg0, %c0_i32 : i32, i32
  }
  func.func @transform_7(%arg0: i32) -> (i32, i32) {
    %c0_i32 = arith.constant 0 : i32
    %c0_i32_0 = arith.constant 0 : i32
    return %arg0, %c0_i32 : i32, i32
  }
  func.func @transform_8(%arg0: i32) -> (i32, i32) {
    %c0_i32 = arith.constant 0 : i32
    %c0_i32_0 = arith.constant 0 : i32
    return %arg0, %c0_i32 : i32, i32
  }
}

module attributes {stable_mosaic.version = 14 : i64} {
  func.func @_p2_body(%arg0: i32, %arg1: memref<2560x128xf32, #tpu.memory_space<vmem>>, %arg2: memref<4x2560xf32, #tpu.memory_space<vmem>>, %arg3: memref<4x128xf32, #tpu.memory_space<vmem>>, %arg4: memref<128x128xf32, #tpu.memory_space<vmem>>, %arg5: memref<1x128xf32, #tpu.memory_space<vmem>>, %arg6: memref<2560x128xf32, #tpu.memory_space<vmem>>) attributes {dimension_semantics = [#tpu.dimension_semantics<arbitrary>], iteration_bounds = array<i64: 55>, scalar_prefetch = 0 : i64, scratch_operands = 0 : i64, tpu.core_type = #tpu.core_type<tc>, window_params = [{transform_indices = @transform_0, window_bounds = array<i64: 2560, 128>}, {transform_indices = @transform_1, window_bounds = array<i64: 4, 2560>}, {pipeline_mode = #tpu.pipeline_mode<synchronous>, transform_indices = @transform_2, window_bounds = array<i64: 4, 128>}, {pipeline_mode = #tpu.pipeline_mode<synchronous>, transform_indices = @transform_3, window_bounds = array<i64: 128, 128>}, {pipeline_mode = #tpu.pipeline_mode<synchronous>, transform_indices = @transform_4, window_bounds = array<i64: 1, 128>}, {transform_indices = @transform_5, window_bounds = array<i64: 2560, 128>}]} {
    %get3A = arith.constant 0 : index
    %get3A_0 = arith.constant 0 : index
    %get3A_1 = vector.load %arg1[%get3A, %get3A_0] : memref<2560x128xf32, #tpu.memory_space<vmem>>, vector<2560x128xf32>
    %get3A_2 = arith.constant 0 : index
    %get3A_3 = arith.constant 0 : index
    %get3A_4 = vector.load %arg2[%get3A_2, %get3A_3] : memref<4x2560xf32, #tpu.memory_space<vmem>>, vector<4x2560xf32>
    %get3A_5 = arith.constant 0 : index
    %get3A_6 = arith.constant 0 : index
    %get3A_7 = vector.load %arg3[%get3A_5, %get3A_6] : memref<4x128xf32, #tpu.memory_space<vmem>>, vector<4x128xf32>
    %dot_general3A = arith.constant dense<0.000000e+00> : vector<2560x128xf32>
    %dot_general3A_8 = tpu.matmul %get3A_4, %get3A_7, %dot_general3A {dimension_numbers = #tpu.dot_dimension_numbers<[0], [0], [1], [1], [0, 1, 1, 1], [], []>, transpose_lhs_hint = false} : vector<4x2560xf32>, vector<4x128xf32>, vector<2560x128xf32> -> vector<2560x128xf32>
    %add3A = arith.addf %get3A_1, %dot_general3A_8 : vector<2560x128xf32>
    %max3A = arith.constant 0.000000e+00 : f32
    %max3A_9 = vector.broadcast %max3A : f32 to vector<2560x128xf32>
    %max3A_10 = arith.maximumf %add3A, %max3A_9 : vector<2560x128xf32>
    %get3A_11 = arith.constant 0 : index
    %get3A_12 = arith.constant 0 : index
    %get3A_13 = vector.load %arg4[%get3A_11, %get3A_12] : memref<128x128xf32, #tpu.memory_space<vmem>>, vector<128x128xf32>
    %dot_general3A_14 = arith.constant dense<0.000000e+00> : vector<2560x128xf32>
    %dot_general3A_15 = tpu.matmul %max3A_10, %get3A_13, %dot_general3A_14 {dimension_numbers = #tpu.dot_dimension_numbers<[1], [0], [0], [1], [0, 0, 1, 1], [], []>, transpose_lhs_hint = false} : vector<2560x128xf32>, vector<128x128xf32>, vector<2560x128xf32> -> vector<2560x128xf32>
    %get3A_16 = arith.constant 0 : index
    %get3A_17 = arith.constant 0 : index
    %get3A_18 = vector.load %arg5[%get3A_16, %get3A_17] : memref<1x128xf32, #tpu.memory_space<vmem>>, vector<1x128xf32>
    %add3A_19 = vector.broadcast %get3A_18 : vector<1x128xf32> to vector<2560x128xf32>
    %add3A_20 = arith.addf %dot_general3A_15, %add3A_19 : vector<2560x128xf32>
    %max3A_21 = arith.constant 0.000000e+00 : f32
    %max3A_22 = vector.broadcast %max3A_21 : f32 to vector<2560x128xf32>
    %max3A_23 = arith.maximumf %add3A_20, %max3A_22 : vector<2560x128xf32>
    %swap3A = arith.constant 0 : index
    %swap3A_24 = arith.constant 0 : index
    %swap3A_25 = vector.load %arg6[%swap3A, %swap3A_24] : memref<2560x128xf32, #tpu.memory_space<vmem>>, vector<2560x128xf32>
    tpu.vector_store %arg6[%swap3A, %swap3A_24], %max3A_23 {strides = array<i32>} : memref<2560x128xf32, #tpu.memory_space<vmem>>, vector<2560x128xf32>,
    return
  }
  func.func @transform_0(%arg0: i32) -> (i32, i32) {
    %c0_i32 = arith.constant 0 : i32
    %c0_i32_0 = arith.constant 0 : i32
    return %arg0, %c0_i32 : i32, i32
  }
  func.func @transform_1(%arg0: i32) -> (i32, i32) {
    %add3A = arith.constant 0 : i32
    %add3A_0 = arith.addi %arg0, %add3A : i32
    %c0_i32 = arith.constant 0 : i32
    %c0_i32_1 = arith.constant 0 : i32
    return %c0_i32, %add3A_0 : i32, i32
  }
  func.func @transform_2(%arg0: i32) -> (i32, i32) {
    %c0_i32 = arith.constant 0 : i32
    %c0_i32_0 = arith.constant 0 : i32
    %c0_i32_1 = arith.constant 0 : i32
    return %c0_i32, %c0_i32_0 : i32, i32
  }
  func.func @transform_3(%arg0: i32) -> (i32, i32) {
    %c0_i32 = arith.constant 0 : i32
    %c0_i32_0 = arith.constant 0 : i32
    %c0_i32_1 = arith.constant 0 : i32
    return %c0_i32, %c0_i32_0 : i32, i32
  }
  func.func @transform_4(%arg0: i32) -> (i32, i32) {
    %c0_i32 = arith.constant 0 : i32
    %c0_i32_0 = arith.constant 0 : i32
    %c0_i32_1 = arith.constant 0 : i32
    return %c0_i32, %c0_i32_0 : i32, i32
  }
  func.func @transform_5(%arg0: i32) -> (i32, i32) {
    %c0_i32 = arith.constant 0 : i32
    %c0_i32_0 = arith.constant 0 : i32
    return %arg0, %c0_i32 : i32, i32
  }
}

module attributes {stable_mosaic.version = 14 : i64} {
  func.func @_p2_body(%arg0: i32, %arg1: memref<2560x128xf32, #tpu.memory_space<vmem>>, %arg2: memref<4x2560xf32, #tpu.memory_space<vmem>>, %arg3: memref<4x128xf32, #tpu.memory_space<vmem>>, %arg4: memref<128x128xf32, #tpu.memory_space<vmem>>, %arg5: memref<1x128xf32, #tpu.memory_space<vmem>>, %arg6: memref<2560x128xf32, #tpu.memory_space<vmem>>) attributes {dimension_semantics = [#tpu.dimension_semantics<arbitrary>], iteration_bounds = array<i64: 70>, scalar_prefetch = 0 : i64, scratch_operands = 0 : i64, tpu.core_type = #tpu.core_type<tc>, window_params = [{transform_indices = @transform_0, window_bounds = array<i64: 2560, 128>}, {transform_indices = @transform_1, window_bounds = array<i64: 4, 2560>}, {pipeline_mode = #tpu.pipeline_mode<synchronous>, transform_indices = @transform_2, window_bounds = array<i64: 4, 128>}, {pipeline_mode = #tpu.pipeline_mode<synchronous>, transform_indices = @transform_3, window_bounds = array<i64: 128, 128>}, {pipeline_mode = #tpu.pipeline_mode<synchronous>, transform_indices = @transform_4, window_bounds = array<i64: 1, 128>}, {transform_indices = @transform_5, window_bounds = array<i64: 2560, 128>}]} {
    %get3A = arith.constant 0 : index
    %get3A_0 = arith.constant 0 : index
    %get3A_1 = vector.load %arg1[%get3A, %get3A_0] : memref<2560x128xf32, #tpu.memory_space<vmem>>, vector<2560x128xf32>
    %get3A_2 = arith.constant 0 : index
    %get3A_3 = arith.constant 0 : index
    %get3A_4 = vector.load %arg2[%get3A_2, %get3A_3] : memref<4x2560xf32, #tpu.memory_space<vmem>>, vector<4x2560xf32>
    %get3A_5 = arith.constant 0 : index
    %get3A_6 = arith.constant 0 : index
    %get3A_7 = vector.load %arg3[%get3A_5, %get3A_6] : memref<4x128xf32, #tpu.memory_space<vmem>>, vector<4x128xf32>
    %dot_general3A = arith.constant dense<0.000000e+00> : vector<2560x128xf32>
    %dot_general3A_8 = tpu.matmul %get3A_4, %get3A_7, %dot_general3A {dimension_numbers = #tpu.dot_dimension_numbers<[0], [0], [1], [1], [0, 1, 1, 1], [], []>, transpose_lhs_hint = false} : vector<4x2560xf32>, vector<4x128xf32>, vector<2560x128xf32> -> vector<2560x128xf32>
    %add3A = arith.addf %get3A_1, %dot_general3A_8 : vector<2560x128xf32>
    %max3A = arith.constant 0.000000e+00 : f32
    %max3A_9 = vector.broadcast %max3A : f32 to vector<2560x128xf32>
    %max3A_10 = arith.maximumf %add3A, %max3A_9 : vector<2560x128xf32>
    %get3A_11 = arith.constant 0 : index
    %get3A_12 = arith.constant 0 : index
    %get3A_13 = vector.load %arg4[%get3A_11, %get3A_12] : memref<128x128xf32, #tpu.memory_space<vmem>>, vector<128x128xf32>
    %dot_general3A_14 = arith.constant dense<0.000000e+00> : vector<2560x128xf32>
    %dot_general3A_15 = tpu.matmul %max3A_10, %get3A_13, %dot_general3A_14 {dimension_numbers = #tpu.dot_dimension_numbers<[1], [0], [0], [1], [0, 0, 1, 1], [], []>, transpose_lhs_hint = false} : vector<2560x128xf32>, vector<128x128xf32>, vector<2560x128xf32> -> vector<2560x128xf32>
    %get3A_16 = arith.constant 0 : index
    %get3A_17 = arith.constant 0 : index
    %get3A_18 = vector.load %arg5[%get3A_16, %get3A_17] : memref<1x128xf32, #tpu.memory_space<vmem>>, vector<1x128xf32>
    %add3A_19 = vector.broadcast %get3A_18 : vector<1x128xf32> to vector<2560x128xf32>
    %add3A_20 = arith.addf %dot_general3A_15, %add3A_19 : vector<2560x128xf32>
    %max3A_21 = arith.constant 0.000000e+00 : f32
    %max3A_22 = vector.broadcast %max3A_21 : f32 to vector<2560x128xf32>
    %max3A_23 = arith.maximumf %add3A_20, %max3A_22 : vector<2560x128xf32>
    %swap3A = arith.constant 0 : index
    %swap3A_24 = arith.constant 0 : index
    %swap3A_25 = vector.load %arg6[%swap3A, %swap3A_24] : memref<2560x128xf32, #tpu.memory_space<vmem>>, vector<2560x128xf32>
    tpu.vector_store %arg6[%swap3A, %swap3A_24], %max3A_23 {strides = array<i32>} : memref<2560x128xf32, #tpu.memory_space<vmem>>, vector<2560x128xf32>,
    return
  }
  func.func @transform_0(%arg0: i32) -> (i32, i32) {
    %c0_i32 = arith.constant 0 : i32
    %c0_i32_0 = arith.constant 0 : i32
    return %arg0, %c0_i32 : i32, i32
  }
  func.func @transform_1(%arg0: i32) -> (i32, i32) {
    %add3A = arith.constant 55 : i32
    %add3A_0 = arith.addi %arg0, %add3A : i32
    %c0_i32 = arith.constant 0 : i32
    %c0_i32_1 = arith.constant 0 : i32
    return %c0_i32, %add3A_0 : i32, i32
  }
  func.func @transform_2(%arg0: i32) -> (i32, i32) {
    %c0_i32 = arith.constant 0 : i32
    %c0_i32_0 = arith.constant 0 : i32
    %c0_i32_1 = arith.constant 0 : i32
    return %c0_i32, %c0_i32_0 : i32, i32
  }
  func.func @transform_3(%arg0: i32) -> (i32, i32) {
    %c0_i32 = arith.constant 0 : i32
    %c0_i32_0 = arith.constant 0 : i32
    %c0_i32_1 = arith.constant 0 : i32
    return %c0_i32, %c0_i32_0 : i32, i32
  }
  func.func @transform_4(%arg0: i32) -> (i32, i32) {
    %c0_i32 = arith.constant 0 : i32
    %c0_i32_0 = arith.constant 0 : i32
    %c0_i32_1 = arith.constant 0 : i32
    return %c0_i32, %c0_i32_0 : i32, i32
  }
  func.func @transform_5(%arg0: i32) -> (i32, i32) {
    %c0_i32 = arith.constant 0 : i32
    %c0_i32_0 = arith.constant 0 : i32
    return %arg0, %c0_i32 : i32, i32
  }
}

module attributes {stable_mosaic.version = 14 : i64} {
  func.func @_p4_body(%arg0: i32, %arg1: memref<2000x128xf32, #tpu.memory_space<vmem>>, %arg2: memref<2000x128xf32, #tpu.memory_space<vmem>>, %arg3: memref<2000x128xf32, #tpu.memory_space<vmem>>, %arg4: memref<2000x128xf32, #tpu.memory_space<vmem>>, %arg5: memref<2000x128xf32, #tpu.memory_space<vmem>>, %arg6: memref<128x128xf32, #tpu.memory_space<vmem>>, %arg7: memref<128x128xf32, #tpu.memory_space<vmem>>, %arg8: memref<1x128xf32, #tpu.memory_space<vmem>>, %arg9: memref<128x128xf32, #tpu.memory_space<vmem>>, %arg10: memref<1x128xf32, #tpu.memory_space<vmem>>, %arg11: memref<2000x128xf32, #tpu.memory_space<vmem>>) attributes {dimension_semantics = [#tpu.dimension_semantics<arbitrary>], iteration_bounds = array<i64: 5>, scalar_prefetch = 0 : i64, scratch_operands = 0 : i64, tpu.core_type = #tpu.core_type<tc>, window_params = [{transform_indices = @transform_0, window_bounds = array<i64: 2000, 128>}, {transform_indices = @transform_1, window_bounds = array<i64: 2000, 128>}, {transform_indices = @transform_2, window_bounds = array<i64: 2000, 128>}, {transform_indices = @transform_3, window_bounds = array<i64: 2000, 128>}, {transform_indices = @transform_4, window_bounds = array<i64: 2000, 128>}, {pipeline_mode = #tpu.pipeline_mode<synchronous>, transform_indices = @transform_5, window_bounds = array<i64: 128, 128>}, {pipeline_mode = #tpu.pipeline_mode<synchronous>, transform_indices = @transform_6, window_bounds = array<i64: 128, 128>}, {pipeline_mode = #tpu.pipeline_mode<synchronous>, transform_indices = @transform_7, window_bounds = array<i64: 1, 128>}, {pipeline_mode = #tpu.pipeline_mode<synchronous>, transform_indices = @transform_8, window_bounds = array<i64: 128, 128>}, {pipeline_mode = #tpu.pipeline_mode<synchronous>, transform_indices = @transform_9, window_bounds = array<i64: 1, 128>}, {transform_indices = @transform_10, window_bounds = array<i64: 2000, 128>}]} {
    %get3A = arith.constant 0 : index
    %get3A_0 = arith.constant 0 : index
    %get3A_1 = vector.load %arg1[%get3A, %get3A_0] : memref<2000x128xf32, #tpu.memory_space<vmem>>, vector<2000x128xf32>
    %get3A_2 = arith.constant 0 : index
    %get3A_3 = arith.constant 0 : index
    %get3A_4 = vector.load %arg2[%get3A_2, %get3A_3] : memref<2000x128xf32, #tpu.memory_space<vmem>>, vector<2000x128xf32>
    %get3A_5 = arith.constant 0 : index
    %get3A_6 = arith.constant 0 : index
    %get3A_7 = vector.load %arg3[%get3A_5, %get3A_6] : memref<2000x128xf32, #tpu.memory_space<vmem>>, vector<2000x128xf32>
    %add3A = arith.addf %get3A_4, %get3A_7 : vector<2000x128xf32>
    %get3A_8 = arith.constant 0 : index
    %get3A_9 = arith.constant 0 : index
    %get3A_10 = vector.load %arg4[%get3A_8, %get3A_9] : memref<2000x128xf32, #tpu.memory_space<vmem>>, vector<2000x128xf32>
    %add3A_11 = arith.addf %add3A, %get3A_10 : vector<2000x128xf32>
    %get3A_12 = arith.constant 0 : index
    %get3A_13 = arith.constant 0 : index
    %get3A_14 = vector.load %arg5[%get3A_12, %get3A_13] : memref<2000x128xf32, #tpu.memory_space<vmem>>, vector<2000x128xf32>
    %add3A_15 = arith.addf %add3A_11, %get3A_14 : vector<2000x128xf32>
    %get3A_16 = arith.constant 0 : index
    %get3A_17 = arith.constant 0 : index
    %get3A_18 = vector.load %arg6[%get3A_16, %get3A_17] : memref<128x128xf32, #tpu.memory_space<vmem>>, vector<128x128xf32>
    %dot_general3A = arith.constant dense<0.000000e+00> : vector<2000x128xf32>
    %dot_general3A_19 = tpu.matmul %get3A_1, %get3A_18, %dot_general3A {dimension_numbers = #tpu.dot_dimension_numbers<[1], [0], [0], [1], [0, 0, 1, 1], [], []>, transpose_lhs_hint = false} : vector<2000x128xf32>, vector<128x128xf32>, vector<2000x128xf32> -> vector<2000x128xf32>
    %get3A_20 = arith.constant 0 : index
    %get3A_21 = arith.constant 0 : index
    %get3A_22 = vector.load %arg7[%get3A_20, %get3A_21] : memref<128x128xf32, #tpu.memory_space<vmem>>, vector<128x128xf32>
    %dot_general3A_23 = arith.constant dense<0.000000e+00> : vector<2000x128xf32>
    %dot_general3A_24 = tpu.matmul %add3A_15, %get3A_22, %dot_general3A_23 {dimension_numbers = #tpu.dot_dimension_numbers<[1], [0], [0], [1], [0, 0, 1, 1], [], []>, transpose_lhs_hint = false} : vector<2000x128xf32>, vector<128x128xf32>, vector<2000x128xf32> -> vector<2000x128xf32>
    %add3A_25 = arith.addf %dot_general3A_19, %dot_general3A_24 : vector<2000x128xf32>
    %get3A_26 = arith.constant 0 : index
    %get3A_27 = arith.constant 0 : index
    %get3A_28 = vector.load %arg8[%get3A_26, %get3A_27] : memref<1x128xf32, #tpu.memory_space<vmem>>, vector<1x128xf32>
    %add3A_29 = vector.broadcast %get3A_28 : vector<1x128xf32> to vector<2000x128xf32>
    %add3A_30 = arith.addf %add3A_25, %add3A_29 : vector<2000x128xf32>
    %max3A = arith.constant 0.000000e+00 : f32
    %max3A_31 = vector.broadcast %max3A : f32 to vector<2000x128xf32>
    %max3A_32 = arith.maximumf %add3A_30, %max3A_31 : vector<2000x128xf32>
    %get3A_33 = arith.constant 0 : index
    %get3A_34 = arith.constant 0 : index
    %get3A_35 = vector.load %arg9[%get3A_33, %get3A_34] : memref<128x128xf32, #tpu.memory_space<vmem>>, vector<128x128xf32>
    %dot_general3A_36 = arith.constant dense<0.000000e+00> : vector<2000x128xf32>
    %dot_general3A_37 = tpu.matmul %max3A_32, %get3A_35, %dot_general3A_36 {dimension_numbers = #tpu.dot_dimension_numbers<[1], [0], [0], [1], [0, 0, 1, 1], [], []>, transpose_lhs_hint = false} : vector<2000x128xf32>, vector<128x128xf32>, vector<2000x128xf32> -> vector<2000x128xf32>
    %add3A_38 = arith.addf %get3A_1, %dot_general3A_37 : vector<2000x128xf32>
    %get3A_39 = arith.constant 0 : index
    %get3A_40 = arith.constant 0 : index
    %get3A_41 = vector.load %arg10[%get3A_39, %get3A_40] : memref<1x128xf32, #tpu.memory_space<vmem>>, vector<1x128xf32>
    %add3A_42 = vector.broadcast %get3A_41 : vector<1x128xf32> to vector<2000x128xf32>
    %add3A_43 = arith.addf %add3A_38, %add3A_42 : vector<2000x128xf32>
    %swap3A = arith.constant 0 : index
    %swap3A_44 = arith.constant 0 : index
    %swap3A_45 = vector.load %arg11[%swap3A, %swap3A_44] : memref<2000x128xf32, #tpu.memory_space<vmem>>, vector<2000x128xf32>
    tpu.vector_store %arg11[%swap3A, %swap3A_44], %add3A_43 {strides = array<i32>} : memref<2000x128xf32, #tpu.memory_space<vmem>>, vector<2000x128xf32>,
    return
  }
  func.func @transform_0(%arg0: i32) -> (i32, i32) {
    %c0_i32 = arith.constant 0 : i32
    %c0_i32_0 = arith.constant 0 : i32
    return %arg0, %c0_i32 : i32, i32
  }
  func.func @transform_1(%arg0: i32) -> (i32, i32) {
    %c0_i32 = arith.constant 0 : i32
    %c0_i32_0 = arith.constant 0 : i32
    return %arg0, %c0_i32 : i32, i32
  }
  func.func @transform_2(%arg0: i32) -> (i32, i32) {
    %c0_i32 = arith.constant 0 : i32
    %c0_i32_0 = arith.constant 0 : i32
    return %arg0, %c0_i32 : i32, i32
  }
  func.func @transform_3(%arg0: i32) -> (i32, i32) {
    %c0_i32 = arith.constant 0 : i32
    %c0_i32_0 = arith.constant 0 : i32
    return %arg0, %c0_i32 : i32, i32
  }
  func.func @transform_4(%arg0: i32) -> (i32, i32) {
    %c0_i32 = arith.constant 0 : i32
    %c0_i32_0 = arith.constant 0 : i32
    return %arg0, %c0_i32 : i32, i32
  }
  func.func @transform_5(%arg0: i32) -> (i32, i32) {
    %c0_i32 = arith.constant 0 : i32
    %c0_i32_0 = arith.constant 0 : i32
    %c0_i32_1 = arith.constant 0 : i32
    return %c0_i32, %c0_i32_0 : i32, i32
  }
  func.func @transform_6(%arg0: i32) -> (i32, i32) {
    %c0_i32 = arith.constant 0 : i32
    %c0_i32_0 = arith.constant 0 : i32
    %c0_i32_1 = arith.constant 0 : i32
    return %c0_i32, %c0_i32_0 : i32, i32
  }
  func.func @transform_7(%arg0: i32) -> (i32, i32) {
    %c0_i32 = arith.constant 0 : i32
    %c0_i32_0 = arith.constant 0 : i32
    %c0_i32_1 = arith.constant 0 : i32
    return %c0_i32, %c0_i32_0 : i32, i32
  }
  func.func @transform_8(%arg0: i32) -> (i32, i32) {
    %c0_i32 = arith.constant 0 : i32
    %c0_i32_0 = arith.constant 0 : i32
    %c0_i32_1 = arith.constant 0 : i32
    return %c0_i32, %c0_i32_0 : i32, i32
  }
  func.func @transform_9(%arg0: i32) -> (i32, i32) {
    %c0_i32 = arith.constant 0 : i32
    %c0_i32_0 = arith.constant 0 : i32
    %c0_i32_1 = arith.constant 0 : i32
    return %c0_i32, %c0_i32_0 : i32, i32
  }
  func.func @transform_10(%arg0: i32) -> (i32, i32) {
    %c0_i32 = arith.constant 0 : i32
    %c0_i32_0 = arith.constant 0 : i32
    return %arg0, %c0_i32 : i32, i32
  }
}

</mosaic_0001>

<sc_bundles>
// kernel: kernel.10.cloned.1.call-start
scs
__scs_entry_jumppad:
0x0: {  	(pc) =	sbr.rel $0x88, $3  }
0x1: {  	(tag) =	ssettag $0x0;
	lr =	simm.s32 $0x1  }
0x2: {  	[smem:$0x3F95] =	sst lr;
	_ =	strace $0xD0000000  }
0x3: {  	_ = 	snop  }
0x4: {  	_ = 	snop  }
0x5: {  	_ = 	snop  }
0x6: {  	_ = 	snop  }
0x7: {  	_ = 	snop  }
__scs_overlays_trampoline_lowered:
0x8: {  	[smem:$0x3FA4] =	sst s0  }
0x9: {  	[smem:$0x3FA5] =	sst s1  }
0xa: {  	[smem:$0x3FA6] =	sst s2  }
0xb: {  	[smem:$0x3FA7] =	sst s3  }
0xc: {  	[smem:$0x3FA8] =	sst s4  }
0xd: {  	[smem:$0x3FA9] =	sst s5  }
0xe: {  	[smem:$0x3FAA] =	sst s6  }
0xf: {  	[smem:$0x3FAB] =	sst s7  }
0x10: {  	[smem:$0x3FAC] =	sst s8  }
0x11: {  	[smem:$0x3FAD] =	sst s9;
	s0 =	simm.s32 @!p0 $0x0  }
0x12: {  	s1 =	sld [smem:$0x3F93];
	s0 =	simm.s32 @p0 $0x1  }
0x13: {  	[smem:$0x3FAE] =	sst s0;
	s0 =	simm.s32 @!p1 $0x0  }
0x14: {  	s2 =	sld [smem:$0x3F92];
	s0 =	simm.s32 @p1 $0x1  }
0x15: {  	[smem:$0x3FAF] =	sst s0;
	s0 =	simm.s32 @!p2 $0x0  }
0x16: {  	s3 =	sld [smem:$0x3FDB];
	s0 =	simm.s32 @p2 $0x1  }
0x17: {  	s4 =	simm.s32 $0x1BF5;
	[smem:$0x3FB1] =	sst s0  }
0x18: {  	s0 =	sld [smem:$0x3F94];
	_ =	swait.ge [sflag:s4], $0x0  }
0x19: {  	s7 =	sld [smem:$0x3F95]  }
0x1a: {  	s8 =	sadd.s32 $0xFFFFE003, lr  }
0x1b: {  	s9 =	sadd.s32 $0xFFFFFEF7, lr;
	s5 =	simm.s32 $0xFFFFFFFF;
	p2 =	slt.u32 s8, $0xFFFFF086  }
0x1c: {  	p1 =	slt.u32 s9, $0xF7A;
	s5 =	simm.s32 @!p2 $0x0  }
0x1d: {  	s5 =	simm.s32 @p1 $0x1;
	p0 =	seq.s32 s7, s2  }
0x1e: {  	s7 =	smul.u32 @!p0 $0xF7A, s2;
	p2 =	seq.s32 @!p0 s5, $0x0  }
0x1f: {  	s9 =	smul.u32 $0xF7A, s1;
	s8 =	simm.s32 @!p0 $0x1BF5;
	p2 =	por !p2, p0  }
0x20: {  	[sflag:s8] =	ssyncset.s32 @!p0 $0xFFFFF086;
	s6 =	sadd.s32 @!p0 s3, s7;
	s7 =	simm.s32 @!p0 $0x108  }
0x21: {  	s3 =	sadd.s32 s3, s9;
	s6 =	sadd.s32 @!p0 $0x88, s6;
	s7 =	simm.s32 @p2 $0x1082  }
0x22: {  	[simem:s7], [sflag:s8] =	dma.local @!p0 [hbm:s6], $0xF7A  }
0x23: {  	s9 =	sor.u32 $0xD0000000, s2;
	s6 =	simm.s32 $0x108;
	_ =	swait.ge @!p0 [sflag:s8], $0x0  }
0x24: {  	s3 =	sadd.s32 $0x88, s3;
	s6 =	simm.s32 @!p1 $0x1082;
	[sflag:s4] =	ssyncset.s32 $0xFFFFF086  }
0x25: {  	[simem:s6], [sflag:s4] =	dma.local [hbm:s3], $0xF7A  }
0x26: {  	[smem:$0x3F95] =	sst s1;
	(tag) =	ssettag s2;
	_ =	strace s9  }
0x27: {  	s1 =	sld [smem:$0x3FA5]  }
0x28: {  	s2 =	sld [smem:$0x3FA6]  }
0x29: {  	s4 =	sld [smem:$0x3FA8]  }
0x2a: {  	p0 =	seq.s32 s5, $0x0;
	s5 =	sld [smem:$0x3FA9]  }
0x2b: {  	s6 =	sld [smem:$0x3FAA]  }
0x2c: {  	s7 =	sld [smem:$0x3FAB]  }
0x2d: {  	s3 =	simm.s32 $0x108;
	s8 =	sld [smem:$0x3FAC]  }
0x2e: {  	s3 =	simm.s32 @!p0 $0x1082;
	s9 =	sld [smem:$0x3FAD]  }
0x2f: {  	lr =	sadd.s32 s0, s3;
	s0 =	sld [smem:$0x3FA4]  }
0x30: {  	s3 =	sld [smem:$0x3FA7]  }
0x31: {  	[smem:$0x3FB0] =	sst s10  }
0x32: {  	s10 =	sld [smem:$0x3FAE];
	_ =	sdelay $0x3  }
0x33: {  	p0 =	seq.s32 s10, $0x1;
	s10 =	sld [smem:$0x3FB0];
	_ =	sdelay $0x3  }
0x34: {  	[smem:$0x3FB0] =	sst s10  }
0x35: {  	s10 =	sld [smem:$0x3FAF];
	_ =	sdelay $0x3  }
0x36: {  	p1 =	seq.s32 s10, $0x1;
	s10 =	sld [smem:$0x3FB0];
	_ =	sdelay $0x3  }
0x37: {  	[smem:$0x3FB0] =	sst s10  }
0x38: {  	s10 =	sld [smem:$0x3FB1]  }
0x39: {  	_ = 	snop;
	(pc) =	sbr.ind lr, $3  }
0x3a: {  	_ = 	snop  }
0x3b: {  	_ = 	snop  }
0x3c: {  	p2 =	seq.s32 s10, $0x1;
	s10 =	sld [smem:$0x3FB0]  }
0x3d: {  	_ =	shalt  }
0x3e: {  	_ =	shalt  }
0x3f: {  	_ =	shalt  }
0x40: {  	_ =	shalt  }
0x41: {  	_ =	shalt  }
0x42: {  	_ =	shalt  }
0x43: {  	_ =	shalt  }
0x44: {  	_ =	shalt  }
0x45: {  	_ =	shalt  }
0x46: {  	_ =	shalt  }
0x47: {  	_ =	shalt  }
0x48: {  	_ =	shalt  }
0x49: {  	_ =	shalt  }
0x4a: {  	_ =	shalt  }
0x4b: {  	_ =	shalt  }
0x4c: {  	_ =	shalt  }
0x4d: {  	_ =	shalt  }
0x4e: {  	_ =	shalt  }
0x4f: {  	_ =	shalt  }
0x50: {  	_ =	shalt  }
0x51: {  	_ =	shalt  }
0x52: {  	_ =	shalt  }
0x53: {  	_ =	shalt  }
0x54: {  	_ =	shalt  }
0x55: {  	_ =	shalt  }
0x56: {  	_ =	shalt  }
0x57: {  	_ =	shalt  }
0x58: {  	_ =	shalt  }
0x59: {  	_ =	shalt  }
0x5a: {  	_ =	shalt  }
0x5b: {  	_ =	shalt  }
0x5c: {  	_ =	shalt  }
0x5d: {  	_ =	shalt  }
0x5e: {  	_ =	shalt  }
0x5f: {  	_ =	shalt  }
0x60: {  	_ =	shalt  }
0x61: {  	_ =	shalt  }
0x62: {  	_ =	shalt  }
0x63: {  	_ =	shalt  }
0x64: {  	_ =	shalt  }
0x65: {  	_ =	shalt  }
0x66: {  	_ =	shalt  }
0x67: {  	_ =	shalt  }
0x68: {  	_ =	shalt  }
0x69: {  	_ =	shalt  }
0x6a: {  	_ =	shalt  }
0x6b: {  	_ =	shalt  }
0x6c: {  	_ =	shalt  }
0x6d: {  	_ =	shalt  }
0x6e: {  	_ =	shalt  }
0x6f: {  	_ =	shalt  }
0x70: {  	_ =	shalt  }
0x71: {  	_ =	shalt  }
0x72: {  	_ =	shalt  }
0x73: {  	_ =	shalt  }
0x74: {  	_ =	shalt  }
0x75: {  	_ =	shalt  }
0x76: {  	_ =	shalt  }
0x77: {  	_ =	shalt  }
0x78: {  	_ =	shalt  }
0x79: {  	_ =	shalt  }
0x7a: {  	_ =	shalt  }
0x7b: {  	_ =	shalt  }
0x7c: {  	_ =	shalt  }
0x7d: {  	_ =	shalt  }
0x7e: {  	_ =	shalt  }
0x7f: {  	_ =	shalt  }
0x80: {  	_ =	shalt  }
0x81: {  	_ =	shalt  }
0x82: {  	_ =	shalt  }
0x83: {  	_ =	shalt  }
0x84: {  	_ =	shalt  }
0x85: {  	_ =	shalt  }
0x86: {  	_ =	shalt  }
0x87: {  	_ =	shalt  }
.Lfunc_end0:
.L_simem_size_0:
called_computation_lowered:
.L_overlay_start_0:
0x88: {  	s2 =	sld [smem:$0x3FD9]  }
0x89: {  	s3 =	sld [smem:$0x3FFE];
	_ =	sdelay $0x1  }
0x8a: {  	s1 =	srdreg.scid  }
0x8b: {  	s0 =	sand.u32 $0x1, s1  }
0x8c: {  	s14 =	sshll.u32 s0, $0xA;
	s2 =	sadd.s32 s3, s2  }
0x8d: {  	s2 =	sadd.s32 s2, s14  }
0x8e: {  	[smem:$0x3FBC] =	sst s2  }
0x8f: {  	_ = 	snop  }
0x90: {  	s2 =	sld [smem:$0x3FD0];
	_ =	sdelay $0x2  }
0x91: {  	s15 =	simm.s32 $0xB;
	s4 =	simm.s32 $0x10  }
0x92: {  	[smem:s4], [sflag:s15] =	dma.local [hbm:s2], $0x1  }
0x93: {  	_ =	swait.eq [sflag:s15], $0x1  }
0x94: {  	s16 =	sld [smem:$0x10];
	[sflag:s15] =	ssyncset.done $0x0  }
0x95: {  	s17 =	sld [smem:$0x11];
	[sflag:s15] =	ssyncadd.s32 $0xFFFFFFFF  }
0x96: {  	s18 =	sld [smem:$0x12];
	(tm) =	ssettm $0x1  }
0x97: {  	s5 =	sld [smem:$0x3FFB];
	_ =	sdelay $0x3  }
0x98: {  	_ =	strace s5  }
0x99: {  	s5 =	sld [smem:$0x3FFC];
	_ =	sdelay $0x3  }
0x9a: {  	_ =	strace s5  }
0x9b: {  	s5 =	sld [smem:$0x3FFD];
	_ =	sdelay $0x3  }
0x9c: {  	_ =	strace s5  }
0x9d: {  	_ =	strace $0x8FFFFFFF  }
0x9e: {  	s19 =	sld [smem:$0x3FDB];
	_ =	sdelay $0x1  }
0x9f: {  	s6 =	simm.s32 $_scs_section_size  }
0xa0: {  	s7 =	simm.s32 $_size__tile_overlayer_lowered;
	s8 =	simm.s32 $_tile_overlayer_lowered  }
0xa1: {  	s22 =	simm.s32 $0x1BFF;
	s21 =	sshll.u32 s8, $0x1;
	s5 =	sadd.s32 s6, s19  }
0xa2: {  	s9 =	simm.s32 $0x0;
	s20 =	sshll.u32 s7, $0x1;
	s7 =	sadd.s32 s21, s5  }
0xa3: {  	[timem:s9], [sflag:s22] =	dma.local [hbm:s7], s20  }
0xa4: {  	_ =	swait.ge [sflag:s22], s20  }
0xa5: {  	s6 =	ssub.s32 $0x0, s20;
	[sflag:s22] =	ssyncset.done $0x0  }
0xa6: {  	[sflag:s22] =	ssyncadd.s32 s6;
	_ =	sdelay $0x1  }
0xa7: {  	s23 =	simm.s32 $0x1B8B  }
0xa8: {  	_ =	swait.ge [sflag:s23], $0x1  }
0xa9: {  	[sflag:s23] =	ssyncset.done $0x0  }
0xaa: {  	s25 =	simm.s32 $0x1B8E;
	s24 =	sld [smem:$0x3FFE];
	[sflag:s23] =	ssyncadd.s32 $0xFFFFFFFF  }
0xab: {  	s26 =	simm.s32 $execute0_lowered;
	[smem:$0x3FD2] =	sst s25  }
0xac: {  	s7 =	sshll.u32 s26, $0x1;
	_ =	strace $0x80000046;
	[dreg:$0x1] =	wrdreg $0xFFFFFFFF  }
0xad: {  	s28 =	simm.s32 $_size_execute0_lowered;
	s5 =	sadd.s32 s5, s7;
	[dreg:$0x0] =	wrdreg $0x0  }
0xae: {  	s7 =	sshll.u32 s28, $0x1;
	[dreg:$0x2] =	wrdreg s5  }
0xaf: {  	[dreg:$0x3] =	wrdreg s7  }
0xb0: {  	[dreg:$0x4] =	wrdreg $0xC0  }
0xb1: {  	_ =	task [dreg:s9], $0x5FFFF  }
0xb2: {  	[dreg:$0x1] =	wrdreg $0xFFFFFFFF  }
0xb3: {  	[dreg:$0x0] =	wrdreg $0x60  }
0xb4: {  	[dreg:$0x2] =	wrdreg s18  }
0xb5: {  	[dreg:$0x3] =	wrdreg s16  }
0xb6: {  	[dreg:$0x4] =	wrdreg s24  }
0xb7: {  	[dreg:$0x5] =	wrdreg s17  }
0xb8: {  	[dreg:$0x6] =	wrdreg $0xA  }
0xb9: {  	_ =	task.clear_ibuf [dreg:s9], $0x7FFFF;
	_ =	strace $0x90000046  }
0xba: {  	s29 =	simm.s32 $0xA;
	_ =	strace $0x80000048  }
0xbb: {  	_ =	swait.ge [sflag:s29], $0x1  }
0xbc: {  	[sflag:s29] =	ssyncadd.s32 $0xFFFFFFFF  }
0xbd: {  	_ =	strace $0x90000048  }
0xbe: {  	_ =	sfence  }
0xbf: {  	s30 =	sld [smem:$0x0];
	_ =	sdelay $0x2  }
0xc0: {  	s31 =	sshll.u32 s1, $0xD;
	s1 =	sshrl.u32 s1, $0x2  }
0xc1: {  	s3 =	sand.u32 $0x4000, s31;
	s1 =	sadd.s32 s1, s30  }
0xc2: {  	s0 =	sor.u32 s3, s0;
	s1 =	sshll.u32 s1, $0x11  }
0xc3: {  	s0 =	sor.u32 s1, s0  }
0xc4: {  	s0 =	sadd.s32 $0x8F2B, s0  }
0xc5: {  	[sflag:s0] =	ssyncadd.remote.s32 $0x1  }
0xc6: {  	_ =	sfence.sel $0xFFFF  }
0xc7: {  	[dreg:$0x0] =	wrdreg $0xFFFFFFFF;
	(pc) =	sbr.abs _section_cstart, $3  }
0xc8: {  	[dreg:$0x1] =	wrdreg $0xFFFFFFFF  }
0xc9: {  	_ =	task.clear_ibuf [dreg:s9], $0x2FFFF;
	_ =	strace $0x9FFFFFFF  }
0xca: {  	(tm) =	ssettm $0x7FFFFFFF  }
0xcb: {  	_ =	shalt  }
tec
execute0_lowered:
.L_overlay_start_1:
0x0: {  	(tag) =	ssettag $0x1  }
0x1: {  	s1 =	rddreg [dreg:$0x0]  }
0x2: {  	s2 =	rddreg [dreg:$0x1]  }
0x3: {  	s0 =	rddreg [dreg:$0x2]  }
0x4: {  	s3 =	srdreg.scid;
	s4 =	stileid.u32;
	s5 =	simm.s32 $0x0  }
0x5: {  	s16 =	simm.s32 $0x4;
	s17 =	simm.s32 $0x1C00;
	s19 =	simm.s32 $0x50  }
0x6: {  	s28 =	simm.s32 $0xB000;
	s3 =	sand.u32 $0x1, s3;
	s4 =	sshll.u32 s4, $0x1  }
0x7: {  	s29 =	simm.s32 $0x10000;
	s30 =	simm.s32 $0x15000;
	s4 =	sor.u32 s3, s4  }
0x8: {  	s31 =	simm.s32 $0x1;
	[smem:$0x7FF] =	sst s5;
	s7 =	smul.u32 $0x380, s4  }
0x9: {  	s6 =	sadd.s32 $0x11800, s0;
	s20 =	ssub.s32 $0x2, s3;
	s9 =	smul.u32 $0x89800, s4  }
0xa: {  	_ =	strace $0x80000047;
	s3 =	sshrl.u32 s20, $0x1;
	s8 =	smul.u32 $0x1130, s4  }
0xb: {  	s4 =	simm.s32 $0x3;
	s10 =	sadd.s32 s7, s0;
	s7 =	sadd.s32 $0x38A00, s0  }
0xc: {  	s21 =	sshrl.u32 s9, $0x3;
	s0 =	ssub.s32 s20, s3;
	s22 =	sadd.s32 $0x3800, s10  }
0xd: {  	s11 =	sadd.s32 $0x50, s8;
	s24 =	sadd.s32 $0xA800, s10;
	[dreg:$0x5] =	wrdreg s22  }
0xe: {  	s23 =	sadd.s32 s7, s21;
	s0 =	smax.u32 s0, $0x1;
	[dreg:$0x6] =	wrdreg s24  }
0xf: {  	s20 =	simm.s32 $0x3800;
	s25 =	sadd.s32 $0x10400, s23;
	[dreg:$0xa] =	wrdreg s0  }
0x10: {  	s21 =	simm.s32 $0x8800;
	s26 =	sadd.s32 $0x10900, s23;
	[dreg:$0x7] =	wrdreg s25  }
0x11: {  	s3 =	sadd.s32 $0x10E00, s23;
	s22 =	simm.s32 $0xD800;
	[dreg:$0x8] =	wrdreg s26  }
0x12: {  	s23 =	simm.s32 $0x12800;
	s0 =	simm.s32 $0x2;
	[dreg:$0x9] =	wrdreg s3  }
0x13: {  	s25 =	simm.s32 $0x6000;
	s3 =	simm.s32 $0x17800;
	s26 =	simm.s32 $0x0  }
.LBB2_1:
0x14: {  	s9 =	rddreg [dreg:$0x5]  }
0x15: {  	[tilespmem:s5], [sflag:$0x4] =	stream.linear.gather [hbm4b:s9+s5], $0x1B80, $0x38;
	[tilespmem:$0x1A080] =	vst v63  }
0x16: {  	_ =	swait.ge [sflag:s16], $0x1B80  }
0x17: {  	[sflag:s16] =	ssyncset.done $0x0  }
0x18: {  	s14 =	rddreg [dreg:$0x6];
	[sflag:s16] =	ssyncadd.s32 $0xFFFFE480  }
0x19: {  	[tilespmem:s17], [sflag:$0x4] =	stream.linear.gather [hbm4b:s14+s5], $0x1B80, $0x38;
	[tilespmem:$0x1A080] =	vst v63  }
0x1a: {  	_ =	swait.ge [sflag:s16], $0x1B80  }
0x1b: {  	[sflag:s16] =	ssyncset.done $0x0  }
0x1c: {  	[sflag:s16] =	ssyncadd.s32 $0xFFFFE480  }
0x1d: {  	s10 =	simm.s32 $0x1A000;
	s15 =	rddreg [dreg:$0x3]  }
0x1e: {  	[tilespmem:s10], [sflag:$0x4] =	stream.linear.gather [hbm4b:s15+s5], $0x80, $0x38;
	[tilespmem:$0x1A080] =	vst v63  }
0x1f: {  	_ =	swait.ge [sflag:s16], $0x80  }
0x20: {  	[sflag:s16] =	ssyncset.done $0x0  }
0x21: {  	[sflag:s16] =	ssyncadd.s32 $0xFFFFFF80  }
0x22: {  	v6 =	vld [tilespmem:$0x1A000]  }
0x23: {  	v5 =	vld [tilespmem:$0x1A010]  }
0x24: {  	v4 =	vld [tilespmem:$0x1A020]  }
0x25: {  	v3 =	vld [tilespmem:$0x1A030]  }
0x26: {  	v2 =	vld [tilespmem:$0x1A040]  }
0x27: {  	v1 =	vld [tilespmem:$0x1A050]  }
0x28: {  	v0 =	vld [tilespmem:$0x1A060]  }
0x29: {  	v7 =	vld [tilespmem:$0x1A070];
	[tilespmem:s20], [sflag:$0x1] =	stream.indirect.gather [hbm4b:s1+s19], $0x80, s5, s19, $0xb8  }
0x2a: {  	_ = 	snop  }
0x2b: {  	[tilespmem:s21], [sflag:$0x1] =	stream.indirect.gather [hbm4b:s2+s19], $0x80, s17, s19, $0xb8;
	[tilespmem:$0x1A080] =	vst v63  }
0x2c: {  	_ = 	snop  }
0x2d: {  	[tilespmem:s22], [sflag:$0x1] =	stream.indirect.gather [hbm4b:s6+s19], $0x80, s5, s19, $0xb8;
	[tilespmem:$0x1A080] =	vst v63  }
0x2e: {  	_ = 	snop  }
0x2f: {  	[tilespmem:s23], [sflag:$0x1] =	stream.indirect.gather [hbm4b:s6+s19], $0x80, s17, s19, $0xb8;
	[tilespmem:$0x1A080] =	vst v63  }
0x30: {  	s18 =	simm.s32 $0x80  }
0x31: {  	[tilespmem:s25], [sflag:$0x2] =	stream.indirect.gather [hbm4b:s1+s19], $0x80, s18, s19, $0xb8;
	[tilespmem:$0x1A080] =	vst v63  }
0x32: {  	s24 =	simm.s32 $0x1C80  }
0x33: {  	[tilespmem:s28], [sflag:$0x2] =	stream.indirect.gather [hbm4b:s2+s19], $0x80, s24, s19, $0xb8;
	[tilespmem:$0x1A080] =	vst v63  }
0x34: {  	_ = 	snop  }
0x35: {  	[tilespmem:s29], [sflag:$0x2] =	stream.indirect.gather [hbm4b:s6+s19], $0x80, s18, s19, $0xb8;
	[tilespmem:$0x1A080] =	vst v63  }
0x36: {  	s9 =	simm.s32 $0x0  }
0x37: {  	[tilespmem:s30], [sflag:$0x2] =	stream.indirect.gather [hbm4b:s6+s19], $0x80, s24, s19, $0xb8;
	[tilespmem:$0x1A080] =	vst v63  }
.LBB2_2:
0x38: {  	_ =	swait.ge [sflag:s31], $0x2800  }
0x39: {  	[sflag:s31] =	ssyncset.done $0x0  }
0x3a: {  	[sflag:s31] =	ssyncadd.s32 $0xFFFFD800  }
0x3b: {  	_ =	swait.ge [sflag:s31], $0x2800  }
0x3c: {  	[sflag:s31] =	ssyncset.done $0x0  }
0x3d: {  	[sflag:s31] =	ssyncadd.s32 $0xFFFFD800  }
0x3e: {  	_ =	swait.ge [sflag:s31], $0x2800  }
0x3f: {  	[sflag:s31] =	ssyncset.done $0x0  }
0x40: {  	[sflag:s31] =	ssyncadd.s32 $0xFFFFD800  }
0x41: {  	_ =	swait.ge [sflag:s31], $0x2800  }
0x42: {  	p0 =	seq.s32 s9, $0x0;
	[sflag:s31] =	ssyncset.done $0x0  }
0x43: {  	s10 =	simm.s32 @!p0 $0x3;
	[sflag:s31] =	ssyncadd.s32 $0xFFFFD800  }
0x44: {  	_ =	swait.ge @!p0 [sflag:s10], $0x2800  }
0x45: {  	[sflag:s10] =	ssyncset.done @!p0 $0x0  }
0x46: {  	s24 =	simm.s32 $0x0;
	[sflag:s10] =	ssyncadd.s32 @!p0 $0xFFFFD800  }
0x47: {  	v8 =	vld [tilespmem:s24+$0xD800]  }
0x48: {  	v9 =	vld [tilespmem:s24+$0x12800];
	_ =	sdelay $0x2  }
0x49: {  	v10 =	vld [tilespmem:s24+$0x3800]  }
0x4a: {  	v11 =	vld [tilespmem:s24+$0x8800]  }
0x4b: {  	v12 =	vld [tilespmem:s24+$0x3810];
	v8 =	vmul.f32 v9, v8  }
0x4c: {  	v13 =	vld [tilespmem:s24+$0x3820]  }
0x4d: {  	v14 =	vld [tilespmem:s24+$0x8820];
	(v2sf) =	vpush v8, $0x0  }
0x4e: {  	v15 =	vld [tilespmem:s24+$0x3830];
	(v2sf) =	vpush v8, $0x1  }
0x4f: {  	v16 =	vld [tilespmem:s24+$0x8830]  }
0x50: {  	v17 =	vld [tilespmem:s24+$0x8840];
	(v2sf) =	vpush v8, $0x2  }
0x51: {  	v18 =	vld [tilespmem:s24+$0x3850]  }
0x52: {  	v19 =	vld [tilespmem:s24+$0x8850]  }
0x53: {  	v20 =	vld [tilespmem:s24+$0x3860]  }
0x54: {  	s18 =	simm.s32 $0x80;
	v21 =	vld [tilespmem:s24+$0x8860]  }
0x55: {  	v22 =	vld [tilespmem:s18+$0xD800]  }
0x56: {  	v23 =	vld [tilespmem:s18+$0x12800]  }
0x57: {  	v24 =	vld [tilespmem:s18+$0x3800]  }
0x58: {  	v25 =	vld [tilespmem:s18+$0x8800]  }
0x59: {  	v27 =	vld [tilespmem:s24+$0x3870]  }
0x5a: {  	v28 =	vld [tilespmem:s24+$0x8870]  }
0x5b: {  	v32 =	vld [tilespmem:s18+$0x3830]  }
0x5c: {  	v9 =	vld [tilespmem:s24+$0x8810];
	s14 =	spop (v2sf)  }
0x5d: {  	v10 =	vadd.f32 v11, v10;
	v11 =	vld [tilespmem:s18+$0x8830];
	v34 =	vadd.f32 v16, v15;
	v16 =	vmul.f32 v23, v22;
	s12 =	spop (v2sf)  }
0x5e: {  	v8 =	vld [tilespmem:s24+$0x3840];
	s10 =	sadd.f32 s12, s14  }
0x5f: {  	v26 =	vld [tilespmem:s18+$0x3810];
	v33 =	vadd.f32 v14, v13;
	s15 =	spop (v2sf);
	(v2sf) =	vpush v16, $0x0  }
0x60: {  	v29 =	vld [tilespmem:s18+$0x8810];
	v22 =	vadd.f32 v19, v18;
	(v2sf) =	vpush v16, $0x1;
	s10 =	sadd.f32 s10, s15  }
0x61: {  	v30 =	vld [tilespmem:s18+$0x3820];
	v23 =	vadd.f32 v21, v20;
	v12 =	vadd.f32 v9, v12  }
0x62: {  	v31 =	vld [tilespmem:s18+$0x8820];
	v9 =	vadd.f32 v28, v27;
	(v2sf) =	vpush v16, $0x2;
	v60 =	vmul.f32 s10, v7  }
0x63: {  	v61 =	vld [tilespmem:s18+$0x3840];
	v11 =	vadd.f32 v11, v32;
	v36 =	vadd.f32 v17, v8  }
0x64: {  	v35 =	vld [tilespmem:s18+$0x8840];
	v15 =	vmul.f32 s10, v6;
	v17 =	vmul.f32 s10, v5;
	v9 =	vadd.f32 v9, v60  }
0x65: {  	v13 =	vld [tilespmem:s18+$0x3850];
	v8 =	vadd.f32 v25, v24;
	v19 =	vmul.f32 s10, v4;
	v20 =	vmul.f32 s10, v3  }
0x66: {  	v14 =	vld [tilespmem:s18+$0x8850];
	v21 =	vmul.f32 s10, v1;
	v18 =	vadd.f32 v15, v10;
	v10 =	vadd.f32 v29, v26;
	[tilespmem:s24+$0x17870] =	vst v9  }
0x67: {  	v62 =	vmul.f32 s10, v0;
	v12 =	vadd.f32 v17, v12;
	v63 =	vadd.f32 v33, v19;
	v15 =	vld [tilespmem:s18+$0x3860]  }
0x68: {  	s12 =	simm.s32 $0x100;
	v20 =	vadd.f32 v34, v20;
	v21 =	vadd.f32 v22, v21;
	v16 =	vld [tilespmem:s18+$0x8860];
	[tilespmem:s24+$0x17800] =	vst v18;
	v18 =	vmul.f32 s10, v2  }
0x69: {  	v22 =	vadd.f32 v23, v62;
	v9 =	vadd.f32 v31, v30;
	v17 =	vld [tilespmem:s12+$0xD800];
	[tilespmem:s24+$0x17810] =	vst v12  }
0x6a: {  	s13 =	simm.s32 $0x600;
	s10 =	sshll.u32 s9, $0x8;
	v12 =	vadd.f32 v35, v61;
	v19 =	vadd.f32 v36, v18;
	v18 =	vld [tilespmem:s12+$0x12800];
	[tilespmem:s24+$0x17820] =	vst v63  }
.LBB2_3:
0x6b: {  	p0 =	sne.s32 s13, $0x9E00;
	v23 =	vld [tilespmem:s12+$0x3800];
	v24 =	vadd.f32 v14, v13;
	[tilespmem:s24+$0x17830] =	vst v20  }
0x6c: {  	v13 =	vld [tilespmem:s12+$0x8800];
	[tilespmem:s24+$0x17840] =	vst v19  }
0x6d: {  	v14 =	vld [tilespmem:s12+$0x3810];
	v25 =	vadd.f32 v16, v15;
	[tilespmem:s24+$0x17850] =	vst v21  }
0x6e: {  	v15 =	vld [tilespmem:s18+$0x3870];
	s14 =	spop (v2sf);
	[tilespmem:s24+$0x17860] =	vst v22;
	s24 =	smov.u32 s18;
	s18 =	smov.u32 s12  }
0x6f: {  	v16 =	vmul.f32 v18, v17;
	v17 =	vld [tilespmem:s24+$0x8870];
	s12 =	spop (v2sf)  }
0x70: {  	v18 =	vld [tilespmem:s18+$0x8810];
	s12 =	sadd.f32 s12, s14  }
0x71: {  	v19 =	vadd.f32 v13, v23;
	v13 =	vld [tilespmem:s18+$0x3820];
	(v2sf) =	vpush v16, $0x0;
	s14 =	spop (v2sf)  }
0x72: {  	v20 =	vld [tilespmem:s18+$0x8820];
	(v2sf) =	vpush v16, $0x1;
	s12 =	sadd.f32 s12, s14  }
0x73: {  	v21 =	vld [tilespmem:s18+$0x3830]  }
0x74: {  	v22 =	vld [tilespmem:s18+$0x8830];
	(v2sf) =	vpush v16, $0x2;
	v15 =	vadd.f32 v17, v15;
	v16 =	vmul.f32 s12, v7  }
0x75: {  	v23 =	vmul.f32 s12, v6;
	v26 =	vmul.f32 s12, v5;
	v17 =	vadd.f32 v18, v14;
	v18 =	vld [tilespmem:s18+$0x3840]  }
0x76: {  	v28 =	vmul.f32 s12, v4;
	v29 =	vmul.f32 s12, v3;
	v27 =	vld [tilespmem:s18+$0x8840];
	v15 =	vadd.f32 v15, v16  }
0x77: {  	v30 =	vmul.f32 s12, v2;
	v31 =	vmul.f32 s12, v1;
	v16 =	vadd.f32 v20, v13;
	v13 =	vld [tilespmem:s18+$0x3850]  }
.Ltmp0:
0x78: {  	v20 =	vadd.f32 v23, v8;
	v23 =	vadd.f32 v26, v10;
	v26 =	vmul.f32 s12, v0;
	v8 =	vmovc v19;
	v14 =	vld [tilespmem:s18+$0x8850];
	[tilespmem:s24+$0x17870] =	vst v15;
	(pc) =	sbr.rel @p0 .LBB2_3-.Ltmp0, $4  }
0x79: {  	v28 =	vadd.f32 v9, v28;
	v10 =	vmovc v17;
	v22 =	vadd.f32 v22, v21;
	v15 =	vld [tilespmem:s18+$0x3860];
	v9 =	vmov v16  }
0x7a: {  	s12 =	sshra.s32 s13, $0x2;
	v19 =	vadd.f32 v12, v30;
	v16 =	vld [tilespmem:s18+$0x8860];
	[tilespmem:s24+$0x17800] =	vst v20;
	v20 =	vadd.f32 v11, v29  }
0x7b: {  	v21 =	vadd.f32 v24, v31;
	v17 =	vld [tilespmem:s12+$0xD800];
	v12 =	vadd.f32 v27, v18;
	[tilespmem:s24+$0x17810] =	vst v23;
	v11 =	vmov v22  }
0x7c: {  	s13 =	sadd.s32 $0x200, s13;
	v22 =	vadd.f32 v25, v26;
	v18 =	vld [tilespmem:s12+$0x12800];
	[tilespmem:s24+$0x17820] =	vst v28  }
0x7d: {  	v23 =	vld [tilespmem:s12+$0x3800];
	[tilespmem:s24+$0x17830] =	vst v20  }
0x7e: {  	v20 =	vld [tilespmem:s12+$0x8800];
	[tilespmem:s24+$0x17840] =	vst v19  }
0x7f: {  	v19 =	vld [tilespmem:s12+$0x3810];
	[tilespmem:s24+$0x17850] =	vst v21  }
0x80: {  	v21 =	vld [tilespmem:s18+$0x3870];
	[tilespmem:s24+$0x17860] =	vst v22;
	s13 =	spop (v2sf)  }
0x81: {  	v22 =	vld [tilespmem:s18+$0x8870];
	s14 =	spop (v2sf);
	v17 =	vmul.f32 v18, v17  }
0x82: {  	v24 =	vld [tilespmem:s12+$0x8810];
	s13 =	sadd.f32 s14, s13  }
0x83: {  	v25 =	vld [tilespmem:s12+$0x3820];
	s24 =	spop (v2sf);
	(v2sf) =	vpush v17, $0x0  }
0x84: {  	v18 =	vld [tilespmem:s12+$0x8820];
	s13 =	sadd.f32 s13, s24;
	(v2sf) =	vpush v17, $0x1  }
0x85: {  	v26 =	vld [tilespmem:s12+$0x3830]  }
0x86: {  	v27 =	vld [tilespmem:s12+$0x8830];
	(v2sf) =	vpush v17, $0x2;
	v21 =	vadd.f32 v22, v21;
	v22 =	vmul.f32 s13, v7  }
0x87: {  	v28 =	vld [tilespmem:s12+$0x3840]  }
0x88: {  	v29 =	vld [tilespmem:s12+$0x8840];
	v31 =	vmul.f32 s13, v5;
	v17 =	vadd.f32 v21, v22  }
0x89: {  	v30 =	vld [tilespmem:s12+$0x8850];
	v22 =	vmul.f32 s13, v6  }
0x8a: {  	v21 =	vld [tilespmem:s12+$0x3850];
	v10 =	vadd.f32 v31, v10;
	[tilespmem:s18+$0x17870] =	vst v17;
	v17 =	vmul.f32 s13, v4  }
0x8b: {  	v32 =	vmul.f32 s13, v3;
	v8 =	vadd.f32 v22, v8;
	v22 =	vld [tilespmem:s12+$0x3860]  }
0x8c: {  	v50 =	vld [tilespmem:s12+$0x8860];
	[tilespmem:s18+$0x17810] =	vst v10;
	v9 =	vadd.f32 v9, v17;
	v17 =	vmul.f32 s13, v2  }
0x8d: {  	v11 =	vadd.f32 v11, v32;
	[tilespmem:s18+$0x17800] =	vst v8;
	v8 =	vadd.f32 v14, v13;
	v13 =	vmul.f32 s13, v1  }
0x8e: {  	v10 =	vadd.f32 v12, v17;
	[tilespmem:s18+$0x17820] =	vst v9;
	v9 =	vadd.f32 v16, v15;
	v12 =	vmul.f32 s13, v0  }
0x8f: {  	[tilespmem:s18+$0x17830] =	vst v11;
	v8 =	vadd.f32 v8, v13  }
0x90: {  	[tilespmem:s18+$0x17840] =	vst v10;
	v9 =	vadd.f32 v9, v12  }
0x91: {  	[tilespmem:s18+$0x17850] =	vst v8  }
0x92: {  	v8 =	vld [tilespmem:s12+$0x3870];
	s14 =	spop (v2sf);
	[tilespmem:s18+$0x17860] =	vst v9  }
0x93: {  	v9 =	vld [tilespmem:s12+$0x8870];
	s15 =	spop (v2sf)  }
0x94: {  	s13 =	sadd.f32 s15, s14  }
0x95: {  	s18 =	spop (v2sf)  }
0x96: {  	s13 =	sadd.f32 s13, s18;
	_ =	sdelay $0x1  }
0x97: {  	v8 =	vadd.f32 v9, v8;
	v9 =	vmul.f32 s13, v7  }
0x98: {  	v10 =	vadd.f32 v20, v23;
	v11 =	vmul.f32 s13, v6  }
0x99: {  	v12 =	vadd.f32 v24, v19;
	v13 =	vmul.f32 s13, v5;
	v8 =	vadd.f32 v8, v9  }
0x9a: {  	v14 =	vmul.f32 s13, v4;
	v9 =	vadd.f32 v18, v25;
	v10 =	vadd.f32 v11, v10  }
0x9b: {  	v15 =	vmul.f32 s13, v3;
	v11 =	vadd.f32 v27, v26;
	v12 =	vadd.f32 v13, v12;
	[tilespmem:s12+$0x17870] =	vst v8  }
0x9c: {  	v13 =	vmul.f32 s13, v2;
	v8 =	vadd.f32 v29, v28;
	v9 =	vadd.f32 v9, v14;
	[tilespmem:s12+$0x17800] =	vst v10  }
0x9d: {  	v10 =	vadd.f32 v30, v21;
	v14 =	vmul.f32 s13, v1;
	v11 =	vadd.f32 v11, v15;
	[tilespmem:s12+$0x17810] =	vst v12  }
0x9e: {  	s18 =	smul.u32 $0xA0, s9;
	v12 =	vadd.f32 v50, v22;
	v15 =	vmul.f32 s13, v0;
	v8 =	vadd.f32 v8, v13;
	[tilespmem:s12+$0x17820] =	vst v9  }
0x9f: {  	v9 =	vadd.f32 v10, v14;
	[tilespmem:s12+$0x17830] =	vst v11  }
0xa0: {  	s24 =	sadd.s32 s8, s18;
	v10 =	vadd.f32 v12, v15;
	[tilespmem:s12+$0x17840] =	vst v8  }
0xa1: {  	s13 =	sshll.u32 s24, $0x4;
	[tilespmem:s12+$0x17850] =	vst v9  }
0xa2: {  	s14 =	simm.s32 $0x0;
	s13 =	sadd.s32 s7, s13;
	[tilespmem:s12+$0x17860] =	vst v10  }
0xa3: {  	[hbm4b:s13+s14] =	stream.linear.scatter [tilespmem:s3], [sflag:$0x3], $0x2800, $0x38;
	[tilespmem:$0x1A080] =	vst v63  }
0xa4: {  	s15 =	sadd.s32 $0x100, s10  }
0xa5: {  	[tilespmem:s20], [sflag:$0x1] =	stream.indirect.gather [hbm4b:s1+s19], $0x80, s15, s19, $0xb8;
	[tilespmem:$0x1A080] =	vst v63  }
0xa6: {  	s24 =	sadd.s32 $0x1D00, s10  }
0xa7: {  	[tilespmem:s21], [sflag:$0x1] =	stream.indirect.gather [hbm4b:s2+s19], $0x80, s24, s19, $0xb8;
	[tilespmem:$0x1A080] =	vst v63  }
0xa8: {  	_ = 	snop  }
0xa9: {  	[tilespmem:s22], [sflag:$0x1] =	stream.indirect.gather [hbm4b:s6+s19], $0x80, s15, s19, $0xb8;
	[tilespmem:$0x1A080] =	vst v63  }
0xaa: {  	_ = 	snop  }
0xab: {  	[tilespmem:s23], [sflag:$0x1] =	stream.indirect.gather [hbm4b:s6+s19], $0x80, s24, s19, $0xb8;
	[tilespmem:$0x1A080] =	vst v63  }
0xac: {  	_ =	swait.ge [sflag:s0], $0x2800  }
0xad: {  	[sflag:s0] =	ssyncset.done $0x0  }
0xae: {  	[sflag:s0] =	ssyncadd.s32 $0xFFFFD800  }
0xaf: {  	_ =	swait.ge [sflag:s0], $0x2800  }
0xb0: {  	[sflag:s0] =	ssyncset.done $0x0  }
0xb1: {  	[sflag:s0] =	ssyncadd.s32 $0xFFFFD800  }
0xb2: {  	_ =	swait.ge [sflag:s0], $0x2800  }
0xb3: {  	[sflag:s0] =	ssyncset.done $0x0  }
0xb4: {  	[sflag:s0] =	ssyncadd.s32 $0xFFFFD800  }
0xb5: {  	_ =	swait.ge [sflag:s0], $0x2800  }
0xb6: {  	[sflag:s0] =	ssyncset.done $0x0  }
0xb7: {  	[sflag:s0] =	ssyncadd.s32 $0xFFFFD800  }
0xb8: {  	_ =	swait.ge [sflag:s4], $0x2800  }
0xb9: {  	[sflag:s4] =	ssyncset.done $0x0  }
0xba: {  	s12 =	simm.s32 $0x0;
	[sflag:s4] =	ssyncadd.s32 $0xFFFFD800  }
0xbb: {  	v8 =	vld [tilespmem:s12+$0x10000]  }
0xbc: {  	v9 =	vld [tilespmem:s12+$0x15000];
	_ =	sdelay $0x2  }
0xbd: {  	v10 =	vld [tilespmem:s12+$0x6000]  }
0xbe: {  	v11 =	vld [tilespmem:s12+$0xB000]  }
0xbf: {  	v12 =	vld [tilespmem:s12+$0x6010];
	v8 =	vmul.f32 v9, v8  }
0xc0: {  	v13 =	vld [tilespmem:s12+$0x6020]  }
0xc1: {  	v14 =	vld [tilespmem:s12+$0xB020];
	(v2sf) =	vpush v8, $0x0  }
0xc2: {  	v15 =	vld [tilespmem:s12+$0x6030];
	(v2sf) =	vpush v8, $0x1  }
0xc3: {  	v16 =	vld [tilespmem:s12+$0xB030]  }
0xc4: {  	v17 =	vld [tilespmem:s12+$0xB040];
	(v2sf) =	vpush v8, $0x2  }
0xc5: {  	v18 =	vld [tilespmem:s12+$0x6050]  }
0xc6: {  	v19 =	vld [tilespmem:s12+$0xB050]  }
0xc7: {  	v20 =	vld [tilespmem:s12+$0x6060]  }
0xc8: {  	s24 =	simm.s32 $0x80;
	v21 =	vld [tilespmem:s12+$0xB060]  }
0xc9: {  	v22 =	vld [tilespmem:s24+$0x10000]  }
0xca: {  	v23 =	vld [tilespmem:s24+$0x15000]  }
0xcb: {  	v51 =	vld [tilespmem:s24+$0x6000]  }
0xcc: {  	v52 =	vld [tilespmem:s24+$0xB000]  }
0xcd: {  	v54 =	vld [tilespmem:s12+$0x6070]  }
0xce: {  	v55 =	vld [tilespmem:s12+$0xB070]  }
0xcf: {  	v59 =	vld [tilespmem:s24+$0x6030]  }
0xd0: {  	v9 =	vld [tilespmem:s12+$0xB010];
	s14 =	spop (v2sf)  }
0xd1: {  	v10 =	vadd.f32 v11, v10;
	v11 =	vld [tilespmem:s24+$0xB030];
	v34 =	vadd.f32 v16, v15;
	v16 =	vmul.f32 v23, v22;
	s15 =	spop (v2sf)  }
0xd2: {  	v8 =	vld [tilespmem:s12+$0x6040];
	s13 =	sadd.f32 s15, s14  }
0xd3: {  	v53 =	vld [tilespmem:s24+$0x6010];
	v33 =	vadd.f32 v14, v13;
	s15 =	spop (v2sf);
	(v2sf) =	vpush v16, $0x0  }
0xd4: {  	v56 =	vld [tilespmem:s24+$0xB010];
	v22 =	vadd.f32 v19, v18;
	(v2sf) =	vpush v16, $0x1;
	s14 =	sadd.f32 s13, s15  }
0xd5: {  	v57 =	vld [tilespmem:s24+$0x6020];
	v23 =	vadd.f32 v21, v20;
	v12 =	vadd.f32 v9, v12  }
0xd6: {  	v58 =	vld [tilespmem:s24+$0xB020];
	v9 =	vadd.f32 v55, v54;
	(v2sf) =	vpush v16, $0x2;
	v60 =	vmul.f32 s14, v7  }
0xd7: {  	v61 =	vld [tilespmem:s24+$0x6040];
	v11 =	vadd.f32 v11, v59;
	v36 =	vadd.f32 v17, v8  }
0xd8: {  	v35 =	vld [tilespmem:s24+$0xB040];
	v15 =	vmul.f32 s14, v6;
	v17 =	vmul.f32 s14, v5;
	v9 =	vadd.f32 v9, v60  }
0xd9: {  	v13 =	vld [tilespmem:s24+$0x6050];
	v8 =	vadd.f32 v52, v51;
	v19 =	vmul.f32 s14, v4;
	v20 =	vmul.f32 s14, v3  }
0xda: {  	v14 =	vld [tilespmem:s24+$0xB050];
	v21 =	vmul.f32 s14, v1;
	v18 =	vadd.f32 v15, v10;
	v10 =	vadd.f32 v56, v53;
	[tilespmem:s12+$0x17870] =	vst v9  }
0xdb: {  	v62 =	vmul.f32 s14, v0;
	v12 =	vadd.f32 v17, v12;
	v63 =	vadd.f32 v33, v19;
	v15 =	vld [tilespmem:s24+$0x6060]  }
0xdc: {  	s13 =	simm.s32 $0x100;
	v20 =	vadd.f32 v34, v20;
	v21 =	vadd.f32 v22, v21;
	v16 =	vld [tilespmem:s24+$0xB060];
	[tilespmem:s12+$0x17800] =	vst v18;
	v18 =	vmul.f32 s14, v2  }
0xdd: {  	v22 =	vadd.f32 v23, v62;
	v9 =	vadd.f32 v58, v57;
	v17 =	vld [tilespmem:s13+$0x10000];
	[tilespmem:s12+$0x17810] =	vst v12  }
0xde: {  	s14 =	simm.s32 $0x600;
	v12 =	vadd.f32 v35, v61;
	v19 =	vadd.f32 v36, v18;
	v18 =	vld [tilespmem:s13+$0x15000];
	[tilespmem:s12+$0x17820] =	vst v63  }
.LBB2_5:
0xdf: {  	p0 =	sne.s32 s14, $0x9E00;
	v23 =	vld [tilespmem:s13+$0x6000];
	v24 =	vadd.f32 v14, v13;
	[tilespmem:s12+$0x17830] =	vst v20  }
0xe0: {  	v13 =	vld [tilespmem:s13+$0xB000];
	[tilespmem:s12+$0x17840] =	vst v19  }
0xe1: {  	v14 =	vld [tilespmem:s13+$0x6010];
	v25 =	vadd.f32 v16, v15;
	[tilespmem:s12+$0x17850] =	vst v21  }
0xe2: {  	v15 =	vld [tilespmem:s24+$0x6070];
	s15 =	spop (v2sf);
	[tilespmem:s12+$0x17860] =	vst v22;
	s12 =	smov.u32 s24;
	s24 =	smov.u32 s13  }
0xe3: {  	v16 =	vmul.f32 v18, v17;
	v17 =	vld [tilespmem:s12+$0xB070];
	s13 =	spop (v2sf)  }
0xe4: {  	v18 =	vld [tilespmem:s24+$0xB010];
	s13 =	sadd.f32 s13, s15  }
0xe5: {  	v19 =	vadd.f32 v13, v23;
	v13 =	vld [tilespmem:s24+$0x6020];
	(v2sf) =	vpush v16, $0x0;
	s15 =	spop (v2sf)  }
0xe6: {  	v20 =	vld [tilespmem:s24+$0xB020];
	(v2sf) =	vpush v16, $0x1;
	s13 =	sadd.f32 s13, s15  }
0xe7: {  	v21 =	vld [tilespmem:s24+$0x6030]  }
0xe8: {  	v22 =	vld [tilespmem:s24+$0xB030];
	(v2sf) =	vpush v16, $0x2;
	v15 =	vadd.f32 v17, v15;
	v16 =	vmul.f32 s13, v7  }
0xe9: {  	v23 =	vmul.f32 s13, v6;
	v26 =	vmul.f32 s13, v5;
	v17 =	vadd.f32 v18, v14;
	v18 =	vld [tilespmem:s24+$0x6040]  }
0xea: {  	v28 =	vmul.f32 s13, v4;
	v29 =	vmul.f32 s13, v3;
	v27 =	vld [tilespmem:s24+$0xB040];
	v15 =	vadd.f32 v15, v16  }
0xeb: {  	v30 =	vmul.f32 s13, v2;
	v31 =	vmul.f32 s13, v1;
	v16 =	vadd.f32 v20, v13;
	v13 =	vld [tilespmem:s24+$0x6050]  }
.Ltmp1:
0xec: {  	v20 =	vadd.f32 v23, v8;
	v23 =	vadd.f32 v26, v10;
	v26 =	vmul.f32 s13, v0;
	v8 =	vmovc v19;
	v14 =	vld [tilespmem:s24+$0xB050];
	[tilespmem:s12+$0x17870] =	vst v15;
	(pc) =	sbr.rel @p0 .LBB2_5-.Ltmp1, $4  }
0xed: {  	v28 =	vadd.f32 v9, v28;
	v10 =	vmovc v17;
	v22 =	vadd.f32 v22, v21;
	v15 =	vld [tilespmem:s24+$0x6060];
	v9 =	vmov v16  }
0xee: {  	s13 =	sshra.s32 s14, $0x2;
	v19 =	vadd.f32 v12, v30;
	v16 =	vld [tilespmem:s24+$0xB060];
	[tilespmem:s12+$0x17800] =	vst v20;
	v20 =	vadd.f32 v11, v29  }
0xef: {  	v21 =	vadd.f32 v24, v31;
	v17 =	vld [tilespmem:s13+$0x10000];
	v12 =	vadd.f32 v27, v18;
	[tilespmem:s12+$0x17810] =	vst v23;
	v11 =	vmov v22  }
0xf0: {  	s14 =	sadd.s32 $0x200, s14;
	v22 =	vadd.f32 v25, v26;
	v18 =	vld [tilespmem:s13+$0x15000];
	[tilespmem:s12+$0x17820] =	vst v28  }
0xf1: {  	v23 =	vld [tilespmem:s13+$0x6000];
	[tilespmem:s12+$0x17830] =	vst v20  }
0xf2: {  	v20 =	vld [tilespmem:s13+$0xB000];
	[tilespmem:s12+$0x17840] =	vst v19  }
0xf3: {  	v19 =	vld [tilespmem:s13+$0x6010];
	[tilespmem:s12+$0x17850] =	vst v21  }
0xf4: {  	v21 =	vld [tilespmem:s24+$0x6070];
	[tilespmem:s12+$0x17860] =	vst v22;
	s15 =	spop (v2sf)  }
0xf5: {  	v22 =	vld [tilespmem:s24+$0xB070];
	s14 =	spop (v2sf);
	v17 =	vmul.f32 v18, v17  }
0xf6: {  	v24 =	vld [tilespmem:s13+$0xB010];
	s12 =	sadd.f32 s14, s15  }
0xf7: {  	v25 =	vld [tilespmem:s13+$0x6020];
	s15 =	spop (v2sf);
	(v2sf) =	vpush v17, $0x0  }
0xf8: {  	v63 =	vld [tilespmem:s13+$0xB020];
	s12 =	sadd.f32 s12, s15;
	(v2sf) =	vpush v17, $0x1  }
0xf9: {  	v26 =	vld [tilespmem:s13+$0x6030]  }
0xfa: {  	v27 =	vld [tilespmem:s13+$0xB030];
	(v2sf) =	vpush v17, $0x2;
	v21 =	vadd.f32 v22, v21;
	v36 =	vmul.f32 s12, v7  }
0xfb: {  	v28 =	vld [tilespmem:s13+$0x6040]  }
0xfc: {  	v29 =	vld [tilespmem:s13+$0xB040];
	v39 =	vmul.f32 s12, v6;
	v37 =	vadd.f32 v21, v36  }
0xfd: {  	v38 =	vld [tilespmem:s13+$0x6050];
	v31 =	vmul.f32 s12, v5  }
0xfe: {  	v30 =	vld [tilespmem:s13+$0xB050];
	v40 =	vmul.f32 s12, v4;
	v8 =	vadd.f32 v39, v8;
	[tilespmem:s24+$0x17870] =	vst v37  }
0xff: {  	v32 =	vmul.f32 s12, v3;
	v10 =	vadd.f32 v31, v10;
	v41 =	vld [tilespmem:s13+$0x6060]  }
0x100: {  	v9 =	vadd.f32 v9, v40;
	v42 =	vld [tilespmem:s13+$0xB060];
	[tilespmem:s24+$0x17800] =	vst v8;
	v8 =	vmul.f32 s12, v2  }
0x101: {  	v13 =	vadd.f32 v14, v13;
	v43 =	vmul.f32 s12, v1;
	v11 =	vadd.f32 v11, v32;
	[tilespmem:s24+$0x17810] =	vst v10  }
0x102: {  	v44 =	vadd.f32 v16, v15;
	v45 =	vmul.f32 s12, v0;
	[tilespmem:s24+$0x17820] =	vst v9;
	v8 =	vadd.f32 v12, v8  }
0x103: {  	v46 =	vadd.f32 v13, v43;
	[tilespmem:s24+$0x17830] =	vst v11  }
0x104: {  	[tilespmem:s24+$0x17840] =	vst v8;
	v8 =	vadd.f32 v44, v45  }
0x105: {  	[tilespmem:s24+$0x17850] =	vst v46  }
0x106: {  	v47 =	vld [tilespmem:s13+$0x6070];
	[tilespmem:s24+$0x17860] =	vst v8;
	s14 =	spop (v2sf)  }
0x107: {  	v8 =	vld [tilespmem:s13+$0xB070];
	s15 =	spop (v2sf)  }
0x108: {  	s12 =	sadd.f32 s15, s14  }
0x109: {  	s24 =	spop (v2sf)  }
0x10a: {  	s12 =	sadd.f32 s12, s24;
	_ =	sdelay $0x1  }
0x10b: {  	v8 =	vadd.f32 v8, v47;
	v48 =	vmul.f32 s12, v7  }
0x10c: {  	v49 =	vadd.f32 v20, v23;
	v50 =	vmul.f32 s12, v6  }
0x10d: {  	v51 =	vadd.f32 v24, v19;
	v52 =	vmul.f32 s12, v5;
	v8 =	vadd.f32 v8, v48  }
0x10e: {  	v53 =	vadd.f32 v63, v25;
	v54 =	vmul.f32 s12, v4;
	v10 =	vadd.f32 v50, v49  }
0x10f: {  	v55 =	vadd.f32 v27, v26;
	v56 =	vmul.f32 s12, v3;
	v12 =	vadd.f32 v52, v51;
	[tilespmem:s13+$0x17870] =	vst v8  }
0x110: {  	v58 =	vadd.f32 v30, v38;
	v59 =	vmul.f32 s12, v1;
	v9 =	vadd.f32 v53, v54;
	[tilespmem:s13+$0x17800] =	vst v10  }
0x111: {  	v60 =	vadd.f32 v42, v41;
	v61 =	vmul.f32 s12, v0;
	v11 =	vadd.f32 v55, v56;
	[tilespmem:s13+$0x17810] =	vst v12  }
0x112: {  	v57 =	vmul.f32 s12, v2;
	v62 =	vadd.f32 v58, v59;
	v8 =	vadd.f32 v29, v28;
	[tilespmem:s13+$0x17820] =	vst v9  }
0x113: {  	v63 =	vadd.f32 v60, v61;
	[tilespmem:s13+$0x17830] =	vst v11  }
0x114: {  	s15 =	sadd.s32 s18, s11;
	[tilespmem:s13+$0x17850] =	vst v62;
	v8 =	vadd.f32 v8, v57  }
0x115: {  	s12 =	sshll.u32 s15, $0x4;
	[tilespmem:s13+$0x17860] =	vst v63  }
0x116: {  	s12 =	sadd.s32 s7, s12;
	[tilespmem:s13+$0x17840] =	vst v8  }
0x117: {  	[hbm4b:s12+s5] =	stream.linear.scatter [tilespmem:s3], [sflag:$0x3], $0x2800, $0x38;
	[tilespmem:$0x1A080] =	vst v63  }
0x118: {  	s9 =	sadd.s32 $0x1, s9;
	s18 =	sadd.s32 $0x180, s10  }
0x119: {  	[tilespmem:s25], [sflag:$0x2] =	stream.indirect.gather [hbm4b:s1+s19], $0x80, s18, s19, $0xb8;
	[tilespmem:$0x1A080] =	vst v63  }
0x11a: {  	p0 =	sne.s32 s9, $0x1A;
	s24 =	sadd.s32 $0x1D80, s10  }
0x11b: {  	[tilespmem:s28], [sflag:$0x2] =	stream.indirect.gather [hbm4b:s2+s19], $0x80, s24, s19, $0xb8;
	[tilespmem:$0x1A080] =	vst v63  }
.Ltmp2:
0x11c: {  	_ = 	snop;
	(pc) =	sbr.rel @p0 .LBB2_2-.Ltmp2, $4  }
0x11d: {  	_ = 	snop  }
0x11e: {  	[tilespmem:s29], [sflag:$0x2] =	stream.indirect.gather [hbm4b:s6+s19], $0x80, s18, s19, $0xb8;
	[tilespmem:$0x1A080] =	vst v63  }
0x11f: {  	_ = 	snop  }
0x120: {  	[tilespmem:s30], [sflag:$0x2] =	stream.indirect.gather [hbm4b:s6+s19], $0x80, s24, s19, $0xb8;
	[tilespmem:$0x1A080] =	vst v63  }
0x121: {  	_ =	swait.ge [sflag:s31], $0x2800  }
0x122: {  	[sflag:s31] =	ssyncset.done $0x0  }
0x123: {  	[sflag:s31] =	ssyncadd.s32 $0xFFFFD800  }
0x124: {  	_ =	swait.ge [sflag:s31], $0x2800  }
0x125: {  	[sflag:s31] =	ssyncset.done $0x0  }
0x126: {  	[sflag:s31] =	ssyncadd.s32 $0xFFFFD800  }
0x127: {  	_ =	swait.ge [sflag:s31], $0x2800  }
0x128: {  	[sflag:s31] =	ssyncset.done $0x0  }
0x129: {  	[sflag:s31] =	ssyncadd.s32 $0xFFFFD800  }
0x12a: {  	_ =	swait.ge [sflag:s31], $0x2800  }
0x12b: {  	[sflag:s31] =	ssyncset.done $0x0  }
0x12c: {  	[sflag:s31] =	ssyncadd.s32 $0xFFFFD800  }
0x12d: {  	_ =	swait.ge [sflag:s4], $0x2800  }
0x12e: {  	[sflag:s4] =	ssyncset.done $0x0  }
0x12f: {  	s10 =	simm.s32 $0x0;
	[sflag:s4] =	ssyncadd.s32 $0xFFFFD800  }
0x130: {  	v8 =	vld [tilespmem:s10+$0xD800]  }
0x131: {  	v9 =	vld [tilespmem:s10+$0x12800];
	_ =	sdelay $0x2  }
0x132: {  	v10 =	vld [tilespmem:s10+$0x3800]  }
0x133: {  	v11 =	vld [tilespmem:s10+$0x8800]  }
0x134: {  	v12 =	vld [tilespmem:s10+$0x3810];
	v8 =	vmul.f32 v9, v8  }
0x135: {  	v13 =	vld [tilespmem:s10+$0x3820]  }
0x136: {  	v14 =	vld [tilespmem:s10+$0x8820];
	(v2sf) =	vpush v8, $0x0  }
0x137: {  	v15 =	vld [tilespmem:s10+$0x3830];
	(v2sf) =	vpush v8, $0x1  }
0x138: {  	v16 =	vld [tilespmem:s10+$0x8830]  }
0x139: {  	v17 =	vld [tilespmem:s10+$0x8840];
	(v2sf) =	vpush v8, $0x2  }
0x13a: {  	v18 =	vld [tilespmem:s10+$0x3850]  }
0x13b: {  	v19 =	vld [tilespmem:s10+$0x8850]  }
0x13c: {  	v20 =	vld [tilespmem:s10+$0x3860]  }
0x13d: {  	s9 =	simm.s32 $0x80;
	v21 =	vld [tilespmem:s10+$0x8860]  }
0x13e: {  	v22 =	vld [tilespmem:s9+$0xD800]  }
0x13f: {  	v23 =	vld [tilespmem:s9+$0x12800]  }
0x140: {  	v24 =	vld [tilespmem:s9+$0x3800]  }
0x141: {  	v25 =	vld [tilespmem:s9+$0x8800]  }
0x142: {  	v27 =	vld [tilespmem:s10+$0x3870]  }
0x143: {  	v28 =	vld [tilespmem:s10+$0x8870]  }
0x144: {  	v32 =	vld [tilespmem:s9+$0x3830]  }
0x145: {  	v9 =	vld [tilespmem:s10+$0x8810];
	s12 =	spop (v2sf)  }
0x146: {  	v10 =	vadd.f32 v11, v10;
	v11 =	vld [tilespmem:s9+$0x8830];
	v34 =	vadd.f32 v16, v15;
	v16 =	vmul.f32 v23, v22;
	s13 =	spop (v2sf)  }
0x147: {  	v8 =	vld [tilespmem:s10+$0x3840];
	s12 =	sadd.f32 s13, s12  }
0x148: {  	v26 =	vld [tilespmem:s9+$0x3810];
	v33 =	vadd.f32 v14, v13;
	s24 =	spop (v2sf);
	(v2sf) =	vpush v16, $0x0  }
0x149: {  	v29 =	vld [tilespmem:s9+$0x8810];
	v22 =	vadd.f32 v19, v18;
	(v2sf) =	vpush v16, $0x1;
	s13 =	sadd.f32 s12, s24  }
0x14a: {  	v30 =	vld [tilespmem:s9+$0x3820];
	v23 =	vadd.f32 v21, v20;
	v12 =	vadd.f32 v9, v12  }
0x14b: {  	v31 =	vld [tilespmem:s9+$0x8820];
	v9 =	vadd.f32 v28, v27;
	(v2sf) =	vpush v16, $0x2;
	v60 =	vmul.f32 s13, v7  }
0x14c: {  	v61 =	vld [tilespmem:s9+$0x3840];
	v11 =	vadd.f32 v11, v32;
	v36 =	vadd.f32 v17, v8  }
0x14d: {  	v35 =	vld [tilespmem:s9+$0x8840];
	v15 =	vmul.f32 s13, v6;
	v17 =	vmul.f32 s13, v5;
	v9 =	vadd.f32 v9, v60  }
0x14e: {  	v13 =	vld [tilespmem:s9+$0x3850];
	v8 =	vadd.f32 v25, v24;
	v19 =	vmul.f32 s13, v4;
	v20 =	vmul.f32 s13, v3  }
0x14f: {  	v14 =	vld [tilespmem:s9+$0x8850];
	v21 =	vmul.f32 s13, v1;
	v18 =	vadd.f32 v15, v10;
	v10 =	vadd.f32 v29, v26;
	[tilespmem:s10+$0x17870] =	vst v9  }
0x150: {  	v62 =	vmul.f32 s13, v0;
	v12 =	vadd.f32 v17, v12;
	v63 =	vadd.f32 v33, v19;
	v15 =	vld [tilespmem:s9+$0x3860]  }
0x151: {  	s12 =	simm.s32 $0x100;
	v20 =	vadd.f32 v34, v20;
	v21 =	vadd.f32 v22, v21;
	v16 =	vld [tilespmem:s9+$0x8860];
	[tilespmem:s10+$0x17800] =	vst v18;
	v18 =	vmul.f32 s13, v2  }
0x152: {  	v22 =	vadd.f32 v23, v62;
	v9 =	vadd.f32 v31, v30;
	v17 =	vld [tilespmem:s12+$0xD800];
	[tilespmem:s10+$0x17810] =	vst v12  }
0x153: {  	s13 =	simm.s32 $0x600;
	v12 =	vadd.f32 v35, v61;
	v19 =	vadd.f32 v36, v18;
	v18 =	vld [tilespmem:s12+$0x12800];
	[tilespmem:s10+$0x17820] =	vst v63  }
.LBB2_8:
0x154: {  	p0 =	sne.s32 s13, $0x9E00;
	v23 =	vld [tilespmem:s12+$0x3800];
	v24 =	vadd.f32 v14, v13;
	[tilespmem:s10+$0x17830] =	vst v20  }
0x155: {  	v13 =	vld [tilespmem:s12+$0x8800];
	[tilespmem:s10+$0x17840] =	vst v19  }
0x156: {  	v14 =	vld [tilespmem:s12+$0x3810];
	v25 =	vadd.f32 v16, v15;
	[tilespmem:s10+$0x17850] =	vst v21  }
0x157: {  	v15 =	vld [tilespmem:s9+$0x3870];
	s14 =	spop (v2sf);
	[tilespmem:s10+$0x17860] =	vst v22;
	s10 =	smov.u32 s9;
	s9 =	smov.u32 s12  }
0x158: {  	v16 =	vmul.f32 v18, v17;
	v17 =	vld [tilespmem:s10+$0x8870];
	s12 =	spop (v2sf)  }
0x159: {  	v18 =	vld [tilespmem:s9+$0x8810];
	s12 =	sadd.f32 s12, s14  }
0x15a: {  	v19 =	vadd.f32 v13, v23;
	v13 =	vld [tilespmem:s9+$0x3820];
	(v2sf) =	vpush v16, $0x0;
	s14 =	spop (v2sf)  }
0x15b: {  	v20 =	vld [tilespmem:s9+$0x8820];
	(v2sf) =	vpush v16, $0x1;
	s12 =	sadd.f32 s12, s14  }
0x15c: {  	v21 =	vld [tilespmem:s9+$0x3830]  }
0x15d: {  	v22 =	vld [tilespmem:s9+$0x8830];
	(v2sf) =	vpush v16, $0x2;
	v15 =	vadd.f32 v17, v15;
	v16 =	vmul.f32 s12, v7  }
0x15e: {  	v23 =	vmul.f32 s12, v6;
	v26 =	vmul.f32 s12, v5;
	v17 =	vadd.f32 v18, v14;
	v18 =	vld [tilespmem:s9+$0x3840]  }
0x15f: {  	v28 =	vmul.f32 s12, v4;
	v29 =	vmul.f32 s12, v3;
	v27 =	vld [tilespmem:s9+$0x8840];
	v15 =	vadd.f32 v15, v16  }
0x160: {  	v30 =	vmul.f32 s12, v2;
	v31 =	vmul.f32 s12, v1;
	v16 =	vadd.f32 v20, v13;
	v13 =	vld [tilespmem:s9+$0x3850]  }
.Ltmp3:
0x161: {  	v20 =	vadd.f32 v23, v8;
	v23 =	vadd.f32 v26, v10;
	v26 =	vmul.f32 s12, v0;
	v8 =	vmovc v19;
	v14 =	vld [tilespmem:s9+$0x8850];
	[tilespmem:s10+$0x17870] =	vst v15;
	(pc) =	sbr.rel @p0 .LBB2_8-.Ltmp3, $4  }
0x162: {  	v28 =	vadd.f32 v9, v28;
	v10 =	vmovc v17;
	v22 =	vadd.f32 v22, v21;
	v15 =	vld [tilespmem:s9+$0x3860];
	v9 =	vmov v16  }
0x163: {  	s12 =	sshra.s32 s13, $0x2;
	v19 =	vadd.f32 v12, v30;
	v16 =	vld [tilespmem:s9+$0x8860];
	[tilespmem:s10+$0x17800] =	vst v20;
	v20 =	vadd.f32 v11, v29  }
0x164: {  	v21 =	vadd.f32 v24, v31;
	v17 =	vld [tilespmem:s12+$0xD800];
	v12 =	vadd.f32 v27, v18;
	[tilespmem:s10+$0x17810] =	vst v23;
	v11 =	vmov v22  }
0x165: {  	s13 =	sadd.s32 $0x200, s13;
	v22 =	vadd.f32 v25, v26;
	v18 =	vld [tilespmem:s12+$0x12800];
	[tilespmem:s10+$0x17820] =	vst v28  }
0x166: {  	v23 =	vld [tilespmem:s12+$0x3800];
	[tilespmem:s10+$0x17830] =	vst v20  }
0x167: {  	v20 =	vld [tilespmem:s12+$0x8800];
	[tilespmem:s10+$0x17840] =	vst v19  }
0x168: {  	v19 =	vld [tilespmem:s12+$0x3810];
	[tilespmem:s10+$0x17850] =	vst v21  }
0x169: {  	v21 =	vld [tilespmem:s9+$0x3870];
	[tilespmem:s10+$0x17860] =	vst v22;
	s24 =	spop (v2sf)  }
0x16a: {  	v22 =	vld [tilespmem:s9+$0x8870];
	s13 =	spop (v2sf);
	v17 =	vmul.f32 v18, v17  }
0x16b: {  	v24 =	vld [tilespmem:s12+$0x8810];
	s10 =	sadd.f32 s13, s24  }
0x16c: {  	v25 =	vld [tilespmem:s12+$0x3820];
	s14 =	spop (v2sf);
	(v2sf) =	vpush v17, $0x0  }
0x16d: {  	v18 =	vld [tilespmem:s12+$0x8820];
	s10 =	sadd.f32 s10, s14;
	(v2sf) =	vpush v17, $0x1  }
0x16e: {  	v26 =	vld [tilespmem:s12+$0x3830]  }
0x16f: {  	v27 =	vld [tilespmem:s12+$0x8830];
	(v2sf) =	vpush v17, $0x2;
	v21 =	vadd.f32 v22, v21;
	v22 =	vmul.f32 s10, v7  }
0x170: {  	v28 =	vld [tilespmem:s12+$0x3840]  }
0x171: {  	v29 =	vld [tilespmem:s12+$0x8840];
	v31 =	vmul.f32 s10, v5;
	v17 =	vadd.f32 v21, v22  }
0x172: {  	v30 =	vld [tilespmem:s12+$0x8850];
	v22 =	vmul.f32 s10, v6  }
0x173: {  	v21 =	vld [tilespmem:s12+$0x3850];
	v10 =	vadd.f32 v31, v10;
	[tilespmem:s9+$0x17870] =	vst v17;
	v17 =	vmul.f32 s10, v4  }
0x174: {  	v32 =	vmul.f32 s10, v3;
	v8 =	vadd.f32 v22, v8;
	v22 =	vld [tilespmem:s12+$0x3860]  }
0x175: {  	v50 =	vld [tilespmem:s12+$0x8860];
	[tilespmem:s9+$0x17810] =	vst v10;
	v9 =	vadd.f32 v9, v17;
	v17 =	vmul.f32 s10, v2  }
0x176: {  	v11 =	vadd.f32 v11, v32;
	[tilespmem:s9+$0x17800] =	vst v8;
	v8 =	vadd.f32 v14, v13;
	v13 =	vmul.f32 s10, v1  }
0x177: {  	v10 =	vadd.f32 v12, v17;
	[tilespmem:s9+$0x17820] =	vst v9;
	v9 =	vadd.f32 v16, v15;
	v12 =	vmul.f32 s10, v0  }
0x178: {  	[tilespmem:s9+$0x17830] =	vst v11;
	v8 =	vadd.f32 v8, v13  }
0x179: {  	[tilespmem:s9+$0x17840] =	vst v10;
	v9 =	vadd.f32 v9, v12  }
0x17a: {  	[tilespmem:s9+$0x17850] =	vst v8  }
0x17b: {  	v8 =	vld [tilespmem:s12+$0x3870];
	s15 =	spop (v2sf);
	[tilespmem:s9+$0x17860] =	vst v9  }
0x17c: {  	v9 =	vld [tilespmem:s12+$0x8870];
	s18 =	spop (v2sf)  }
0x17d: {  	s9 =	sadd.f32 s18, s15  }
0x17e: {  	s24 =	spop (v2sf)  }
0x17f: {  	s9 =	sadd.f32 s9, s24;
	_ =	sdelay $0x1  }
0x180: {  	v8 =	vadd.f32 v9, v8;
	v9 =	vmul.f32 s9, v7  }
0x181: {  	v10 =	vadd.f32 v20, v23;
	v11 =	vmul.f32 s9, v6  }
0x182: {  	v12 =	vadd.f32 v24, v19;
	v13 =	vmul.f32 s9, v5;
	v8 =	vadd.f32 v8, v9  }
0x183: {  	v14 =	vmul.f32 s9, v4;
	v9 =	vadd.f32 v18, v25;
	v10 =	vadd.f32 v11, v10  }
0x184: {  	v15 =	vmul.f32 s9, v3;
	v11 =	vadd.f32 v27, v26;
	v12 =	vadd.f32 v13, v12;
	[tilespmem:s12+$0x17870] =	vst v8  }
0x185: {  	v13 =	vmul.f32 s9, v2;
	v8 =	vadd.f32 v29, v28;
	v9 =	vadd.f32 v9, v14;
	[tilespmem:s12+$0x17800] =	vst v10  }
0x186: {  	v10 =	vadd.f32 v30, v21;
	v14 =	vmul.f32 s9, v1;
	v11 =	vadd.f32 v11, v15;
	[tilespmem:s12+$0x17810] =	vst v12  }
0x187: {  	v12 =	vadd.f32 v50, v22;
	v15 =	vmul.f32 s9, v0;
	v8 =	vadd.f32 v8, v13;
	[tilespmem:s12+$0x17820] =	vst v9  }
0x188: {  	v9 =	vadd.f32 v10, v14;
	[tilespmem:s12+$0x17830] =	vst v11  }
0x189: {  	v10 =	vadd.f32 v12, v15;
	[tilespmem:s12+$0x17840] =	vst v8  }
0x18a: {  	[tilespmem:s12+$0x17850] =	vst v9  }
0x18b: {  	s10 =	simm.s32 $0x0;
	[tilespmem:s12+$0x17860] =	vst v10;
	s12 =	rddreg [dreg:$0x7]  }
0x18c: {  	[hbm4b:s12+s10] =	stream.linear.scatter [tilespmem:s3], [sflag:$0x3], $0x2800, $0x38;
	[tilespmem:$0x1A080] =	vst v63  }
0x18d: {  	s13 =	simm.s32 $0x1B00  }
0x18e: {  	[tilespmem:s20], [sflag:$0x1] =	stream.indirect.gather [hbm4b:s1+s19], $0x80, s13, s19, $0xb8;
	[tilespmem:$0x1A080] =	vst v63  }
0x18f: {  	s14 =	simm.s32 $0x3700  }
0x190: {  	[tilespmem:s21], [sflag:$0x1] =	stream.indirect.gather [hbm4b:s2+s19], $0x80, s14, s19, $0xb8;
	[tilespmem:$0x1A080] =	vst v63  }
0x191: {  	_ = 	snop  }
0x192: {  	[tilespmem:s22], [sflag:$0x1] =	stream.indirect.gather [hbm4b:s6+s19], $0x80, s13, s19, $0xb8;
	[tilespmem:$0x1A080] =	vst v63  }
0x193: {  	_ = 	snop  }
0x194: {  	[tilespmem:s23], [sflag:$0x1] =	stream.indirect.gather [hbm4b:s6+s19], $0x80, s14, s19, $0xb8;
	[tilespmem:$0x1A080] =	vst v63  }
0x195: {  	_ =	swait.ge [sflag:s0], $0x2800  }
0x196: {  	[sflag:s0] =	ssyncset.done $0x0  }
0x197: {  	[sflag:s0] =	ssyncadd.s32 $0xFFFFD800  }
0x198: {  	_ =	swait.ge [sflag:s0], $0x2800  }
0x199: {  	[sflag:s0] =	ssyncset.done $0x0  }
0x19a: {  	[sflag:s0] =	ssyncadd.s32 $0xFFFFD800  }
0x19b: {  	_ =	swait.ge [sflag:s0], $0x2800  }
0x19c: {  	[sflag:s0] =	ssyncset.done $0x0  }
0x19d: {  	[sflag:s0] =	ssyncadd.s32 $0xFFFFD800  }
0x19e: {  	_ =	swait.ge [sflag:s0], $0x2800  }
0x19f: {  	[sflag:s0] =	ssyncset.done $0x0  }
0x1a0: {  	[sflag:s0] =	ssyncadd.s32 $0xFFFFD800  }
0x1a1: {  	_ =	swait.ge [sflag:s4], $0x2800  }
0x1a2: {  	[sflag:s4] =	ssyncset.done $0x0  }
0x1a3: {  	s10 =	simm.s32 $0x0;
	[sflag:s4] =	ssyncadd.s32 $0xFFFFD800  }
0x1a4: {  	v8 =	vld [tilespmem:s10+$0x10000]  }
0x1a5: {  	v9 =	vld [tilespmem:s10+$0x15000];
	_ =	sdelay $0x2  }
0x1a6: {  	v10 =	vld [tilespmem:s10+$0x6000]  }
0x1a7: {  	v11 =	vld [tilespmem:s10+$0xB000]  }
0x1a8: {  	v12 =	vld [tilespmem:s10+$0x6010];
	v8 =	vmul.f32 v9, v8  }
0x1a9: {  	v13 =	vld [tilespmem:s10+$0x6020]  }
0x1aa: {  	v14 =	vld [tilespmem:s10+$0xB020];
	(v2sf) =	vpush v8, $0x0  }
0x1ab: {  	v15 =	vld [tilespmem:s10+$0x6030];
	(v2sf) =	vpush v8, $0x1  }
0x1ac: {  	v16 =	vld [tilespmem:s10+$0xB030]  }
0x1ad: {  	v17 =	vld [tilespmem:s10+$0xB040];
	(v2sf) =	vpush v8, $0x2  }
0x1ae: {  	v18 =	vld [tilespmem:s10+$0x6050]  }
0x1af: {  	v19 =	vld [tilespmem:s10+$0xB050]  }
0x1b0: {  	v20 =	vld [tilespmem:s10+$0x6060]  }
0x1b1: {  	s9 =	simm.s32 $0x80;
	v21 =	vld [tilespmem:s10+$0xB060]  }
0x1b2: {  	v22 =	vld [tilespmem:s9+$0x10000]  }
0x1b3: {  	v23 =	vld [tilespmem:s9+$0x15000]  }
0x1b4: {  	v51 =	vld [tilespmem:s9+$0x6000]  }
0x1b5: {  	v52 =	vld [tilespmem:s9+$0xB000]  }
0x1b6: {  	v54 =	vld [tilespmem:s10+$0x6070]  }
0x1b7: {  	v55 =	vld [tilespmem:s10+$0xB070]  }
0x1b8: {  	v59 =	vld [tilespmem:s9+$0x6030]  }
0x1b9: {  	v9 =	vld [tilespmem:s10+$0xB010];
	s15 =	spop (v2sf)  }
0x1ba: {  	v10 =	vadd.f32 v11, v10;
	v11 =	vld [tilespmem:s9+$0xB030];
	v34 =	vadd.f32 v16, v15;
	v16 =	vmul.f32 v23, v22;
	s18 =	spop (v2sf)  }
0x1bb: {  	v8 =	vld [tilespmem:s10+$0x6040];
	s12 =	sadd.f32 s18, s15  }
0x1bc: {  	v53 =	vld [tilespmem:s9+$0x6010];
	v33 =	vadd.f32 v14, v13;
	s24 =	spop (v2sf);
	(v2sf) =	vpush v16, $0x0  }
0x1bd: {  	v56 =	vld [tilespmem:s9+$0xB010];
	v22 =	vadd.f32 v19, v18;
	(v2sf) =	vpush v16, $0x1;
	s13 =	sadd.f32 s12, s24  }
0x1be: {  	v57 =	vld [tilespmem:s9+$0x6020];
	v23 =	vadd.f32 v21, v20;
	v12 =	vadd.f32 v9, v12  }
0x1bf: {  	v58 =	vld [tilespmem:s9+$0xB020];
	v9 =	vadd.f32 v55, v54;
	(v2sf) =	vpush v16, $0x2;
	v60 =	vmul.f32 s13, v7  }
0x1c0: {  	v61 =	vld [tilespmem:s9+$0x6040];
	v11 =	vadd.f32 v11, v59;
	v36 =	vadd.f32 v17, v8  }
0x1c1: {  	v35 =	vld [tilespmem:s9+$0xB040];
	v15 =	vmul.f32 s13, v6;
	v17 =	vmul.f32 s13, v5;
	v9 =	vadd.f32 v9, v60  }
0x1c2: {  	v13 =	vld [tilespmem:s9+$0x6050];
	v8 =	vadd.f32 v52, v51;
	v19 =	vmul.f32 s13, v4;
	v20 =	vmul.f32 s13, v3  }
0x1c3: {  	v14 =	vld [tilespmem:s9+$0xB050];
	v21 =	vmul.f32 s13, v1;
	v18 =	vadd.f32 v15, v10;
	v10 =	vadd.f32 v56, v53;
	[tilespmem:s10+$0x17870] =	vst v9  }
0x1c4: {  	v62 =	vmul.f32 s13, v0;
	v12 =	vadd.f32 v17, v12;
	v63 =	vadd.f32 v33, v19;
	v15 =	vld [tilespmem:s9+$0x6060]  }
0x1c5: {  	s12 =	simm.s32 $0x100;
	v20 =	vadd.f32 v34, v20;
	v21 =	vadd.f32 v22, v21;
	v16 =	vld [tilespmem:s9+$0xB060];
	[tilespmem:s10+$0x17800] =	vst v18;
	v18 =	vmul.f32 s13, v2  }
0x1c6: {  	v22 =	vadd.f32 v23, v62;
	v9 =	vadd.f32 v58, v57;
	v17 =	vld [tilespmem:s12+$0x10000];
	[tilespmem:s10+$0x17810] =	vst v12  }
0x1c7: {  	s13 =	simm.s32 $0x600;
	v12 =	vadd.f32 v35, v61;
	v19 =	vadd.f32 v36, v18;
	v18 =	vld [tilespmem:s12+$0x15000];
	[tilespmem:s10+$0x17820] =	vst v63  }
.LBB2_10:
0x1c8: {  	p0 =	sne.s32 s13, $0x9E00;
	v23 =	vld [tilespmem:s12+$0x6000];
	v24 =	vadd.f32 v14, v13;
	[tilespmem:s10+$0x17830] =	vst v20  }
0x1c9: {  	v13 =	vld [tilespmem:s12+$0xB000];
	[tilespmem:s10+$0x17840] =	vst v19  }
0x1ca: {  	v14 =	vld [tilespmem:s12+$0x6010];
	v25 =	vadd.f32 v16, v15;
	[tilespmem:s10+$0x17850] =	vst v21  }
0x1cb: {  	v15 =	vld [tilespmem:s9+$0x6070];
	s14 =	spop (v2sf);
	[tilespmem:s10+$0x17860] =	vst v22;
	s10 =	smov.u32 s9;
	s9 =	smov.u32 s12  }
0x1cc: {  	v16 =	vmul.f32 v18, v17;
	v17 =	vld [tilespmem:s10+$0xB070];
	s12 =	spop (v2sf)  }
0x1cd: {  	v18 =	vld [tilespmem:s9+$0xB010];
	s12 =	sadd.f32 s12, s14  }
0x1ce: {  	v19 =	vadd.f32 v13, v23;
	v13 =	vld [tilespmem:s9+$0x6020];
	(v2sf) =	vpush v16, $0x0;
	s14 =	spop (v2sf)  }
0x1cf: {  	v20 =	vld [tilespmem:s9+$0xB020];
	(v2sf) =	vpush v16, $0x1;
	s12 =	sadd.f32 s12, s14  }
0x1d0: {  	v21 =	vld [tilespmem:s9+$0x6030]  }
0x1d1: {  	v22 =	vld [tilespmem:s9+$0xB030];
	(v2sf) =	vpush v16, $0x2;
	v15 =	vadd.f32 v17, v15;
	v16 =	vmul.f32 s12, v7  }
0x1d2: {  	v23 =	vmul.f32 s12, v6;
	v26 =	vmul.f32 s12, v5;
	v17 =	vadd.f32 v18, v14;
	v18 =	vld [tilespmem:s9+$0x6040]  }
0x1d3: {  	v28 =	vmul.f32 s12, v4;
	v29 =	vmul.f32 s12, v3;
	v27 =	vld [tilespmem:s9+$0xB040];
	v15 =	vadd.f32 v15, v16  }
0x1d4: {  	v30 =	vmul.f32 s12, v2;
	v31 =	vmul.f32 s12, v1;
	v16 =	vadd.f32 v20, v13;
	v13 =	vld [tilespmem:s9+$0x6050]  }
.Ltmp4:
0x1d5: {  	v20 =	vadd.f32 v23, v8;
	v23 =	vadd.f32 v26, v10;
	v26 =	vmul.f32 s12, v0;
	v8 =	vmovc v19;
	v14 =	vld [tilespmem:s9+$0xB050];
	[tilespmem:s10+$0x17870] =	vst v15;
	(pc) =	sbr.rel @p0 .LBB2_10-.Ltmp4, $4  }
0x1d6: {  	v28 =	vadd.f32 v9, v28;
	v10 =	vmovc v17;
	v22 =	vadd.f32 v22, v21;
	v15 =	vld [tilespmem:s9+$0x6060];
	v9 =	vmov v16  }
0x1d7: {  	s12 =	sshra.s32 s13, $0x2;
	v19 =	vadd.f32 v12, v30;
	v16 =	vld [tilespmem:s9+$0xB060];
	[tilespmem:s10+$0x17800] =	vst v20;
	v20 =	vadd.f32 v11, v29  }
0x1d8: {  	v21 =	vadd.f32 v24, v31;
	v17 =	vld [tilespmem:s12+$0x10000];
	v12 =	vadd.f32 v27, v18;
	[tilespmem:s10+$0x17810] =	vst v23;
	v11 =	vmov v22  }
0x1d9: {  	s13 =	sadd.s32 $0x200, s13;
	v22 =	vadd.f32 v25, v26;
	v18 =	vld [tilespmem:s12+$0x15000];
	[tilespmem:s10+$0x17820] =	vst v28  }
0x1da: {  	v23 =	vld [tilespmem:s12+$0x6000];
	[tilespmem:s10+$0x17830] =	vst v20  }
0x1db: {  	v20 =	vld [tilespmem:s12+$0xB000];
	[tilespmem:s10+$0x17840] =	vst v19  }
0x1dc: {  	v19 =	vld [tilespmem:s12+$0x6010];
	[tilespmem:s10+$0x17850] =	vst v21  }
0x1dd: {  	v21 =	vld [tilespmem:s9+$0x6070];
	[tilespmem:s10+$0x17860] =	vst v22;
	s24 =	spop (v2sf)  }
0x1de: {  	v22 =	vld [tilespmem:s9+$0xB070];
	s13 =	spop (v2sf);
	v17 =	vmul.f32 v18, v17  }
0x1df: {  	v24 =	vld [tilespmem:s12+$0xB010];
	s10 =	sadd.f32 s13, s24  }
0x1e0: {  	v25 =	vld [tilespmem:s12+$0x6020];
	s14 =	spop (v2sf);
	(v2sf) =	vpush v17, $0x0  }
0x1e1: {  	v18 =	vld [tilespmem:s12+$0xB020];
	s10 =	sadd.f32 s10, s14;
	(v2sf) =	vpush v17, $0x1  }
0x1e2: {  	v26 =	vld [tilespmem:s12+$0x6030]  }
0x1e3: {  	v27 =	vld [tilespmem:s12+$0xB030];
	(v2sf) =	vpush v17, $0x2;
	v21 =	vadd.f32 v22, v21;
	v22 =	vmul.f32 s10, v7  }
0x1e4: {  	v28 =	vld [tilespmem:s12+$0x6040]  }
0x1e5: {  	v29 =	vld [tilespmem:s12+$0xB040];
	v31 =	vmul.f32 s10, v5;
	v17 =	vadd.f32 v21, v22  }
0x1e6: {  	v30 =	vld [tilespmem:s12+$0xB050];
	v22 =	vmul.f32 s10, v6  }
0x1e7: {  	v21 =	vld [tilespmem:s12+$0x6050];
	v10 =	vadd.f32 v31, v10;
	[tilespmem:s9+$0x17870] =	vst v17;
	v17 =	vmul.f32 s10, v4  }
0x1e8: {  	v32 =	vmul.f32 s10, v3;
	v8 =	vadd.f32 v22, v8;
	v22 =	vld [tilespmem:s12+$0x6060]  }
0x1e9: {  	v50 =	vld [tilespmem:s12+$0xB060];
	[tilespmem:s9+$0x17810] =	vst v10;
	v9 =	vadd.f32 v9, v17;
	v17 =	vmul.f32 s10, v2  }
0x1ea: {  	v11 =	vadd.f32 v11, v32;
	[tilespmem:s9+$0x17800] =	vst v8;
	v8 =	vadd.f32 v14, v13;
	v13 =	vmul.f32 s10, v1  }
0x1eb: {  	v10 =	vadd.f32 v12, v17;
	[tilespmem:s9+$0x17820] =	vst v9;
	v9 =	vadd.f32 v16, v15;
	v12 =	vmul.f32 s10, v0  }
0x1ec: {  	[tilespmem:s9+$0x17830] =	vst v11;
	v8 =	vadd.f32 v8, v13  }
0x1ed: {  	[tilespmem:s9+$0x17840] =	vst v10;
	v9 =	vadd.f32 v9, v12  }
0x1ee: {  	[tilespmem:s9+$0x17850] =	vst v8  }
0x1ef: {  	v8 =	vld [tilespmem:s12+$0x6070];
	s15 =	spop (v2sf);
	[tilespmem:s9+$0x17860] =	vst v9  }
0x1f0: {  	v9 =	vld [tilespmem:s12+$0xB070];
	s18 =	spop (v2sf)  }
0x1f1: {  	s9 =	sadd.f32 s18, s15  }
0x1f2: {  	s24 =	spop (v2sf)  }
0x1f3: {  	s9 =	sadd.f32 s9, s24;
	_ =	sdelay $0x1  }
0x1f4: {  	v8 =	vadd.f32 v9, v8;
	v9 =	vmul.f32 s9, v7  }
0x1f5: {  	v10 =	vadd.f32 v20, v23;
	v11 =	vmul.f32 s9, v6  }
0x1f6: {  	v12 =	vadd.f32 v24, v19;
	v13 =	vmul.f32 s9, v5;
	v8 =	vadd.f32 v8, v9  }
0x1f7: {  	v14 =	vmul.f32 s9, v4;
	v9 =	vadd.f32 v18, v25;
	v10 =	vadd.f32 v11, v10  }
0x1f8: {  	v15 =	vmul.f32 s9, v3;
	v11 =	vadd.f32 v27, v26;
	v12 =	vadd.f32 v13, v12;
	[tilespmem:s12+$0x17870] =	vst v8  }
0x1f9: {  	v13 =	vmul.f32 s9, v2;
	v8 =	vadd.f32 v29, v28;
	v9 =	vadd.f32 v9, v14;
	[tilespmem:s12+$0x17800] =	vst v10  }
0x1fa: {  	v10 =	vadd.f32 v30, v21;
	v14 =	vmul.f32 s9, v1;
	v11 =	vadd.f32 v11, v15;
	[tilespmem:s12+$0x17810] =	vst v12  }
0x1fb: {  	v12 =	vadd.f32 v50, v22;
	v15 =	vmul.f32 s9, v0;
	v8 =	vadd.f32 v8, v13;
	[tilespmem:s12+$0x17820] =	vst v9  }
0x1fc: {  	v9 =	vadd.f32 v10, v14;
	[tilespmem:s12+$0x17830] =	vst v11  }
0x1fd: {  	v10 =	vadd.f32 v12, v15;
	[tilespmem:s12+$0x17840] =	vst v8  }
0x1fe: {  	[tilespmem:s12+$0x17850] =	vst v9  }
0x1ff: {  	s13 =	simm.s32 $0x0;
	s14 =	rddreg [dreg:$0x8];
	[tilespmem:s12+$0x17860] =	vst v10  }
0x200: {  	[hbm4b:s14+s13] =	stream.linear.scatter [tilespmem:s3], [sflag:$0x3], $0x2800, $0x38;
	[tilespmem:$0x1A080] =	vst v63  }
0x201: {  	_ =	swait.ge [sflag:s31], $0x2800  }
0x202: {  	[sflag:s31] =	ssyncset.done $0x0  }
0x203: {  	[sflag:s31] =	ssyncadd.s32 $0xFFFFD800  }
0x204: {  	_ =	swait.ge [sflag:s31], $0x2800  }
0x205: {  	[sflag:s31] =	ssyncset.done $0x0  }
0x206: {  	[sflag:s31] =	ssyncadd.s32 $0xFFFFD800  }
0x207: {  	_ =	swait.ge [sflag:s31], $0x2800  }
0x208: {  	[sflag:s31] =	ssyncset.done $0x0  }
0x209: {  	[sflag:s31] =	ssyncadd.s32 $0xFFFFD800  }
0x20a: {  	_ =	swait.ge [sflag:s31], $0x2800  }
0x20b: {  	[sflag:s31] =	ssyncset.done $0x0  }
0x20c: {  	[sflag:s31] =	ssyncadd.s32 $0xFFFFD800  }
0x20d: {  	_ =	swait.ge [sflag:s4], $0x2800  }
0x20e: {  	[sflag:s4] =	ssyncset.done $0x0  }
0x20f: {  	s10 =	simm.s32 $0x0;
	[sflag:s4] =	ssyncadd.s32 $0xFFFFD800  }
0x210: {  	v8 =	vld [tilespmem:s10+$0xD800]  }
0x211: {  	v9 =	vld [tilespmem:s10+$0x12800];
	_ =	sdelay $0x2  }
0x212: {  	v10 =	vld [tilespmem:s10+$0x3800]  }
0x213: {  	v11 =	vld [tilespmem:s10+$0x8800]  }
0x214: {  	v12 =	vld [tilespmem:s10+$0x3810];
	v8 =	vmul.f32 v9, v8  }
0x215: {  	v13 =	vld [tilespmem:s10+$0x3820]  }
0x216: {  	v14 =	vld [tilespmem:s10+$0x8820];
	(v2sf) =	vpush v8, $0x0  }
0x217: {  	v15 =	vld [tilespmem:s10+$0x3830];
	(v2sf) =	vpush v8, $0x1  }
0x218: {  	v16 =	vld [tilespmem:s10+$0x8830]  }
0x219: {  	v17 =	vld [tilespmem:s10+$0x8840];
	(v2sf) =	vpush v8, $0x2  }
0x21a: {  	v18 =	vld [tilespmem:s10+$0x3850]  }
0x21b: {  	v19 =	vld [tilespmem:s10+$0x8850]  }
0x21c: {  	v20 =	vld [tilespmem:s10+$0x3860]  }
0x21d: {  	s9 =	simm.s32 $0x80;
	v21 =	vld [tilespmem:s10+$0x8860]  }
0x21e: {  	v22 =	vld [tilespmem:s9+$0xD800]  }
0x21f: {  	v23 =	vld [tilespmem:s9+$0x12800]  }
0x220: {  	v51 =	vld [tilespmem:s9+$0x3800]  }
0x221: {  	v52 =	vld [tilespmem:s9+$0x8800]  }
0x222: {  	v54 =	vld [tilespmem:s10+$0x3870]  }
0x223: {  	v55 =	vld [tilespmem:s10+$0x8870]  }
0x224: {  	v59 =	vld [tilespmem:s9+$0x3830]  }
0x225: {  	v9 =	vld [tilespmem:s10+$0x8810];
	s15 =	spop (v2sf)  }
0x226: {  	v10 =	vadd.f32 v11, v10;
	v11 =	vld [tilespmem:s9+$0x8830];
	v34 =	vadd.f32 v16, v15;
	v16 =	vmul.f32 v23, v22;
	s18 =	spop (v2sf)  }
0x227: {  	v8 =	vld [tilespmem:s10+$0x3840];
	s12 =	sadd.f32 s18, s15  }
0x228: {  	v53 =	vld [tilespmem:s9+$0x3810];
	v33 =	vadd.f32 v14, v13;
	s24 =	spop (v2sf);
	(v2sf) =	vpush v16, $0x0  }
0x229: {  	v56 =	vld [tilespmem:s9+$0x8810];
	v22 =	vadd.f32 v19, v18;
	(v2sf) =	vpush v16, $0x1;
	s13 =	sadd.f32 s12, s24  }
0x22a: {  	v57 =	vld [tilespmem:s9+$0x3820];
	v23 =	vadd.f32 v21, v20;
	v12 =	vadd.f32 v9, v12  }
0x22b: {  	v58 =	vld [tilespmem:s9+$0x8820];
	v9 =	vadd.f32 v55, v54;
	(v2sf) =	vpush v16, $0x2;
	v60 =	vmul.f32 s13, v7  }
0x22c: {  	v61 =	vld [tilespmem:s9+$0x3840];
	v11 =	vadd.f32 v11, v59;
	v36 =	vadd.f32 v17, v8  }
0x22d: {  	v35 =	vld [tilespmem:s9+$0x8840];
	v15 =	vmul.f32 s13, v6;
	v17 =	vmul.f32 s13, v5;
	v9 =	vadd.f32 v9, v60  }
0x22e: {  	v13 =	vld [tilespmem:s9+$0x3850];
	v8 =	vadd.f32 v52, v51;
	v19 =	vmul.f32 s13, v4;
	v20 =	vmul.f32 s13, v3  }
0x22f: {  	v14 =	vld [tilespmem:s9+$0x8850];
	v21 =	vmul.f32 s13, v1;
	v18 =	vadd.f32 v15, v10;
	v10 =	vadd.f32 v56, v53;
	[tilespmem:s10+$0x17870] =	vst v9  }
0x230: {  	v62 =	vmul.f32 s13, v0;
	v12 =	vadd.f32 v17, v12;
	v63 =	vadd.f32 v33, v19;
	v15 =	vld [tilespmem:s9+$0x3860]  }
0x231: {  	s12 =	simm.s32 $0x100;
	v20 =	vadd.f32 v34, v20;
	v21 =	vadd.f32 v22, v21;
	v16 =	vld [tilespmem:s9+$0x8860];
	[tilespmem:s10+$0x17800] =	vst v18;
	v18 =	vmul.f32 s13, v2  }
0x232: {  	v22 =	vadd.f32 v23, v62;
	v9 =	vadd.f32 v58, v57;
	v17 =	vld [tilespmem:s12+$0xD800];
	[tilespmem:s10+$0x17810] =	vst v12  }
0x233: {  	s13 =	simm.s32 $0x600;
	v12 =	vadd.f32 v35, v61;
	v19 =	vadd.f32 v36, v18;
	v18 =	vld [tilespmem:s12+$0x12800];
	[tilespmem:s10+$0x17820] =	vst v63  }
.LBB2_12:
0x234: {  	p0 =	sne.s32 s13, $0x9E00;
	v23 =	vld [tilespmem:s12+$0x3800];
	v24 =	vadd.f32 v14, v13;
	[tilespmem:s10+$0x17830] =	vst v20  }
0x235: {  	v13 =	vld [tilespmem:s12+$0x8800];
	[tilespmem:s10+$0x17840] =	vst v19  }
0x236: {  	v14 =	vld [tilespmem:s12+$0x3810];
	v25 =	vadd.f32 v16, v15;
	[tilespmem:s10+$0x17850] =	vst v21  }
0x237: {  	v15 =	vld [tilespmem:s9+$0x3870];
	s14 =	spop (v2sf);
	[tilespmem:s10+$0x17860] =	vst v22;
	s10 =	smov.u32 s9;
	s9 =	smov.u32 s12  }
0x238: {  	v16 =	vmul.f32 v18, v17;
	v17 =	vld [tilespmem:s10+$0x8870];
	s12 =	spop (v2sf)  }
0x239: {  	v18 =	vld [tilespmem:s9+$0x8810];
	s12 =	sadd.f32 s12, s14  }
0x23a: {  	v19 =	vadd.f32 v13, v23;
	v13 =	vld [tilespmem:s9+$0x3820];
	(v2sf) =	vpush v16, $0x0;
	s14 =	spop (v2sf)  }
0x23b: {  	v20 =	vld [tilespmem:s9+$0x8820];
	(v2sf) =	vpush v16, $0x1;
	s12 =	sadd.f32 s12, s14  }
0x23c: {  	v21 =	vld [tilespmem:s9+$0x3830]  }
0x23d: {  	v22 =	vld [tilespmem:s9+$0x8830];
	(v2sf) =	vpush v16, $0x2;
	v15 =	vadd.f32 v17, v15;
	v16 =	vmul.f32 s12, v7  }
0x23e: {  	v23 =	vmul.f32 s12, v6;
	v26 =	vmul.f32 s12, v5;
	v17 =	vadd.f32 v18, v14;
	v18 =	vld [tilespmem:s9+$0x3840]  }
0x23f: {  	v28 =	vmul.f32 s12, v4;
	v29 =	vmul.f32 s12, v3;
	v27 =	vld [tilespmem:s9+$0x8840];
	v15 =	vadd.f32 v15, v16  }
0x240: {  	v30 =	vmul.f32 s12, v2;
	v31 =	vmul.f32 s12, v1;
	v16 =	vadd.f32 v20, v13;
	v13 =	vld [tilespmem:s9+$0x3850]  }
.Ltmp5:
0x241: {  	v20 =	vadd.f32 v23, v8;
	v23 =	vadd.f32 v26, v10;
	v26 =	vmul.f32 s12, v0;
	v8 =	vmovc v19;
	v14 =	vld [tilespmem:s9+$0x8850];
	[tilespmem:s10+$0x17870] =	vst v15;
	(pc) =	sbr.rel @p0 .LBB2_12-.Ltmp5, $4  }
0x242: {  	v28 =	vadd.f32 v9, v28;
	v10 =	vmovc v17;
	v22 =	vadd.f32 v22, v21;
	v15 =	vld [tilespmem:s9+$0x3860];
	v9 =	vmov v16  }
0x243: {  	s12 =	sshra.s32 s13, $0x2;
	v19 =	vadd.f32 v12, v30;
	v16 =	vld [tilespmem:s9+$0x8860];
	[tilespmem:s10+$0x17800] =	vst v20;
	v20 =	vadd.f32 v11, v29  }
0x244: {  	v21 =	vadd.f32 v24, v31;
	v17 =	vld [tilespmem:s12+$0xD800];
	v12 =	vadd.f32 v27, v18;
	[tilespmem:s10+$0x17810] =	vst v23;
	v11 =	vmov v22  }
0x245: {  	s13 =	sadd.s32 $0x200, s13;
	v22 =	vadd.f32 v25, v26;
	v18 =	vld [tilespmem:s12+$0x12800];
	[tilespmem:s10+$0x17820] =	vst v28  }
0x246: {  	v23 =	vld [tilespmem:s12+$0x3800];
	[tilespmem:s10+$0x17830] =	vst v20  }
0x247: {  	v20 =	vld [tilespmem:s12+$0x8800];
	[tilespmem:s10+$0x17840] =	vst v19  }
0x248: {  	v19 =	vld [tilespmem:s12+$0x3810];
	[tilespmem:s10+$0x17850] =	vst v21  }
0x249: {  	v21 =	vld [tilespmem:s9+$0x3870];
	[tilespmem:s10+$0x17860] =	vst v22;
	s18 =	spop (v2sf)  }
0x24a: {  	v22 =	vld [tilespmem:s9+$0x8870];
	s13 =	spop (v2sf);
	v17 =	vmul.f32 v18, v17  }
0x24b: {  	v24 =	vld [tilespmem:s12+$0x8810];
	s10 =	sadd.f32 s13, s18  }
0x24c: {  	v25 =	vld [tilespmem:s12+$0x3820];
	s24 =	spop (v2sf);
	(v2sf) =	vpush v17, $0x0  }
0x24d: {  	v63 =	vld [tilespmem:s12+$0x8820];
	s10 =	sadd.f32 s10, s24;
	(v2sf) =	vpush v17, $0x1  }
0x24e: {  	v26 =	vld [tilespmem:s12+$0x3830]  }
0x24f: {  	v27 =	vld [tilespmem:s12+$0x8830];
	(v2sf) =	vpush v17, $0x2;
	v21 =	vadd.f32 v22, v21;
	v35 =	vmul.f32 s10, v7  }
0x250: {  	v28 =	vld [tilespmem:s12+$0x3840]  }
0x251: {  	v29 =	vld [tilespmem:s12+$0x8840];
	v38 =	vmul.f32 s10, v6;
	v36 =	vadd.f32 v21, v35  }
0x252: {  	v37 =	vld [tilespmem:s12+$0x3850];
	v31 =	vmul.f32 s10, v5  }
0x253: {  	v30 =	vld [tilespmem:s12+$0x8850];
	v39 =	vmul.f32 s10, v4;
	v8 =	vadd.f32 v38, v8;
	[tilespmem:s9+$0x17870] =	vst v36  }
0x254: {  	v32 =	vmul.f32 s10, v3;
	v10 =	vadd.f32 v31, v10;
	v40 =	vld [tilespmem:s12+$0x3860]  }
0x255: {  	v13 =	vadd.f32 v14, v13;
	v43 =	vmul.f32 s10, v1;
	v9 =	vadd.f32 v9, v39;
	v41 =	vld [tilespmem:s12+$0x8860];
	[tilespmem:s9+$0x17800] =	vst v8  }
0x256: {  	v42 =	vmul.f32 s10, v2;
	v11 =	vadd.f32 v11, v32;
	[tilespmem:s9+$0x17810] =	vst v10  }
0x257: {  	v44 =	vadd.f32 v16, v15;
	v45 =	vmul.f32 s10, v0;
	v46 =	vadd.f32 v13, v43;
	[tilespmem:s9+$0x17820] =	vst v9  }
0x258: {  	v8 =	vadd.f32 v12, v42;
	[tilespmem:s9+$0x17830] =	vst v11  }
0x259: {  	v47 =	vadd.f32 v44, v45;
	[tilespmem:s9+$0x17850] =	vst v46  }
0x25a: {  	[tilespmem:s9+$0x17840] =	vst v8  }
0x25b: {  	v48 =	vld [tilespmem:s12+$0x3870];
	[tilespmem:s9+$0x17860] =	vst v47;
	s13 =	spop (v2sf)  }
0x25c: {  	v8 =	vld [tilespmem:s12+$0x8870];
	s14 =	spop (v2sf)  }
0x25d: {  	s9 =	sadd.f32 s14, s13  }
0x25e: {  	s15 =	spop (v2sf)  }
0x25f: {  	s9 =	sadd.f32 s9, s15;
	_ =	sdelay $0x1  }
0x260: {  	v8 =	vadd.f32 v8, v48;
	v49 =	vmul.f32 s9, v7  }
0x261: {  	v50 =	vadd.f32 v20, v23;
	v51 =	vmul.f32 s9, v6  }
0x262: {  	v52 =	vadd.f32 v24, v19;
	v53 =	vmul.f32 s9, v5;
	v7 =	vadd.f32 v8, v49  }
0x263: {  	v54 =	vadd.f32 v63, v25;
	v55 =	vmul.f32 s9, v4;
	v6 =	vadd.f32 v51, v50  }
0x264: {  	v56 =	vadd.f32 v27, v26;
	v57 =	vmul.f32 s9, v3;
	v5 =	vadd.f32 v53, v52;
	[tilespmem:s12+$0x17870] =	vst v7  }
0x265: {  	v58 =	vadd.f32 v29, v28;
	v59 =	vmul.f32 s9, v2;
	v4 =	vadd.f32 v54, v55;
	[tilespmem:s12+$0x17800] =	vst v6  }
0x266: {  	v60 =	vadd.f32 v30, v37;
	v61 =	vmul.f32 s9, v1;
	v3 =	vadd.f32 v56, v57;
	[tilespmem:s12+$0x17810] =	vst v5  }
0x267: {  	v62 =	vadd.f32 v41, v40;
	v63 =	vmul.f32 s9, v0;
	v2 =	vadd.f32 v58, v59;
	[tilespmem:s12+$0x17820] =	vst v4  }
0x268: {  	v1 =	vadd.f32 v60, v61;
	[tilespmem:s12+$0x17830] =	vst v3  }
0x269: {  	v0 =	vadd.f32 v62, v63;
	[tilespmem:s12+$0x17840] =	vst v2  }
0x26a: {  	[tilespmem:s12+$0x17850] =	vst v1  }
0x26b: {  	s18 =	rddreg [dreg:$0x9];
	[tilespmem:s12+$0x17860] =	vst v0  }
0x26c: {  	[hbm4b:s18+s5] =	stream.linear.scatter [tilespmem:s3], [sflag:$0x3], $0x2800, $0x38;
	[tilespmem:$0x1A080] =	vst v63  }
0x26d: {  	_ =	swait.ge [sflag:s4], $0x2800  }
0x26e: {  	s26 =	sadd.s32 $0x1, s26;
	s24 =	rddreg [dreg:$0xa]  }
0x26f: {  	p0 =	sne.s32 s26, s24  }
.Ltmp6:
0x270: {  	_ = 	snop;
	(pc) =	sbr.rel @p0 .LBB2_1-.Ltmp6, $3  }
0x271: {  	_ =	sdelay $0x1  }
0x272: {  	[sflag:s4] =	ssyncset.done $0x0  }
0x273: {  	[sflag:s4] =	ssyncadd.s32 $0xFFFFD800  }
0x274: {  	_ =	sfence.sel $0x180000  }
0x275: {  	[bflag:$0x0] =	sbarrier.arrive $0xFFFF  }
0x276: {  	_ =	strace $0x90000047  }
0x277: {  	s0 =	stileid.u32;
	[bflag:$0x2] =	sbarrier.arrive $0xFFFF  }
0x278: {  	p0 =	sne.s32 s0, $0x0;
	s0 =	rddreg [dreg:$0x4]  }
0x279: {  	s0 =	sadd.s32 @!p0 $0x100000, s0  }
0x27a: {  	[sflag:s0] =	ssyncadd.tile.s32 @!p0 $0x1;
	_ =	shalt  }
.Lfunc_end2:
_tile_overlayer_lowered:
.L_overlay_start_2:
0x27b: {  	(tag) =	ssettag $0x2  }
0x27c: {  	s0 =	rddreg [dreg:$0x0];
	s2 =	stileid.u32  }
0x27d: {  	s1 =	rddreg [dreg:$0x1];
	p0 =	sne.s32 s2, $0x0  }
0x27e: {  	s3 =	rddreg [dreg:$0x2];
	[bflag:$0x3] =	sbarrier.arrive $0xFFFF;
	s2 =	simm.s32 @!p0 $0x1C04  }
0x27f: {  	[timem:s3], [sflag:s2] =	dma.local @!p0 [hbm:s0], s1  }
0x280: {  	s0 =	simm.s32 @!p0 $0x4  }
0x281: {  	_ =	swait.ge @!p0 [sflag:s0], s1  }
0x282: {  	s1 =	ssub.s32 @!p0 $0x0, s1;
	[sflag:s0] =	ssyncset.done @!p0 $0x0  }
0x283: {  	[sflag:s0] =	ssyncadd.s32 @!p0 s1  }
0x284: {  	[bflag:$0x3] =	sbarrier.arrive $0xFFFF  }
0x285: {  	_ =	shalt  }

// kernel: kernel.13.cloned.1.call-start
scs
__scs_entry_jumppad:
0x0: {  	(pc) =	sbr.rel $0x88, $3  }
0x1: {  	(tag) =	ssettag $0x0;
	lr =	simm.s32 $0x1  }
0x2: {  	[smem:$0x3F95] =	sst lr;
	_ =	strace $0xD0000000  }
0x3: {  	_ = 	snop  }
0x4: {  	_ = 	snop  }
0x5: {  	_ = 	snop  }
0x6: {  	_ = 	snop  }
0x7: {  	_ = 	snop  }
__scs_overlays_trampoline_lowered:
0x8: {  	[smem:$0x3FA4] =	sst s0  }
0x9: {  	[smem:$0x3FA5] =	sst s1  }
0xa: {  	[smem:$0x3FA6] =	sst s2  }
0xb: {  	[smem:$0x3FA7] =	sst s3  }
0xc: {  	[smem:$0x3FA8] =	sst s4  }
0xd: {  	[smem:$0x3FA9] =	sst s5  }
0xe: {  	[smem:$0x3FAA] =	sst s6  }
0xf: {  	[smem:$0x3FAB] =	sst s7  }
0x10: {  	[smem:$0x3FAC] =	sst s8  }
0x11: {  	[smem:$0x3FAD] =	sst s9;
	s0 =	simm.s32 @!p0 $0x0  }
0x12: {  	s1 =	sld [smem:$0x3F93];
	s0 =	simm.s32 @p0 $0x1  }
0x13: {  	[smem:$0x3FAE] =	sst s0;
	s0 =	simm.s32 @!p1 $0x0  }
0x14: {  	s2 =	sld [smem:$0x3F92];
	s0 =	simm.s32 @p1 $0x1  }
0x15: {  	[smem:$0x3FAF] =	sst s0;
	s0 =	simm.s32 @!p2 $0x0  }
0x16: {  	s3 =	sld [smem:$0x3FDB];
	s0 =	simm.s32 @p2 $0x1  }
0x17: {  	s4 =	simm.s32 $0x1BF5;
	[smem:$0x3FB1] =	sst s0  }
0x18: {  	s0 =	sld [smem:$0x3F94];
	_ =	swait.ge [sflag:s4], $0x0  }
0x19: {  	s7 =	sld [smem:$0x3F95]  }
0x1a: {  	s8 =	sadd.s32 $0xFFFFE003, lr  }
0x1b: {  	s9 =	sadd.s32 $0xFFFFFEF7, lr;
	s5 =	simm.s32 $0xFFFFFFFF;
	p2 =	slt.u32 s8, $0xFFFFF086  }
0x1c: {  	p1 =	slt.u32 s9, $0xF7A;
	s5 =	simm.s32 @!p2 $0x0  }
0x1d: {  	s5 =	simm.s32 @p1 $0x1;
	p0 =	seq.s32 s7, s2  }
0x1e: {  	s7 =	smul.u32 @!p0 $0xF7A, s2;
	p2 =	seq.s32 @!p0 s5, $0x0  }
0x1f: {  	s9 =	smul.u32 $0xF7A, s1;
	s8 =	simm.s32 @!p0 $0x1BF5;
	p2 =	por !p2, p0  }
0x20: {  	[sflag:s8] =	ssyncset.s32 @!p0 $0xFFFFF086;
	s6 =	sadd.s32 @!p0 s3, s7;
	s7 =	simm.s32 @!p0 $0x108  }
0x21: {  	s3 =	sadd.s32 s3, s9;
	s6 =	sadd.s32 @!p0 $0x88, s6;
	s7 =	simm.s32 @p2 $0x1082  }
0x22: {  	[simem:s7], [sflag:s8] =	dma.local @!p0 [hbm:s6], $0xF7A  }
0x23: {  	s9 =	sor.u32 $0xD0000000, s2;
	s6 =	simm.s32 $0x108;
	_ =	swait.ge @!p0 [sflag:s8], $0x0  }
0x24: {  	s3 =	sadd.s32 $0x88, s3;
	s6 =	simm.s32 @!p1 $0x1082;
	[sflag:s4] =	ssyncset.s32 $0xFFFFF086  }
0x25: {  	[simem:s6], [sflag:s4] =	dma.local [hbm:s3], $0xF7A  }
0x26: {  	[smem:$0x3F95] =	sst s1;
	(tag) =	ssettag s2;
	_ =	strace s9  }
0x27: {  	s1 =	sld [smem:$0x3FA5]  }
0x28: {  	s2 =	sld [smem:$0x3FA6]  }
0x29: {  	s4 =	sld [smem:$0x3FA8]  }
0x2a: {  	p0 =	seq.s32 s5, $0x0;
	s5 =	sld [smem:$0x3FA9]  }
0x2b: {  	s6 =	sld [smem:$0x3FAA]  }
0x2c: {  	s7 =	sld [smem:$0x3FAB]  }
0x2d: {  	s3 =	simm.s32 $0x108;
	s8 =	sld [smem:$0x3FAC]  }
0x2e: {  	s3 =	simm.s32 @!p0 $0x1082;
	s9 =	sld [smem:$0x3FAD]  }
0x2f: {  	lr =	sadd.s32 s0, s3;
	s0 =	sld [smem:$0x3FA4]  }
0x30: {  	s3 =	sld [smem:$0x3FA7]  }
0x31: {  	[smem:$0x3FB0] =	sst s10  }
0x32: {  	s10 =	sld [smem:$0x3FAE];
	_ =	sdelay $0x3  }
0x33: {  	p0 =	seq.s32 s10, $0x1;
	s10 =	sld [smem:$0x3FB0];
	_ =	sdelay $0x3  }
0x34: {  	[smem:$0x3FB0] =	sst s10  }
0x35: {  	s10 =	sld [smem:$0x3FAF];
	_ =	sdelay $0x3  }
0x36: {  	p1 =	seq.s32 s10, $0x1;
	s10 =	sld [smem:$0x3FB0];
	_ =	sdelay $0x3  }
0x37: {  	[smem:$0x3FB0] =	sst s10  }
0x38: {  	s10 =	sld [smem:$0x3FB1]  }
0x39: {  	_ = 	snop;
	(pc) =	sbr.ind lr, $3  }
0x3a: {  	_ = 	snop  }
0x3b: {  	_ = 	snop  }
0x3c: {  	p2 =	seq.s32 s10, $0x1;
	s10 =	sld [smem:$0x3FB0]  }
0x3d: {  	_ =	shalt  }
0x3e: {  	_ =	shalt  }
0x3f: {  	_ =	shalt  }
0x40: {  	_ =	shalt  }
0x41: {  	_ =	shalt  }
0x42: {  	_ =	shalt  }
0x43: {  	_ =	shalt  }
0x44: {  	_ =	shalt  }
0x45: {  	_ =	shalt  }
0x46: {  	_ =	shalt  }
0x47: {  	_ =	shalt  }
0x48: {  	_ =	shalt  }
0x49: {  	_ =	shalt  }
0x4a: {  	_ =	shalt  }
0x4b: {  	_ =	shalt  }
0x4c: {  	_ =	shalt  }
0x4d: {  	_ =	shalt  }
0x4e: {  	_ =	shalt  }
0x4f: {  	_ =	shalt  }
0x50: {  	_ =	shalt  }
0x51: {  	_ =	shalt  }
0x52: {  	_ =	shalt  }
0x53: {  	_ =	shalt  }
0x54: {  	_ =	shalt  }
0x55: {  	_ =	shalt  }
0x56: {  	_ =	shalt  }
0x57: {  	_ =	shalt  }
0x58: {  	_ =	shalt  }
0x59: {  	_ =	shalt  }
0x5a: {  	_ =	shalt  }
0x5b: {  	_ =	shalt  }
0x5c: {  	_ =	shalt  }
0x5d: {  	_ =	shalt  }
0x5e: {  	_ =	shalt  }
0x5f: {  	_ =	shalt  }
0x60: {  	_ =	shalt  }
0x61: {  	_ =	shalt  }
0x62: {  	_ =	shalt  }
0x63: {  	_ =	shalt  }
0x64: {  	_ =	shalt  }
0x65: {  	_ =	shalt  }
0x66: {  	_ =	shalt  }
0x67: {  	_ =	shalt  }
0x68: {  	_ =	shalt  }
0x69: {  	_ =	shalt  }
0x6a: {  	_ =	shalt  }
0x6b: {  	_ =	shalt  }
0x6c: {  	_ =	shalt  }
0x6d: {  	_ =	shalt  }
0x6e: {  	_ =	shalt  }
0x6f: {  	_ =	shalt  }
0x70: {  	_ =	shalt  }
0x71: {  	_ =	shalt  }
0x72: {  	_ =	shalt  }
0x73: {  	_ =	shalt  }
0x74: {  	_ =	shalt  }
0x75: {  	_ =	shalt  }
0x76: {  	_ =	shalt  }
0x77: {  	_ =	shalt  }
0x78: {  	_ =	shalt  }
0x79: {  	_ =	shalt  }
0x7a: {  	_ =	shalt  }
0x7b: {  	_ =	shalt  }
0x7c: {  	_ =	shalt  }
0x7d: {  	_ =	shalt  }
0x7e: {  	_ =	shalt  }
0x7f: {  	_ =	shalt  }
0x80: {  	_ =	shalt  }
0x81: {  	_ =	shalt  }
0x82: {  	_ =	shalt  }
0x83: {  	_ =	shalt  }
0x84: {  	_ =	shalt  }
0x85: {  	_ =	shalt  }
0x86: {  	_ =	shalt  }
0x87: {  	_ =	shalt  }
.Lfunc_end0:
.L_simem_size_0:
called_computation.1_lowered:
.L_overlay_start_0:
0x88: {  	s2 =	sld [smem:$0x3FD9]  }
0x89: {  	s3 =	sld [smem:$0x3FFE];
	_ =	sdelay $0x1  }
0x8a: {  	s1 =	srdreg.scid  }
0x8b: {  	s0 =	sand.u32 $0x1, s1  }
0x8c: {  	s15 =	sshll.u32 s0, $0xA;
	s2 =	sadd.s32 s3, s2  }
0x8d: {  	s2 =	sadd.s32 s2, s15  }
0x8e: {  	[smem:$0x3FBC] =	sst s2  }
0x8f: {  	_ = 	snop  }
0x90: {  	s2 =	sld [smem:$0x3FD0];
	_ =	sdelay $0x2  }
0x91: {  	s5 =	simm.s32 $0xB;
	s16 =	simm.s32 $0x10  }
0x92: {  	[smem:s16], [sflag:s5] =	dma.local [hbm:s2], $0x1  }
0x93: {  	_ =	swait.eq [sflag:s5], $0x1  }
0x94: {  	s17 =	sld [smem:$0x10];
	[sflag:s5] =	ssyncset.done $0x0  }
0x95: {  	s4 =	sld [smem:$0x11];
	[sflag:s5] =	ssyncadd.s32 $0xFFFFFFFF  }
0x96: {  	s18 =	sld [smem:$0x12];
	(tm) =	ssettm $0x1  }
0x97: {  	s19 =	sld [smem:$0x3FFB];
	_ =	sdelay $0x3  }
0x98: {  	_ =	strace s19  }
0x99: {  	s2 =	sld [smem:$0x3FFC];
	_ =	sdelay $0x3  }
0x9a: {  	_ =	strace s2  }
0x9b: {  	s2 =	sld [smem:$0x3FFD];
	_ =	sdelay $0x3  }
0x9c: {  	_ =	strace s2  }
0x9d: {  	_ =	strace $0x8FFFFFFF  }
0x9e: {  	s20 =	sld [smem:$0x3FDB];
	_ =	sdelay $0x1  }
0x9f: {  	s6 =	simm.s32 $_scs_section_size  }
0xa0: {  	s7 =	simm.s32 $_size__tile_overlayer_lowered;
	s8 =	simm.s32 $_tile_overlayer_lowered  }
0xa1: {  	s9 =	simm.s32 $0x1BFF;
	s21 =	sshll.u32 s8, $0x1;
	s6 =	sadd.s32 s6, s20  }
0xa2: {  	s22 =	simm.s32 $0x0;
	s7 =	sshll.u32 s7, $0x1;
	s8 =	sadd.s32 s21, s6  }
0xa3: {  	[timem:s22], [sflag:s9] =	dma.local [hbm:s8], s7  }
0xa4: {  	_ =	swait.ge [sflag:s9], s7  }
0xa5: {  	s7 =	ssub.s32 $0x0, s7;
	[sflag:s9] =	ssyncset.done $0x0  }
0xa6: {  	[sflag:s9] =	ssyncadd.s32 s7;
	_ =	sdelay $0x1  }
0xa7: {  	s23 =	simm.s32 $0x1B8B  }
0xa8: {  	_ =	swait.ge [sflag:s23], $0x1  }
0xa9: {  	[sflag:s23] =	ssyncset.done $0x0  }
0xaa: {  	[sflag:s23] =	ssyncadd.s32 $0xFFFFFFFF  }
0xab: {  	s7 =	sld [smem:$0x0]  }
0xac: {  	s8 =	sand.u32 $0xFFFFFFFE, s1  }
0xad: {  	p0 =	sne.s32 s1, s8  }
0xae: {  	s8 =	sshll.u32 @p0 s8, $0xE  }
0xaf: {  	s8 =	sadd.s32 @p0 $0x11B8D, s8;
	s9 =	sshll.u32 @p0 s7, $0x11  }
0xb0: {  	s8 =	sor.u32 @p0 s9, s8  }
0xb1: {  	[sflag:s8] =	ssyncadd.remote.s32 @p0 $0x1;
	_ =	sdelay $0x1  }
0xb2: {  	s8 =	simm.s32 @p0 $0x1B8D  }
0xb3: {  	_ =	swait.eq @p0 [sflag:s8], $0x1  }
0xb4: {  	[sflag:s8] =	ssyncadd.s32 @p0 $0xFFFFFFFF  }
0xb5: {  	s9 =	sshll.u32 @!p0 s1, $0xE  }
0xb6: {  	s9 =	sor.u32 @!p0 $0x4000, s9;
	s8 =	simm.s32 @!p0 $0x1B8D  }
0xb7: {  	s7 =	sshll.u32 @!p0 s7, $0x11;
	s9 =	sadd.s32 @!p0 $0x11B8D, s9;
	_ =	swait.eq @!p0 [sflag:s8], $0x1  }
0xb8: {  	s7 =	sor.u32 @!p0 s7, s9;
	[sflag:s8] =	ssyncadd.s32 @!p0 $0xFFFFFFFF  }
0xb9: {  	s25 =	simm.s32 $0x1B8E;
	s24 =	sld [smem:$0x3FFE];
	[sflag:s7] =	ssyncadd.remote.s32 @!p0 $0x1  }
0xba: {  	s26 =	simm.s32 $execute0_lowered;
	[smem:$0x3FD2] =	sst s25  }
0xbb: {  	s8 =	sshll.u32 s26, $0x1;
	_ =	strace $0x80000049;
	[dreg:$0x1] =	wrdreg $0xFFFFFFFF  }
0xbc: {  	s28 =	simm.s32 $_size_execute0_lowered;
	s6 =	sadd.s32 s6, s8;
	[dreg:$0x0] =	wrdreg $0x0  }
0xbd: {  	s8 =	sshll.u32 s28, $0x1;
	[dreg:$0x2] =	wrdreg s6  }
0xbe: {  	[dreg:$0x3] =	wrdreg s8  }
0xbf: {  	[dreg:$0x4] =	wrdreg $0xC0  }
0xc0: {  	_ =	task [dreg:s22], $0x5FFFF  }
0xc1: {  	[dreg:$0x1] =	wrdreg $0xFFFFFFFF  }
0xc2: {  	[dreg:$0x0] =	wrdreg $0x60  }
0xc3: {  	[dreg:$0x2] =	wrdreg s18  }
0xc4: {  	[dreg:$0x3] =	wrdreg s17  }
0xc5: {  	[dreg:$0x4] =	wrdreg s24  }
0xc6: {  	[dreg:$0x5] =	wrdreg s4  }
0xc7: {  	[dreg:$0x6] =	wrdreg $0x9  }
0xc8: {  	_ =	task.clear_ibuf [dreg:s22], $0x7FFFF;
	_ =	strace $0x90000049  }
0xc9: {  	s29 =	simm.s32 $0x9;
	_ =	strace $0x8000004B  }
0xca: {  	_ =	swait.ge [sflag:s29], $0x1  }
0xcb: {  	[sflag:s29] =	ssyncadd.s32 $0xFFFFFFFF  }
0xcc: {  	_ =	strace $0x9000004B  }
0xcd: {  	_ =	sfence  }
0xce: {  	s30 =	sld [smem:$0x0];
	_ =	sdelay $0x2  }
0xcf: {  	s31 =	sshll.u32 s1, $0xD;
	s1 =	sshrl.u32 s1, $0x2  }
0xd0: {  	s4 =	sand.u32 $0x4000, s31;
	s1 =	sadd.s32 s1, s30  }
0xd1: {  	s0 =	sor.u32 s4, s0;
	s1 =	sshll.u32 s1, $0x11  }
0xd2: {  	s0 =	sor.u32 s1, s0  }
0xd3: {  	s0 =	sadd.s32 $0x8F2B, s0  }
0xd4: {  	[sflag:s0] =	ssyncadd.remote.s32 $0x1  }
0xd5: {  	_ =	sfence.sel $0xFFFF  }
0xd6: {  	[dreg:$0x0] =	wrdreg $0xFFFFFFFF;
	(pc) =	sbr.abs _section_cstart, $3  }
0xd7: {  	[dreg:$0x1] =	wrdreg $0xFFFFFFFF  }
0xd8: {  	_ =	task.clear_ibuf [dreg:s22], $0x2FFFF;
	_ =	strace $0x9FFFFFFF  }
0xd9: {  	(tm) =	ssettm $0x7FFFFFFF  }
tec
execute0_lowered:
.L_overlay_start_1:
0x0: {  	(tag) =	ssettag $0x1  }
0x1: {  	s1 =	rddreg [dreg:$0x0]  }
0x2: {  	s2 =	rddreg [dreg:$0x1]  }
0x3: {  	s0 =	rddreg [dreg:$0x2];
	s3 =	srdreg.scid  }
0x4: {  	s4 =	stileid.u32;
	s5 =	simm.s32 $0x0;
	s15 =	simm.s32 $0x4  }
0x5: {  	s16 =	simm.s32 $0x2400;
	s18 =	simm.s32 $0x50;
	s19 =	simm.s32 $0x4800  }
0x6: {  	s20 =	simm.s32 $0x9800;
	s28 =	simm.s32 $0x11000;
	s29 =	simm.s32 $0x16000  }
0x7: {  	s30 =	simm.s32 $0x1;
	s3 =	sand.u32 $0x1, s3;
	s4 =	sshll.u32 s4, $0x1  }
0x8: {  	s31 =	simm.s32 $0x18800;
	[smem:$0x7FF] =	sst s5;
	s4 =	sor.u32 s3, s4  }
0x9: {  	s6 =	sadd.s32 $0x11800, s0;
	s21 =	ssub.s32 $0x2, s3;
	s7 =	smul.u32 $0x480, s4  }
0xa: {  	_ =	strace $0x8000004A;
	s9 =	smul.u32 $0xAF000, s4;
	s3 =	sshrl.u32 s21, $0x1  }
0xb: {  	s8 =	smul.u32 $0x15E0, s4;
	s4 =	simm.s32 $0x0;
	s10 =	sadd.s32 s7, s0  }
0xc: {  	s7 =	sadd.s32 $0x270A00, s0;
	s22 =	sshrl.u32 s9, $0x3;
	s0 =	ssub.s32 s21, s3  }
0xd: {  	s11 =	sadd.s32 $0x50, s8;
	s21 =	simm.s32 $0xE800;
	s23 =	sadd.s32 $0x25EA00, s10  }
0xe: {  	s24 =	sadd.s32 s7, s22;
	s25 =	sadd.s32 $0x267A00, s10;
	[dreg:$0x5] =	wrdreg s23  }
0xf: {  	s0 =	smax.u32 s0, $0x1;
	s22 =	simm.s32 $0x13800;
	[dreg:$0x6] =	wrdreg s25  }
0x10: {  	s26 =	sadd.s32 $0x15400, s24;
	s3 =	sadd.s32 $0x15900, s24;
	[dreg:$0x9] =	wrdreg s0  }
0x11: {  	s24 =	simm.s32 $0x7000;
	s0 =	simm.s32 $0x3;
	[dreg:$0x7] =	wrdreg s26  }
0x12: {  	[dreg:$0x8] =	wrdreg s3;
	s26 =	simm.s32 $0xC000;
	s3 =	simm.s32 $0x2  }
.LBB2_1:
0x13: {  	s9 =	rddreg [dreg:$0x5]  }
0x14: {  	[tilespmem:s5], [sflag:$0x4] =	stream.linear.gather [hbm4b:s9+s5], $0x2300, $0x38;
	[tilespmem:$0x1B080] =	vst v63  }
0x15: {  	_ =	swait.ge [sflag:s15], $0x2300  }
0x16: {  	[sflag:s15] =	ssyncset.done $0x0  }
0x17: {  	s14 =	rddreg [dreg:$0x6];
	[sflag:s15] =	ssyncadd.s32 $0xFFFFDD00  }
0x18: {  	[tilespmem:s16], [sflag:$0x4] =	stream.linear.gather [hbm4b:s14+s5], $0x2300, $0x38;
	[tilespmem:$0x1B080] =	vst v63  }
0x19: {  	_ =	swait.ge [sflag:s15], $0x2300  }
0x1a: {  	[sflag:s15] =	ssyncset.done $0x0  }
0x1b: {  	[sflag:s15] =	ssyncadd.s32 $0xFFFFDD00  }
0x1c: {  	s10 =	simm.s32 $0x1B000;
	s17 =	rddreg [dreg:$0x3]  }
0x1d: {  	[tilespmem:s10], [sflag:$0x4] =	stream.linear.gather [hbm4b:s17+s5], $0x80, $0x38;
	[tilespmem:$0x1B080] =	vst v63  }
0x1e: {  	_ =	swait.ge [sflag:s15], $0x80  }
0x1f: {  	[sflag:s15] =	ssyncset.done $0x0  }
0x20: {  	[sflag:s15] =	ssyncadd.s32 $0xFFFFFF80  }
0x21: {  	v6 =	vld [tilespmem:$0x1B000]  }
0x22: {  	v5 =	vld [tilespmem:$0x1B010]  }
0x23: {  	v4 =	vld [tilespmem:$0x1B020]  }
0x24: {  	v3 =	vld [tilespmem:$0x1B030]  }
0x25: {  	v2 =	vld [tilespmem:$0x1B040]  }
0x26: {  	v1 =	vld [tilespmem:$0x1B050]  }
0x27: {  	v0 =	vld [tilespmem:$0x1B060]  }
0x28: {  	v7 =	vld [tilespmem:$0x1B070];
	[tilespmem:s19], [sflag:$0x1] =	stream.indirect.gather [hbm4b:s1+s18], $0x80, s5, s18, $0xb8  }
0x29: {  	_ = 	snop  }
0x2a: {  	[tilespmem:s20], [sflag:$0x1] =	stream.indirect.gather [hbm4b:s2+s18], $0x80, s16, s18, $0xb8;
	[tilespmem:$0x1B080] =	vst v63  }
0x2b: {  	_ = 	snop  }
0x2c: {  	[tilespmem:s21], [sflag:$0x1] =	stream.indirect.gather [hbm4b:s6+s18], $0x80, s5, s18, $0xb8;
	[tilespmem:$0x1B080] =	vst v63  }
0x2d: {  	_ = 	snop  }
0x2e: {  	[tilespmem:s22], [sflag:$0x1] =	stream.indirect.gather [hbm4b:s6+s18], $0x80, s16, s18, $0xb8;
	[tilespmem:$0x1B080] =	vst v63  }
0x2f: {  	s23 =	simm.s32 $0x80  }
0x30: {  	[tilespmem:s24], [sflag:$0x2] =	stream.indirect.gather [hbm4b:s1+s18], $0x80, s23, s18, $0xb8;
	[tilespmem:$0x1B080] =	vst v63  }
0x31: {  	s25 =	simm.s32 $0x2480  }
0x32: {  	[tilespmem:s26], [sflag:$0x2] =	stream.indirect.gather [hbm4b:s2+s18], $0x80, s25, s18, $0xb8;
	[tilespmem:$0x1B080] =	vst v63  }
0x33: {  	_ = 	snop  }
0x34: {  	[tilespmem:s28], [sflag:$0x2] =	stream.indirect.gather [hbm4b:s6+s18], $0x80, s23, s18, $0xb8;
	[tilespmem:$0x1B080] =	vst v63  }
0x35: {  	s17 =	simm.s32 $0x0  }
0x36: {  	[tilespmem:s29], [sflag:$0x2] =	stream.indirect.gather [hbm4b:s6+s18], $0x80, s25, s18, $0xb8;
	[tilespmem:$0x1B080] =	vst v63  }
.LBB2_2:
0x37: {  	_ =	swait.ge [sflag:s30], $0x2800  }
0x38: {  	[sflag:s30] =	ssyncset.done $0x0  }
0x39: {  	[sflag:s30] =	ssyncadd.s32 $0xFFFFD800  }
0x3a: {  	_ =	swait.ge [sflag:s30], $0x2800  }
0x3b: {  	[sflag:s30] =	ssyncset.done $0x0  }
0x3c: {  	[sflag:s30] =	ssyncadd.s32 $0xFFFFD800  }
0x3d: {  	_ =	swait.ge [sflag:s30], $0x2800  }
0x3e: {  	[sflag:s30] =	ssyncset.done $0x0  }
0x3f: {  	[sflag:s30] =	ssyncadd.s32 $0xFFFFD800  }
0x40: {  	_ =	swait.ge [sflag:s30], $0x2800  }
0x41: {  	p0 =	seq.s32 s17, $0x0;
	[sflag:s30] =	ssyncset.done $0x0  }
0x42: {  	s9 =	simm.s32 @!p0 $0x3;
	[sflag:s30] =	ssyncadd.s32 $0xFFFFD800  }
0x43: {  	_ =	swait.ge @!p0 [sflag:s9], $0x2800  }
0x44: {  	[sflag:s9] =	ssyncset.done @!p0 $0x0  }
0x45: {  	[sflag:s9] =	ssyncadd.s32 @!p0 $0xFFFFD800;
	s9 =	simm.s32 $0x0  }
0x46: {  	v8 =	vld [tilespmem:s9+$0xE800]  }
0x47: {  	v9 =	vld [tilespmem:s9+$0x13800];
	_ =	sdelay $0x2  }
0x48: {  	v10 =	vld [tilespmem:s9+$0x4800]  }
0x49: {  	v11 =	vld [tilespmem:s9+$0x9800]  }
0x4a: {  	v12 =	vld [tilespmem:s9+$0x4810];
	v8 =	vmul.f32 v9, v8  }
0x4b: {  	v13 =	vld [tilespmem:s9+$0x4820]  }
0x4c: {  	v14 =	vld [tilespmem:s9+$0x9820];
	(v2sf) =	vpush v8, $0x0  }
0x4d: {  	v15 =	vld [tilespmem:s9+$0x4830];
	(v2sf) =	vpush v8, $0x1  }
0x4e: {  	v16 =	vld [tilespmem:s9+$0x9830]  }
0x4f: {  	v17 =	vld [tilespmem:s9+$0x9840];
	(v2sf) =	vpush v8, $0x2  }
0x50: {  	v18 =	vld [tilespmem:s9+$0x4850]  }
0x51: {  	v19 =	vld [tilespmem:s9+$0x9850]  }
0x52: {  	v20 =	vld [tilespmem:s9+$0x4860]  }
0x53: {  	s25 =	simm.s32 $0x80;
	v21 =	vld [tilespmem:s9+$0x9860]  }
0x54: {  	v22 =	vld [tilespmem:s25+$0xE800]  }
0x55: {  	v23 =	vld [tilespmem:s25+$0x13800]  }
0x56: {  	v24 =	vld [tilespmem:s25+$0x4800]  }
0x57: {  	v25 =	vld [tilespmem:s25+$0x9800]  }
0x58: {  	v27 =	vld [tilespmem:s9+$0x4870]  }
0x59: {  	v28 =	vld [tilespmem:s9+$0x9870]  }
0x5a: {  	v32 =	vld [tilespmem:s25+$0x4830]  }
0x5b: {  	v9 =	vld [tilespmem:s9+$0x9810];
	s10 =	spop (v2sf)  }
0x5c: {  	v10 =	vadd.f32 v11, v10;
	v11 =	vld [tilespmem:s25+$0x9830];
	v34 =	vadd.f32 v16, v15;
	v16 =	vmul.f32 v23, v22;
	s12 =	spop (v2sf)  }
0x5d: {  	v8 =	vld [tilespmem:s9+$0x4840];
	s10 =	sadd.f32 s12, s10  }
0x5e: {  	v26 =	vld [tilespmem:s25+$0x4810];
	v33 =	vadd.f32 v14, v13;
	s23 =	spop (v2sf);
	(v2sf) =	vpush v16, $0x0  }
0x5f: {  	v29 =	vld [tilespmem:s25+$0x9810];
	v22 =	vadd.f32 v19, v18;
	(v2sf) =	vpush v16, $0x1;
	s12 =	sadd.f32 s10, s23  }
0x60: {  	v30 =	vld [tilespmem:s25+$0x4820];
	v23 =	vadd.f32 v21, v20;
	v12 =	vadd.f32 v9, v12  }
0x61: {  	v31 =	vld [tilespmem:s25+$0x9820];
	v9 =	vadd.f32 v28, v27;
	(v2sf) =	vpush v16, $0x2;
	v60 =	vmul.f32 s12, v7  }
0x62: {  	v61 =	vld [tilespmem:s25+$0x4840];
	v11 =	vadd.f32 v11, v32;
	v36 =	vadd.f32 v17, v8  }
0x63: {  	v35 =	vld [tilespmem:s25+$0x9840];
	v15 =	vmul.f32 s12, v6;
	v17 =	vmul.f32 s12, v5;
	v9 =	vadd.f32 v9, v60  }
0x64: {  	v13 =	vld [tilespmem:s25+$0x4850];
	v8 =	vadd.f32 v25, v24;
	v19 =	vmul.f32 s12, v4;
	v20 =	vmul.f32 s12, v3  }
0x65: {  	v14 =	vld [tilespmem:s25+$0x9850];
	v21 =	vmul.f32 s12, v1;
	v18 =	vadd.f32 v15, v10;
	v10 =	vadd.f32 v29, v26;
	[tilespmem:s9+$0x18870] =	vst v9  }
0x66: {  	v62 =	vmul.f32 s12, v0;
	v12 =	vadd.f32 v17, v12;
	v63 =	vadd.f32 v33, v19;
	v15 =	vld [tilespmem:s25+$0x4860]  }
0x67: {  	s10 =	simm.s32 $0x100;
	v20 =	vadd.f32 v34, v20;
	v21 =	vadd.f32 v22, v21;
	v16 =	vld [tilespmem:s25+$0x9860];
	[tilespmem:s9+$0x18800] =	vst v18;
	v18 =	vmul.f32 s12, v2  }
0x68: {  	v22 =	vadd.f32 v23, v62;
	v9 =	vadd.f32 v31, v30;
	v17 =	vld [tilespmem:s10+$0xE800];
	[tilespmem:s9+$0x18810] =	vst v12  }
0x69: {  	s23 =	sshll.u32 s17, $0x8;
	s12 =	simm.s32 $0x600;
	v12 =	vadd.f32 v35, v61;
	v19 =	vadd.f32 v36, v18;
	v18 =	vld [tilespmem:s10+$0x13800];
	[tilespmem:s9+$0x18820] =	vst v63  }
.LBB2_3:
0x6a: {  	p0 =	sne.s32 s12, $0x9E00;
	v23 =	vld [tilespmem:s10+$0x4800];
	v24 =	vadd.f32 v14, v13;
	[tilespmem:s9+$0x18830] =	vst v20  }
0x6b: {  	v13 =	vld [tilespmem:s10+$0x9800];
	[tilespmem:s9+$0x18840] =	vst v19  }
0x6c: {  	v14 =	vld [tilespmem:s10+$0x4810];
	v25 =	vadd.f32 v16, v15;
	[tilespmem:s9+$0x18850] =	vst v21  }
0x6d: {  	v15 =	vld [tilespmem:s25+$0x4870];
	s13 =	spop (v2sf);
	[tilespmem:s9+$0x18860] =	vst v22;
	s9 =	smov.u32 s25;
	s25 =	smov.u32 s10  }
0x6e: {  	v16 =	vmul.f32 v18, v17;
	v17 =	vld [tilespmem:s9+$0x9870];
	s10 =	spop (v2sf)  }
0x6f: {  	v18 =	vld [tilespmem:s25+$0x9810];
	s10 =	sadd.f32 s10, s13  }
0x70: {  	v19 =	vadd.f32 v13, v23;
	v13 =	vld [tilespmem:s25+$0x4820];
	(v2sf) =	vpush v16, $0x0;
	s13 =	spop (v2sf)  }
0x71: {  	v20 =	vld [tilespmem:s25+$0x9820];
	(v2sf) =	vpush v16, $0x1;
	s10 =	sadd.f32 s10, s13  }
0x72: {  	v21 =	vld [tilespmem:s25+$0x4830]  }
0x73: {  	v22 =	vld [tilespmem:s25+$0x9830];
	(v2sf) =	vpush v16, $0x2;
	v15 =	vadd.f32 v17, v15;
	v16 =	vmul.f32 s10, v7  }
0x74: {  	v23 =	vmul.f32 s10, v6;
	v26 =	vmul.f32 s10, v5;
	v17 =	vadd.f32 v18, v14;
	v18 =	vld [tilespmem:s25+$0x4840]  }
0x75: {  	v28 =	vmul.f32 s10, v4;
	v29 =	vmul.f32 s10, v3;
	v27 =	vld [tilespmem:s25+$0x9840];
	v15 =	vadd.f32 v15, v16  }
0x76: {  	v30 =	vmul.f32 s10, v2;
	v31 =	vmul.f32 s10, v1;
	v16 =	vadd.f32 v20, v13;
	v13 =	vld [tilespmem:s25+$0x4850]  }
.Ltmp0:
0x77: {  	v20 =	vadd.f32 v23, v8;
	v23 =	vadd.f32 v26, v10;
	v26 =	vmul.f32 s10, v0;
	v8 =	vmovc v19;
	v14 =	vld [tilespmem:s25+$0x9850];
	[tilespmem:s9+$0x18870] =	vst v15;
	(pc) =	sbr.rel @p0 .LBB2_3-.Ltmp0, $4  }
0x78: {  	v28 =	vadd.f32 v9, v28;
	v10 =	vmovc v17;
	v22 =	vadd.f32 v22, v21;
	v15 =	vld [tilespmem:s25+$0x4860];
	v9 =	vmov v16  }
0x79: {  	s10 =	sshra.s32 s12, $0x2;
	v19 =	vadd.f32 v12, v30;
	v16 =	vld [tilespmem:s25+$0x9860];
	[tilespmem:s9+$0x18800] =	vst v20;
	v20 =	vadd.f32 v11, v29  }
0x7a: {  	v21 =	vadd.f32 v24, v31;
	v17 =	vld [tilespmem:s10+$0xE800];
	v12 =	vadd.f32 v27, v18;
	[tilespmem:s9+$0x18810] =	vst v23;
	v11 =	vmov v22  }
0x7b: {  	s12 =	sadd.s32 $0x200, s12;
	v22 =	vadd.f32 v25, v26;
	v18 =	vld [tilespmem:s10+$0x13800];
	[tilespmem:s9+$0x18820] =	vst v28  }
0x7c: {  	v23 =	vld [tilespmem:s10+$0x4800];
	[tilespmem:s9+$0x18830] =	vst v20  }
0x7d: {  	v20 =	vld [tilespmem:s10+$0x9800];
	[tilespmem:s9+$0x18840] =	vst v19  }
0x7e: {  	v19 =	vld [tilespmem:s10+$0x4810];
	[tilespmem:s9+$0x18850] =	vst v21  }
0x7f: {  	v21 =	vld [tilespmem:s25+$0x4870];
	[tilespmem:s9+$0x18860] =	vst v22;
	s13 =	spop (v2sf)  }
0x80: {  	v22 =	vld [tilespmem:s25+$0x9870];
	s12 =	spop (v2sf);
	v17 =	vmul.f32 v18, v17  }
0x81: {  	v24 =	vld [tilespmem:s10+$0x9810];
	s9 =	sadd.f32 s12, s13  }
0x82: {  	v25 =	vld [tilespmem:s10+$0x4820];
	s14 =	spop (v2sf);
	(v2sf) =	vpush v17, $0x0  }
0x83: {  	v18 =	vld [tilespmem:s10+$0x9820];
	s9 =	sadd.f32 s9, s14;
	(v2sf) =	vpush v17, $0x1  }
0x84: {  	v26 =	vld [tilespmem:s10+$0x4830]  }
0x85: {  	v27 =	vld [tilespmem:s10+$0x9830];
	(v2sf) =	vpush v17, $0x2;
	v21 =	vadd.f32 v22, v21;
	v22 =	vmul.f32 s9, v7  }
0x86: {  	v28 =	vld [tilespmem:s10+$0x4840]  }
0x87: {  	v29 =	vld [tilespmem:s10+$0x9840];
	v31 =	vmul.f32 s9, v5;
	v17 =	vadd.f32 v21, v22  }
0x88: {  	v30 =	vld [tilespmem:s10+$0x9850];
	v22 =	vmul.f32 s9, v6  }
0x89: {  	v21 =	vld [tilespmem:s10+$0x4850];
	v10 =	vadd.f32 v31, v10;
	[tilespmem:s25+$0x18870] =	vst v17;
	v17 =	vmul.f32 s9, v4  }
0x8a: {  	v32 =	vmul.f32 s9, v3;
	v8 =	vadd.f32 v22, v8;
	v22 =	vld [tilespmem:s10+$0x4860]  }
0x8b: {  	v50 =	vld [tilespmem:s10+$0x9860];
	[tilespmem:s25+$0x18810] =	vst v10;
	v9 =	vadd.f32 v9, v17;
	v17 =	vmul.f32 s9, v2  }
0x8c: {  	v11 =	vadd.f32 v11, v32;
	[tilespmem:s25+$0x18800] =	vst v8;
	v8 =	vadd.f32 v14, v13;
	v13 =	vmul.f32 s9, v1  }
0x8d: {  	v10 =	vadd.f32 v12, v17;
	[tilespmem:s25+$0x18820] =	vst v9;
	v9 =	vadd.f32 v16, v15;
	v12 =	vmul.f32 s9, v0  }
0x8e: {  	[tilespmem:s25+$0x18830] =	vst v11;
	v8 =	vadd.f32 v8, v13  }
0x8f: {  	[tilespmem:s25+$0x18840] =	vst v10;
	v9 =	vadd.f32 v9, v12  }
0x90: {  	[tilespmem:s25+$0x18850] =	vst v8  }
0x91: {  	v8 =	vld [tilespmem:s10+$0x4870];
	s13 =	spop (v2sf);
	[tilespmem:s25+$0x18860] =	vst v9  }
0x92: {  	v9 =	vld [tilespmem:s10+$0x9870];
	s14 =	spop (v2sf)  }
0x93: {  	s9 =	sadd.f32 s14, s13  }
0x94: {  	s25 =	spop (v2sf)  }
0x95: {  	s9 =	sadd.f32 s9, s25;
	_ =	sdelay $0x1  }
0x96: {  	v8 =	vadd.f32 v9, v8;
	v9 =	vmul.f32 s9, v7  }
0x97: {  	v10 =	vadd.f32 v20, v23;
	v11 =	vmul.f32 s9, v6  }
0x98: {  	v12 =	vadd.f32 v24, v19;
	v13 =	vmul.f32 s9, v5;
	v8 =	vadd.f32 v8, v9  }
0x99: {  	v14 =	vmul.f32 s9, v4;
	v9 =	vadd.f32 v18, v25;
	v10 =	vadd.f32 v11, v10  }
0x9a: {  	v15 =	vmul.f32 s9, v3;
	v11 =	vadd.f32 v27, v26;
	v12 =	vadd.f32 v13, v12;
	[tilespmem:s10+$0x18870] =	vst v8  }
0x9b: {  	v13 =	vmul.f32 s9, v2;
	v8 =	vadd.f32 v29, v28;
	v9 =	vadd.f32 v9, v14;
	[tilespmem:s10+$0x18800] =	vst v10  }
0x9c: {  	v10 =	vadd.f32 v30, v21;
	v14 =	vmul.f32 s9, v1;
	v11 =	vadd.f32 v11, v15;
	[tilespmem:s10+$0x18810] =	vst v12  }
0x9d: {  	s25 =	smul.u32 $0xA0, s17;
	v12 =	vadd.f32 v50, v22;
	v15 =	vmul.f32 s9, v0;
	v8 =	vadd.f32 v8, v13;
	[tilespmem:s10+$0x18820] =	vst v9  }
0x9e: {  	v9 =	vadd.f32 v10, v14;
	[tilespmem:s10+$0x18830] =	vst v11  }
0x9f: {  	s13 =	sadd.s32 s8, s25;
	v10 =	vadd.f32 v12, v15;
	[tilespmem:s10+$0x18840] =	vst v8  }
0xa0: {  	s9 =	sshll.u32 s13, $0x4;
	[tilespmem:s10+$0x18850] =	vst v9  }
0xa1: {  	s14 =	simm.s32 $0x0;
	s9 =	sadd.s32 s7, s9;
	[tilespmem:s10+$0x18860] =	vst v10  }
0xa2: {  	[hbm4b:s9+s14] =	stream.linear.scatter [tilespmem:s31], [sflag:$0x3], $0x2800, $0x38;
	[tilespmem:$0x1B080] =	vst v63  }
0xa3: {  	s12 =	sadd.s32 $0x100, s23  }
0xa4: {  	[tilespmem:s19], [sflag:$0x1] =	stream.indirect.gather [hbm4b:s1+s18], $0x80, s12, s18, $0xb8;
	[tilespmem:$0x1B080] =	vst v63  }
0xa5: {  	s13 =	sadd.s32 $0x2500, s23  }
0xa6: {  	[tilespmem:s20], [sflag:$0x1] =	stream.indirect.gather [hbm4b:s2+s18], $0x80, s13, s18, $0xb8;
	[tilespmem:$0x1B080] =	vst v63  }
0xa7: {  	_ = 	snop  }
0xa8: {  	[tilespmem:s21], [sflag:$0x1] =	stream.indirect.gather [hbm4b:s6+s18], $0x80, s12, s18, $0xb8;
	[tilespmem:$0x1B080] =	vst v63  }
0xa9: {  	_ = 	snop  }
0xaa: {  	[tilespmem:s22], [sflag:$0x1] =	stream.indirect.gather [hbm4b:s6+s18], $0x80, s13, s18, $0xb8;
	[tilespmem:$0x1B080] =	vst v63  }
0xab: {  	_ =	swait.ge [sflag:s3], $0x2800  }
0xac: {  	[sflag:s3] =	ssyncset.done $0x0  }
0xad: {  	[sflag:s3] =	ssyncadd.s32 $0xFFFFD800  }
0xae: {  	_ =	swait.ge [sflag:s3], $0x2800  }
0xaf: {  	[sflag:s3] =	ssyncset.done $0x0  }
0xb0: {  	[sflag:s3] =	ssyncadd.s32 $0xFFFFD800  }
0xb1: {  	_ =	swait.ge [sflag:s3], $0x2800  }
0xb2: {  	[sflag:s3] =	ssyncset.done $0x0  }
0xb3: {  	[sflag:s3] =	ssyncadd.s32 $0xFFFFD800  }
0xb4: {  	_ =	swait.ge [sflag:s3], $0x2800  }
0xb5: {  	[sflag:s3] =	ssyncset.done $0x0  }
0xb6: {  	[sflag:s3] =	ssyncadd.s32 $0xFFFFD800  }
0xb7: {  	_ =	swait.ge [sflag:s0], $0x2800  }
0xb8: {  	[sflag:s0] =	ssyncset.done $0x0  }
0xb9: {  	s10 =	simm.s32 $0x0;
	[sflag:s0] =	ssyncadd.s32 $0xFFFFD800  }
0xba: {  	v8 =	vld [tilespmem:s10+$0x11000]  }
0xbb: {  	v9 =	vld [tilespmem:s10+$0x16000];
	_ =	sdelay $0x2  }
0xbc: {  	v10 =	vld [tilespmem:s10+$0x7000]  }
0xbd: {  	v11 =	vld [tilespmem:s10+$0xC000]  }
0xbe: {  	v12 =	vld [tilespmem:s10+$0x7010];
	v8 =	vmul.f32 v9, v8  }
0xbf: {  	v13 =	vld [tilespmem:s10+$0x7020]  }
0xc0: {  	v14 =	vld [tilespmem:s10+$0xC020];
	(v2sf) =	vpush v8, $0x0  }
0xc1: {  	v15 =	vld [tilespmem:s10+$0x7030];
	(v2sf) =	vpush v8, $0x1  }
0xc2: {  	v16 =	vld [tilespmem:s10+$0xC030]  }
0xc3: {  	v17 =	vld [tilespmem:s10+$0xC040];
	(v2sf) =	vpush v8, $0x2  }
0xc4: {  	v18 =	vld [tilespmem:s10+$0x7050]  }
0xc5: {  	v19 =	vld [tilespmem:s10+$0xC050]  }
0xc6: {  	v20 =	vld [tilespmem:s10+$0x7060]  }
0xc7: {  	s9 =	simm.s32 $0x80;
	v21 =	vld [tilespmem:s10+$0xC060]  }
0xc8: {  	v22 =	vld [tilespmem:s9+$0x11000]  }
0xc9: {  	v23 =	vld [tilespmem:s9+$0x16000]  }
0xca: {  	v51 =	vld [tilespmem:s9+$0x7000]  }
0xcb: {  	v52 =	vld [tilespmem:s9+$0xC000]  }
0xcc: {  	v54 =	vld [tilespmem:s10+$0x7070]  }
0xcd: {  	v55 =	vld [tilespmem:s10+$0xC070]  }
0xce: {  	v59 =	vld [tilespmem:s9+$0x7030]  }
0xcf: {  	v9 =	vld [tilespmem:s10+$0xC010];
	s14 =	spop (v2sf)  }
0xd0: {  	v10 =	vadd.f32 v11, v10;
	v11 =	vld [tilespmem:s9+$0xC030];
	v34 =	vadd.f32 v16, v15;
	v16 =	vmul.f32 v23, v22;
	s13 =	spop (v2sf)  }
0xd1: {  	v8 =	vld [tilespmem:s10+$0x7040];
	s12 =	sadd.f32 s13, s14  }
0xd2: {  	v53 =	vld [tilespmem:s9+$0x7010];
	v33 =	vadd.f32 v14, v13;
	s14 =	spop (v2sf);
	(v2sf) =	vpush v16, $0x0  }
0xd3: {  	v56 =	vld [tilespmem:s9+$0xC010];
	v22 =	vadd.f32 v19, v18;
	(v2sf) =	vpush v16, $0x1;
	s13 =	sadd.f32 s12, s14  }
0xd4: {  	v57 =	vld [tilespmem:s9+$0x7020];
	v23 =	vadd.f32 v21, v20;
	v12 =	vadd.f32 v9, v12  }
0xd5: {  	v58 =	vld [tilespmem:s9+$0xC020];
	v9 =	vadd.f32 v55, v54;
	(v2sf) =	vpush v16, $0x2;
	v60 =	vmul.f32 s13, v7  }
0xd6: {  	v61 =	vld [tilespmem:s9+$0x7040];
	v11 =	vadd.f32 v11, v59;
	v36 =	vadd.f32 v17, v8  }
0xd7: {  	v35 =	vld [tilespmem:s9+$0xC040];
	v15 =	vmul.f32 s13, v6;
	v17 =	vmul.f32 s13, v5;
	v9 =	vadd.f32 v9, v60  }
0xd8: {  	v13 =	vld [tilespmem:s9+$0x7050];
	v8 =	vadd.f32 v52, v51;
	v19 =	vmul.f32 s13, v4;
	v20 =	vmul.f32 s13, v3  }
0xd9: {  	v14 =	vld [tilespmem:s9+$0xC050];
	v21 =	vmul.f32 s13, v1;
	v18 =	vadd.f32 v15, v10;
	v10 =	vadd.f32 v56, v53;
	[tilespmem:s10+$0x18870] =	vst v9  }
0xda: {  	v62 =	vmul.f32 s13, v0;
	v12 =	vadd.f32 v17, v12;
	v63 =	vadd.f32 v33, v19;
	v15 =	vld [tilespmem:s9+$0x7060]  }
0xdb: {  	s12 =	simm.s32 $0x100;
	v20 =	vadd.f32 v34, v20;
	v21 =	vadd.f32 v22, v21;
	v16 =	vld [tilespmem:s9+$0xC060];
	[tilespmem:s10+$0x18800] =	vst v18;
	v18 =	vmul.f32 s13, v2  }
0xdc: {  	v22 =	vadd.f32 v23, v62;
	v9 =	vadd.f32 v58, v57;
	v17 =	vld [tilespmem:s12+$0x11000];
	[tilespmem:s10+$0x18810] =	vst v12  }
0xdd: {  	s13 =	simm.s32 $0x600;
	v12 =	vadd.f32 v35, v61;
	v19 =	vadd.f32 v36, v18;
	v18 =	vld [tilespmem:s12+$0x16000];
	[tilespmem:s10+$0x18820] =	vst v63  }
.LBB2_5:
0xde: {  	p0 =	sne.s32 s13, $0x9E00;
	v23 =	vld [tilespmem:s12+$0x7000];
	v24 =	vadd.f32 v14, v13;
	[tilespmem:s10+$0x18830] =	vst v20  }
0xdf: {  	v13 =	vld [tilespmem:s12+$0xC000];
	[tilespmem:s10+$0x18840] =	vst v19  }
0xe0: {  	v14 =	vld [tilespmem:s12+$0x7010];
	v25 =	vadd.f32 v16, v15;
	[tilespmem:s10+$0x18850] =	vst v21  }
0xe1: {  	v15 =	vld [tilespmem:s9+$0x7070];
	s14 =	spop (v2sf);
	[tilespmem:s10+$0x18860] =	vst v22;
	s10 =	smov.u32 s9;
	s9 =	smov.u32 s12  }
0xe2: {  	v16 =	vmul.f32 v18, v17;
	v17 =	vld [tilespmem:s10+$0xC070];
	s12 =	spop (v2sf)  }
0xe3: {  	v18 =	vld [tilespmem:s9+$0xC010];
	s12 =	sadd.f32 s12, s14  }
0xe4: {  	v19 =	vadd.f32 v13, v23;
	v13 =	vld [tilespmem:s9+$0x7020];
	(v2sf) =	vpush v16, $0x0;
	s14 =	spop (v2sf)  }
0xe5: {  	v20 =	vld [tilespmem:s9+$0xC020];
	(v2sf) =	vpush v16, $0x1;
	s12 =	sadd.f32 s12, s14  }
0xe6: {  	v21 =	vld [tilespmem:s9+$0x7030]  }
0xe7: {  	v22 =	vld [tilespmem:s9+$0xC030];
	(v2sf) =	vpush v16, $0x2;
	v15 =	vadd.f32 v17, v15;
	v16 =	vmul.f32 s12, v7  }
0xe8: {  	v23 =	vmul.f32 s12, v6;
	v26 =	vmul.f32 s12, v5;
	v17 =	vadd.f32 v18, v14;
	v18 =	vld [tilespmem:s9+$0x7040]  }
0xe9: {  	v28 =	vmul.f32 s12, v4;
	v29 =	vmul.f32 s12, v3;
	v27 =	vld [tilespmem:s9+$0xC040];
	v15 =	vadd.f32 v15, v16  }
0xea: {  	v30 =	vmul.f32 s12, v2;
	v31 =	vmul.f32 s12, v1;
	v16 =	vadd.f32 v20, v13;
	v13 =	vld [tilespmem:s9+$0x7050]  }
.Ltmp1:
0xeb: {  	v20 =	vadd.f32 v23, v8;
	v23 =	vadd.f32 v26, v10;
	v26 =	vmul.f32 s12, v0;
	v8 =	vmovc v19;
	v14 =	vld [tilespmem:s9+$0xC050];
	[tilespmem:s10+$0x18870] =	vst v15;
	(pc) =	sbr.rel @p0 .LBB2_5-.Ltmp1, $4  }
0xec: {  	v28 =	vadd.f32 v9, v28;
	v10 =	vmovc v17;
	v22 =	vadd.f32 v22, v21;
	v15 =	vld [tilespmem:s9+$0x7060];
	v9 =	vmov v16  }
0xed: {  	s12 =	sshra.s32 s13, $0x2;
	v19 =	vadd.f32 v12, v30;
	v16 =	vld [tilespmem:s9+$0xC060];
	[tilespmem:s10+$0x18800] =	vst v20;
	v20 =	vadd.f32 v11, v29  }
0xee: {  	v21 =	vadd.f32 v24, v31;
	v17 =	vld [tilespmem:s12+$0x11000];
	v12 =	vadd.f32 v27, v18;
	[tilespmem:s10+$0x18810] =	vst v23;
	v11 =	vmov v22  }
0xef: {  	s13 =	sadd.s32 $0x200, s13;
	v22 =	vadd.f32 v25, v26;
	v18 =	vld [tilespmem:s12+$0x16000];
	[tilespmem:s10+$0x18820] =	vst v28  }
0xf0: {  	v23 =	vld [tilespmem:s12+$0x7000];
	[tilespmem:s10+$0x18830] =	vst v20  }
0xf1: {  	v20 =	vld [tilespmem:s12+$0xC000];
	[tilespmem:s10+$0x18840] =	vst v19  }
0xf2: {  	v19 =	vld [tilespmem:s12+$0x7010];
	[tilespmem:s10+$0x18850] =	vst v21  }
0xf3: {  	v21 =	vld [tilespmem:s9+$0x7070];
	[tilespmem:s10+$0x18860] =	vst v22;
	s14 =	spop (v2sf)  }
0xf4: {  	v22 =	vld [tilespmem:s9+$0xC070];
	s13 =	spop (v2sf);
	v17 =	vmul.f32 v18, v17  }
0xf5: {  	v24 =	vld [tilespmem:s12+$0xC010];
	s10 =	sadd.f32 s13, s14  }
0xf6: {  	v25 =	vld [tilespmem:s12+$0x7020];
	s14 =	spop (v2sf);
	(v2sf) =	vpush v17, $0x0  }
0xf7: {  	v63 =	vld [tilespmem:s12+$0xC020];
	s10 =	sadd.f32 s10, s14;
	(v2sf) =	vpush v17, $0x1  }
0xf8: {  	v26 =	vld [tilespmem:s12+$0x7030]  }
0xf9: {  	v27 =	vld [tilespmem:s12+$0xC030];
	(v2sf) =	vpush v17, $0x2;
	v21 =	vadd.f32 v22, v21;
	v36 =	vmul.f32 s10, v7  }
0xfa: {  	v28 =	vld [tilespmem:s12+$0x7040]  }
0xfb: {  	v29 =	vld [tilespmem:s12+$0xC040];
	v39 =	vmul.f32 s10, v6;
	v37 =	vadd.f32 v21, v36  }
0xfc: {  	v38 =	vld [tilespmem:s12+$0x7050];
	v31 =	vmul.f32 s10, v5  }
0xfd: {  	v30 =	vld [tilespmem:s12+$0xC050];
	v40 =	vmul.f32 s10, v4;
	v8 =	vadd.f32 v39, v8;
	[tilespmem:s9+$0x18870] =	vst v37  }
0xfe: {  	v32 =	vmul.f32 s10, v3;
	v10 =	vadd.f32 v31, v10;
	v41 =	vld [tilespmem:s12+$0x7060]  }
0xff: {  	v9 =	vadd.f32 v9, v40;
	v42 =	vld [tilespmem:s12+$0xC060];
	[tilespmem:s9+$0x18800] =	vst v8;
	v8 =	vmul.f32 s10, v2  }
0x100: {  	v13 =	vadd.f32 v14, v13;
	v43 =	vmul.f32 s10, v1;
	v11 =	vadd.f32 v11, v32;
	[tilespmem:s9+$0x18810] =	vst v10  }
0x101: {  	v44 =	vadd.f32 v16, v15;
	v45 =	vmul.f32 s10, v0;
	[tilespmem:s9+$0x18820] =	vst v9;
	v8 =	vadd.f32 v12, v8  }
0x102: {  	v46 =	vadd.f32 v13, v43;
	[tilespmem:s9+$0x18830] =	vst v11  }
0x103: {  	[tilespmem:s9+$0x18840] =	vst v8;
	v8 =	vadd.f32 v44, v45  }
0x104: {  	[tilespmem:s9+$0x18850] =	vst v46  }
0x105: {  	v47 =	vld [tilespmem:s12+$0x7070];
	[tilespmem:s9+$0x18860] =	vst v8;
	s14 =	spop (v2sf)  }
0x106: {  	v8 =	vld [tilespmem:s12+$0xC070];
	s13 =	spop (v2sf)  }
0x107: {  	s9 =	sadd.f32 s13, s14  }
0x108: {  	s14 =	spop (v2sf)  }
0x109: {  	s9 =	sadd.f32 s9, s14;
	_ =	sdelay $0x1  }
0x10a: {  	v8 =	vadd.f32 v8, v47;
	v48 =	vmul.f32 s9, v7  }
0x10b: {  	v49 =	vadd.f32 v20, v23;
	v50 =	vmul.f32 s9, v6  }
0x10c: {  	v51 =	vadd.f32 v24, v19;
	v52 =	vmul.f32 s9, v5;
	v8 =	vadd.f32 v8, v48  }
0x10d: {  	v53 =	vadd.f32 v63, v25;
	v54 =	vmul.f32 s9, v4;
	v10 =	vadd.f32 v50, v49  }
0x10e: {  	v55 =	vadd.f32 v27, v26;
	v56 =	vmul.f32 s9, v3;
	v12 =	vadd.f32 v52, v51;
	[tilespmem:s12+$0x18870] =	vst v8  }
0x10f: {  	v58 =	vadd.f32 v30, v38;
	v59 =	vmul.f32 s9, v1;
	v9 =	vadd.f32 v53, v54;
	[tilespmem:s12+$0x18800] =	vst v10  }
0x110: {  	v60 =	vadd.f32 v42, v41;
	v61 =	vmul.f32 s9, v0;
	v11 =	vadd.f32 v55, v56;
	[tilespmem:s12+$0x18810] =	vst v12  }
0x111: {  	v57 =	vmul.f32 s9, v2;
	v62 =	vadd.f32 v58, v59;
	v8 =	vadd.f32 v29, v28;
	[tilespmem:s12+$0x18820] =	vst v9  }
0x112: {  	v63 =	vadd.f32 v60, v61;
	[tilespmem:s12+$0x18830] =	vst v11  }
0x113: {  	s13 =	sadd.s32 s25, s11;
	[tilespmem:s12+$0x18850] =	vst v62;
	v8 =	vadd.f32 v8, v57  }
0x114: {  	s9 =	sshll.u32 s13, $0x4;
	[tilespmem:s12+$0x18860] =	vst v63  }
0x115: {  	s9 =	sadd.s32 s7, s9;
	[tilespmem:s12+$0x18840] =	vst v8  }
0x116: {  	[hbm4b:s9+s5] =	stream.linear.scatter [tilespmem:s31], [sflag:$0x3], $0x2800, $0x38;
	[tilespmem:$0x1B080] =	vst v63  }
0x117: {  	s17 =	sadd.s32 $0x1, s17;
	s14 =	sadd.s32 $0x180, s23  }
0x118: {  	[tilespmem:s24], [sflag:$0x2] =	stream.indirect.gather [hbm4b:s1+s18], $0x80, s14, s18, $0xb8;
	[tilespmem:$0x1B080] =	vst v63  }
0x119: {  	p0 =	sne.s32 s17, $0x22;
	s25 =	sadd.s32 $0x2580, s23  }
0x11a: {  	[tilespmem:s26], [sflag:$0x2] =	stream.indirect.gather [hbm4b:s2+s18], $0x80, s25, s18, $0xb8;
	[tilespmem:$0x1B080] =	vst v63  }
.Ltmp2:
0x11b: {  	_ = 	snop;
	(pc) =	sbr.rel @p0 .LBB2_2-.Ltmp2, $4  }
0x11c: {  	_ = 	snop  }
0x11d: {  	[tilespmem:s28], [sflag:$0x2] =	stream.indirect.gather [hbm4b:s6+s18], $0x80, s14, s18, $0xb8;
	[tilespmem:$0x1B080] =	vst v63  }
0x11e: {  	_ = 	snop  }
0x11f: {  	[tilespmem:s29], [sflag:$0x2] =	stream.indirect.gather [hbm4b:s6+s18], $0x80, s25, s18, $0xb8;
	[tilespmem:$0x1B080] =	vst v63  }
0x120: {  	_ =	swait.ge [sflag:s30], $0x2800  }
0x121: {  	[sflag:s30] =	ssyncset.done $0x0  }
0x122: {  	[sflag:s30] =	ssyncadd.s32 $0xFFFFD800  }
0x123: {  	_ =	swait.ge [sflag:s30], $0x2800  }
0x124: {  	[sflag:s30] =	ssyncset.done $0x0  }
0x125: {  	[sflag:s30] =	ssyncadd.s32 $0xFFFFD800  }
0x126: {  	_ =	swait.ge [sflag:s30], $0x2800  }
0x127: {  	[sflag:s30] =	ssyncset.done $0x0  }
0x128: {  	[sflag:s30] =	ssyncadd.s32 $0xFFFFD800  }
0x129: {  	_ =	swait.ge [sflag:s30], $0x2800  }
0x12a: {  	[sflag:s30] =	ssyncset.done $0x0  }
0x12b: {  	[sflag:s30] =	ssyncadd.s32 $0xFFFFD800  }
0x12c: {  	_ =	swait.ge [sflag:s0], $0x2800  }
0x12d: {  	[sflag:s0] =	ssyncset.done $0x0  }
0x12e: {  	s10 =	simm.s32 $0x0;
	[sflag:s0] =	ssyncadd.s32 $0xFFFFD800  }
0x12f: {  	v8 =	vld [tilespmem:s10+$0xE800]  }
0x130: {  	v9 =	vld [tilespmem:s10+$0x13800];
	_ =	sdelay $0x2  }
0x131: {  	v10 =	vld [tilespmem:s10+$0x4800]  }
0x132: {  	v11 =	vld [tilespmem:s10+$0x9800]  }
0x133: {  	v12 =	vld [tilespmem:s10+$0x4810];
	v8 =	vmul.f32 v9, v8  }
0x134: {  	v13 =	vld [tilespmem:s10+$0x4820]  }
0x135: {  	v14 =	vld [tilespmem:s10+$0x9820];
	(v2sf) =	vpush v8, $0x0  }
0x136: {  	v15 =	vld [tilespmem:s10+$0x4830];
	(v2sf) =	vpush v8, $0x1  }
0x137: {  	v16 =	vld [tilespmem:s10+$0x9830]  }
0x138: {  	v17 =	vld [tilespmem:s10+$0x9840];
	(v2sf) =	vpush v8, $0x2  }
0x139: {  	v18 =	vld [tilespmem:s10+$0x4850]  }
0x13a: {  	v19 =	vld [tilespmem:s10+$0x9850]  }
0x13b: {  	v20 =	vld [tilespmem:s10+$0x4860]  }
0x13c: {  	s9 =	simm.s32 $0x80;
	v21 =	vld [tilespmem:s10+$0x9860]  }
0x13d: {  	v22 =	vld [tilespmem:s9+$0xE800]  }
0x13e: {  	v23 =	vld [tilespmem:s9+$0x13800]  }
0x13f: {  	v24 =	vld [tilespmem:s9+$0x4800]  }
0x140: {  	v25 =	vld [tilespmem:s9+$0x9800]  }
0x141: {  	v27 =	vld [tilespmem:s10+$0x4870]  }
0x142: {  	v28 =	vld [tilespmem:s10+$0x9870]  }
0x143: {  	v32 =	vld [tilespmem:s9+$0x4830]  }
0x144: {  	v9 =	vld [tilespmem:s10+$0x9810];
	s12 =	spop (v2sf)  }
0x145: {  	v10 =	vadd.f32 v11, v10;
	v11 =	vld [tilespmem:s9+$0x9830];
	v34 =	vadd.f32 v16, v15;
	v16 =	vmul.f32 v23, v22;
	s13 =	spop (v2sf)  }
0x146: {  	v8 =	vld [tilespmem:s10+$0x4840];
	s12 =	sadd.f32 s13, s12  }
0x147: {  	v26 =	vld [tilespmem:s9+$0x4810];
	v33 =	vadd.f32 v14, v13;
	s25 =	spop (v2sf);
	(v2sf) =	vpush v16, $0x0  }
0x148: {  	v29 =	vld [tilespmem:s9+$0x9810];
	v22 =	vadd.f32 v19, v18;
	(v2sf) =	vpush v16, $0x1;
	s13 =	sadd.f32 s12, s25  }
0x149: {  	v30 =	vld [tilespmem:s9+$0x4820];
	v23 =	vadd.f32 v21, v20;
	v12 =	vadd.f32 v9, v12  }
0x14a: {  	v31 =	vld [tilespmem:s9+$0x9820];
	v9 =	vadd.f32 v28, v27;
	(v2sf) =	vpush v16, $0x2;
	v60 =	vmul.f32 s13, v7  }
0x14b: {  	v61 =	vld [tilespmem:s9+$0x4840];
	v11 =	vadd.f32 v11, v32;
	v36 =	vadd.f32 v17, v8  }
0x14c: {  	v35 =	vld [tilespmem:s9+$0x9840];
	v15 =	vmul.f32 s13, v6;
	v17 =	vmul.f32 s13, v5;
	v9 =	vadd.f32 v9, v60  }
0x14d: {  	v13 =	vld [tilespmem:s9+$0x4850];
	v8 =	vadd.f32 v25, v24;
	v19 =	vmul.f32 s13, v4;
	v20 =	vmul.f32 s13, v3  }
0x14e: {  	v14 =	vld [tilespmem:s9+$0x9850];
	v21 =	vmul.f32 s13, v1;
	v18 =	vadd.f32 v15, v10;
	v10 =	vadd.f32 v29, v26;
	[tilespmem:s10+$0x18870] =	vst v9  }
0x14f: {  	v62 =	vmul.f32 s13, v0;
	v12 =	vadd.f32 v17, v12;
	v63 =	vadd.f32 v33, v19;
	v15 =	vld [tilespmem:s9+$0x4860]  }
0x150: {  	s12 =	simm.s32 $0x100;
	v20 =	vadd.f32 v34, v20;
	v21 =	vadd.f32 v22, v21;
	v16 =	vld [tilespmem:s9+$0x9860];
	[tilespmem:s10+$0x18800] =	vst v18;
	v18 =	vmul.f32 s13, v2  }
0x151: {  	v22 =	vadd.f32 v23, v62;
	v9 =	vadd.f32 v31, v30;
	v17 =	vld [tilespmem:s12+$0xE800];
	[tilespmem:s10+$0x18810] =	vst v12  }
0x152: {  	s13 =	simm.s32 $0x600;
	v12 =	vadd.f32 v35, v61;
	v19 =	vadd.f32 v36, v18;
	v18 =	vld [tilespmem:s12+$0x13800];
	[tilespmem:s10+$0x18820] =	vst v63  }
.LBB2_8:
0x153: {  	p0 =	sne.s32 s13, $0x9E00;
	v23 =	vld [tilespmem:s12+$0x4800];
	v24 =	vadd.f32 v14, v13;
	[tilespmem:s10+$0x18830] =	vst v20  }
0x154: {  	v13 =	vld [tilespmem:s12+$0x9800];
	[tilespmem:s10+$0x18840] =	vst v19  }
0x155: {  	v14 =	vld [tilespmem:s12+$0x4810];
	v25 =	vadd.f32 v16, v15;
	[tilespmem:s10+$0x18850] =	vst v21  }
0x156: {  	v15 =	vld [tilespmem:s9+$0x4870];
	s14 =	spop (v2sf);
	[tilespmem:s10+$0x18860] =	vst v22;
	s10 =	smov.u32 s9;
	s9 =	smov.u32 s12  }
0x157: {  	v16 =	vmul.f32 v18, v17;
	v17 =	vld [tilespmem:s10+$0x9870];
	s12 =	spop (v2sf)  }
0x158: {  	v18 =	vld [tilespmem:s9+$0x9810];
	s12 =	sadd.f32 s12, s14  }
0x159: {  	v19 =	vadd.f32 v13, v23;
	v13 =	vld [tilespmem:s9+$0x4820];
	(v2sf) =	vpush v16, $0x0;
	s14 =	spop (v2sf)  }
0x15a: {  	v20 =	vld [tilespmem:s9+$0x9820];
	(v2sf) =	vpush v16, $0x1;
	s12 =	sadd.f32 s12, s14  }
0x15b: {  	v21 =	vld [tilespmem:s9+$0x4830]  }
0x15c: {  	v22 =	vld [tilespmem:s9+$0x9830];
	(v2sf) =	vpush v16, $0x2;
	v15 =	vadd.f32 v17, v15;
	v16 =	vmul.f32 s12, v7  }
0x15d: {  	v23 =	vmul.f32 s12, v6;
	v26 =	vmul.f32 s12, v5;
	v17 =	vadd.f32 v18, v14;
	v18 =	vld [tilespmem:s9+$0x4840]  }
0x15e: {  	v28 =	vmul.f32 s12, v4;
	v29 =	vmul.f32 s12, v3;
	v27 =	vld [tilespmem:s9+$0x9840];
	v15 =	vadd.f32 v15, v16  }
0x15f: {  	v30 =	vmul.f32 s12, v2;
	v31 =	vmul.f32 s12, v1;
	v16 =	vadd.f32 v20, v13;
	v13 =	vld [tilespmem:s9+$0x4850]  }
.Ltmp3:
0x160: {  	v20 =	vadd.f32 v23, v8;
	v23 =	vadd.f32 v26, v10;
	v26 =	vmul.f32 s12, v0;
	v8 =	vmovc v19;
	v14 =	vld [tilespmem:s9+$0x9850];
	[tilespmem:s10+$0x18870] =	vst v15;
	(pc) =	sbr.rel @p0 .LBB2_8-.Ltmp3, $4  }
0x161: {  	v28 =	vadd.f32 v9, v28;
	v10 =	vmovc v17;
	v22 =	vadd.f32 v22, v21;
	v15 =	vld [tilespmem:s9+$0x4860];
	v9 =	vmov v16  }
0x162: {  	s12 =	sshra.s32 s13, $0x2;
	v19 =	vadd.f32 v12, v30;
	v16 =	vld [tilespmem:s9+$0x9860];
	[tilespmem:s10+$0x18800] =	vst v20;
	v20 =	vadd.f32 v11, v29  }
0x163: {  	v21 =	vadd.f32 v24, v31;
	v17 =	vld [tilespmem:s12+$0xE800];
	v12 =	vadd.f32 v27, v18;
	[tilespmem:s10+$0x18810] =	vst v23;
	v11 =	vmov v22  }
0x164: {  	s13 =	sadd.s32 $0x200, s13;
	v22 =	vadd.f32 v25, v26;
	v18 =	vld [tilespmem:s12+$0x13800];
	[tilespmem:s10+$0x18820] =	vst v28  }
0x165: {  	v23 =	vld [tilespmem:s12+$0x4800];
	[tilespmem:s10+$0x18830] =	vst v20  }
0x166: {  	v20 =	vld [tilespmem:s12+$0x9800];
	[tilespmem:s10+$0x18840] =	vst v19  }
0x167: {  	v19 =	vld [tilespmem:s12+$0x4810];
	[tilespmem:s10+$0x18850] =	vst v21  }
0x168: {  	v21 =	vld [tilespmem:s9+$0x4870];
	[tilespmem:s10+$0x18860] =	vst v22;
	s25 =	spop (v2sf)  }
0x169: {  	v22 =	vld [tilespmem:s9+$0x9870];
	s13 =	spop (v2sf);
	v17 =	vmul.f32 v18, v17  }
0x16a: {  	v24 =	vld [tilespmem:s12+$0x9810];
	s10 =	sadd.f32 s13, s25  }
0x16b: {  	v25 =	vld [tilespmem:s12+$0x4820];
	s14 =	spop (v2sf);
	(v2sf) =	vpush v17, $0x0  }
0x16c: {  	v18 =	vld [tilespmem:s12+$0x9820];
	s10 =	sadd.f32 s10, s14;
	(v2sf) =	vpush v17, $0x1  }
0x16d: {  	v26 =	vld [tilespmem:s12+$0x4830]  }
0x16e: {  	v27 =	vld [tilespmem:s12+$0x9830];
	(v2sf) =	vpush v17, $0x2;
	v21 =	vadd.f32 v22, v21;
	v22 =	vmul.f32 s10, v7  }
0x16f: {  	v28 =	vld [tilespmem:s12+$0x4840]  }
0x170: {  	v29 =	vld [tilespmem:s12+$0x9840];
	v31 =	vmul.f32 s10, v5;
	v17 =	vadd.f32 v21, v22  }
0x171: {  	v30 =	vld [tilespmem:s12+$0x9850];
	v22 =	vmul.f32 s10, v6  }
0x172: {  	v21 =	vld [tilespmem:s12+$0x4850];
	v10 =	vadd.f32 v31, v10;
	[tilespmem:s9+$0x18870] =	vst v17;
	v17 =	vmul.f32 s10, v4  }
0x173: {  	v32 =	vmul.f32 s10, v3;
	v8 =	vadd.f32 v22, v8;
	v22 =	vld [tilespmem:s12+$0x4860]  }
0x174: {  	v50 =	vld [tilespmem:s12+$0x9860];
	[tilespmem:s9+$0x18810] =	vst v10;
	v9 =	vadd.f32 v9, v17;
	v17 =	vmul.f32 s10, v2  }
0x175: {  	v11 =	vadd.f32 v11, v32;
	[tilespmem:s9+$0x18800] =	vst v8;
	v8 =	vadd.f32 v14, v13;
	v13 =	vmul.f32 s10, v1  }
0x176: {  	v10 =	vadd.f32 v12, v17;
	[tilespmem:s9+$0x18820] =	vst v9;
	v9 =	vadd.f32 v16, v15;
	v12 =	vmul.f32 s10, v0  }
0x177: {  	[tilespmem:s9+$0x18830] =	vst v11;
	v8 =	vadd.f32 v8, v13  }
0x178: {  	[tilespmem:s9+$0x18840] =	vst v10;
	v9 =	vadd.f32 v9, v12  }
0x179: {  	[tilespmem:s9+$0x18850] =	vst v8  }
0x17a: {  	v8 =	vld [tilespmem:s12+$0x4870];
	s17 =	spop (v2sf);
	[tilespmem:s9+$0x18860] =	vst v9  }
0x17b: {  	v9 =	vld [tilespmem:s12+$0x9870];
	s23 =	spop (v2sf)  }
0x17c: {  	s9 =	sadd.f32 s23, s17  }
0x17d: {  	s25 =	spop (v2sf)  }
0x17e: {  	s9 =	sadd.f32 s9, s25;
	_ =	sdelay $0x1  }
0x17f: {  	v8 =	vadd.f32 v9, v8;
	v9 =	vmul.f32 s9, v7  }
0x180: {  	v10 =	vadd.f32 v20, v23;
	v11 =	vmul.f32 s9, v6  }
0x181: {  	v12 =	vadd.f32 v24, v19;
	v13 =	vmul.f32 s9, v5;
	v8 =	vadd.f32 v8, v9  }
0x182: {  	v14 =	vmul.f32 s9, v4;
	v9 =	vadd.f32 v18, v25;
	v10 =	vadd.f32 v11, v10  }
0x183: {  	v15 =	vmul.f32 s9, v3;
	v11 =	vadd.f32 v27, v26;
	v12 =	vadd.f32 v13, v12;
	[tilespmem:s12+$0x18870] =	vst v8  }
0x184: {  	v13 =	vmul.f32 s9, v2;
	v8 =	vadd.f32 v29, v28;
	v9 =	vadd.f32 v9, v14;
	[tilespmem:s12+$0x18800] =	vst v10  }
0x185: {  	v10 =	vadd.f32 v30, v21;
	v14 =	vmul.f32 s9, v1;
	v11 =	vadd.f32 v11, v15;
	[tilespmem:s12+$0x18810] =	vst v12  }
0x186: {  	v12 =	vadd.f32 v50, v22;
	v15 =	vmul.f32 s9, v0;
	v8 =	vadd.f32 v8, v13;
	[tilespmem:s12+$0x18820] =	vst v9  }
0x187: {  	v9 =	vadd.f32 v10, v14;
	[tilespmem:s12+$0x18830] =	vst v11  }
0x188: {  	v10 =	vadd.f32 v12, v15;
	[tilespmem:s12+$0x18840] =	vst v8  }
0x189: {  	[tilespmem:s12+$0x18850] =	vst v9  }
0x18a: {  	s13 =	simm.s32 $0x0;
	s14 =	rddreg [dreg:$0x7];
	[tilespmem:s12+$0x18860] =	vst v10  }
0x18b: {  	[hbm4b:s14+s13] =	stream.linear.scatter [tilespmem:s31], [sflag:$0x3], $0x2800, $0x38;
	[tilespmem:$0x1B080] =	vst v63  }
0x18c: {  	_ =	swait.ge [sflag:s3], $0x2800  }
0x18d: {  	[sflag:s3] =	ssyncset.done $0x0  }
0x18e: {  	[sflag:s3] =	ssyncadd.s32 $0xFFFFD800  }
0x18f: {  	_ =	swait.ge [sflag:s3], $0x2800  }
0x190: {  	[sflag:s3] =	ssyncset.done $0x0  }
0x191: {  	[sflag:s3] =	ssyncadd.s32 $0xFFFFD800  }
0x192: {  	_ =	swait.ge [sflag:s3], $0x2800  }
0x193: {  	[sflag:s3] =	ssyncset.done $0x0  }
0x194: {  	[sflag:s3] =	ssyncadd.s32 $0xFFFFD800  }
0x195: {  	_ =	swait.ge [sflag:s3], $0x2800  }
0x196: {  	[sflag:s3] =	ssyncset.done $0x0  }
0x197: {  	[sflag:s3] =	ssyncadd.s32 $0xFFFFD800  }
0x198: {  	_ =	swait.ge [sflag:s0], $0x2800  }
0x199: {  	[sflag:s0] =	ssyncset.done $0x0  }
0x19a: {  	s10 =	simm.s32 $0x0;
	[sflag:s0] =	ssyncadd.s32 $0xFFFFD800  }
0x19b: {  	v8 =	vld [tilespmem:s10+$0x11000]  }
0x19c: {  	v9 =	vld [tilespmem:s10+$0x16000];
	_ =	sdelay $0x2  }
0x19d: {  	v10 =	vld [tilespmem:s10+$0x7000]  }
0x19e: {  	v11 =	vld [tilespmem:s10+$0xC000]  }
0x19f: {  	v12 =	vld [tilespmem:s10+$0x7010];
	v8 =	vmul.f32 v9, v8  }
0x1a0: {  	v13 =	vld [tilespmem:s10+$0x7020]  }
0x1a1: {  	v14 =	vld [tilespmem:s10+$0xC020];
	(v2sf) =	vpush v8, $0x0  }
0x1a2: {  	v15 =	vld [tilespmem:s10+$0x7030];
	(v2sf) =	vpush v8, $0x1  }
0x1a3: {  	v16 =	vld [tilespmem:s10+$0xC030]  }
0x1a4: {  	v17 =	vld [tilespmem:s10+$0xC040];
	(v2sf) =	vpush v8, $0x2  }
0x1a5: {  	v18 =	vld [tilespmem:s10+$0x7050]  }
0x1a6: {  	v19 =	vld [tilespmem:s10+$0xC050]  }
0x1a7: {  	v20 =	vld [tilespmem:s10+$0x7060]  }
0x1a8: {  	s9 =	simm.s32 $0x80;
	v21 =	vld [tilespmem:s10+$0xC060]  }
0x1a9: {  	v22 =	vld [tilespmem:s9+$0x11000]  }
0x1aa: {  	v23 =	vld [tilespmem:s9+$0x16000]  }
0x1ab: {  	v51 =	vld [tilespmem:s9+$0x7000]  }
0x1ac: {  	v52 =	vld [tilespmem:s9+$0xC000]  }
0x1ad: {  	v54 =	vld [tilespmem:s10+$0x7070]  }
0x1ae: {  	v55 =	vld [tilespmem:s10+$0xC070]  }
0x1af: {  	v59 =	vld [tilespmem:s9+$0x7030]  }
0x1b0: {  	v9 =	vld [tilespmem:s10+$0xC010];
	s17 =	spop (v2sf)  }
0x1b1: {  	v10 =	vadd.f32 v11, v10;
	v11 =	vld [tilespmem:s9+$0xC030];
	v34 =	vadd.f32 v16, v15;
	v16 =	vmul.f32 v23, v22;
	s23 =	spop (v2sf)  }
0x1b2: {  	v8 =	vld [tilespmem:s10+$0x7040];
	s12 =	sadd.f32 s23, s17  }
0x1b3: {  	v53 =	vld [tilespmem:s9+$0x7010];
	v33 =	vadd.f32 v14, v13;
	s25 =	spop (v2sf);
	(v2sf) =	vpush v16, $0x0  }
0x1b4: {  	v56 =	vld [tilespmem:s9+$0xC010];
	v22 =	vadd.f32 v19, v18;
	(v2sf) =	vpush v16, $0x1;
	s13 =	sadd.f32 s12, s25  }
0x1b5: {  	v57 =	vld [tilespmem:s9+$0x7020];
	v23 =	vadd.f32 v21, v20;
	v12 =	vadd.f32 v9, v12  }
0x1b6: {  	v58 =	vld [tilespmem:s9+$0xC020];
	v9 =	vadd.f32 v55, v54;
	(v2sf) =	vpush v16, $0x2;
	v60 =	vmul.f32 s13, v7  }
0x1b7: {  	v61 =	vld [tilespmem:s9+$0x7040];
	v11 =	vadd.f32 v11, v59;
	v36 =	vadd.f32 v17, v8  }
0x1b8: {  	v35 =	vld [tilespmem:s9+$0xC040];
	v15 =	vmul.f32 s13, v6;
	v17 =	vmul.f32 s13, v5;
	v9 =	vadd.f32 v9, v60  }
0x1b9: {  	v13 =	vld [tilespmem:s9+$0x7050];
	v8 =	vadd.f32 v52, v51;
	v19 =	vmul.f32 s13, v4;
	v20 =	vmul.f32 s13, v3  }
0x1ba: {  	v14 =	vld [tilespmem:s9+$0xC050];
	v21 =	vmul.f32 s13, v1;
	v18 =	vadd.f32 v15, v10;
	v10 =	vadd.f32 v56, v53;
	[tilespmem:s10+$0x18870] =	vst v9  }
0x1bb: {  	v62 =	vmul.f32 s13, v0;
	v12 =	vadd.f32 v17, v12;
	v63 =	vadd.f32 v33, v19;
	v15 =	vld [tilespmem:s9+$0x7060]  }
0x1bc: {  	s12 =	simm.s32 $0x100;
	v20 =	vadd.f32 v34, v20;
	v21 =	vadd.f32 v22, v21;
	v16 =	vld [tilespmem:s9+$0xC060];
	[tilespmem:s10+$0x18800] =	vst v18;
	v18 =	vmul.f32 s13, v2  }
0x1bd: {  	v22 =	vadd.f32 v23, v62;
	v9 =	vadd.f32 v58, v57;
	v17 =	vld [tilespmem:s12+$0x11000];
	[tilespmem:s10+$0x18810] =	vst v12  }
0x1be: {  	s13 =	simm.s32 $0x600;
	v12 =	vadd.f32 v35, v61;
	v19 =	vadd.f32 v36, v18;
	v18 =	vld [tilespmem:s12+$0x16000];
	[tilespmem:s10+$0x18820] =	vst v63  }
.LBB2_10:
0x1bf: {  	p0 =	sne.s32 s13, $0x9E00;
	v23 =	vld [tilespmem:s12+$0x7000];
	v24 =	vadd.f32 v14, v13;
	[tilespmem:s10+$0x18830] =	vst v20  }
0x1c0: {  	v13 =	vld [tilespmem:s12+$0xC000];
	[tilespmem:s10+$0x18840] =	vst v19  }
0x1c1: {  	v14 =	vld [tilespmem:s12+$0x7010];
	v25 =	vadd.f32 v16, v15;
	[tilespmem:s10+$0x18850] =	vst v21  }
0x1c2: {  	v15 =	vld [tilespmem:s9+$0x7070];
	s14 =	spop (v2sf);
	[tilespmem:s10+$0x18860] =	vst v22;
	s10 =	smov.u32 s9;
	s9 =	smov.u32 s12  }
0x1c3: {  	v16 =	vmul.f32 v18, v17;
	v17 =	vld [tilespmem:s10+$0xC070];
	s12 =	spop (v2sf)  }
0x1c4: {  	v18 =	vld [tilespmem:s9+$0xC010];
	s12 =	sadd.f32 s12, s14  }
0x1c5: {  	v19 =	vadd.f32 v13, v23;
	v13 =	vld [tilespmem:s9+$0x7020];
	(v2sf) =	vpush v16, $0x0;
	s14 =	spop (v2sf)  }
0x1c6: {  	v20 =	vld [tilespmem:s9+$0xC020];
	(v2sf) =	vpush v16, $0x1;
	s12 =	sadd.f32 s12, s14  }
0x1c7: {  	v21 =	vld [tilespmem:s9+$0x7030]  }
0x1c8: {  	v22 =	vld [tilespmem:s9+$0xC030];
	(v2sf) =	vpush v16, $0x2;
	v15 =	vadd.f32 v17, v15;
	v16 =	vmul.f32 s12, v7  }
0x1c9: {  	v23 =	vmul.f32 s12, v6;
	v26 =	vmul.f32 s12, v5;
	v17 =	vadd.f32 v18, v14;
	v18 =	vld [tilespmem:s9+$0x7040]  }
0x1ca: {  	v28 =	vmul.f32 s12, v4;
	v29 =	vmul.f32 s12, v3;
	v27 =	vld [tilespmem:s9+$0xC040];
	v15 =	vadd.f32 v15, v16  }
0x1cb: {  	v30 =	vmul.f32 s12, v2;
	v31 =	vmul.f32 s12, v1;
	v16 =	vadd.f32 v20, v13;
	v13 =	vld [tilespmem:s9+$0x7050]  }
.Ltmp4:
0x1cc: {  	v20 =	vadd.f32 v23, v8;
	v23 =	vadd.f32 v26, v10;
	v26 =	vmul.f32 s12, v0;
	v8 =	vmovc v19;
	v14 =	vld [tilespmem:s9+$0xC050];
	[tilespmem:s10+$0x18870] =	vst v15;
	(pc) =	sbr.rel @p0 .LBB2_10-.Ltmp4, $4  }
0x1cd: {  	v28 =	vadd.f32 v9, v28;
	v10 =	vmovc v17;
	v22 =	vadd.f32 v22, v21;
	v15 =	vld [tilespmem:s9+$0x7060];
	v9 =	vmov v16  }
0x1ce: {  	s12 =	sshra.s32 s13, $0x2;
	v19 =	vadd.f32 v12, v30;
	v16 =	vld [tilespmem:s9+$0xC060];
	[tilespmem:s10+$0x18800] =	vst v20;
	v20 =	vadd.f32 v11, v29  }
0x1cf: {  	v21 =	vadd.f32 v24, v31;
	v17 =	vld [tilespmem:s12+$0x11000];
	v12 =	vadd.f32 v27, v18;
	[tilespmem:s10+$0x18810] =	vst v23;
	v11 =	vmov v22  }
0x1d0: {  	s13 =	sadd.s32 $0x200, s13;
	v22 =	vadd.f32 v25, v26;
	v18 =	vld [tilespmem:s12+$0x16000];
	[tilespmem:s10+$0x18820] =	vst v28  }
0x1d1: {  	v23 =	vld [tilespmem:s12+$0x7000];
	[tilespmem:s10+$0x18830] =	vst v20  }
0x1d2: {  	v20 =	vld [tilespmem:s12+$0xC000];
	[tilespmem:s10+$0x18840] =	vst v19  }
0x1d3: {  	v19 =	vld [tilespmem:s12+$0x7010];
	[tilespmem:s10+$0x18850] =	vst v21  }
0x1d4: {  	v21 =	vld [tilespmem:s9+$0x7070];
	[tilespmem:s10+$0x18860] =	vst v22;
	s23 =	spop (v2sf)  }
0x1d5: {  	v22 =	vld [tilespmem:s9+$0xC070];
	s13 =	spop (v2sf);
	v17 =	vmul.f32 v18, v17  }
0x1d6: {  	v24 =	vld [tilespmem:s12+$0xC010];
	s10 =	sadd.f32 s13, s23  }
0x1d7: {  	v25 =	vld [tilespmem:s12+$0x7020];
	s25 =	spop (v2sf);
	(v2sf) =	vpush v17, $0x0  }
0x1d8: {  	v63 =	vld [tilespmem:s12+$0xC020];
	s10 =	sadd.f32 s10, s25;
	(v2sf) =	vpush v17, $0x1  }
0x1d9: {  	v26 =	vld [tilespmem:s12+$0x7030]  }
0x1da: {  	v27 =	vld [tilespmem:s12+$0xC030];
	(v2sf) =	vpush v17, $0x2;
	v21 =	vadd.f32 v22, v21;
	v35 =	vmul.f32 s10, v7  }
0x1db: {  	v28 =	vld [tilespmem:s12+$0x7040]  }
0x1dc: {  	v29 =	vld [tilespmem:s12+$0xC040];
	v38 =	vmul.f32 s10, v6;
	v36 =	vadd.f32 v21, v35  }
0x1dd: {  	v37 =	vld [tilespmem:s12+$0x7050];
	v31 =	vmul.f32 s10, v5  }
0x1de: {  	v30 =	vld [tilespmem:s12+$0xC050];
	v39 =	vmul.f32 s10, v4;
	v8 =	vadd.f32 v38, v8;
	[tilespmem:s9+$0x18870] =	vst v36  }
0x1df: {  	v32 =	vmul.f32 s10, v3;
	v10 =	vadd.f32 v31, v10;
	v40 =	vld [tilespmem:s12+$0x7060]  }
0x1e0: {  	v13 =	vadd.f32 v14, v13;
	v43 =	vmul.f32 s10, v1;
	v9 =	vadd.f32 v9, v39;
	v41 =	vld [tilespmem:s12+$0xC060];
	[tilespmem:s9+$0x18800] =	vst v8  }
0x1e1: {  	v42 =	vmul.f32 s10, v2;
	v11 =	vadd.f32 v11, v32;
	[tilespmem:s9+$0x18810] =	vst v10  }
0x1e2: {  	v44 =	vadd.f32 v16, v15;
	v45 =	vmul.f32 s10, v0;
	v46 =	vadd.f32 v13, v43;
	[tilespmem:s9+$0x18820] =	vst v9  }
0x1e3: {  	v8 =	vadd.f32 v12, v42;
	[tilespmem:s9+$0x18830] =	vst v11  }
0x1e4: {  	v47 =	vadd.f32 v44, v45;
	[tilespmem:s9+$0x18850] =	vst v46  }
0x1e5: {  	[tilespmem:s9+$0x18840] =	vst v8  }
0x1e6: {  	v48 =	vld [tilespmem:s12+$0x7070];
	[tilespmem:s9+$0x18860] =	vst v47;
	s13 =	spop (v2sf)  }
0x1e7: {  	v8 =	vld [tilespmem:s12+$0xC070];
	s14 =	spop (v2sf)  }
0x1e8: {  	s9 =	sadd.f32 s14, s13  }
0x1e9: {  	s17 =	spop (v2sf)  }
0x1ea: {  	s9 =	sadd.f32 s9, s17;
	_ =	sdelay $0x1  }
0x1eb: {  	v8 =	vadd.f32 v8, v48;
	v49 =	vmul.f32 s9, v7  }
0x1ec: {  	v50 =	vadd.f32 v20, v23;
	v51 =	vmul.f32 s9, v6  }
0x1ed: {  	v52 =	vadd.f32 v24, v19;
	v53 =	vmul.f32 s9, v5;
	v7 =	vadd.f32 v8, v49  }
0x1ee: {  	v54 =	vadd.f32 v63, v25;
	v55 =	vmul.f32 s9, v4;
	v6 =	vadd.f32 v51, v50  }
0x1ef: {  	v56 =	vadd.f32 v27, v26;
	v57 =	vmul.f32 s9, v3;
	v5 =	vadd.f32 v53, v52;
	[tilespmem:s12+$0x18870] =	vst v7  }
0x1f0: {  	v58 =	vadd.f32 v29, v28;
	v59 =	vmul.f32 s9, v2;
	v4 =	vadd.f32 v54, v55;
	[tilespmem:s12+$0x18800] =	vst v6  }
0x1f1: {  	v60 =	vadd.f32 v30, v37;
	v61 =	vmul.f32 s9, v1;
	v3 =	vadd.f32 v56, v57;
	[tilespmem:s12+$0x18810] =	vst v5  }
0x1f2: {  	v62 =	vadd.f32 v41, v40;
	v63 =	vmul.f32 s9, v0;
	v2 =	vadd.f32 v58, v59;
	[tilespmem:s12+$0x18820] =	vst v4  }
0x1f3: {  	v1 =	vadd.f32 v60, v61;
	[tilespmem:s12+$0x18830] =	vst v3  }
0x1f4: {  	v0 =	vadd.f32 v62, v63;
	[tilespmem:s12+$0x18840] =	vst v2  }
0x1f5: {  	[tilespmem:s12+$0x18850] =	vst v1  }
0x1f6: {  	s23 =	rddreg [dreg:$0x8];
	[tilespmem:s12+$0x18860] =	vst v0  }
0x1f7: {  	[hbm4b:s23+s5] =	stream.linear.scatter [tilespmem:s31], [sflag:$0x3], $0x2800, $0x38;
	[tilespmem:$0x1B080] =	vst v63  }
0x1f8: {  	_ =	swait.ge [sflag:s0], $0x2800  }
0x1f9: {  	s4 =	sadd.s32 $0x1, s4;
	s25 =	rddreg [dreg:$0x9]  }
0x1fa: {  	p0 =	sne.s32 s4, s25  }
.Ltmp5:
0x1fb: {  	_ = 	snop;
	(pc) =	sbr.rel @p0 .LBB2_1-.Ltmp5, $3  }
0x1fc: {  	_ =	sdelay $0x1  }
0x1fd: {  	[sflag:s0] =	ssyncset.done $0x0  }
0x1fe: {  	[sflag:s0] =	ssyncadd.s32 $0xFFFFD800  }
0x1ff: {  	_ =	sfence.sel $0x180000  }
0x200: {  	[bflag:$0x0] =	sbarrier.arrive $0xFFFF  }
0x201: {  	_ =	strace $0x9000004A  }
0x202: {  	s0 =	stileid.u32;
	[bflag:$0x2] =	sbarrier.arrive $0xFFFF  }
0x203: {  	p0 =	sne.s32 s0, $0x0;
	s0 =	rddreg [dreg:$0x4]  }
0x204: {  	s0 =	sadd.s32 @!p0 $0x100000, s0  }
0x205: {  	[sflag:s0] =	ssyncadd.tile.s32 @!p0 $0x1;
	_ =	shalt  }
.Lfunc_end2:
_tile_overlayer_lowered:
.L_overlay_start_2:
0x206: {  	(tag) =	ssettag $0x2  }
0x207: {  	s0 =	rddreg [dreg:$0x0];
	s2 =	stileid.u32  }
0x208: {  	s1 =	rddreg [dreg:$0x1];
	p0 =	sne.s32 s2, $0x0  }
0x209: {  	s3 =	rddreg [dreg:$0x2];
	[bflag:$0x3] =	sbarrier.arrive $0xFFFF;
	s2 =	simm.s32 @!p0 $0x1C04  }
0x20a: {  	[timem:s3], [sflag:s2] =	dma.local @!p0 [hbm:s0], s1  }
0x20b: {  	s0 =	simm.s32 @!p0 $0x4  }
0x20c: {  	_ =	swait.ge @!p0 [sflag:s0], s1  }
0x20d: {  	s1 =	ssub.s32 @!p0 $0x0, s1;
	[sflag:s0] =	ssyncset.done @!p0 $0x0  }
0x20e: {  	[sflag:s0] =	ssyncadd.s32 @!p0 s1  }
0x20f: {  	[bflag:$0x3] =	sbarrier.arrive $0xFFFF  }
0x210: {  	_ =	shalt  }

// kernel: kernel.16.cloned.1.call-start
scs
__scs_entry_jumppad:
0x0: {  	(pc) =	sbr.rel $0x88, $3  }
0x1: {  	(tag) =	ssettag $0x0;
	lr =	simm.s32 $0x1  }
0x2: {  	[smem:$0x3F95] =	sst lr;
	_ =	strace $0xD0000000  }
0x3: {  	_ = 	snop  }
0x4: {  	_ = 	snop  }
0x5: {  	_ = 	snop  }
0x6: {  	_ = 	snop  }
0x7: {  	_ = 	snop  }
__scs_overlays_trampoline_lowered:
0x8: {  	[smem:$0x3FA4] =	sst s0  }
0x9: {  	[smem:$0x3FA5] =	sst s1  }
0xa: {  	[smem:$0x3FA6] =	sst s2  }
0xb: {  	[smem:$0x3FA7] =	sst s3  }
0xc: {  	[smem:$0x3FA8] =	sst s4  }
0xd: {  	[smem:$0x3FA9] =	sst s5  }
0xe: {  	[smem:$0x3FAA] =	sst s6  }
0xf: {  	[smem:$0x3FAB] =	sst s7  }
0x10: {  	[smem:$0x3FAC] =	sst s8  }
0x11: {  	[smem:$0x3FAD] =	sst s9;
	s0 =	simm.s32 @!p0 $0x0  }
0x12: {  	s1 =	sld [smem:$0x3F93];
	s0 =	simm.s32 @p0 $0x1  }
0x13: {  	[smem:$0x3FAE] =	sst s0;
	s0 =	simm.s32 @!p1 $0x0  }
0x14: {  	s2 =	sld [smem:$0x3F92];
	s0 =	simm.s32 @p1 $0x1  }
0x15: {  	[smem:$0x3FAF] =	sst s0;
	s0 =	simm.s32 @!p2 $0x0  }
0x16: {  	s3 =	sld [smem:$0x3FDB];
	s0 =	simm.s32 @p2 $0x1  }
0x17: {  	s4 =	simm.s32 $0x1BF5;
	[smem:$0x3FB1] =	sst s0  }
0x18: {  	s0 =	sld [smem:$0x3F94];
	_ =	swait.ge [sflag:s4], $0x0  }
0x19: {  	s7 =	sld [smem:$0x3F95]  }
0x1a: {  	s8 =	sadd.s32 $0xFFFFE003, lr  }
0x1b: {  	s9 =	sadd.s32 $0xFFFFFEF7, lr;
	s5 =	simm.s32 $0xFFFFFFFF;
	p2 =	slt.u32 s8, $0xFFFFF086  }
0x1c: {  	p1 =	slt.u32 s9, $0xF7A;
	s5 =	simm.s32 @!p2 $0x0  }
0x1d: {  	s5 =	simm.s32 @p1 $0x1;
	p0 =	seq.s32 s7, s2  }
0x1e: {  	s7 =	smul.u32 @!p0 $0xF7A, s2;
	p2 =	seq.s32 @!p0 s5, $0x0  }
0x1f: {  	s9 =	smul.u32 $0xF7A, s1;
	s8 =	simm.s32 @!p0 $0x1BF5;
	p2 =	por !p2, p0  }
0x20: {  	[sflag:s8] =	ssyncset.s32 @!p0 $0xFFFFF086;
	s6 =	sadd.s32 @!p0 s3, s7;
	s7 =	simm.s32 @!p0 $0x108  }
0x21: {  	s3 =	sadd.s32 s3, s9;
	s6 =	sadd.s32 @!p0 $0x88, s6;
	s7 =	simm.s32 @p2 $0x1082  }
0x22: {  	[simem:s7], [sflag:s8] =	dma.local @!p0 [hbm:s6], $0xF7A  }
0x23: {  	s9 =	sor.u32 $0xD0000000, s2;
	s6 =	simm.s32 $0x108;
	_ =	swait.ge @!p0 [sflag:s8], $0x0  }
0x24: {  	s3 =	sadd.s32 $0x88, s3;
	s6 =	simm.s32 @!p1 $0x1082;
	[sflag:s4] =	ssyncset.s32 $0xFFFFF086  }
0x25: {  	[simem:s6], [sflag:s4] =	dma.local [hbm:s3], $0xF7A  }
0x26: {  	[smem:$0x3F95] =	sst s1;
	(tag) =	ssettag s2;
	_ =	strace s9  }
0x27: {  	s1 =	sld [smem:$0x3FA5]  }
0x28: {  	s2 =	sld [smem:$0x3FA6]  }
0x29: {  	s4 =	sld [smem:$0x3FA8]  }
0x2a: {  	p0 =	seq.s32 s5, $0x0;
	s5 =	sld [smem:$0x3FA9]  }
0x2b: {  	s6 =	sld [smem:$0x3FAA]  }
0x2c: {  	s7 =	sld [smem:$0x3FAB]  }
0x2d: {  	s3 =	simm.s32 $0x108;
	s8 =	sld [smem:$0x3FAC]  }
0x2e: {  	s3 =	simm.s32 @!p0 $0x1082;
	s9 =	sld [smem:$0x3FAD]  }
0x2f: {  	lr =	sadd.s32 s0, s3;
	s0 =	sld [smem:$0x3FA4]  }
0x30: {  	s3 =	sld [smem:$0x3FA7]  }
0x31: {  	[smem:$0x3FB0] =	sst s10  }
0x32: {  	s10 =	sld [smem:$0x3FAE];
	_ =	sdelay $0x3  }
0x33: {  	p0 =	seq.s32 s10, $0x1;
	s10 =	sld [smem:$0x3FB0];
	_ =	sdelay $0x3  }
0x34: {  	[smem:$0x3FB0] =	sst s10  }
0x35: {  	s10 =	sld [smem:$0x3FAF];
	_ =	sdelay $0x3  }
0x36: {  	p1 =	seq.s32 s10, $0x1;
	s10 =	sld [smem:$0x3FB0];
	_ =	sdelay $0x3  }
0x37: {  	[smem:$0x3FB0] =	sst s10  }
0x38: {  	s10 =	sld [smem:$0x3FB1]  }
0x39: {  	_ = 	snop;
	(pc) =	sbr.ind lr, $3  }
0x3a: {  	_ = 	snop  }
0x3b: {  	_ = 	snop  }
0x3c: {  	p2 =	seq.s32 s10, $0x1;
	s10 =	sld [smem:$0x3FB0]  }
0x3d: {  	_ =	shalt  }
0x3e: {  	_ =	shalt  }
0x3f: {  	_ =	shalt  }
0x40: {  	_ =	shalt  }
0x41: {  	_ =	shalt  }
0x42: {  	_ =	shalt  }
0x43: {  	_ =	shalt  }
0x44: {  	_ =	shalt  }
0x45: {  	_ =	shalt  }
0x46: {  	_ =	shalt  }
0x47: {  	_ =	shalt  }
0x48: {  	_ =	shalt  }
0x49: {  	_ =	shalt  }
0x4a: {  	_ =	shalt  }
0x4b: {  	_ =	shalt  }
0x4c: {  	_ =	shalt  }
0x4d: {  	_ =	shalt  }
0x4e: {  	_ =	shalt  }
0x4f: {  	_ =	shalt  }
0x50: {  	_ =	shalt  }
0x51: {  	_ =	shalt  }
0x52: {  	_ =	shalt  }
0x53: {  	_ =	shalt  }
0x54: {  	_ =	shalt  }
0x55: {  	_ =	shalt  }
0x56: {  	_ =	shalt  }
0x57: {  	_ =	shalt  }
0x58: {  	_ =	shalt  }
0x59: {  	_ =	shalt  }
0x5a: {  	_ =	shalt  }
0x5b: {  	_ =	shalt  }
0x5c: {  	_ =	shalt  }
0x5d: {  	_ =	shalt  }
0x5e: {  	_ =	shalt  }
0x5f: {  	_ =	shalt  }
0x60: {  	_ =	shalt  }
0x61: {  	_ =	shalt  }
0x62: {  	_ =	shalt  }
0x63: {  	_ =	shalt  }
0x64: {  	_ =	shalt  }
0x65: {  	_ =	shalt  }
0x66: {  	_ =	shalt  }
0x67: {  	_ =	shalt  }
0x68: {  	_ =	shalt  }
0x69: {  	_ =	shalt  }
0x6a: {  	_ =	shalt  }
0x6b: {  	_ =	shalt  }
0x6c: {  	_ =	shalt  }
0x6d: {  	_ =	shalt  }
0x6e: {  	_ =	shalt  }
0x6f: {  	_ =	shalt  }
0x70: {  	_ =	shalt  }
0x71: {  	_ =	shalt  }
0x72: {  	_ =	shalt  }
0x73: {  	_ =	shalt  }
0x74: {  	_ =	shalt  }
0x75: {  	_ =	shalt  }
0x76: {  	_ =	shalt  }
0x77: {  	_ =	shalt  }
0x78: {  	_ =	shalt  }
0x79: {  	_ =	shalt  }
0x7a: {  	_ =	shalt  }
0x7b: {  	_ =	shalt  }
0x7c: {  	_ =	shalt  }
0x7d: {  	_ =	shalt  }
0x7e: {  	_ =	shalt  }
0x7f: {  	_ =	shalt  }
0x80: {  	_ =	shalt  }
0x81: {  	_ =	shalt  }
0x82: {  	_ =	shalt  }
0x83: {  	_ =	shalt  }
0x84: {  	_ =	shalt  }
0x85: {  	_ =	shalt  }
0x86: {  	_ =	shalt  }
0x87: {  	_ =	shalt  }
.Lfunc_end0:
.L_simem_size_0:
called_computation.2_lowered:
.L_overlay_start_0:
0x88: {  	s2 =	sld [smem:$0x3FD9]  }
0x89: {  	s3 =	sld [smem:$0x3FFE];
	_ =	sdelay $0x1  }
0x8a: {  	s1 =	srdreg.scid  }
0x8b: {  	s0 =	sand.u32 $0x1, s1  }
0x8c: {  	s17 =	sshll.u32 s0, $0xA;
	s2 =	sadd.s32 s3, s2  }
0x8d: {  	s2 =	sadd.s32 s2, s17  }
0x8e: {  	[smem:$0x3FBC] =	sst s2  }
0x8f: {  	_ = 	snop  }
0x90: {  	(tm) =	ssettm $0x1  }
0x91: {  	s18 =	sld [smem:$0x3FFB];
	_ =	sdelay $0x3  }
0x92: {  	_ =	strace s18  }
0x93: {  	s2 =	sld [smem:$0x3FFC];
	_ =	sdelay $0x3  }
0x94: {  	_ =	strace s2  }
0x95: {  	s2 =	sld [smem:$0x3FFD];
	_ =	sdelay $0x3  }
0x96: {  	_ =	strace s2  }
0x97: {  	_ =	strace $0x8FFFFFFF  }
0x98: {  	s19 =	sld [smem:$0x3FDB];
	_ =	sdelay $0x1  }
0x99: {  	s20 =	simm.s32 $_scs_section_size  }
0x9a: {  	s4 =	simm.s32 $_size__tile_overlayer_lowered;
	s5 =	simm.s32 $_tile_overlayer_lowered  }
0x9b: {  	s6 =	simm.s32 $0x1BFF;
	s21 =	sshll.u32 s5, $0x1;
	s3 =	sadd.s32 s20, s19  }
0x9c: {  	s22 =	simm.s32 $0x0;
	s4 =	sshll.u32 s4, $0x1;
	s5 =	sadd.s32 s21, s3  }
0x9d: {  	[timem:s22], [sflag:s6] =	dma.local [hbm:s5], s4  }
0x9e: {  	_ =	swait.ge [sflag:s6], s4  }
0x9f: {  	s4 =	ssub.s32 $0x0, s4;
	[sflag:s6] =	ssyncset.done $0x0  }
0xa0: {  	[sflag:s6] =	ssyncadd.s32 s4;
	_ =	sdelay $0x1  }
0xa1: {  	s23 =	simm.s32 $0x1B8B  }
0xa2: {  	_ =	swait.ge [sflag:s23], $0x1  }
0xa3: {  	[sflag:s23] =	ssyncset.done $0x0  }
0xa4: {  	[sflag:s23] =	ssyncadd.s32 $0xFFFFFFFF  }
0xa5: {  	s4 =	sld [smem:$0x0]  }
0xa6: {  	s5 =	sand.u32 $0xFFFFFFFE, s1  }
0xa7: {  	p0 =	sne.s32 s1, s5  }
0xa8: {  	s5 =	sshll.u32 @p0 s5, $0xE  }
0xa9: {  	s5 =	sadd.s32 @p0 $0x11B8D, s5;
	s6 =	sshll.u32 @p0 s4, $0x11  }
0xaa: {  	s5 =	sor.u32 @p0 s6, s5  }
0xab: {  	[sflag:s5] =	ssyncadd.remote.s32 @p0 $0x1;
	_ =	sdelay $0x1  }
0xac: {  	s5 =	simm.s32 @p0 $0x1B8D  }
0xad: {  	_ =	swait.eq @p0 [sflag:s5], $0x1  }
0xae: {  	[sflag:s5] =	ssyncadd.s32 @p0 $0xFFFFFFFF  }
0xaf: {  	s6 =	sshll.u32 @!p0 s1, $0xE  }
0xb0: {  	s6 =	sor.u32 @!p0 $0x4000, s6;
	s5 =	simm.s32 @!p0 $0x1B8D  }
0xb1: {  	s4 =	sshll.u32 @!p0 s4, $0x11;
	s6 =	sadd.s32 @!p0 $0x11B8D, s6;
	_ =	swait.eq @!p0 [sflag:s5], $0x1  }
0xb2: {  	s4 =	sor.u32 @!p0 s4, s6;
	[sflag:s5] =	ssyncadd.s32 @!p0 $0xFFFFFFFF  }
0xb3: {  	s25 =	simm.s32 $0x1B8E;
	s24 =	sld [smem:$0x3FFE];
	[sflag:s4] =	ssyncadd.remote.s32 @!p0 $0x1  }
0xb4: {  	s26 =	simm.s32 $execute0_lowered;
	[smem:$0x3FD2] =	sst s25  }
0xb5: {  	s5 =	sshll.u32 s26, $0x1;
	_ =	strace $0x8000004C;
	[dreg:$0x1] =	wrdreg $0xFFFFFFFF  }
0xb6: {  	s28 =	simm.s32 $_size_execute0_lowered;
	s3 =	sadd.s32 s3, s5;
	[dreg:$0x0] =	wrdreg $0x0  }
0xb7: {  	s5 =	sshll.u32 s28, $0x1;
	[dreg:$0x2] =	wrdreg s3  }
0xb8: {  	[dreg:$0x3] =	wrdreg s5  }
0xb9: {  	[dreg:$0x4] =	wrdreg $0xC0  }
0xba: {  	_ =	task [dreg:s22], $0x5FFFF  }
0xbb: {  	[dreg:$0x1] =	wrdreg $0xFFFFFFFF  }
0xbc: {  	[dreg:$0x0] =	wrdreg $0x60  }
0xbd: {  	[dreg:$0x2] =	wrdreg s24  }
0xbe: {  	[dreg:$0x3] =	wrdreg $0x0  }
0xbf: {  	[dreg:$0x4] =	wrdreg $0xA  }
0xc0: {  	_ =	task.clear_ibuf [dreg:s22], $0x5FFFF;
	_ =	strace $0x9000004C  }
0xc1: {  	s29 =	simm.s32 $0xA;
	_ =	strace $0x8000004E  }
0xc2: {  	_ =	swait.ge [sflag:s29], $0x1  }
0xc3: {  	[sflag:s29] =	ssyncadd.s32 $0xFFFFFFFF  }
0xc4: {  	_ =	strace $0x9000004E  }
0xc5: {  	_ =	sfence  }
0xc6: {  	s30 =	sld [smem:$0x0];
	_ =	sdelay $0x2  }
0xc7: {  	s31 =	sshll.u32 s1, $0xD;
	s1 =	sshrl.u32 s1, $0x2  }
0xc8: {  	s4 =	sand.u32 $0x4000, s31;
	s1 =	sadd.s32 s1, s30  }
0xc9: {  	s0 =	sor.u32 s4, s0;
	s1 =	sshll.u32 s1, $0x11  }
0xca: {  	s0 =	sor.u32 s1, s0  }
0xcb: {  	s0 =	sadd.s32 $0x8F2B, s0  }
0xcc: {  	[sflag:s0] =	ssyncadd.remote.s32 $0x1  }
0xcd: {  	_ =	sfence.sel $0xFFFF  }
0xce: {  	[dreg:$0x0] =	wrdreg $0xFFFFFFFF;
	(pc) =	sbr.abs _section_cstart, $3  }
0xcf: {  	[dreg:$0x1] =	wrdreg $0xFFFFFFFF  }
0xd0: {  	_ =	task.clear_ibuf [dreg:s22], $0x2FFFF;
	_ =	strace $0x9FFFFFFF  }
0xd1: {  	(tm) =	ssettm $0x7FFFFFFF  }
tec
execute0_lowered:
.L_overlay_start_1:
0x0: {  	(tag) =	ssettag $0x1  }
0x1: {  	s1 =	srdreg.scid  }
0x2: {  	s0 =	stileid.u32;
	s4 =	rddreg [dreg:$0x0]  }
0x3: {  	s2 =	rddreg [dreg:$0x1];
	s3 =	simm.s32 $0x0;
	s14 =	simm.s32 $0x13C00  }
0x4: {  	s15 =	simm.s32 $0x15800;
	s16 =	simm.s32 $0x18000;
	s17 =	simm.s32 $0x1  }
0x5: {  	s18 =	simm.s32 $0x50;
	s19 =	simm.s32 $0x2;
	s9 =	smul.u32 $0x2780, s0  }
0x6: {  	s20 =	simm.s32 $0x15600;
	s21 =	simm.s32 $0x15680;
	s24 =	smul.u32 $0x4F000, s0  }
0x7: {  	s22 =	simm.s32 $0x15700;
	s6 =	sand.u32 $0x1, s1;
	s28 =	smul.u32 $0x22600, s0  }
0x8: {  	s23 =	sshll.u32 s0, $0x1;
	[smem:$0x7FF] =	sst s3;
	s8 =	smul.u32 $0x27800, s6  }
0x9: {  	s10 =	sadd.s32 $0x52CA00, s4;
	s5 =	sor.u32 s6, s23;
	s30 =	smul.u32 $0x11300, s6  }
0xa: {  	s1 =	rddreg [dreg:$0x2];
	_ =	strace $0x8000004D;
	s7 =	smul.u32 $0x380, s5  }
0xb: {  	s25 =	ssub.s32 $0x2, s6;
	s23 =	simm.s32 $0x0;
	s26 =	smul.u32 $0x11300, s5  }
0xc: {  	s12 =	sshrl.u32 s25, $0x1;
	s13 =	smul.u32 $0x89800, s5;
	s8 =	sadd.s32 s9, s8  }
0xd: {  	s9 =	sshrl.u32 s24, $0x2;
	s12 =	ssub.s32 s25, s12;
	s7 =	sadd.s32 s7, s4  }
0xe: {  	s11 =	sadd.s32 s8, s4;
	s4 =	sadd.s32 s9, s2;
	s29 =	sshrl.u32 s13, $0x3  }
0xf: {  	s6 =	sadd.s32 s10, s26;
	s9 =	sadd.s32 s28, s10;
	s5 =	sadd.s32 $0x3800, s7  }
0x10: {  	s31 =	sadd.s32 s10, s29;
	s13 =	sadd.s32 s30, s9;
	s9 =	sadd.s32 $0x38A00, s11  }
0x11: {  	s10 =	smax.u32 s12, $0x1;
	s12 =	simm.s32 $0x1A800;
	s7 =	sadd.s32 $0x500, s31  }
0x12: {  	v0 =	vimm.f32 $0.0e+00;
	s8 =	sadd.s32 $0x10E00, s31;
	s11 =	sadd.s32 $0xF00, s13;
	s13 =	simm.s32 $0x3  }
.LBB2_1:
0x13: {  	[tilespmem:$0x1A800] =	vst v0  }
0x14: {  	[tilespmem:$0x1A810] =	vst v0  }
0x15: {  	[tilespmem:$0x1A820] =	vst v0  }
0x16: {  	[tilespmem:$0x1A830] =	vst v0  }
0x17: {  	[tilespmem:$0x1A840] =	vst v0  }
0x18: {  	[tilespmem:$0x1A850] =	vst v0  }
0x19: {  	[tilespmem:$0x1A860] =	vst v0  }
0x1a: {  	[tilespmem:$0x1A870] =	vst v0  }
0x1b: {  	[tilespmem:$0x1A880] =	vst v0  }
0x1c: {  	[tilespmem:$0x1A890] =	vst v0  }
0x1d: {  	[tilespmem:$0x1A8A0] =	vst v0  }
0x1e: {  	[tilespmem:$0x1A8B0] =	vst v0  }
0x1f: {  	[tilespmem:$0x1A8C0] =	vst v0  }
0x20: {  	[tilespmem:$0x1A8D0] =	vst v0  }
0x21: {  	[tilespmem:$0x1A8E0] =	vst v0  }
0x22: {  	[tilespmem:$0x1A8F0] =	vst v0  }
0x23: {  	[tilespmem:$0x1A900] =	vst v0  }
0x24: {  	[tilespmem:$0x1A910] =	vst v0  }
0x25: {  	[tilespmem:$0x1A920] =	vst v0  }
0x26: {  	[tilespmem:$0x1A930] =	vst v0  }
0x27: {  	[tilespmem:$0x1A940] =	vst v0  }
0x28: {  	[tilespmem:$0x1A950] =	vst v0  }
0x29: {  	[tilespmem:$0x1A960] =	vst v0  }
0x2a: {  	[tilespmem:$0x1A970] =	vst v0  }
0x2b: {  	[tilespmem:$0x1A980] =	vst v0  }
0x2c: {  	[tilespmem:$0x1A990] =	vst v0  }
0x2d: {  	[tilespmem:$0x1A9A0] =	vst v0  }
0x2e: {  	[tilespmem:$0x1A9B0] =	vst v0  }
0x2f: {  	[tilespmem:$0x1A9C0] =	vst v0  }
0x30: {  	[tilespmem:$0x1A9D0] =	vst v0  }
0x31: {  	[tilespmem:$0x1A9E0] =	vst v0  }
0x32: {  	[tilespmem:$0x1A9F0] =	vst v0  }
0x33: {  	[tilespmem:$0x1AA00] =	vst v0  }
0x34: {  	[tilespmem:$0x1AA10] =	vst v0  }
0x35: {  	[tilespmem:$0x1AA20] =	vst v0  }
0x36: {  	[tilespmem:$0x1AA30] =	vst v0  }
0x37: {  	[tilespmem:$0x1AA40] =	vst v0  }
0x38: {  	[tilespmem:$0x1AA50] =	vst v0  }
0x39: {  	[tilespmem:$0x1AA60] =	vst v0  }
0x3a: {  	[tilespmem:$0x1AA70] =	vst v0  }
0x3b: {  	[tilespmem:$0x1AA80] =	vst v0  }
0x3c: {  	[tilespmem:$0x1AA90] =	vst v0  }
0x3d: {  	[tilespmem:$0x1AAA0] =	vst v0  }
0x3e: {  	[tilespmem:$0x1AAB0] =	vst v0  }
0x3f: {  	[tilespmem:$0x1AAC0] =	vst v0  }
0x40: {  	[tilespmem:$0x1AAD0] =	vst v0  }
0x41: {  	[tilespmem:$0x1AAE0] =	vst v0  }
0x42: {  	[tilespmem:$0x1AAF0] =	vst v0  }
0x43: {  	[tilespmem:$0x1AB00] =	vst v0  }
0x44: {  	[tilespmem:$0x1AB10] =	vst v0  }
0x45: {  	[tilespmem:$0x1AB20] =	vst v0  }
0x46: {  	[tilespmem:$0x1AB30] =	vst v0  }
0x47: {  	[tilespmem:$0x1AB40] =	vst v0  }
0x48: {  	[tilespmem:$0x1AB50] =	vst v0  }
0x49: {  	[tilespmem:$0x1AB60] =	vst v0  }
0x4a: {  	[tilespmem:$0x1AB70] =	vst v0  }
0x4b: {  	[tilespmem:$0x1AB80] =	vst v0  }
0x4c: {  	[tilespmem:$0x1AB90] =	vst v0  }
0x4d: {  	[tilespmem:$0x1ABA0] =	vst v0  }
0x4e: {  	[tilespmem:$0x1ABB0] =	vst v0  }
0x4f: {  	[tilespmem:$0x1ABC0] =	vst v0  }
0x50: {  	[tilespmem:$0x1ABD0] =	vst v0  }
0x51: {  	[tilespmem:$0x1ABE0] =	vst v0  }
0x52: {  	[tilespmem:$0x1ABF0] =	vst v0;
	s24 =	sadd.s32 $0x0, s4  }
0x53: {  	[spmem:s24] =	stream.linear.scatter [tilespmem:s12], [sflag:$0x3], $0x400, $0x38;
	[tilespmem:$0x1AC00] =	vst v63  }
0x54: {  	s24 =	simm.s32 $0x1000;
	_ =	swait.ge [sflag:s13], $0x400  }
.LBB2_2:
0x55: {  	s25 =	sshra.s32 s24, $0x2;
	[sflag:s13] =	ssyncset.done $0x0;
	p0 =	sne.s32 s24, $0x4E000  }
.Ltmp0:
0x56: {  	s25 =	sadd.s32 s25, s4;
	[sflag:s13] =	ssyncadd.s32 $0xFFFFFC00;
	(pc) =	sbr.rel @p0 .LBB2_2-.Ltmp0, $3  }
0x57: {  	[spmem:s25] =	stream.linear.scatter [tilespmem:s12], [sflag:$0x3], $0x400, $0x38;
	[tilespmem:$0x1AC00] =	vst v63  }
0x58: {  	s24 =	sadd.s32 $0x1000, s24;
	_ =	sdelay $0x1  }
0x59: {  	_ =	swait.ge [sflag:s13], $0x400  }
0x5a: {  	[sflag:s13] =	ssyncset.done $0x0  }
0x5b: {  	[sflag:s13] =	ssyncadd.s32 $0xFFFFFC00  }
0x5c: {  	s24 =	simm.s32 $0x0;
	[bflag:$0x0] =	sbarrier.arrive $0xFFFF  }
0x5d: {  	[tilespmem:s14], [sflag:$0x3] =	stream.linear.gather [hbm4b:s5+s24], $0x1B80, $0x38;
	[tilespmem:$0x1AC00] =	vst v63  }
0x5e: {  	_ =	swait.ge [sflag:s13], $0x1B80  }
0x5f: {  	[sflag:s13] =	ssyncset.done $0x0  }
0x60: {  	[sflag:s13] =	ssyncadd.s32 $0xFFFFE480  }
0x61: {  	[tilespmem:s15], [sflag:$0x1] =	stream.linear.gather [hbm4b:s6+s24], $0x2800, $0x38;
	[tilespmem:$0x1AC00] =	vst v63  }
0x62: {  	_ = 	snop  }
0x63: {  	[tilespmem:s16], [sflag:$0x2] =	stream.linear.gather [hbm4b:s7+s24], $0x2800, $0x38;
	[tilespmem:$0x1AC00] =	vst v63  }
0x64: {  	_ =	swait.ge [sflag:s17], $0x2800  }
0x65: {  	[sflag:s17] =	ssyncset.done $0x0  }
0x66: {  	s29 =	simm.s32 $0x13C00;
	[sflag:s17] =	ssyncadd.s32 $0xFFFFD800  }
0x67: {  	[spmem:s2] =	stream.indirect.scatter.add.f32 [tilespmem:s15], [sflag:$0x3], $0x80, s29, s18, $0xb8;
	[tilespmem:$0x1AC00] =	vst v63  }
0x68: {  	_ =	swait.ge [sflag:s13], $0x2800  }
0x69: {  	[sflag:s13] =	ssyncset.done $0x0  }
0x6a: {  	s30 =	sadd.s32 $0xFFFFFB00, s11;
	[sflag:s13] =	ssyncadd.s32 $0xFFFFD800  }
0x6b: {  	[tilespmem:s15], [sflag:$0x1] =	stream.linear.gather [hbm4b:s30+s3], $0x2800, $0x38;
	[tilespmem:$0x1AC00] =	vst v63  }
0x6c: {  	_ =	swait.ge [sflag:s19], $0x2800  }
0x6d: {  	[sflag:s19] =	ssyncset.done $0x0  }
0x6e: {  	s31 =	simm.s32 $0x13C80;
	[sflag:s19] =	ssyncadd.s32 $0xFFFFD800  }
0x6f: {  	[spmem:s2] =	stream.indirect.scatter.add.f32 [tilespmem:s16], [sflag:$0x3], $0x80, s31, s18, $0xb8;
	[tilespmem:$0x1AC00] =	vst v63  }
0x70: {  	_ =	swait.ge [sflag:s13], $0x2800  }
0x71: {  	s25 =	sadd.s32 $0xA00, s11;
	[sflag:s13] =	ssyncset.done $0x0  }
0x72: {  	s26 =	smov.u32 s11;
	s24 =	simm.s32 $0x400;
	[sflag:s13] =	ssyncadd.s32 $0xFFFFD800  }
.LBB2_4:
0x73: {  	[tilespmem:s16], [sflag:$0x2] =	stream.linear.gather [hbm4b:s26+s3], $0x2800, $0x38;
	[tilespmem:$0x1AC00] =	vst v63  }
0x74: {  	s28 =	smov.u32 s24;
	s26 =	smov.u32 s25  }
0x75: {  	p0 =	sne.s32 s24, $0x6400;
	s24 =	sadd.s32 $0x400, s24;
	_ =	swait.ge [sflag:s17], $0x2800  }
0x76: {  	s28 =	sshra.s32 s28, $0x2;
	[sflag:s17] =	ssyncset.done $0x0  }
0x77: {  	s29 =	sadd.s32 $0x13C00, s28;
	[sflag:s17] =	ssyncadd.s32 $0xFFFFD800  }
0x78: {  	[spmem:s2] =	stream.indirect.scatter.add.f32 [tilespmem:s15], [sflag:$0x3], $0x80, s29, s18, $0xb8;
	[tilespmem:$0x1AC00] =	vst v63  }
0x79: {  	_ =	swait.ge [sflag:s13], $0x2800  }
0x7a: {  	[sflag:s13] =	ssyncset.done $0x0  }
0x7b: {  	s29 =	sadd.s32 $0xFFFFFB00, s25;
	[sflag:s13] =	ssyncadd.s32 $0xFFFFD800  }
0x7c: {  	[tilespmem:s15], [sflag:$0x1] =	stream.linear.gather [hbm4b:s29+s3], $0x2800, $0x38;
	[tilespmem:$0x1AC00] =	vst v63  }
0x7d: {  	_ =	swait.ge [sflag:s19], $0x2800  }
0x7e: {  	[sflag:s19] =	ssyncset.done $0x0  }
.Ltmp1:
0x7f: {  	s28 =	sadd.s32 $0x13C80, s28;
	[sflag:s19] =	ssyncadd.s32 $0xFFFFD800;
	(pc) =	sbr.rel @p0 .LBB2_4-.Ltmp1, $4  }
0x80: {  	[spmem:s2] =	stream.indirect.scatter.add.f32 [tilespmem:s16], [sflag:$0x3], $0x80, s28, s18, $0xb8;
	[tilespmem:$0x1AC00] =	vst v63  }
0x81: {  	_ =	swait.ge [sflag:s13], $0x2800  }
0x82: {  	[sflag:s13] =	ssyncset.done $0x0  }
0x83: {  	s25 =	sadd.s32 $0xA00, s25;
	[sflag:s13] =	ssyncadd.s32 $0xFFFFD800  }
0x84: {  	[tilespmem:s16], [sflag:$0x2] =	stream.linear.gather [hbm4b:s26+s3], $0x2800, $0x38;
	[tilespmem:$0x1AC00] =	vst v63  }
0x85: {  	_ =	swait.ge [sflag:s17], $0x2800  }
0x86: {  	[sflag:s17] =	ssyncset.done $0x0  }
0x87: {  	[sflag:s17] =	ssyncadd.s32 $0xFFFFD800  }
0x88: {  	[spmem:s2] =	stream.indirect.scatter.add.f32 [tilespmem:s15], [sflag:$0x3], $0x80, s20, s18, $0xb8;
	[tilespmem:$0x1AC00] =	vst v63  }
0x89: {  	_ =	swait.ge [sflag:s13], $0x2800  }
0x8a: {  	[sflag:s13] =	ssyncset.done $0x0  }
0x8b: {  	[sflag:s13] =	ssyncadd.s32 $0xFFFFD800  }
0x8c: {  	[tilespmem:s15], [sflag:$0x1] =	stream.linear.gather [hbm4b:s8+s3], $0x2800, $0x38;
	[tilespmem:$0x1AC00] =	vst v63  }
0x8d: {  	_ =	swait.ge [sflag:s19], $0x2800  }
0x8e: {  	[sflag:s19] =	ssyncset.done $0x0  }
0x8f: {  	[sflag:s19] =	ssyncadd.s32 $0xFFFFD800  }
0x90: {  	[spmem:s2] =	stream.indirect.scatter.add.f32 [tilespmem:s16], [sflag:$0x3], $0x80, s21, s18, $0xb8;
	[tilespmem:$0x1AC00] =	vst v63  }
0x91: {  	_ =	swait.ge [sflag:s13], $0x2800  }
0x92: {  	[sflag:s13] =	ssyncset.done $0x0  }
0x93: {  	[sflag:s13] =	ssyncadd.s32 $0xFFFFD800  }
0x94: {  	_ =	swait.ge [sflag:s17], $0x2800  }
0x95: {  	[sflag:s17] =	ssyncset.done $0x0  }
0x96: {  	[sflag:s17] =	ssyncadd.s32 $0xFFFFD800  }
0x97: {  	[spmem:s2] =	stream.indirect.scatter.add.f32 [tilespmem:s15], [sflag:$0x3], $0x80, s22, s18, $0xb8;
	[tilespmem:$0x1AC00] =	vst v63  }
0x98: {  	_ =	swait.ge [sflag:s13], $0x2800  }
0x99: {  	s24 =	sshll.u32 s0, $0x6;
	s23 =	sadd.s32 $0x1, s23;
	[sflag:s13] =	ssyncset.done $0x0  }
0x9a: {  	s25 =	sshrl.u32 s4, $0x3;
	p0 =	sne.s32 s23, s10;
	[sflag:s13] =	ssyncadd.s32 $0xFFFFD800  }
.Ltmp2:
0x9b: {  	s24 =	sor.u32 $0x1C03, s24;
	[bflag:$0x0] =	sbarrier.arrive $0xFFFF;
	(pc) =	sbr.rel @p0 .LBB2_1-.Ltmp2, $4  }
0x9c: {  	[hbm:s9], [sflag:s24] =	dma.local [spmem:s25], $0x2780  }
0x9d: {  	_ =	swait.ge [sflag:s13], $0x2780  }
0x9e: {  	[sflag:s13] =	ssyncset.done $0x0  }
0x9f: {  	[sflag:s13] =	ssyncadd.s32 $0xFFFFD880  }
0xa0: {  	_ =	sfence.sel $0x180000  }
0xa1: {  	[bflag:$0x0] =	sbarrier.arrive $0xFFFF  }
0xa2: {  	p0 =	sne.s32 s0, $0x0;
	_ =	strace $0x9000004D  }
0xa3: {  	s0 =	sadd.s32 @!p0 $0x100000, s1;
	[bflag:$0x2] =	sbarrier.arrive $0xFFFF  }
0xa4: {  	[sflag:s0] =	ssyncadd.tile.s32 @!p0 $0x1;
	_ =	shalt  }
.Lfunc_end2:
_tile_overlayer_lowered:
.L_overlay_start_2:
0xa5: {  	(tag) =	ssettag $0x2  }
0xa6: {  	s0 =	rddreg [dreg:$0x0];
	s2 =	stileid.u32  }
0xa7: {  	s1 =	rddreg [dreg:$0x1];
	p0 =	sne.s32 s2, $0x0  }
0xa8: {  	s3 =	rddreg [dreg:$0x2];
	[bflag:$0x3] =	sbarrier.arrive $0xFFFF;
	s2 =	simm.s32 @!p0 $0x1C03  }
0xa9: {  	[timem:s3], [sflag:s2] =	dma.local @!p0 [hbm:s0], s1  }
0xaa: {  	s0 =	simm.s32 @!p0 $0x3  }
0xab: {  	_ =	swait.ge @!p0 [sflag:s0], s1  }
0xac: {  	s1 =	ssub.s32 @!p0 $0x0, s1;
	[sflag:s0] =	ssyncset.done @!p0 $0x0  }
0xad: {  	[sflag:s0] =	ssyncadd.s32 @!p0 s1  }
0xae: {  	[bflag:$0x3] =	sbarrier.arrive $0xFFFF  }
0xaf: {  	_ =	shalt  }

// kernel: kernel.19.cloned.1.call-start
scs
__scs_entry_jumppad:
0x0: {  	(pc) =	sbr.rel $0x88, $3  }
0x1: {  	(tag) =	ssettag $0x0;
	lr =	simm.s32 $0x1  }
0x2: {  	[smem:$0x3F95] =	sst lr;
	_ =	strace $0xD0000000  }
0x3: {  	_ = 	snop  }
0x4: {  	_ = 	snop  }
0x5: {  	_ = 	snop  }
0x6: {  	_ = 	snop  }
0x7: {  	_ = 	snop  }
__scs_overlays_trampoline_lowered:
0x8: {  	[smem:$0x3FA4] =	sst s0  }
0x9: {  	[smem:$0x3FA5] =	sst s1  }
0xa: {  	[smem:$0x3FA6] =	sst s2  }
0xb: {  	[smem:$0x3FA7] =	sst s3  }
0xc: {  	[smem:$0x3FA8] =	sst s4  }
0xd: {  	[smem:$0x3FA9] =	sst s5  }
0xe: {  	[smem:$0x3FAA] =	sst s6  }
0xf: {  	[smem:$0x3FAB] =	sst s7  }
0x10: {  	[smem:$0x3FAC] =	sst s8  }
0x11: {  	[smem:$0x3FAD] =	sst s9;
	s0 =	simm.s32 @!p0 $0x0  }
0x12: {  	s1 =	sld [smem:$0x3F93];
	s0 =	simm.s32 @p0 $0x1  }
0x13: {  	[smem:$0x3FAE] =	sst s0;
	s0 =	simm.s32 @!p1 $0x0  }
0x14: {  	s2 =	sld [smem:$0x3F92];
	s0 =	simm.s32 @p1 $0x1  }
0x15: {  	[smem:$0x3FAF] =	sst s0;
	s0 =	simm.s32 @!p2 $0x0  }
0x16: {  	s3 =	sld [smem:$0x3FDB];
	s0 =	simm.s32 @p2 $0x1  }
0x17: {  	s4 =	simm.s32 $0x1BF5;
	[smem:$0x3FB1] =	sst s0  }
0x18: {  	s0 =	sld [smem:$0x3F94];
	_ =	swait.ge [sflag:s4], $0x0  }
0x19: {  	s7 =	sld [smem:$0x3F95]  }
0x1a: {  	s8 =	sadd.s32 $0xFFFFE003, lr  }
0x1b: {  	s9 =	sadd.s32 $0xFFFFFEF7, lr;
	s5 =	simm.s32 $0xFFFFFFFF;
	p2 =	slt.u32 s8, $0xFFFFF086  }
0x1c: {  	p1 =	slt.u32 s9, $0xF7A;
	s5 =	simm.s32 @!p2 $0x0  }
0x1d: {  	s5 =	simm.s32 @p1 $0x1;
	p0 =	seq.s32 s7, s2  }
0x1e: {  	s7 =	smul.u32 @!p0 $0xF7A, s2;
	p2 =	seq.s32 @!p0 s5, $0x0  }
0x1f: {  	s9 =	smul.u32 $0xF7A, s1;
	s8 =	simm.s32 @!p0 $0x1BF5;
	p2 =	por !p2, p0  }
0x20: {  	[sflag:s8] =	ssyncset.s32 @!p0 $0xFFFFF086;
	s6 =	sadd.s32 @!p0 s3, s7;
	s7 =	simm.s32 @!p0 $0x108  }
0x21: {  	s3 =	sadd.s32 s3, s9;
	s6 =	sadd.s32 @!p0 $0x88, s6;
	s7 =	simm.s32 @p2 $0x1082  }
0x22: {  	[simem:s7], [sflag:s8] =	dma.local @!p0 [hbm:s6], $0xF7A  }
0x23: {  	s9 =	sor.u32 $0xD0000000, s2;
	s6 =	simm.s32 $0x108;
	_ =	swait.ge @!p0 [sflag:s8], $0x0  }
0x24: {  	s3 =	sadd.s32 $0x88, s3;
	s6 =	simm.s32 @!p1 $0x1082;
	[sflag:s4] =	ssyncset.s32 $0xFFFFF086  }
0x25: {  	[simem:s6], [sflag:s4] =	dma.local [hbm:s3], $0xF7A  }
0x26: {  	[smem:$0x3F95] =	sst s1;
	(tag) =	ssettag s2;
	_ =	strace s9  }
0x27: {  	s1 =	sld [smem:$0x3FA5]  }
0x28: {  	s2 =	sld [smem:$0x3FA6]  }
0x29: {  	s4 =	sld [smem:$0x3FA8]  }
0x2a: {  	p0 =	seq.s32 s5, $0x0;
	s5 =	sld [smem:$0x3FA9]  }
0x2b: {  	s6 =	sld [smem:$0x3FAA]  }
0x2c: {  	s7 =	sld [smem:$0x3FAB]  }
0x2d: {  	s3 =	simm.s32 $0x108;
	s8 =	sld [smem:$0x3FAC]  }
0x2e: {  	s3 =	simm.s32 @!p0 $0x1082;
	s9 =	sld [smem:$0x3FAD]  }
0x2f: {  	lr =	sadd.s32 s0, s3;
	s0 =	sld [smem:$0x3FA4]  }
0x30: {  	s3 =	sld [smem:$0x3FA7]  }
0x31: {  	[smem:$0x3FB0] =	sst s10  }
0x32: {  	s10 =	sld [smem:$0x3FAE];
	_ =	sdelay $0x3  }
0x33: {  	p0 =	seq.s32 s10, $0x1;
	s10 =	sld [smem:$0x3FB0];
	_ =	sdelay $0x3  }
0x34: {  	[smem:$0x3FB0] =	sst s10  }
0x35: {  	s10 =	sld [smem:$0x3FAF];
	_ =	sdelay $0x3  }
0x36: {  	p1 =	seq.s32 s10, $0x1;
	s10 =	sld [smem:$0x3FB0];
	_ =	sdelay $0x3  }
0x37: {  	[smem:$0x3FB0] =	sst s10  }
0x38: {  	s10 =	sld [smem:$0x3FB1]  }
0x39: {  	_ = 	snop;
	(pc) =	sbr.ind lr, $3  }
0x3a: {  	_ = 	snop  }
0x3b: {  	_ = 	snop  }
0x3c: {  	p2 =	seq.s32 s10, $0x1;
	s10 =	sld [smem:$0x3FB0]  }
0x3d: {  	_ =	shalt  }
0x3e: {  	_ =	shalt  }
0x3f: {  	_ =	shalt  }
0x40: {  	_ =	shalt  }
0x41: {  	_ =	shalt  }
0x42: {  	_ =	shalt  }
0x43: {  	_ =	shalt  }
0x44: {  	_ =	shalt  }
0x45: {  	_ =	shalt  }
0x46: {  	_ =	shalt  }
0x47: {  	_ =	shalt  }
0x48: {  	_ =	shalt  }
0x49: {  	_ =	shalt  }
0x4a: {  	_ =	shalt  }
0x4b: {  	_ =	shalt  }
0x4c: {  	_ =	shalt  }
0x4d: {  	_ =	shalt  }
0x4e: {  	_ =	shalt  }
0x4f: {  	_ =	shalt  }
0x50: {  	_ =	shalt  }
0x51: {  	_ =	shalt  }
0x52: {  	_ =	shalt  }
0x53: {  	_ =	shalt  }
0x54: {  	_ =	shalt  }
0x55: {  	_ =	shalt  }
0x56: {  	_ =	shalt  }
0x57: {  	_ =	shalt  }
0x58: {  	_ =	shalt  }
0x59: {  	_ =	shalt  }
0x5a: {  	_ =	shalt  }
0x5b: {  	_ =	shalt  }
0x5c: {  	_ =	shalt  }
0x5d: {  	_ =	shalt  }
0x5e: {  	_ =	shalt  }
0x5f: {  	_ =	shalt  }
0x60: {  	_ =	shalt  }
0x61: {  	_ =	shalt  }
0x62: {  	_ =	shalt  }
0x63: {  	_ =	shalt  }
0x64: {  	_ =	shalt  }
0x65: {  	_ =	shalt  }
0x66: {  	_ =	shalt  }
0x67: {  	_ =	shalt  }
0x68: {  	_ =	shalt  }
0x69: {  	_ =	shalt  }
0x6a: {  	_ =	shalt  }
0x6b: {  	_ =	shalt  }
0x6c: {  	_ =	shalt  }
0x6d: {  	_ =	shalt  }
0x6e: {  	_ =	shalt  }
0x6f: {  	_ =	shalt  }
0x70: {  	_ =	shalt  }
0x71: {  	_ =	shalt  }
0x72: {  	_ =	shalt  }
0x73: {  	_ =	shalt  }
0x74: {  	_ =	shalt  }
0x75: {  	_ =	shalt  }
0x76: {  	_ =	shalt  }
0x77: {  	_ =	shalt  }
0x78: {  	_ =	shalt  }
0x79: {  	_ =	shalt  }
0x7a: {  	_ =	shalt  }
0x7b: {  	_ =	shalt  }
0x7c: {  	_ =	shalt  }
0x7d: {  	_ =	shalt  }
0x7e: {  	_ =	shalt  }
0x7f: {  	_ =	shalt  }
0x80: {  	_ =	shalt  }
0x81: {  	_ =	shalt  }
0x82: {  	_ =	shalt  }
0x83: {  	_ =	shalt  }
0x84: {  	_ =	shalt  }
0x85: {  	_ =	shalt  }
0x86: {  	_ =	shalt  }
0x87: {  	_ =	shalt  }
.Lfunc_end0:
.L_simem_size_0:
called_computation.3_lowered:
.L_overlay_start_0:
0x88: {  	s2 =	sld [smem:$0x3FD9]  }
0x89: {  	s3 =	sld [smem:$0x3FFE];
	_ =	sdelay $0x1  }
0x8a: {  	s1 =	srdreg.scid  }
0x8b: {  	s0 =	sand.u32 $0x1, s1  }
0x8c: {  	s17 =	sshll.u32 s0, $0xA;
	s2 =	sadd.s32 s3, s2  }
0x8d: {  	s2 =	sadd.s32 s2, s17  }
0x8e: {  	[smem:$0x3FBC] =	sst s2  }
0x8f: {  	_ = 	snop  }
0x90: {  	(tm) =	ssettm $0x1  }
0x91: {  	s18 =	sld [smem:$0x3FFB];
	_ =	sdelay $0x3  }
0x92: {  	_ =	strace s18  }
0x93: {  	s2 =	sld [smem:$0x3FFC];
	_ =	sdelay $0x3  }
0x94: {  	_ =	strace s2  }
0x95: {  	s2 =	sld [smem:$0x3FFD];
	_ =	sdelay $0x3  }
0x96: {  	_ =	strace s2  }
0x97: {  	_ =	strace $0x8FFFFFFF  }
0x98: {  	s19 =	sld [smem:$0x3FDB];
	_ =	sdelay $0x1  }
0x99: {  	s20 =	simm.s32 $_scs_section_size  }
0x9a: {  	s4 =	simm.s32 $_size__tile_overlayer_lowered;
	s5 =	simm.s32 $_tile_overlayer_lowered  }
0x9b: {  	s6 =	simm.s32 $0x1BFF;
	s21 =	sshll.u32 s5, $0x1;
	s3 =	sadd.s32 s20, s19  }
0x9c: {  	s22 =	simm.s32 $0x0;
	s4 =	sshll.u32 s4, $0x1;
	s5 =	sadd.s32 s21, s3  }
0x9d: {  	[timem:s22], [sflag:s6] =	dma.local [hbm:s5], s4  }
0x9e: {  	_ =	swait.ge [sflag:s6], s4  }
0x9f: {  	s4 =	ssub.s32 $0x0, s4;
	[sflag:s6] =	ssyncset.done $0x0  }
0xa0: {  	[sflag:s6] =	ssyncadd.s32 s4;
	_ =	sdelay $0x1  }
0xa1: {  	s23 =	simm.s32 $0x1B8B  }
0xa2: {  	_ =	swait.ge [sflag:s23], $0x1  }
0xa3: {  	[sflag:s23] =	ssyncset.done $0x0  }
0xa4: {  	[sflag:s23] =	ssyncadd.s32 $0xFFFFFFFF  }
0xa5: {  	s4 =	sld [smem:$0x0]  }
0xa6: {  	s5 =	sand.u32 $0xFFFFFFFE, s1  }
0xa7: {  	p0 =	sne.s32 s1, s5  }
0xa8: {  	s5 =	sshll.u32 @p0 s5, $0xE  }
0xa9: {  	s5 =	sadd.s32 @p0 $0x11B8D, s5;
	s6 =	sshll.u32 @p0 s4, $0x11  }
0xaa: {  	s5 =	sor.u32 @p0 s6, s5  }
0xab: {  	[sflag:s5] =	ssyncadd.remote.s32 @p0 $0x1;
	_ =	sdelay $0x1  }
0xac: {  	s5 =	simm.s32 @p0 $0x1B8D  }
0xad: {  	_ =	swait.eq @p0 [sflag:s5], $0x1  }
0xae: {  	[sflag:s5] =	ssyncadd.s32 @p0 $0xFFFFFFFF  }
0xaf: {  	s6 =	sshll.u32 @!p0 s1, $0xE  }
0xb0: {  	s6 =	sor.u32 @!p0 $0x4000, s6;
	s5 =	simm.s32 @!p0 $0x1B8D  }
0xb1: {  	s4 =	sshll.u32 @!p0 s4, $0x11;
	s6 =	sadd.s32 @!p0 $0x11B8D, s6;
	_ =	swait.eq @!p0 [sflag:s5], $0x1  }
0xb2: {  	s4 =	sor.u32 @!p0 s4, s6;
	[sflag:s5] =	ssyncadd.s32 @!p0 $0xFFFFFFFF  }
0xb3: {  	s25 =	simm.s32 $0x1B8E;
	s24 =	sld [smem:$0x3FFE];
	[sflag:s4] =	ssyncadd.remote.s32 @!p0 $0x1  }
0xb4: {  	s26 =	simm.s32 $execute0_lowered;
	[smem:$0x3FD2] =	sst s25  }
0xb5: {  	s5 =	sshll.u32 s26, $0x1;
	_ =	strace $0x8000004F;
	[dreg:$0x1] =	wrdreg $0xFFFFFFFF  }
0xb6: {  	s28 =	simm.s32 $_size_execute0_lowered;
	s3 =	sadd.s32 s3, s5;
	[dreg:$0x0] =	wrdreg $0x0  }
0xb7: {  	s5 =	sshll.u32 s28, $0x1;
	[dreg:$0x2] =	wrdreg s3  }
0xb8: {  	[dreg:$0x3] =	wrdreg s5  }
0xb9: {  	[dreg:$0x4] =	wrdreg $0xC0  }
0xba: {  	_ =	task [dreg:s22], $0x5FFFF  }
0xbb: {  	[dreg:$0x1] =	wrdreg $0xFFFFFFFF  }
0xbc: {  	[dreg:$0x0] =	wrdreg $0x60  }
0xbd: {  	[dreg:$0x2] =	wrdreg s24  }
0xbe: {  	[dreg:$0x3] =	wrdreg $0x0  }
0xbf: {  	[dreg:$0x4] =	wrdreg $0x9  }
0xc0: {  	_ =	task.clear_ibuf [dreg:s22], $0x5FFFF;
	_ =	strace $0x9000004F  }
0xc1: {  	s29 =	simm.s32 $0x9;
	_ =	strace $0x80000051  }
0xc2: {  	_ =	swait.ge [sflag:s29], $0x1  }
0xc3: {  	[sflag:s29] =	ssyncadd.s32 $0xFFFFFFFF  }
0xc4: {  	_ =	strace $0x90000051  }
0xc5: {  	_ =	sfence  }
0xc6: {  	s30 =	sld [smem:$0x0];
	_ =	sdelay $0x2  }
0xc7: {  	s31 =	sshll.u32 s1, $0xD;
	s1 =	sshrl.u32 s1, $0x2  }
0xc8: {  	s4 =	sand.u32 $0x4000, s31;
	s1 =	sadd.s32 s1, s30  }
0xc9: {  	s0 =	sor.u32 s4, s0;
	s1 =	sshll.u32 s1, $0x11  }
0xca: {  	s0 =	sor.u32 s1, s0  }
0xcb: {  	s0 =	sadd.s32 $0x8F2B, s0  }
0xcc: {  	[sflag:s0] =	ssyncadd.remote.s32 $0x1  }
0xcd: {  	_ =	sfence.sel $0xFFFF  }
0xce: {  	[dreg:$0x0] =	wrdreg $0xFFFFFFFF;
	(pc) =	sbr.abs _section_cstart, $3  }
0xcf: {  	[dreg:$0x1] =	wrdreg $0xFFFFFFFF  }
0xd0: {  	_ =	task.clear_ibuf [dreg:s22], $0x2FFFF;
	_ =	strace $0x9FFFFFFF  }
0xd1: {  	(tm) =	ssettm $0x7FFFFFFF  }
tec
execute0_lowered:
.L_overlay_start_1:
0x0: {  	(tag) =	ssettag $0x1  }
0x1: {  	s1 =	srdreg.scid;
	s4 =	rddreg [dreg:$0x0]  }
0x2: {  	s0 =	stileid.u32;
	s2 =	rddreg [dreg:$0x1]  }
0x3: {  	s3 =	simm.s32 $0x0;
	s14 =	simm.s32 $0x16000;
	s15 =	simm.s32 $0x18800  }
0x4: {  	s16 =	simm.s32 $0x1;
	s17 =	simm.s32 $0x50;
	s18 =	simm.s32 $0x2  }
0x5: {  	s19 =	simm.s32 $0x15E00;
	s20 =	simm.s32 $0x15E80;
	s9 =	smul.u32 $0x2780, s0  }
0x6: {  	s23 =	simm.s32 $0x0;
	s6 =	sand.u32 $0x1, s1;
	s11 =	smul.u32 $0x4F000, s0  }
0x7: {  	s24 =	sshll.u32 s0, $0x1;
	s1 =	rddreg [dreg:$0x2];
	s13 =	smul.u32 $0x2BC00, s0  }
0x8: {  	[smem:$0x7FF] =	sst s3;
	s10 =	sadd.s32 $0x752A00, s4;
	s8 =	smul.u32 $0x27800, s6  }
0x9: {  	s21 =	sshll.u32 s0, $0x6;
	s5 =	sor.u32 s6, s24;
	s31 =	smul.u32 $0x15E00, s6  }
0xa: {  	_ =	strace $0x80000050;
	s25 =	ssub.s32 $0x2, s6;
	s7 =	smul.u32 $0x480, s5  }
0xb: {  	s21 =	sor.u32 $0x1C03, s21;
	s26 =	sshrl.u32 s25, $0x1;
	s12 =	smul.u32 $0xAF000, s5  }
0xc: {  	s28 =	sshrl.u32 s11, $0x2;
	s29 =	smul.u32 $0x15E00, s5;
	s11 =	simm.s32 $0x1B000  }
0xd: {  	s8 =	sadd.s32 s9, s8;
	s9 =	ssub.s32 s25, s26;
	s7 =	sadd.s32 s7, s4  }
0xe: {  	s8 =	sadd.s32 s8, s4;
	s4 =	sadd.s32 s28, s2;
	s12 =	sshrl.u32 s12, $0x3  }
0xf: {  	s6 =	sadd.s32 s10, s29;
	s9 =	smax.u32 s9, $0x1;
	s5 =	sadd.s32 $0x25EA00, s7  }
0x10: {  	s30 =	sadd.s32 s10, s12;
	s10 =	sadd.s32 s13, s10;
	s8 =	sadd.s32 $0x87A00, s8  }
0x11: {  	s12 =	simm.s32 $0x3;
	s13 =	simm.s32 $0x13C00;
	s10 =	sadd.s32 s31, s10  }
0x12: {  	v0 =	vimm.f32 $0.0e+00;
	s22 =	sshrl.u32 s4, $0x3;
	s7 =	sadd.s32 $0x500, s30;
	s10 =	sadd.s32 $0xF00, s10  }
.LBB2_1:
0x13: {  	[tilespmem:$0x1B000] =	vst v0  }
0x14: {  	[tilespmem:$0x1B010] =	vst v0  }
0x15: {  	[tilespmem:$0x1B020] =	vst v0  }
0x16: {  	[tilespmem:$0x1B030] =	vst v0  }
0x17: {  	[tilespmem:$0x1B040] =	vst v0  }
0x18: {  	[tilespmem:$0x1B050] =	vst v0  }
0x19: {  	[tilespmem:$0x1B060] =	vst v0  }
0x1a: {  	[tilespmem:$0x1B070] =	vst v0  }
0x1b: {  	[tilespmem:$0x1B080] =	vst v0  }
0x1c: {  	[tilespmem:$0x1B090] =	vst v0  }
0x1d: {  	[tilespmem:$0x1B0A0] =	vst v0  }
0x1e: {  	[tilespmem:$0x1B0B0] =	vst v0  }
0x1f: {  	[tilespmem:$0x1B0C0] =	vst v0  }
0x20: {  	[tilespmem:$0x1B0D0] =	vst v0  }
0x21: {  	[tilespmem:$0x1B0E0] =	vst v0  }
0x22: {  	[tilespmem:$0x1B0F0] =	vst v0  }
0x23: {  	[tilespmem:$0x1B100] =	vst v0  }
0x24: {  	[tilespmem:$0x1B110] =	vst v0  }
0x25: {  	[tilespmem:$0x1B120] =	vst v0  }
0x26: {  	[tilespmem:$0x1B130] =	vst v0  }
0x27: {  	[tilespmem:$0x1B140] =	vst v0  }
0x28: {  	[tilespmem:$0x1B150] =	vst v0  }
0x29: {  	[tilespmem:$0x1B160] =	vst v0  }
0x2a: {  	[tilespmem:$0x1B170] =	vst v0  }
0x2b: {  	[tilespmem:$0x1B180] =	vst v0  }
0x2c: {  	[tilespmem:$0x1B190] =	vst v0  }
0x2d: {  	[tilespmem:$0x1B1A0] =	vst v0  }
0x2e: {  	[tilespmem:$0x1B1B0] =	vst v0  }
0x2f: {  	[tilespmem:$0x1B1C0] =	vst v0  }
0x30: {  	[tilespmem:$0x1B1D0] =	vst v0  }
0x31: {  	[tilespmem:$0x1B1E0] =	vst v0  }
0x32: {  	[tilespmem:$0x1B1F0] =	vst v0  }
0x33: {  	[tilespmem:$0x1B200] =	vst v0  }
0x34: {  	[tilespmem:$0x1B210] =	vst v0  }
0x35: {  	[tilespmem:$0x1B220] =	vst v0  }
0x36: {  	[tilespmem:$0x1B230] =	vst v0  }
0x37: {  	[tilespmem:$0x1B240] =	vst v0  }
0x38: {  	[tilespmem:$0x1B250] =	vst v0  }
0x39: {  	[tilespmem:$0x1B260] =	vst v0  }
0x3a: {  	[tilespmem:$0x1B270] =	vst v0  }
0x3b: {  	[tilespmem:$0x1B280] =	vst v0  }
0x3c: {  	[tilespmem:$0x1B290] =	vst v0  }
0x3d: {  	[tilespmem:$0x1B2A0] =	vst v0  }
0x3e: {  	[tilespmem:$0x1B2B0] =	vst v0  }
0x3f: {  	[tilespmem:$0x1B2C0] =	vst v0  }
0x40: {  	[tilespmem:$0x1B2D0] =	vst v0  }
0x41: {  	[tilespmem:$0x1B2E0] =	vst v0  }
0x42: {  	[tilespmem:$0x1B2F0] =	vst v0  }
0x43: {  	[tilespmem:$0x1B300] =	vst v0  }
0x44: {  	[tilespmem:$0x1B310] =	vst v0  }
0x45: {  	[tilespmem:$0x1B320] =	vst v0  }
0x46: {  	[tilespmem:$0x1B330] =	vst v0  }
0x47: {  	[tilespmem:$0x1B340] =	vst v0  }
0x48: {  	[tilespmem:$0x1B350] =	vst v0  }
0x49: {  	[tilespmem:$0x1B360] =	vst v0  }
0x4a: {  	[tilespmem:$0x1B370] =	vst v0  }
0x4b: {  	[tilespmem:$0x1B380] =	vst v0  }
0x4c: {  	[tilespmem:$0x1B390] =	vst v0  }
0x4d: {  	[tilespmem:$0x1B3A0] =	vst v0  }
0x4e: {  	[tilespmem:$0x1B3B0] =	vst v0  }
0x4f: {  	[tilespmem:$0x1B3C0] =	vst v0  }
0x50: {  	[tilespmem:$0x1B3D0] =	vst v0  }
0x51: {  	[tilespmem:$0x1B3E0] =	vst v0  }
0x52: {  	[tilespmem:$0x1B3F0] =	vst v0;
	s24 =	sadd.s32 $0x0, s4  }
0x53: {  	[spmem:s24] =	stream.linear.scatter [tilespmem:s11], [sflag:$0x3], $0x400, $0x38;
	[tilespmem:$0x1B400] =	vst v63  }
0x54: {  	s24 =	simm.s32 $0x1000;
	_ =	swait.ge [sflag:s12], $0x400  }
.LBB2_2:
0x55: {  	s25 =	sshra.s32 s24, $0x2;
	[sflag:s12] =	ssyncset.done $0x0;
	p0 =	sne.s32 s24, $0x4E000  }
.Ltmp0:
0x56: {  	s25 =	sadd.s32 s25, s4;
	[sflag:s12] =	ssyncadd.s32 $0xFFFFFC00;
	(pc) =	sbr.rel @p0 .LBB2_2-.Ltmp0, $3  }
0x57: {  	[spmem:s25] =	stream.linear.scatter [tilespmem:s11], [sflag:$0x3], $0x400, $0x38;
	[tilespmem:$0x1B400] =	vst v63  }
0x58: {  	s24 =	sadd.s32 $0x1000, s24;
	_ =	sdelay $0x1  }
0x59: {  	_ =	swait.ge [sflag:s12], $0x400  }
0x5a: {  	[sflag:s12] =	ssyncset.done $0x0  }
0x5b: {  	[sflag:s12] =	ssyncadd.s32 $0xFFFFFC00  }
0x5c: {  	s24 =	simm.s32 $0x0;
	[bflag:$0x0] =	sbarrier.arrive $0xFFFF  }
0x5d: {  	[tilespmem:s13], [sflag:$0x3] =	stream.linear.gather [hbm4b:s5+s24], $0x2300, $0x38;
	[tilespmem:$0x1B400] =	vst v63  }
0x5e: {  	_ =	swait.ge [sflag:s12], $0x2300  }
0x5f: {  	[sflag:s12] =	ssyncset.done $0x0  }
0x60: {  	[sflag:s12] =	ssyncadd.s32 $0xFFFFDD00  }
0x61: {  	[tilespmem:s14], [sflag:$0x1] =	stream.linear.gather [hbm4b:s6+s24], $0x2800, $0x38;
	[tilespmem:$0x1B400] =	vst v63  }
0x62: {  	_ = 	snop  }
0x63: {  	[tilespmem:s15], [sflag:$0x2] =	stream.linear.gather [hbm4b:s7+s24], $0x2800, $0x38;
	[tilespmem:$0x1B400] =	vst v63  }
0x64: {  	_ =	swait.ge [sflag:s16], $0x2800  }
0x65: {  	[sflag:s16] =	ssyncset.done $0x0  }
0x66: {  	s29 =	simm.s32 $0x13C00;
	[sflag:s16] =	ssyncadd.s32 $0xFFFFD800  }
0x67: {  	[spmem:s2] =	stream.indirect.scatter.add.f32 [tilespmem:s14], [sflag:$0x3], $0x80, s29, s17, $0xb8;
	[tilespmem:$0x1B400] =	vst v63  }
0x68: {  	_ =	swait.ge [sflag:s12], $0x2800  }
0x69: {  	[sflag:s12] =	ssyncset.done $0x0  }
0x6a: {  	s30 =	sadd.s32 $0xFFFFFB00, s10;
	[sflag:s12] =	ssyncadd.s32 $0xFFFFD800  }
0x6b: {  	[tilespmem:s14], [sflag:$0x1] =	stream.linear.gather [hbm4b:s30+s3], $0x2800, $0x38;
	[tilespmem:$0x1B400] =	vst v63  }
0x6c: {  	_ =	swait.ge [sflag:s18], $0x2800  }
0x6d: {  	[sflag:s18] =	ssyncset.done $0x0  }
0x6e: {  	s31 =	simm.s32 $0x13C80;
	[sflag:s18] =	ssyncadd.s32 $0xFFFFD800  }
0x6f: {  	[spmem:s2] =	stream.indirect.scatter.add.f32 [tilespmem:s15], [sflag:$0x3], $0x80, s31, s17, $0xb8;
	[tilespmem:$0x1B400] =	vst v63  }
0x70: {  	_ =	swait.ge [sflag:s12], $0x2800  }
0x71: {  	s25 =	sadd.s32 $0xA00, s10;
	[sflag:s12] =	ssyncset.done $0x0  }
0x72: {  	s26 =	smov.u32 s10;
	s24 =	simm.s32 $0x400;
	[sflag:s12] =	ssyncadd.s32 $0xFFFFD800  }
.LBB2_4:
0x73: {  	[tilespmem:s15], [sflag:$0x2] =	stream.linear.gather [hbm4b:s26+s3], $0x2800, $0x38;
	[tilespmem:$0x1B400] =	vst v63  }
0x74: {  	s28 =	smov.u32 s24;
	s26 =	smov.u32 s25  }
0x75: {  	p0 =	sne.s32 s24, $0x8400;
	s24 =	sadd.s32 $0x400, s24;
	_ =	swait.ge [sflag:s16], $0x2800  }
0x76: {  	s28 =	sshra.s32 s28, $0x2;
	[sflag:s16] =	ssyncset.done $0x0  }
0x77: {  	s29 =	sadd.s32 $0x13C00, s28;
	[sflag:s16] =	ssyncadd.s32 $0xFFFFD800  }
0x78: {  	[spmem:s2] =	stream.indirect.scatter.add.f32 [tilespmem:s14], [sflag:$0x3], $0x80, s29, s17, $0xb8;
	[tilespmem:$0x1B400] =	vst v63  }
0x79: {  	_ =	swait.ge [sflag:s12], $0x2800  }
0x7a: {  	[sflag:s12] =	ssyncset.done $0x0  }
0x7b: {  	s29 =	sadd.s32 $0xFFFFFB00, s25;
	[sflag:s12] =	ssyncadd.s32 $0xFFFFD800  }
0x7c: {  	[tilespmem:s14], [sflag:$0x1] =	stream.linear.gather [hbm4b:s29+s3], $0x2800, $0x38;
	[tilespmem:$0x1B400] =	vst v63  }
0x7d: {  	_ =	swait.ge [sflag:s18], $0x2800  }
0x7e: {  	[sflag:s18] =	ssyncset.done $0x0  }
.Ltmp1:
0x7f: {  	s28 =	sadd.s32 $0x13C80, s28;
	[sflag:s18] =	ssyncadd.s32 $0xFFFFD800;
	(pc) =	sbr.rel @p0 .LBB2_4-.Ltmp1, $4  }
0x80: {  	[spmem:s2] =	stream.indirect.scatter.add.f32 [tilespmem:s15], [sflag:$0x3], $0x80, s28, s17, $0xb8;
	[tilespmem:$0x1B400] =	vst v63  }
0x81: {  	_ =	swait.ge [sflag:s12], $0x2800  }
0x82: {  	[sflag:s12] =	ssyncset.done $0x0  }
0x83: {  	s25 =	sadd.s32 $0xA00, s25;
	[sflag:s12] =	ssyncadd.s32 $0xFFFFD800  }
0x84: {  	[tilespmem:s15], [sflag:$0x2] =	stream.linear.gather [hbm4b:s26+s3], $0x2800, $0x38;
	[tilespmem:$0x1B400] =	vst v63  }
0x85: {  	_ =	swait.ge [sflag:s16], $0x2800  }
0x86: {  	[sflag:s16] =	ssyncset.done $0x0  }
0x87: {  	[sflag:s16] =	ssyncadd.s32 $0xFFFFD800  }
0x88: {  	[spmem:s2] =	stream.indirect.scatter.add.f32 [tilespmem:s14], [sflag:$0x3], $0x80, s19, s17, $0xb8;
	[tilespmem:$0x1B400] =	vst v63  }
0x89: {  	_ =	swait.ge [sflag:s12], $0x2800  }
0x8a: {  	[sflag:s12] =	ssyncset.done $0x0  }
0x8b: {  	[sflag:s12] =	ssyncadd.s32 $0xFFFFD800  }
0x8c: {  	_ =	swait.ge [sflag:s18], $0x2800  }
0x8d: {  	[sflag:s18] =	ssyncset.done $0x0  }
0x8e: {  	[sflag:s18] =	ssyncadd.s32 $0xFFFFD800  }
0x8f: {  	[spmem:s2] =	stream.indirect.scatter.add.f32 [tilespmem:s15], [sflag:$0x3], $0x80, s20, s17, $0xb8;
	[tilespmem:$0x1B400] =	vst v63  }
0x90: {  	_ =	swait.ge [sflag:s12], $0x2800  }
0x91: {  	s23 =	sadd.s32 $0x1, s23;
	[sflag:s12] =	ssyncset.done $0x0  }
0x92: {  	p0 =	sne.s32 s23, s9;
	[sflag:s12] =	ssyncadd.s32 $0xFFFFD800  }
.Ltmp2:
0x93: {  	[bflag:$0x0] =	sbarrier.arrive $0xFFFF;
	(pc) =	sbr.rel @p0 .LBB2_1-.Ltmp2, $4  }
0x94: {  	[hbm:s8], [sflag:s21] =	dma.local [spmem:s22], $0x2780  }
0x95: {  	_ =	swait.ge [sflag:s12], $0x2780  }
0x96: {  	[sflag:s12] =	ssyncset.done $0x0  }
0x97: {  	[sflag:s12] =	ssyncadd.s32 $0xFFFFD880  }
0x98: {  	_ =	sfence.sel $0x180000  }
0x99: {  	[bflag:$0x0] =	sbarrier.arrive $0xFFFF  }
0x9a: {  	p0 =	sne.s32 s0, $0x0;
	_ =	strace $0x90000050  }
0x9b: {  	s0 =	sadd.s32 @!p0 $0x100000, s1;
	[bflag:$0x2] =	sbarrier.arrive $0xFFFF  }
0x9c: {  	[sflag:s0] =	ssyncadd.tile.s32 @!p0 $0x1;
	_ =	shalt  }
.Lfunc_end2:
_tile_overlayer_lowered:
.L_overlay_start_2:
0x9d: {  	(tag) =	ssettag $0x2  }
0x9e: {  	s0 =	rddreg [dreg:$0x0];
	s2 =	stileid.u32  }
0x9f: {  	s1 =	rddreg [dreg:$0x1];
	p0 =	sne.s32 s2, $0x0  }
0xa0: {  	s3 =	rddreg [dreg:$0x2];
	[bflag:$0x3] =	sbarrier.arrive $0xFFFF;
	s2 =	simm.s32 @!p0 $0x1C03  }
0xa1: {  	[timem:s3], [sflag:s2] =	dma.local @!p0 [hbm:s0], s1  }
0xa2: {  	s0 =	simm.s32 @!p0 $0x3  }
0xa3: {  	_ =	swait.ge @!p0 [sflag:s0], s1  }
0xa4: {  	s1 =	ssub.s32 @!p0 $0x0, s1;
	[sflag:s0] =	ssyncset.done @!p0 $0x0  }
0xa5: {  	[sflag:s0] =	ssyncadd.s32 @!p0 s1  }
0xa6: {  	[bflag:$0x3] =	sbarrier.arrive $0xFFFF  }
0xa7: {  	_ =	shalt  }

</sc_bundles>
